<compile_context>
chip_gen: v7x
topology: tpu7x:2x2x1
jax: 0.10.2.dev20260603
libtpu: 0.0.44.dev20260713+nightly
codegen_flags: <defaults>
</compile_context>

<pallas_src>
import functools

import jax
import jax.numpy as jnp
from jax import lax
from jax.experimental import pallas as pl
from jax.experimental.pallas import tpu as pltpu
from jax.experimental.pallas import tpu_sc as plsc

N = 10000
K = 32
F = 128
G = 16
EDGES = N * K

NC = 2
NS = 16
NW = NC * NS
E_PW = EDGES // NW
CH = 80
NCH = E_PW // CH

BN = 400
GRID = N // BN



def _h_body(feat_ref, wi_ref, h_ref):
    h_ref[...] = jnp.dot(feat_ref[...], wi_ref[...],
                         preferred_element_type=jnp.float32)


def _h_kernel(feat, w_init):
    return pl.pallas_call(
        _h_body,
        grid=(5,),
        in_specs=[
            pl.BlockSpec((N // 5, F), lambda i: (i, 0)),
            pl.BlockSpec((F, F), lambda i: (0, 0)),
        ],
        out_specs=pl.BlockSpec((N // 5, F), lambda i: (i, 0)),
        out_shape=jax.ShapeDtypeStruct((N, F), jnp.float32),
    )(feat, w_init)


def _phase1_body(rbf_ref, wf1_ref, bf1_ref, wf2_ref, bf2_ref, filt_ref):
    t = jnp.tanh(jnp.dot(rbf_ref[...], wf1_ref[...],
                         preferred_element_type=jnp.float32) + bf1_ref[...])
    filt_ref[...] = jnp.dot(t, wf2_ref[...],
                            preferred_element_type=jnp.float32) + bf2_ref[...]


def _phase1(rbf, wf1, bf1, wf2, bf2):
    full = lambda r, c: pl.BlockSpec((r, c), lambda i: (0, 0))
    return pl.pallas_call(
        _phase1_body,
        grid=(GRID,),
        in_specs=[
            pl.BlockSpec((BN * K, G), lambda i: (i, 0)),
            full(G, F),
            full(1, F),
            full(F, F),
            full(1, F),
        ],
        out_specs=pl.BlockSpec((BN * K, F), lambda i: (i, 0)),
        out_shape=jax.ShapeDtypeStruct((EDGES, F), jnp.float32),
    )(rbf, wf1, bf1, wf2, bf2)



GN = 8
GE = GN * K
SE = GE // 2
GROUPS = N // GN
GPW_HI = 40
GPW_LO = 39
IDX_LO = GPW_LO * GE
NV = F // 16
NSLOT = 3
TRIOS = (2 * GPW_HI + NSLOT - 1) // NSLOT


def _sc_conv_body(h_hbm, nl_hbm, filt_hbm, conv_hbm, idx_all, rows_v, filt_v,
                  acc_v, sem_g0, sem_g1, sem_g2, sem_f0, sem_f1, sem_f2,
                  sem_w):
    wid = lax.axis_index("s") * NC + lax.axis_index("c")
    hi = wid < 2
    gbase = jnp.where(hi, wid * GPW_HI, 2 * GPW_HI + (wid - 2) * GPW_LO)
    ng = jnp.where(hi, GPW_HI, GPW_LO)
    ns = 2 * ng
    ebase = pl.multiple_of(gbase * GE, GE)

    pltpu.sync_copy(nl_hbm.at[pl.ds(ebase, IDX_LO)],
                    idx_all.at[pl.ds(0, IDX_LO)])

    @pl.when(hi)
    def _():
        pltpu.sync_copy(nl_hbm.at[pl.ds(ebase + IDX_LO, GE)],
                        idx_all.at[pl.ds(IDX_LO, GE)])

    sem_g = (sem_g0, sem_g1, sem_g2)
    sem_f = (sem_f0, sem_f1, sem_f2)

    def issue(s, b):
        le = pl.multiple_of(s * SE, SE)
        pltpu.async_copy(h_hbm.at[idx_all.at[pl.ds(le, SE)]],
                         rows_v.at[b], sem_g[b])
        pltpu.async_copy(filt_hbm.at[pl.ds(ebase + le, SE)],
                         filt_v.at[b], sem_f[b])

    def wait(b):
        pltpu.make_async_copy(h_hbm.at[pl.ds(0, SE)], rows_v.at[b],
                              sem_g[b]).wait()
        pltpu.make_async_copy(filt_hbm.at[pl.ds(0, SE)], filt_v.at[b],
                              sem_f[b]).wait()

    def wait_conv_write():
        pltpu.make_async_copy(acc_v, conv_hbm.at[pl.ds(0, GN)],
                              sem_w).wait()

    issue(0, 0)
    issue(1, 1)

    def trio(i, carry):
        for b in range(NSLOT):
            s = 3 * i + b

            @pl.when(s < ns)
            def _(b=b, s=s):
                wait(b)

                @pl.when(s + 2 < ns)
                def _():
                    issue(s + 2, (b + 2) % NSLOT)

                half = s % 2
                @pl.when((half == 0) & (s > 0))
                def _():
                    wait_conv_write()

                for ni in range(GN // 2):
                    def kstep(k2, accs, ni=ni):
                        e = ni * K + k2
                        return tuple(
                            accs[j]
                            + rows_v[b, e, pl.ds(16 * j, 16)]
                            * filt_v[b, e, pl.ds(16 * j, 16)]
                            for j in range(NV))
                    accs = lax.fori_loop(
                        0, K, kstep,
                        tuple(jnp.zeros((16,), jnp.float32)
                              for _ in range(NV)))
                    row = half * (GN // 2) + ni
                    for j in range(NV):
                        acc_v[row, pl.ds(16 * j, 16)] = accs[j]

                @pl.when(half == 1)
                def _():
                    g = lax.div(s, 2)
                    nstart = pl.multiple_of((gbase + g) * GN, GN)
                    pltpu.async_copy(acc_v, conv_hbm.at[pl.ds(nstart, GN)],
                                     sem_w)

        return carry

    lax.fori_loop(0, TRIOS, trio, 0)
    wait_conv_write()


@functools.cache
def _make_sc_conv():
    return pl.kernel(
        _sc_conv_body,
        out_type=jax.ShapeDtypeStruct((N, F), jnp.float32),
        mesh=plsc.VectorSubcoreMesh(core_axis_name="c", subcore_axis_name="s",
                                    num_cores=NC, num_subcores=NS),
        scratch_types=[
            pltpu.VMEM((GPW_HI * GE,), jnp.int32),
            pltpu.VMEM((NSLOT, SE, F), jnp.float32),
            pltpu.VMEM((NSLOT, SE, F), jnp.float32),
            pltpu.VMEM((GN, F), jnp.float32),
            pltpu.SemaphoreType.DMA,
            pltpu.SemaphoreType.DMA,
            pltpu.SemaphoreType.DMA,
            pltpu.SemaphoreType.DMA,
            pltpu.SemaphoreType.DMA,
            pltpu.SemaphoreType.DMA,
            pltpu.SemaphoreType.DMA,
        ],
    )


def _sc_conv(h, nl, filt):
    return _make_sc_conv()(h, nl, filt)



def _phase3_body(conv_ref, wo1_ref, bo1_ref, wo2_ref, bo2_ref, out_ref):
    t = jnp.tanh(jnp.dot(conv_ref[...], wo1_ref[...],
                         preferred_element_type=jnp.float32) + bo1_ref[...])
    out_ref[...] = jnp.dot(t, wo2_ref[...],
                           preferred_element_type=jnp.float32) + bo2_ref[...]


def _phase3(conv, wo1, bo1, wo2, bo2):
    full = lambda r, c: pl.BlockSpec((r, c), lambda i: (0, 0))
    return pl.pallas_call(
        _phase3_body,
        grid=(5,),
        in_specs=[
            pl.BlockSpec((N // 5, F), lambda i: (i, 0)),
            full(F, F),
            full(1, F),
            full(F, F),
            full(1, F),
        ],
        out_specs=pl.BlockSpec((N // 5, F), lambda i: (i, 0)),
        out_shape=jax.ShapeDtypeStruct((N, F), jnp.float32),
    )(conv, wo1, bo1, wo2, bo2)



def kernel(features, rbf_expansion, neighbor_list, W_init, Wf1, bf1, Wf2,
           bf2, Wo1, bo1, Wo2, bo2):
    feat = features.reshape(N, F).astype(jnp.float32)
    rbf = rbf_expansion.reshape(EDGES, G).astype(jnp.float32)
    nl = neighbor_list.reshape(EDGES).astype(jnp.int32)

    h = _h_kernel(feat, W_init)
    filt = _phase1(rbf, Wf1, bf1.reshape(1, F), Wf2, bf2.reshape(1, F))
    conv = _sc_conv(h, nl, filt)
    out = _phase3(conv, Wo1, bo1.reshape(1, F), Wo2, bo2.reshape(1, F))
    return out.reshape(1, N, F), filt.reshape(1, N, K, F)

# --- scband reference (transcript-rebuilt; emitter-appended) ---
"""Pipeline reference for scband-classic-interaction-block-69054484185713 (READ-ONLY COPY).

The authoritative reference and input builder live on the scoring server;
editing this copy changes nothing except your own understanding.
"""

import jax, jax.numpy as jnp
import numpy as np

B, N, K = 1, 10000, 32
N_IN, N_G, N_F = 128, 16, 128


def _uni(key, shape, fan_in):
    s = 1.0 / np.sqrt(fan_in)
    return jax.random.uniform(key, shape, minval=-s, maxval=s, dtype=jnp.float32)


def setup_inputs(seed: int = 0) -> dict:
    key = jax.random.key(seed)
    ks = jax.random.split(key, 12)
    inp = {}
    inp["features"] = jax.random.normal(ks[0], (B, N, N_IN), dtype=jnp.float32)
    inp["rbf_expansion"] = jax.random.uniform(ks[1], (B, N, K, N_G), dtype=jnp.float32)
    inp["neighbor_list"] = jax.random.randint(ks[2], (B, N, K), 0, N)
    # initial_dense: Linear(n_inputs -> n_filters, bias=False), no activation
    inp["W_init"] = _uni(ks[3], (N_IN, N_F), N_IN)
    # cfconv filter_generator: Linear(n_gaussians -> n_filters) + Tanh, Linear(n_filters -> n_filters)
    inp["Wf1"] = _uni(ks[4], (N_G, N_F), N_G)
    inp["bf1"] = _uni(ks[5], (N_F,), N_G)
    inp["Wf2"] = _uni(ks[6], (N_F, N_F), N_F)
    inp["bf2"] = _uni(ks[7], (N_F,), N_F)
    # output_dense: Linear(n_filters -> n_filters) + Tanh, Linear(n_filters -> n_filters)
    inp["Wo1"] = _uni(ks[8], (N_F, N_F), N_F)
    inp["bo1"] = _uni(ks[9], (N_F,), N_F)
    inp["Wo2"] = _uni(ks[10], (N_F, N_F), N_F)
    inp["bo2"] = _uni(ks[11], (N_F,), N_F)
    return inp


def reference(features, rbf_expansion, neighbor_list, W_init, Wf1, bf1, Wf2, bf2, Wo1, bo1, Wo2, bo2):
    # initial_dense (bias-free linear)
    h = features.astype(jnp.float32) @ W_init  # [B, N, F]
    rbf = rbf_expansion.astype(jnp.float32)
    # cfconv: generate continuous filters from RBF expansion
    conv_filter = jnp.tanh(rbf @ Wf1 + bf1) @ Wf2 + bf2  # [B, N, K, F]
    Bb, Nn, Kk = neighbor_list.shape
    # gather neighbor features (torch.gather on dim 1 with expanded index)
    nl = neighbor_list.reshape(Bb, Nn * Kk, 1)
    nl = jnp.broadcast_to(nl, (Bb, Nn * Kk, h.shape[-1]))
    neighbor_features = jnp.take_along_axis(h, nl, axis=1).reshape(Bb, Nn, Kk, -1)
    # elementwise filter and aggregate over neighbors
    conv_output = jnp.sum(neighbor_features * conv_filter, axis=2)  # [B, N, F]
    attn = conv_filter
    # output_dense
    out = jnp.tanh(conv_output @ Wo1 + bo1) @ Wo2 + bo2
    return out.astype(jnp.float32), attn

if __name__ == "__main__":
    import jax
    _d = setup_inputs()
    print(jax.jit(kernel)(*tuple(_d.values())))

</pallas_src>

<mosaic_0001>
#map = affine_map<(d0, d1) -> (0, 0)>
#map1 = affine_map<(d0, d1) -> (0)>
module attributes {stable_mosaic.version = 14 : i64} {
  func.func @_sc_conv_body(%arg0: i32, %arg1: i32, %arg2: memref<10000x128xf32, #tpu.memory_space<hbm>>, %arg3: memref<320000xi32, #tpu.memory_space<hbm>>, %arg4: memref<320000x128xf32, #tpu.memory_space<hbm>>, %arg5: memref<10000x128xf32, #tpu.memory_space<hbm>>, %arg6: memref<10240xi32, #tpu.memory_space<vmem>>, %arg7: memref<3x128x128xf32, #tpu.memory_space<vmem>>, %arg8: memref<3x128x128xf32, #tpu.memory_space<vmem>>, %arg9: memref<8x128xf32, #tpu.memory_space<vmem>>, %arg10: memref<!tpu.dma_semaphore, #tpu.memory_space<semaphore_mem>>, %arg11: memref<!tpu.dma_semaphore, #tpu.memory_space<semaphore_mem>>, %arg12: memref<!tpu.dma_semaphore, #tpu.memory_space<semaphore_mem>>, %arg13: memref<!tpu.dma_semaphore, #tpu.memory_space<semaphore_mem>>, %arg14: memref<!tpu.dma_semaphore, #tpu.memory_space<semaphore_mem>>, %arg15: memref<!tpu.dma_semaphore, #tpu.memory_space<semaphore_mem>>, %arg16: memref<!tpu.dma_semaphore, #tpu.memory_space<semaphore_mem>>) attributes {dimension_semantics = [#tpu.dimension_semantics<core_parallel>, #tpu.dimension_semantics<subcore_parallel>], iteration_bounds = array<i64: 2, 16>, scalar_prefetch = 0 : i64, scratch_operands = 11 : i64, tpu.core_type = #tpu.core_type<sc_vector_subcore>, window_params = [{transform_indices = #map}, {transform_indices = #map1}, {transform_indices = #map}, {transform_indices = #map}]} {
    %mul3A = arith.constant 2 : i32
    %mul3A_0 = arith.muli %arg1, %mul3A : i32
    %add3A = arith.addi %mul3A_0, %arg0 : i32
    %lt3A = arith.constant 2 : i32
    %lt3A_1 = arith.cmpi slt, %add3A, %lt3A : i32
    %mul3A_2 = arith.constant 40 : i32
    %mul3A_3 = arith.muli %add3A, %mul3A_2 : i32
    %sub3A = arith.constant 2 : i32
    %sub3A_4 = arith.subi %add3A, %sub3A : i32
    %mul3A_5 = arith.constant 39 : i32
    %mul3A_6 = arith.muli %sub3A_4, %mul3A_5 : i32
    %add3A_7 = arith.constant 80 : i32
    %add3A_8 = arith.addi %add3A_7, %mul3A_6 : i32
    %select_n3A = arith.select %lt3A_1, %mul3A_3, %add3A_8 : i32
    %jit3A = arith.constant 40 : i32
    %jit3A_9 = arith.constant 39 : i32
    %select_n3A_10 = arith.select %lt3A_1, %jit3A, %jit3A_9 : i32
    %mul3A_11 = arith.constant 2 : i32
    %mul3A_12 = arith.muli %mul3A_11, %select_n3A_10 : i32
    %mul3A_13 = arith.constant 256 : i32
    %mul3A_14 = arith.muli %select_n3A, %mul3A_13 : i32
    %multiple_of3A = tpu.assume_multiple %mul3A_14, 256 : i32
    "tpu.region"() ({
      %run_scoped3A = tpu.sem_alloc : memref<!tpu.dma_semaphore, #tpu.memory_space<semaphore_mem>>
      %dma_start3A_75 = arith.constant 0 : i32
      %dma_start3A_76 = tpu.memref_slice %arg6[%dma_start3A_75] : memref<10240xi32, #tpu.memory_space<vmem>> -> memref<9984xi32, #tpu.memory_space<vmem>>
      %dma_start3A_77 = tpu.memref_slice %arg3[%multiple_of3A] : memref<320000xi32, #tpu.memory_space<hbm>> -> memref<9984xi32, #tpu.memory_space<hbm>>
      %dma_start3A_78 = arith.constant 0 : i32
      %dma_start3A_79 = tpu.memref_slice %arg6[%dma_start3A_78] : memref<10240xi32, #tpu.memory_space<vmem>> -> memref<9984xi32, #tpu.memory_space<vmem>>
      %dma_start3A_80 = tpu.memref_slice %arg3[%multiple_of3A] : memref<320000xi32, #tpu.memory_space<hbm>> -> memref<9984xi32, #tpu.memory_space<hbm>>
      tpu.enqueue_dma source(%dma_start3A_80 : memref<9984xi32, #tpu.memory_space<hbm>>) target(%dma_start3A_79 : memref<9984xi32, #tpu.memory_space<vmem>>) target_semaphore(%run_scoped3A : memref<!tpu.dma_semaphore, #tpu.memory_space<semaphore_mem>>)
      %dma_wait3A_81 = arith.constant 0 : i32
      %dma_wait3A_82 = tpu.memref_slice %arg6[%dma_wait3A_81] : memref<10240xi32, #tpu.memory_space<vmem>> -> memref<9984xi32, #tpu.memory_space<vmem>>
      %dma_wait3A_83 = tpu.memref_slice %arg3[%multiple_of3A] : memref<320000xi32, #tpu.memory_space<hbm>> -> memref<9984xi32, #tpu.memory_space<hbm>>
      %dma_wait3A_84 = arith.constant 0 : i32
      %dma_wait3A_85 = tpu.memref_slice %arg6[%dma_wait3A_84] : memref<10240xi32, #tpu.memory_space<vmem>> -> memref<9984xi32, #tpu.memory_space<vmem>>
      %dma_wait3A_86 = tpu.memref_slice %arg3[%multiple_of3A] : memref<320000xi32, #tpu.memory_space<hbm>> -> memref<9984xi32, #tpu.memory_space<hbm>>
      tpu.wait_dma2 semaphore(%run_scoped3A : memref<!tpu.dma_semaphore, #tpu.memory_space<semaphore_mem>>) src(%dma_wait3A_86 : memref<9984xi32, #tpu.memory_space<hbm>>) dst(%dma_wait3A_85 : memref<9984xi32, #tpu.memory_space<vmem>>)
      tpu.yield
    }) : () -> ()
    %convert_element_type3A = arith.extui %lt3A_1 : i1 to i32
    %cond3A = arith.constant 0 : i32
    %cond3A_15 = arith.cmpi ne, %convert_element_type3A, %cond3A : i32
    scf.if %cond3A_15 {
      %add3A_75 = arith.constant 9984 : i32
      %add3A_76 = arith.addi %multiple_of3A, %add3A_75 : i32
      "tpu.region"() ({
        %run_scoped3A = tpu.sem_alloc : memref<!tpu.dma_semaphore, #tpu.memory_space<semaphore_mem>>
        %dma_start3A_77 = arith.constant 9984 : i32
        %dma_start3A_78 = tpu.memref_slice %arg6[%dma_start3A_77] : memref<10240xi32, #tpu.memory_space<vmem>> -> memref<256xi32, #tpu.memory_space<vmem>>
        %dma_start3A_79 = tpu.memref_slice %arg3[%add3A_76] : memref<320000xi32, #tpu.memory_space<hbm>> -> memref<256xi32, #tpu.memory_space<hbm>>
        %dma_start3A_80 = arith.constant 9984 : i32
        %dma_start3A_81 = tpu.memref_slice %arg6[%dma_start3A_80] : memref<10240xi32, #tpu.memory_space<vmem>> -> memref<256xi32, #tpu.memory_space<vmem>>
        %dma_start3A_82 = tpu.memref_slice %arg3[%add3A_76] : memref<320000xi32, #tpu.memory_space<hbm>> -> memref<256xi32, #tpu.memory_space<hbm>>
        tpu.enqueue_dma source(%dma_start3A_82 : memref<256xi32, #tpu.memory_space<hbm>>) target(%dma_start3A_81 : memref<256xi32, #tpu.memory_space<vmem>>) target_semaphore(%run_scoped3A : memref<!tpu.dma_semaphore, #tpu.memory_space<semaphore_mem>>)
        %dma_wait3A_83 = arith.constant 9984 : i32
        %dma_wait3A_84 = tpu.memref_slice %arg6[%dma_wait3A_83] : memref<10240xi32, #tpu.memory_space<vmem>> -> memref<256xi32, #tpu.memory_space<vmem>>
        %dma_wait3A_85 = tpu.memref_slice %arg3[%add3A_76] : memref<320000xi32, #tpu.memory_space<hbm>> -> memref<256xi32, #tpu.memory_space<hbm>>
        %dma_wait3A_86 = arith.constant 9984 : i32
        %dma_wait3A_87 = tpu.memref_slice %arg6[%dma_wait3A_86] : memref<10240xi32, #tpu.memory_space<vmem>> -> memref<256xi32, #tpu.memory_space<vmem>>
        %dma_wait3A_88 = tpu.memref_slice %arg3[%add3A_76] : memref<320000xi32, #tpu.memory_space<hbm>> -> memref<256xi32, #tpu.memory_space<hbm>>
        tpu.wait_dma2 semaphore(%run_scoped3A : memref<!tpu.dma_semaphore, #tpu.memory_space<semaphore_mem>>) src(%dma_wait3A_88 : memref<256xi32, #tpu.memory_space<hbm>>) dst(%dma_wait3A_87 : memref<256xi32, #tpu.memory_space<vmem>>)
        tpu.yield
      }) : () -> ()
    } else {
    }
    %multiple_of3A_16 = arith.constant 0 : i32
    %multiple_of3A_17 = tpu.assume_multiple %multiple_of3A_16, 128 : i32
    %dma_start3A = arith.constant 0 : i32
    %dma_start3A_18 = arith.constant 0 : i32
    %dma_start3A_19 = arith.constant 0 : i32
    %dma_start3A_20 = tpu.memref_slice %arg7[%dma_start3A, %dma_start3A_18, %dma_start3A_19] : memref<3x128x128xf32, #tpu.memory_space<vmem>> -> memref<1x128x128xf32, #tpu.memory_space<vmem>>
    %dma_start3A_21 = tpu.memref_squeeze %dma_start3A_20 : memref<1x128x128xf32, #tpu.memory_space<vmem>> -> memref<128x128xf32, #tpu.memory_space<vmem>>
    %dma_start3A_22 = tpu.memref_slice %arg6[%multiple_of3A_17] : memref<10240xi32, #tpu.memory_space<vmem>> -> memref<128xi32, #tpu.memory_space<vmem>>
    %dma_start3A_23 = arith.constant 0 : i32
    %dma_start3A_24 = arith.constant 0 : i32
    %dma_start3A_25 = tpu.memref_slice %arg2[%dma_start3A_23, %dma_start3A_24] : memref<10000x128xf32, #tpu.memory_space<hbm>> -> memref<10000x128xf32, #tpu.memory_space<hbm>>
    tpu.enqueue_indirect_dma source(%dma_start3A_25 : memref<10000x128xf32, #tpu.memory_space<hbm>>) target(%dma_start3A_21 : memref<128x128xf32, #tpu.memory_space<vmem>>) offsets(%dma_start3A_22 : memref<128xi32, #tpu.memory_space<vmem>>) semaphore(%arg10 : memref<!tpu.dma_semaphore, #tpu.memory_space<semaphore_mem>>)
    %add3A_26 = arith.addi %multiple_of3A, %multiple_of3A_17 : i32
    %dma_start3A_27 = arith.constant 0 : i32
    %dma_start3A_28 = arith.constant 0 : i32
    %dma_start3A_29 = arith.constant 0 : i32
    %dma_start3A_30 = tpu.memref_slice %arg8[%dma_start3A_27, %dma_start3A_28, %dma_start3A_29] : memref<3x128x128xf32, #tpu.memory_space<vmem>> -> memref<1x128x128xf32, #tpu.memory_space<vmem>>
    %dma_start3A_31 = tpu.memref_squeeze %dma_start3A_30 : memref<1x128x128xf32, #tpu.memory_space<vmem>> -> memref<128x128xf32, #tpu.memory_space<vmem>>
    %dma_start3A_32 = arith.constant 0 : i32
    %dma_start3A_33 = tpu.memref_slice %arg4[%add3A_26, %dma_start3A_32] : memref<320000x128xf32, #tpu.memory_space<hbm>> -> memref<128x128xf32, #tpu.memory_space<hbm>>
    %dma_start3A_34 = arith.constant 0 : i32
    %dma_start3A_35 = arith.constant 0 : i32
    %dma_start3A_36 = tpu.memref_slice %arg8[%dma_start3A_27, %dma_start3A_34, %dma_start3A_35] : memref<3x128x128xf32, #tpu.memory_space<vmem>> -> memref<1x128x128xf32, #tpu.memory_space<vmem>>
    %dma_start3A_37 = tpu.memref_squeeze %dma_start3A_36 : memref<1x128x128xf32, #tpu.memory_space<vmem>> -> memref<128x128xf32, #tpu.memory_space<vmem>>
    %dma_start3A_38 = arith.constant 0 : i32
    %dma_start3A_39 = tpu.memref_slice %arg4[%add3A_26, %dma_start3A_38] : memref<320000x128xf32, #tpu.memory_space<hbm>> -> memref<128x128xf32, #tpu.memory_space<hbm>>
    tpu.enqueue_dma source(%dma_start3A_39 : memref<128x128xf32, #tpu.memory_space<hbm>>) target(%dma_start3A_37 : memref<128x128xf32, #tpu.memory_space<vmem>>) target_semaphore(%arg13 : memref<!tpu.dma_semaphore, #tpu.memory_space<semaphore_mem>>)
    %multiple_of3A_40 = arith.constant 128 : i32
    %multiple_of3A_41 = tpu.assume_multiple %multiple_of3A_40, 128 : i32
    %dma_start3A_42 = arith.constant 1 : i32
    %dma_start3A_43 = arith.constant 0 : i32
    %dma_start3A_44 = arith.constant 0 : i32
    %dma_start3A_45 = tpu.memref_slice %arg7[%dma_start3A_42, %dma_start3A_43, %dma_start3A_44] : memref<3x128x128xf32, #tpu.memory_space<vmem>> -> memref<1x128x128xf32, #tpu.memory_space<vmem>>
    %dma_start3A_46 = tpu.memref_squeeze %dma_start3A_45 : memref<1x128x128xf32, #tpu.memory_space<vmem>> -> memref<128x128xf32, #tpu.memory_space<vmem>>
    %dma_start3A_47 = tpu.memref_slice %arg6[%multiple_of3A_41] : memref<10240xi32, #tpu.memory_space<vmem>> -> memref<128xi32, #tpu.memory_space<vmem>>
    %dma_start3A_48 = arith.constant 0 : i32
    %dma_start3A_49 = arith.constant 0 : i32
    %dma_start3A_50 = tpu.memref_slice %arg2[%dma_start3A_48, %dma_start3A_49] : memref<10000x128xf32, #tpu.memory_space<hbm>> -> memref<10000x128xf32, #tpu.memory_space<hbm>>
    tpu.enqueue_indirect_dma source(%dma_start3A_50 : memref<10000x128xf32, #tpu.memory_space<hbm>>) target(%dma_start3A_46 : memref<128x128xf32, #tpu.memory_space<vmem>>) offsets(%dma_start3A_47 : memref<128xi32, #tpu.memory_space<vmem>>) semaphore(%arg11 : memref<!tpu.dma_semaphore, #tpu.memory_space<semaphore_mem>>)
    %add3A_51 = arith.addi %multiple_of3A, %multiple_of3A_41 : i32
    %dma_start3A_52 = arith.constant 1 : i32
    %dma_start3A_53 = arith.constant 0 : i32
    %dma_start3A_54 = arith.constant 0 : i32
    %dma_start3A_55 = tpu.memref_slice %arg8[%dma_start3A_52, %dma_start3A_53, %dma_start3A_54] : memref<3x128x128xf32, #tpu.memory_space<vmem>> -> memref<1x128x128xf32, #tpu.memory_space<vmem>>
    %dma_start3A_56 = tpu.memref_squeeze %dma_start3A_55 : memref<1x128x128xf32, #tpu.memory_space<vmem>> -> memref<128x128xf32, #tpu.memory_space<vmem>>
    %dma_start3A_57 = arith.constant 0 : i32
    %dma_start3A_58 = tpu.memref_slice %arg4[%add3A_51, %dma_start3A_57] : memref<320000x128xf32, #tpu.memory_space<hbm>> -> memref<128x128xf32, #tpu.memory_space<hbm>>
    %dma_start3A_59 = arith.constant 0 : i32
    %dma_start3A_60 = arith.constant 0 : i32
    %dma_start3A_61 = tpu.memref_slice %arg8[%dma_start3A_52, %dma_start3A_59, %dma_start3A_60] : memref<3x128x128xf32, #tpu.memory_space<vmem>> -> memref<1x128x128xf32, #tpu.memory_space<vmem>>
    %dma_start3A_62 = tpu.memref_squeeze %dma_start3A_61 : memref<1x128x128xf32, #tpu.memory_space<vmem>> -> memref<128x128xf32, #tpu.memory_space<vmem>>
    %dma_start3A_63 = arith.constant 0 : i32
    %dma_start3A_64 = tpu.memref_slice %arg4[%add3A_51, %dma_start3A_63] : memref<320000x128xf32, #tpu.memory_space<hbm>> -> memref<128x128xf32, #tpu.memory_space<hbm>>
    tpu.enqueue_dma source(%dma_start3A_64 : memref<128x128xf32, #tpu.memory_space<hbm>>) target(%dma_start3A_62 : memref<128x128xf32, #tpu.memory_space<vmem>>) target_semaphore(%arg14 : memref<!tpu.dma_semaphore, #tpu.memory_space<semaphore_mem>>)
    %scan3A = arith.constant 0 : i32
    %scan3A_65 = arith.constant 0 : i32
    %scan3A_66 = arith.constant 27 : i32
    %scan3A_67 = arith.addi %scan3A_65, %scan3A_66 : i32
    %scan3A_68 = arith.constant 1 : i32
    scf.for %scan3A_75 = %scan3A_65 to %scan3A_67 step %scan3A_68  : i32 {
      %mul3A_76 = arith.constant 3 : i32
      %mul3A_77 = arith.muli %mul3A_76, %scan3A_75 : i32
      %add3A_78 = arith.constant 0 : i32
      %add3A_79 = arith.addi %mul3A_77, %add3A_78 : i32
      %lt3A_80 = arith.cmpi slt, %add3A_79, %mul3A_12 : i32
      %convert_element_type3A_81 = arith.extui %lt3A_80 : i1 to i32
      %cond3A_82 = arith.constant 0 : i32
      %cond3A_83 = arith.cmpi ne, %convert_element_type3A_81, %cond3A_82 : i32
      scf.if %cond3A_83 {
        %dma_wait3A_100 = arith.constant 0 : i32
        %dma_wait3A_101 = arith.constant 0 : i32
        %dma_wait3A_102 = arith.constant 0 : i32
        %dma_wait3A_103 = tpu.memref_slice %arg7[%dma_wait3A_100, %dma_wait3A_101, %dma_wait3A_102] : memref<3x128x128xf32, #tpu.memory_space<vmem>> -> memref<1x128x128xf32, #tpu.memory_space<vmem>>
        %dma_wait3A_104 = tpu.memref_squeeze %dma_wait3A_103 : memref<1x128x128xf32, #tpu.memory_space<vmem>> -> memref<128x128xf32, #tpu.memory_space<vmem>>
        %dma_wait3A_105 = arith.constant 0 : i32
        %dma_wait3A_106 = arith.constant 0 : i32
        %dma_wait3A_107 = tpu.memref_slice %arg2[%dma_wait3A_105, %dma_wait3A_106] : memref<10000x128xf32, #tpu.memory_space<hbm>> -> memref<128x128xf32, #tpu.memory_space<hbm>>
        %dma_wait3A_108 = arith.constant 0 : i32
        %dma_wait3A_109 = arith.constant 0 : i32
        %dma_wait3A_110 = tpu.memref_slice %arg7[%dma_wait3A_100, %dma_wait3A_108, %dma_wait3A_109] : memref<3x128x128xf32, #tpu.memory_space<vmem>> -> memref<1x128x128xf32, #tpu.memory_space<vmem>>
        %dma_wait3A_111 = tpu.memref_squeeze %dma_wait3A_110 : memref<1x128x128xf32, #tpu.memory_space<vmem>> -> memref<128x128xf32, #tpu.memory_space<vmem>>
        %dma_wait3A_112 = arith.constant 0 : i32
        %dma_wait3A_113 = arith.constant 0 : i32
        %dma_wait3A_114 = tpu.memref_slice %arg2[%dma_wait3A_112, %dma_wait3A_113] : memref<10000x128xf32, #tpu.memory_space<hbm>> -> memref<128x128xf32, #tpu.memory_space<hbm>>
        tpu.wait_dma2 semaphore(%arg10 : memref<!tpu.dma_semaphore, #tpu.memory_space<semaphore_mem>>) src(%dma_wait3A_114 : memref<128x128xf32, #tpu.memory_space<hbm>>) dst(%dma_wait3A_111 : memref<128x128xf32, #tpu.memory_space<vmem>>)
        %dma_wait3A_115 = arith.constant 0 : i32
        %dma_wait3A_116 = arith.constant 0 : i32
        %dma_wait3A_117 = arith.constant 0 : i32
        %dma_wait3A_118 = tpu.memref_slice %arg8[%dma_wait3A_115, %dma_wait3A_116, %dma_wait3A_117] : memref<3x128x128xf32, #tpu.memory_space<vmem>> -> memref<1x128x128xf32, #tpu.memory_space<vmem>>
        %dma_wait3A_119 = tpu.memref_squeeze %dma_wait3A_118 : memref<1x128x128xf32, #tpu.memory_space<vmem>> -> memref<128x128xf32, #tpu.memory_space<vmem>>
        %dma_wait3A_120 = arith.constant 0 : i32
        %dma_wait3A_121 = arith.constant 0 : i32
        %dma_wait3A_122 = tpu.memref_slice %arg4[%dma_wait3A_120, %dma_wait3A_121] : memref<320000x128xf32, #tpu.memory_space<hbm>> -> memref<128x128xf32, #tpu.memory_space<hbm>>
        %dma_wait3A_123 = arith.constant 0 : i32
        %dma_wait3A_124 = arith.constant 0 : i32
        %dma_wait3A_125 = tpu.memref_slice %arg8[%dma_wait3A_115, %dma_wait3A_123, %dma_wait3A_124] : memref<3x128x128xf32, #tpu.memory_space<vmem>> -> memref<1x128x128xf32, #tpu.memory_space<vmem>>
        %dma_wait3A_126 = tpu.memref_squeeze %dma_wait3A_125 : memref<1x128x128xf32, #tpu.memory_space<vmem>> -> memref<128x128xf32, #tpu.memory_space<vmem>>
        %dma_wait3A_127 = arith.constant 0 : i32
        %dma_wait3A_128 = arith.constant 0 : i32
        %dma_wait3A_129 = tpu.memref_slice %arg4[%dma_wait3A_127, %dma_wait3A_128] : memref<320000x128xf32, #tpu.memory_space<hbm>> -> memref<128x128xf32, #tpu.memory_space<hbm>>
        tpu.wait_dma2 semaphore(%arg13 : memref<!tpu.dma_semaphore, #tpu.memory_space<semaphore_mem>>) src(%dma_wait3A_129 : memref<128x128xf32, #tpu.memory_space<hbm>>) dst(%dma_wait3A_126 : memref<128x128xf32, #tpu.memory_space<vmem>>)
        %add3A_130 = arith.constant 2 : i32
        %add3A_131 = arith.addi %add3A_79, %add3A_130 : i32
        %lt3A_132 = arith.cmpi slt, %add3A_131, %mul3A_12 : i32
        %convert_element_type3A_133 = arith.extui %lt3A_132 : i1 to i32
        %cond3A_134 = arith.constant 0 : i32
        %cond3A_135 = arith.cmpi ne, %convert_element_type3A_133, %cond3A_134 : i32
        scf.if %cond3A_135 {
          %add3A_422 = arith.constant 2 : i32
          %add3A_423 = arith.addi %add3A_79, %add3A_422 : i32
          %mul3A_424 = arith.constant 128 : i32
          %mul3A_425 = arith.muli %add3A_423, %mul3A_424 : i32
          %multiple_of3A_426 = tpu.assume_multiple %mul3A_425, 128 : i32
          %dma_start3A_427 = arith.constant 2 : i32
          %dma_start3A_428 = arith.constant 0 : i32
          %dma_start3A_429 = arith.constant 0 : i32
          %dma_start3A_430 = tpu.memref_slice %arg7[%dma_start3A_427, %dma_start3A_428, %dma_start3A_429] : memref<3x128x128xf32, #tpu.memory_space<vmem>> -> memref<1x128x128xf32, #tpu.memory_space<vmem>>
          %dma_start3A_431 = tpu.memref_squeeze %dma_start3A_430 : memref<1x128x128xf32, #tpu.memory_space<vmem>> -> memref<128x128xf32, #tpu.memory_space<vmem>>
          %dma_start3A_432 = tpu.memref_slice %arg6[%multiple_of3A_426] : memref<10240xi32, #tpu.memory_space<vmem>> -> memref<128xi32, #tpu.memory_space<vmem>>
          %dma_start3A_433 = arith.constant 0 : i32
          %dma_start3A_434 = arith.constant 0 : i32
          %dma_start3A_435 = tpu.memref_slice %arg2[%dma_start3A_433, %dma_start3A_434] : memref<10000x128xf32, #tpu.memory_space<hbm>> -> memref<10000x128xf32, #tpu.memory_space<hbm>>
          tpu.enqueue_indirect_dma source(%dma_start3A_435 : memref<10000x128xf32, #tpu.memory_space<hbm>>) target(%dma_start3A_431 : memref<128x128xf32, #tpu.memory_space<vmem>>) offsets(%dma_start3A_432 : memref<128xi32, #tpu.memory_space<vmem>>) semaphore(%arg12 : memref<!tpu.dma_semaphore, #tpu.memory_space<semaphore_mem>>)
          %add3A_436 = arith.addi %multiple_of3A, %multiple_of3A_426 : i32
          %dma_start3A_437 = arith.constant 2 : i32
          %dma_start3A_438 = arith.constant 0 : i32
          %dma_start3A_439 = arith.constant 0 : i32
          %dma_start3A_440 = tpu.memref_slice %arg8[%dma_start3A_437, %dma_start3A_438, %dma_start3A_439] : memref<3x128x128xf32, #tpu.memory_space<vmem>> -> memref<1x128x128xf32, #tpu.memory_space<vmem>>
          %dma_start3A_441 = tpu.memref_squeeze %dma_start3A_440 : memref<1x128x128xf32, #tpu.memory_space<vmem>> -> memref<128x128xf32, #tpu.memory_space<vmem>>
          %dma_start3A_442 = arith.constant 0 : i32
          %dma_start3A_443 = tpu.memref_slice %arg4[%add3A_436, %dma_start3A_442] : memref<320000x128xf32, #tpu.memory_space<hbm>> -> memref<128x128xf32, #tpu.memory_space<hbm>>
          %dma_start3A_444 = arith.constant 0 : i32
          %dma_start3A_445 = arith.constant 0 : i32
          %dma_start3A_446 = tpu.memref_slice %arg8[%dma_start3A_437, %dma_start3A_444, %dma_start3A_445] : memref<3x128x128xf32, #tpu.memory_space<vmem>> -> memref<1x128x128xf32, #tpu.memory_space<vmem>>
          %dma_start3A_447 = tpu.memref_squeeze %dma_start3A_446 : memref<1x128x128xf32, #tpu.memory_space<vmem>> -> memref<128x128xf32, #tpu.memory_space<vmem>>
          %dma_start3A_448 = arith.constant 0 : i32
          %dma_start3A_449 = tpu.memref_slice %arg4[%add3A_436, %dma_start3A_448] : memref<320000x128xf32, #tpu.memory_space<hbm>> -> memref<128x128xf32, #tpu.memory_space<hbm>>
          tpu.enqueue_dma source(%dma_start3A_449 : memref<128x128xf32, #tpu.memory_space<hbm>>) target(%dma_start3A_447 : memref<128x128xf32, #tpu.memory_space<vmem>>) target_semaphore(%arg15 : memref<!tpu.dma_semaphore, #tpu.memory_space<semaphore_mem>>)
        } else {
        }
        %jit3A_136 = arith.constant 2 : i32
        %eq3A = arith.constant 0 : i32
        %eq3A_137 = arith.cmpi eq, %jit3A_136, %eq3A : i32
        %jit3A_138 = arith.constant 1 : i32
        %select_n3A_139 = arith.select %eq3A_137, %jit3A_138, %jit3A_136 : i32
        %rem3A = arith.remsi %add3A_79, %select_n3A_139 : i32
        %ne3A = arith.constant 0 : i32
        %ne3A_140 = arith.cmpi ne, %rem3A, %ne3A : i32
        %lt3A_141 = arith.constant 0 : i32
        %lt3A_142 = arith.cmpi slt, %rem3A, %lt3A_141 : i32
        %lt3A_143 = arith.constant 0 : i32
        %lt3A_144 = arith.cmpi slt, %select_n3A_139, %lt3A_143 : i32
        %ne3A_145 = arith.xori %lt3A_142, %lt3A_144 : i1
        %and3A = arith.andi %ne3A_145, %ne3A_140 : i1
        %add3A_146 = arith.addi %rem3A, %select_n3A_139 : i32
        %select_n3A_147 = arith.select %and3A, %add3A_146, %rem3A : i32
        %eq3A_148 = arith.constant 0 : i32
        %eq3A_149 = arith.cmpi eq, %select_n3A_147, %eq3A_148 : i32
        %gt3A = arith.constant 0 : i32
        %gt3A_150 = arith.cmpi sgt, %add3A_79, %gt3A : i32
        %and3A_151 = arith.andi %eq3A_149, %gt3A_150 : i1
        %convert_element_type3A_152 = arith.extui %and3A_151 : i1 to i32
        %cond3A_153 = arith.constant 0 : i32
        %cond3A_154 = arith.cmpi ne, %convert_element_type3A_152, %cond3A_153 : i32
        scf.if %cond3A_154 {
          %dma_wait3A_422 = arith.constant 0 : i32
          %dma_wait3A_423 = arith.constant 0 : i32
          %dma_wait3A_424 = tpu.memref_slice %arg5[%dma_wait3A_422, %dma_wait3A_423] : memref<10000x128xf32, #tpu.memory_space<hbm>> -> memref<8x128xf32, #tpu.memory_space<hbm>>
          %dma_wait3A_425 = arith.constant 0 : i32
          %dma_wait3A_426 = arith.constant 0 : i32
          %dma_wait3A_427 = tpu.memref_slice %arg5[%dma_wait3A_425, %dma_wait3A_426] : memref<10000x128xf32, #tpu.memory_space<hbm>> -> memref<8x128xf32, #tpu.memory_space<hbm>>
          tpu.wait_dma2 semaphore(%arg16 : memref<!tpu.dma_semaphore, #tpu.memory_space<semaphore_mem>>) src(%arg9 : memref<8x128xf32, #tpu.memory_space<vmem>>) dst(%dma_wait3A_427 : memref<8x128xf32, #tpu.memory_space<hbm>>)
        } else {
        }
        %broadcast_in_dim3A = arith.constant 0.000000e+00 : f32
        %broadcast_in_dim3A_155 = vector.broadcast %broadcast_in_dim3A : f32 to vector<16xf32>
        %broadcast_in_dim3A_156 = arith.constant 0.000000e+00 : f32
        %broadcast_in_dim3A_157 = vector.broadcast %broadcast_in_dim3A_156 : f32 to vector<16xf32>
        %broadcast_in_dim3A_158 = arith.constant 0.000000e+00 : f32
        %broadcast_in_dim3A_159 = vector.broadcast %broadcast_in_dim3A_158 : f32 to vector<16xf32>
        %broadcast_in_dim3A_160 = arith.constant 0.000000e+00 : f32
        %broadcast_in_dim3A_161 = vector.broadcast %broadcast_in_dim3A_160 : f32 to vector<16xf32>
        %broadcast_in_dim3A_162 = arith.constant 0.000000e+00 : f32
        %broadcast_in_dim3A_163 = vector.broadcast %broadcast_in_dim3A_162 : f32 to vector<16xf32>
        %broadcast_in_dim3A_164 = arith.constant 0.000000e+00 : f32
        %broadcast_in_dim3A_165 = vector.broadcast %broadcast_in_dim3A_164 : f32 to vector<16xf32>
        %broadcast_in_dim3A_166 = arith.constant 0.000000e+00 : f32
        %broadcast_in_dim3A_167 = vector.broadcast %broadcast_in_dim3A_166 : f32 to vector<16xf32>
        %broadcast_in_dim3A_168 = arith.constant 0.000000e+00 : f32
        %broadcast_in_dim3A_169 = vector.broadcast %broadcast_in_dim3A_168 : f32 to vector<16xf32>
        %scan3A_170 = arith.constant 0 : i32
        %scan3A_171 = arith.constant 32 : i32
        %scan3A_172 = arith.addi %scan3A_170, %scan3A_171 : i32
        %scan3A_173 = arith.constant 1 : i32
        %scan3A_174:8 = scf.for %scan3A_422 = %scan3A_170 to %scan3A_172 step %scan3A_173 iter_args(%scan3A_423 = %broadcast_in_dim3A_155, %scan3A_424 = %broadcast_in_dim3A_157, %scan3A_425 = %broadcast_in_dim3A_159, %scan3A_426 = %broadcast_in_dim3A_161, %scan3A_427 = %broadcast_in_dim3A_163, %scan3A_428 = %broadcast_in_dim3A_165, %scan3A_429 = %broadcast_in_dim3A_167, %scan3A_430 = %broadcast_in_dim3A_169) -> (vector<16xf32>, vector<16xf32>, vector<16xf32>, vector<16xf32>, vector<16xf32>, vector<16xf32>, vector<16xf32>, vector<16xf32>)  : i32 {
          %add3A_431 = arith.constant 0 : i32
          %add3A_432 = arith.addi %add3A_431, %scan3A_422 : i32
          %get3A = arith.constant 0 : i32
          %get3A_433 = arith.index_cast %get3A : i32 to index
          %get3A_434 = arith.index_cast %add3A_432 : i32 to index
          %get3A_435 = arith.constant 0 : index
          %get3A_436 = tpu.vector_load %arg7[%get3A_433, %get3A_434, %get3A_435] {strides = array<i32>} : memref<3x128x128xf32, #tpu.memory_space<vmem>>, vector<1x1x16xf32>,
          %get3A_437 = vector.shape_cast %get3A_436 : vector<1x1x16xf32> to vector<16xf32>
          %get3A_438 = arith.constant 0 : i32
          %get3A_439 = arith.index_cast %get3A_438 : i32 to index
          %get3A_440 = arith.index_cast %add3A_432 : i32 to index
          %get3A_441 = arith.constant 0 : index
          %get3A_442 = tpu.vector_load %arg8[%get3A_439, %get3A_440, %get3A_441] {strides = array<i32>} : memref<3x128x128xf32, #tpu.memory_space<vmem>>, vector<1x1x16xf32>,
          %get3A_443 = vector.shape_cast %get3A_442 : vector<1x1x16xf32> to vector<16xf32>
          %mul3A_444 = arith.mulf %get3A_437, %get3A_443 : vector<16xf32>
          %add3A_445 = arith.addf %scan3A_423, %mul3A_444 : vector<16xf32>
          %get3A_446 = arith.constant 0 : i32
          %get3A_447 = arith.index_cast %get3A_446 : i32 to index
          %get3A_448 = arith.index_cast %add3A_432 : i32 to index
          %get3A_449 = arith.constant 16 : index
          %get3A_450 = tpu.vector_load %arg7[%get3A_447, %get3A_448, %get3A_449] {strides = array<i32>} : memref<3x128x128xf32, #tpu.memory_space<vmem>>, vector<1x1x16xf32>,
          %get3A_451 = vector.shape_cast %get3A_450 : vector<1x1x16xf32> to vector<16xf32>
          %get3A_452 = arith.constant 0 : i32
          %get3A_453 = arith.index_cast %get3A_452 : i32 to index
          %get3A_454 = arith.index_cast %add3A_432 : i32 to index
          %get3A_455 = arith.constant 16 : index
          %get3A_456 = tpu.vector_load %arg8[%get3A_453, %get3A_454, %get3A_455] {strides = array<i32>} : memref<3x128x128xf32, #tpu.memory_space<vmem>>, vector<1x1x16xf32>,
          %get3A_457 = vector.shape_cast %get3A_456 : vector<1x1x16xf32> to vector<16xf32>
          %mul3A_458 = arith.mulf %get3A_451, %get3A_457 : vector<16xf32>
          %add3A_459 = arith.addf %scan3A_424, %mul3A_458 : vector<16xf32>
          %get3A_460 = arith.constant 0 : i32
          %get3A_461 = arith.index_cast %get3A_460 : i32 to index
          %get3A_462 = arith.index_cast %add3A_432 : i32 to index
          %get3A_463 = arith.constant 32 : index
          %get3A_464 = tpu.vector_load %arg7[%get3A_461, %get3A_462, %get3A_463] {strides = array<i32>} : memref<3x128x128xf32, #tpu.memory_space<vmem>>, vector<1x1x16xf32>,
          %get3A_465 = vector.shape_cast %get3A_464 : vector<1x1x16xf32> to vector<16xf32>
          %get3A_466 = arith.constant 0 : i32
          %get3A_467 = arith.index_cast %get3A_466 : i32 to index
          %get3A_468 = arith.index_cast %add3A_432 : i32 to index
          %get3A_469 = arith.constant 32 : index
          %get3A_470 = tpu.vector_load %arg8[%get3A_467, %get3A_468, %get3A_469] {strides = array<i32>} : memref<3x128x128xf32, #tpu.memory_space<vmem>>, vector<1x1x16xf32>,
          %get3A_471 = vector.shape_cast %get3A_470 : vector<1x1x16xf32> to vector<16xf32>
          %mul3A_472 = arith.mulf %get3A_465, %get3A_471 : vector<16xf32>
          %add3A_473 = arith.addf %scan3A_425, %mul3A_472 : vector<16xf32>
          %get3A_474 = arith.constant 0 : i32
          %get3A_475 = arith.index_cast %get3A_474 : i32 to index
          %get3A_476 = arith.index_cast %add3A_432 : i32 to index
          %get3A_477 = arith.constant 48 : index
          %get3A_478 = tpu.vector_load %arg7[%get3A_475, %get3A_476, %get3A_477] {strides = array<i32>} : memref<3x128x128xf32, #tpu.memory_space<vmem>>, vector<1x1x16xf32>,
          %get3A_479 = vector.shape_cast %get3A_478 : vector<1x1x16xf32> to vector<16xf32>
          %get3A_480 = arith.constant 0 : i32
          %get3A_481 = arith.index_cast %get3A_480 : i32 to index
          %get3A_482 = arith.index_cast %add3A_432 : i32 to index
          %get3A_483 = arith.constant 48 : index
          %get3A_484 = tpu.vector_load %arg8[%get3A_481, %get3A_482, %get3A_483] {strides = array<i32>} : memref<3x128x128xf32, #tpu.memory_space<vmem>>, vector<1x1x16xf32>,
          %get3A_485 = vector.shape_cast %get3A_484 : vector<1x1x16xf32> to vector<16xf32>
          %mul3A_486 = arith.mulf %get3A_479, %get3A_485 : vector<16xf32>
          %add3A_487 = arith.addf %scan3A_426, %mul3A_486 : vector<16xf32>
          %get3A_488 = arith.constant 0 : i32
          %get3A_489 = arith.index_cast %get3A_488 : i32 to index
          %get3A_490 = arith.index_cast %add3A_432 : i32 to index
          %get3A_491 = arith.constant 64 : index
          %get3A_492 = tpu.vector_load %arg7[%get3A_489, %get3A_490, %get3A_491] {strides = array<i32>} : memref<3x128x128xf32, #tpu.memory_space<vmem>>, vector<1x1x16xf32>,
          %get3A_493 = vector.shape_cast %get3A_492 : vector<1x1x16xf32> to vector<16xf32>
          %get3A_494 = arith.constant 0 : i32
          %get3A_495 = arith.index_cast %get3A_494 : i32 to index
          %get3A_496 = arith.index_cast %add3A_432 : i32 to index
          %get3A_497 = arith.constant 64 : index
          %get3A_498 = tpu.vector_load %arg8[%get3A_495, %get3A_496, %get3A_497] {strides = array<i32>} : memref<3x128x128xf32, #tpu.memory_space<vmem>>, vector<1x1x16xf32>,
          %get3A_499 = vector.shape_cast %get3A_498 : vector<1x1x16xf32> to vector<16xf32>
          %mul3A_500 = arith.mulf %get3A_493, %get3A_499 : vector<16xf32>
          %add3A_501 = arith.addf %scan3A_427, %mul3A_500 : vector<16xf32>
          %get3A_502 = arith.constant 0 : i32
          %get3A_503 = arith.index_cast %get3A_502 : i32 to index
          %get3A_504 = arith.index_cast %add3A_432 : i32 to index
          %get3A_505 = arith.constant 80 : index
          %get3A_506 = tpu.vector_load %arg7[%get3A_503, %get3A_504, %get3A_505] {strides = array<i32>} : memref<3x128x128xf32, #tpu.memory_space<vmem>>, vector<1x1x16xf32>,
          %get3A_507 = vector.shape_cast %get3A_506 : vector<1x1x16xf32> to vector<16xf32>
          %get3A_508 = arith.constant 0 : i32
          %get3A_509 = arith.index_cast %get3A_508 : i32 to index
          %get3A_510 = arith.index_cast %add3A_432 : i32 to index
          %get3A_511 = arith.constant 80 : index
          %get3A_512 = tpu.vector_load %arg8[%get3A_509, %get3A_510, %get3A_511] {strides = array<i32>} : memref<3x128x128xf32, #tpu.memory_space<vmem>>, vector<1x1x16xf32>,
          %get3A_513 = vector.shape_cast %get3A_512 : vector<1x1x16xf32> to vector<16xf32>
          %mul3A_514 = arith.mulf %get3A_507, %get3A_513 : vector<16xf32>
          %add3A_515 = arith.addf %scan3A_428, %mul3A_514 : vector<16xf32>
          %get3A_516 = arith.constant 0 : i32
          %get3A_517 = arith.index_cast %get3A_516 : i32 to index
          %get3A_518 = arith.index_cast %add3A_432 : i32 to index
          %get3A_519 = arith.constant 96 : index
          %get3A_520 = tpu.vector_load %arg7[%get3A_517, %get3A_518, %get3A_519] {strides = array<i32>} : memref<3x128x128xf32, #tpu.memory_space<vmem>>, vector<1x1x16xf32>,
          %get3A_521 = vector.shape_cast %get3A_520 : vector<1x1x16xf32> to vector<16xf32>
          %get3A_522 = arith.constant 0 : i32
          %get3A_523 = arith.index_cast %get3A_522 : i32 to index
          %get3A_524 = arith.index_cast %add3A_432 : i32 to index
          %get3A_525 = arith.constant 96 : index
          %get3A_526 = tpu.vector_load %arg8[%get3A_523, %get3A_524, %get3A_525] {strides = array<i32>} : memref<3x128x128xf32, #tpu.memory_space<vmem>>, vector<1x1x16xf32>,
          %get3A_527 = vector.shape_cast %get3A_526 : vector<1x1x16xf32> to vector<16xf32>
          %mul3A_528 = arith.mulf %get3A_521, %get3A_527 : vector<16xf32>
          %add3A_529 = arith.addf %scan3A_429, %mul3A_528 : vector<16xf32>
          %get3A_530 = arith.constant 0 : i32
          %get3A_531 = arith.index_cast %get3A_530 : i32 to index
          %get3A_532 = arith.index_cast %add3A_432 : i32 to index
          %get3A_533 = arith.constant 112 : index
          %get3A_534 = tpu.vector_load %arg7[%get3A_531, %get3A_532, %get3A_533] {strides = array<i32>} : memref<3x128x128xf32, #tpu.memory_space<vmem>>, vector<1x1x16xf32>,
          %get3A_535 = vector.shape_cast %get3A_534 : vector<1x1x16xf32> to vector<16xf32>
          %get3A_536 = arith.constant 0 : i32
          %get3A_537 = arith.index_cast %get3A_536 : i32 to index
          %get3A_538 = arith.index_cast %add3A_432 : i32 to index
          %get3A_539 = arith.constant 112 : index
          %get3A_540 = tpu.vector_load %arg8[%get3A_537, %get3A_538, %get3A_539] {strides = array<i32>} : memref<3x128x128xf32, #tpu.memory_space<vmem>>, vector<1x1x16xf32>,
          %get3A_541 = vector.shape_cast %get3A_540 : vector<1x1x16xf32> to vector<16xf32>
          %mul3A_542 = arith.mulf %get3A_535, %get3A_541 : vector<16xf32>
          %add3A_543 = arith.addf %scan3A_430, %mul3A_542 : vector<16xf32>
          scf.yield %add3A_445, %add3A_459, %add3A_473, %add3A_487, %add3A_501, %add3A_515, %add3A_529, %add3A_543 : vector<16xf32>, vector<16xf32>, vector<16xf32>, vector<16xf32>, vector<16xf32>, vector<16xf32>, vector<16xf32>, vector<16xf32>
        }
        %scan3A_175 = arith.constant 32 : i32
        %mul3A_176 = arith.constant 4 : i32
        %mul3A_177 = arith.muli %select_n3A_147, %mul3A_176 : i32
        %add3A_178 = arith.constant 0 : i32
        %add3A_179 = arith.addi %mul3A_177, %add3A_178 : i32
        %swap3A = arith.index_cast %add3A_179 : i32 to index
        %swap3A_180 = arith.constant 0 : index
        %swap3A_181 = tpu.vector_load %arg9[%swap3A, %swap3A_180] {strides = array<i32>} : memref<8x128xf32, #tpu.memory_space<vmem>>, vector<1x16xf32>,
        %swap3A_182 = vector.shape_cast %swap3A_181 : vector<1x16xf32> to vector<16xf32>
        %swap3A_183 = vector.shape_cast %scan3A_174#0 : vector<16xf32> to vector<1x16xf32>
        tpu.vector_store %arg9[%swap3A, %swap3A_180], %swap3A_183 {strides = array<i32>} : memref<8x128xf32, #tpu.memory_space<vmem>>, vector<1x16xf32>,
        %swap3A_184 = arith.index_cast %add3A_179 : i32 to index
        %swap3A_185 = arith.constant 16 : index
        %swap3A_186 = tpu.vector_load %arg9[%swap3A_184, %swap3A_185] {strides = array<i32>} : memref<8x128xf32, #tpu.memory_space<vmem>>, vector<1x16xf32>,
        %swap3A_187 = vector.shape_cast %swap3A_186 : vector<1x16xf32> to vector<16xf32>
        %swap3A_188 = vector.shape_cast %scan3A_174#1 : vector<16xf32> to vector<1x16xf32>
        tpu.vector_store %arg9[%swap3A_184, %swap3A_185], %swap3A_188 {strides = array<i32>} : memref<8x128xf32, #tpu.memory_space<vmem>>, vector<1x16xf32>,
        %swap3A_189 = arith.index_cast %add3A_179 : i32 to index
        %swap3A_190 = arith.constant 32 : index
        %swap3A_191 = tpu.vector_load %arg9[%swap3A_189, %swap3A_190] {strides = array<i32>} : memref<8x128xf32, #tpu.memory_space<vmem>>, vector<1x16xf32>,
        %swap3A_192 = vector.shape_cast %swap3A_191 : vector<1x16xf32> to vector<16xf32>
        %swap3A_193 = vector.shape_cast %scan3A_174#2 : vector<16xf32> to vector<1x16xf32>
        tpu.vector_store %arg9[%swap3A_189, %swap3A_190], %swap3A_193 {strides = array<i32>} : memref<8x128xf32, #tpu.memory_space<vmem>>, vector<1x16xf32>,
        %swap3A_194 = arith.index_cast %add3A_179 : i32 to index
        %swap3A_195 = arith.constant 48 : index
        %swap3A_196 = tpu.vector_load %arg9[%swap3A_194, %swap3A_195] {strides = array<i32>} : memref<8x128xf32, #tpu.memory_space<vmem>>, vector<1x16xf32>,
        %swap3A_197 = vector.shape_cast %swap3A_196 : vector<1x16xf32> to vector<16xf32>
        %swap3A_198 = vector.shape_cast %scan3A_174#3 : vector<16xf32> to vector<1x16xf32>
        tpu.vector_store %arg9[%swap3A_194, %swap3A_195], %swap3A_198 {strides = array<i32>} : memref<8x128xf32, #tpu.memory_space<vmem>>, vector<1x16xf32>,
        %swap3A_199 = arith.index_cast %add3A_179 : i32 to index
        %swap3A_200 = arith.constant 64 : index
        %swap3A_201 = tpu.vector_load %arg9[%swap3A_199, %swap3A_200] {strides = array<i32>} : memref<8x128xf32, #tpu.memory_space<vmem>>, vector<1x16xf32>,
        %swap3A_202 = vector.shape_cast %swap3A_201 : vector<1x16xf32> to vector<16xf32>
        %swap3A_203 = vector.shape_cast %scan3A_174#4 : vector<16xf32> to vector<1x16xf32>
        tpu.vector_store %arg9[%swap3A_199, %swap3A_200], %swap3A_203 {strides = array<i32>} : memref<8x128xf32, #tpu.memory_space<vmem>>, vector<1x16xf32>,
        %swap3A_204 = arith.index_cast %add3A_179 : i32 to index
        %swap3A_205 = arith.constant 80 : index
        %swap3A_206 = tpu.vector_load %arg9[%swap3A_204, %swap3A_205] {strides = array<i32>} : memref<8x128xf32, #tpu.memory_space<vmem>>, vector<1x16xf32>,
        %swap3A_207 = vector.shape_cast %swap3A_206 : vector<1x16xf32> to vector<16xf32>
        %swap3A_208 = vector.shape_cast %scan3A_174#5 : vector<16xf32> to vector<1x16xf32>
        tpu.vector_store %arg9[%swap3A_204, %swap3A_205], %swap3A_208 {strides = array<i32>} : memref<8x128xf32, #tpu.memory_space<vmem>>, vector<1x16xf32>,
        %swap3A_209 = arith.index_cast %add3A_179 : i32 to index
        %swap3A_210 = arith.constant 96 : index
        %swap3A_211 = tpu.vector_load %arg9[%swap3A_209, %swap3A_210] {strides = array<i32>} : memref<8x128xf32, #tpu.memory_space<vmem>>, vector<1x16xf32>,
        %swap3A_212 = vector.shape_cast %swap3A_211 : vector<1x16xf32> to vector<16xf32>
        %swap3A_213 = vector.shape_cast %scan3A_174#6 : vector<16xf32> to vector<1x16xf32>
        tpu.vector_store %arg9[%swap3A_209, %swap3A_210], %swap3A_213 {strides = array<i32>} : memref<8x128xf32, #tpu.memory_space<vmem>>, vector<1x16xf32>,
        %swap3A_214 = arith.index_cast %add3A_179 : i32 to index
        %swap3A_215 = arith.constant 112 : index
        %swap3A_216 = tpu.vector_load %arg9[%swap3A_214, %swap3A_215] {strides = array<i32>} : memref<8x128xf32, #tpu.memory_space<vmem>>, vector<1x16xf32>,
        %swap3A_217 = vector.shape_cast %swap3A_216 : vector<1x16xf32> to vector<16xf32>
        %swap3A_218 = vector.shape_cast %scan3A_174#7 : vector<16xf32> to vector<1x16xf32>
        tpu.vector_store %arg9[%swap3A_214, %swap3A_215], %swap3A_218 {strides = array<i32>} : memref<8x128xf32, #tpu.memory_space<vmem>>, vector<1x16xf32>,
        %broadcast_in_dim3A_219 = arith.constant 0.000000e+00 : f32
        %broadcast_in_dim3A_220 = vector.broadcast %broadcast_in_dim3A_219 : f32 to vector<16xf32>
        %broadcast_in_dim3A_221 = arith.constant 0.000000e+00 : f32
        %broadcast_in_dim3A_222 = vector.broadcast %broadcast_in_dim3A_221 : f32 to vector<16xf32>
        %broadcast_in_dim3A_223 = arith.constant 0.000000e+00 : f32
        %broadcast_in_dim3A_224 = vector.broadcast %broadcast_in_dim3A_223 : f32 to vector<16xf32>
        %broadcast_in_dim3A_225 = arith.constant 0.000000e+00 : f32
        %broadcast_in_dim3A_226 = vector.broadcast %broadcast_in_dim3A_225 : f32 to vector<16xf32>
        %broadcast_in_dim3A_227 = arith.constant 0.000000e+00 : f32
        %broadcast_in_dim3A_228 = vector.broadcast %broadcast_in_dim3A_227 : f32 to vector<16xf32>
        %broadcast_in_dim3A_229 = arith.constant 0.000000e+00 : f32
        %broadcast_in_dim3A_230 = vector.broadcast %broadcast_in_dim3A_229 : f32 to vector<16xf32>
        %broadcast_in_dim3A_231 = arith.constant 0.000000e+00 : f32
        %broadcast_in_dim3A_232 = vector.broadcast %broadcast_in_dim3A_231 : f32 to vector<16xf32>
        %broadcast_in_dim3A_233 = arith.constant 0.000000e+00 : f32
        %broadcast_in_dim3A_234 = vector.broadcast %broadcast_in_dim3A_233 : f32 to vector<16xf32>
        %scan3A_235 = arith.constant 0 : i32
        %scan3A_236 = arith.constant 32 : i32
        %scan3A_237 = arith.addi %scan3A_235, %scan3A_236 : i32
        %scan3A_238 = arith.constant 1 : i32
        %scan3A_239:8 = scf.for %scan3A_422 = %scan3A_235 to %scan3A_237 step %scan3A_238 iter_args(%scan3A_423 = %broadcast_in_dim3A_220, %scan3A_424 = %broadcast_in_dim3A_222, %scan3A_425 = %broadcast_in_dim3A_224, %scan3A_426 = %broadcast_in_dim3A_226, %scan3A_427 = %broadcast_in_dim3A_228, %scan3A_428 = %broadcast_in_dim3A_230, %scan3A_429 = %broadcast_in_dim3A_232, %scan3A_430 = %broadcast_in_dim3A_234) -> (vector<16xf32>, vector<16xf32>, vector<16xf32>, vector<16xf32>, vector<16xf32>, vector<16xf32>, vector<16xf32>, vector<16xf32>)  : i32 {
          %add3A_431 = arith.constant 32 : i32
          %add3A_432 = arith.addi %add3A_431, %scan3A_422 : i32
          %get3A = arith.constant 0 : i32
          %get3A_433 = arith.index_cast %get3A : i32 to index
          %get3A_434 = arith.index_cast %add3A_432 : i32 to index
          %get3A_435 = arith.constant 0 : index
          %get3A_436 = tpu.vector_load %arg7[%get3A_433, %get3A_434, %get3A_435] {strides = array<i32>} : memref<3x128x128xf32, #tpu.memory_space<vmem>>, vector<1x1x16xf32>,
          %get3A_437 = vector.shape_cast %get3A_436 : vector<1x1x16xf32> to vector<16xf32>
          %get3A_438 = arith.constant 0 : i32
          %get3A_439 = arith.index_cast %get3A_438 : i32 to index
          %get3A_440 = arith.index_cast %add3A_432 : i32 to index
          %get3A_441 = arith.constant 0 : index
          %get3A_442 = tpu.vector_load %arg8[%get3A_439, %get3A_440, %get3A_441] {strides = array<i32>} : memref<3x128x128xf32, #tpu.memory_space<vmem>>, vector<1x1x16xf32>,
          %get3A_443 = vector.shape_cast %get3A_442 : vector<1x1x16xf32> to vector<16xf32>
          %mul3A_444 = arith.mulf %get3A_437, %get3A_443 : vector<16xf32>
          %add3A_445 = arith.addf %scan3A_423, %mul3A_444 : vector<16xf32>
          %get3A_446 = arith.constant 0 : i32
          %get3A_447 = arith.index_cast %get3A_446 : i32 to index
          %get3A_448 = arith.index_cast %add3A_432 : i32 to index
          %get3A_449 = arith.constant 16 : index
          %get3A_450 = tpu.vector_load %arg7[%get3A_447, %get3A_448, %get3A_449] {strides = array<i32>} : memref<3x128x128xf32, #tpu.memory_space<vmem>>, vector<1x1x16xf32>,
          %get3A_451 = vector.shape_cast %get3A_450 : vector<1x1x16xf32> to vector<16xf32>
          %get3A_452 = arith.constant 0 : i32
          %get3A_453 = arith.index_cast %get3A_452 : i32 to index
          %get3A_454 = arith.index_cast %add3A_432 : i32 to index
          %get3A_455 = arith.constant 16 : index
          %get3A_456 = tpu.vector_load %arg8[%get3A_453, %get3A_454, %get3A_455] {strides = array<i32>} : memref<3x128x128xf32, #tpu.memory_space<vmem>>, vector<1x1x16xf32>,
          %get3A_457 = vector.shape_cast %get3A_456 : vector<1x1x16xf32> to vector<16xf32>
          %mul3A_458 = arith.mulf %get3A_451, %get3A_457 : vector<16xf32>
          %add3A_459 = arith.addf %scan3A_424, %mul3A_458 : vector<16xf32>
          %get3A_460 = arith.constant 0 : i32
          %get3A_461 = arith.index_cast %get3A_460 : i32 to index
          %get3A_462 = arith.index_cast %add3A_432 : i32 to index
          %get3A_463 = arith.constant 32 : index
          %get3A_464 = tpu.vector_load %arg7[%get3A_461, %get3A_462, %get3A_463] {strides = array<i32>} : memref<3x128x128xf32, #tpu.memory_space<vmem>>, vector<1x1x16xf32>,
          %get3A_465 = vector.shape_cast %get3A_464 : vector<1x1x16xf32> to vector<16xf32>
          %get3A_466 = arith.constant 0 : i32
          %get3A_467 = arith.index_cast %get3A_466 : i32 to index
          %get3A_468 = arith.index_cast %add3A_432 : i32 to index
          %get3A_469 = arith.constant 32 : index
          %get3A_470 = tpu.vector_load %arg8[%get3A_467, %get3A_468, %get3A_469] {strides = array<i32>} : memref<3x128x128xf32, #tpu.memory_space<vmem>>, vector<1x1x16xf32>,
          %get3A_471 = vector.shape_cast %get3A_470 : vector<1x1x16xf32> to vector<16xf32>
          %mul3A_472 = arith.mulf %get3A_465, %get3A_471 : vector<16xf32>
          %add3A_473 = arith.addf %scan3A_425, %mul3A_472 : vector<16xf32>
          %get3A_474 = arith.constant 0 : i32
          %get3A_475 = arith.index_cast %get3A_474 : i32 to index
          %get3A_476 = arith.index_cast %add3A_432 : i32 to index
          %get3A_477 = arith.constant 48 : index
          %get3A_478 = tpu.vector_load %arg7[%get3A_475, %get3A_476, %get3A_477] {strides = array<i32>} : memref<3x128x128xf32, #tpu.memory_space<vmem>>, vector<1x1x16xf32>,
          %get3A_479 = vector.shape_cast %get3A_478 : vector<1x1x16xf32> to vector<16xf32>
          %get3A_480 = arith.constant 0 : i32
          %get3A_481 = arith.index_cast %get3A_480 : i32 to index
          %get3A_482 = arith.index_cast %add3A_432 : i32 to index
          %get3A_483 = arith.constant 48 : index
          %get3A_484 = tpu.vector_load %arg8[%get3A_481, %get3A_482, %get3A_483] {strides = array<i32>} : memref<3x128x128xf32, #tpu.memory_space<vmem>>, vector<1x1x16xf32>,
          %get3A_485 = vector.shape_cast %get3A_484 : vector<1x1x16xf32> to vector<16xf32>
          %mul3A_486 = arith.mulf %get3A_479, %get3A_485 : vector<16xf32>
          %add3A_487 = arith.addf %scan3A_426, %mul3A_486 : vector<16xf32>
          %get3A_488 = arith.constant 0 : i32
          %get3A_489 = arith.index_cast %get3A_488 : i32 to index
          %get3A_490 = arith.index_cast %add3A_432 : i32 to index
          %get3A_491 = arith.constant 64 : index
          %get3A_492 = tpu.vector_load %arg7[%get3A_489, %get3A_490, %get3A_491] {strides = array<i32>} : memref<3x128x128xf32, #tpu.memory_space<vmem>>, vector<1x1x16xf32>,
          %get3A_493 = vector.shape_cast %get3A_492 : vector<1x1x16xf32> to vector<16xf32>
          %get3A_494 = arith.constant 0 : i32
          %get3A_495 = arith.index_cast %get3A_494 : i32 to index
          %get3A_496 = arith.index_cast %add3A_432 : i32 to index
          %get3A_497 = arith.constant 64 : index
          %get3A_498 = tpu.vector_load %arg8[%get3A_495, %get3A_496, %get3A_497] {strides = array<i32>} : memref<3x128x128xf32, #tpu.memory_space<vmem>>, vector<1x1x16xf32>,
          %get3A_499 = vector.shape_cast %get3A_498 : vector<1x1x16xf32> to vector<16xf32>
          %mul3A_500 = arith.mulf %get3A_493, %get3A_499 : vector<16xf32>
          %add3A_501 = arith.addf %scan3A_427, %mul3A_500 : vector<16xf32>
          %get3A_502 = arith.constant 0 : i32
          %get3A_503 = arith.index_cast %get3A_502 : i32 to index
          %get3A_504 = arith.index_cast %add3A_432 : i32 to index
          %get3A_505 = arith.constant 80 : index
          %get3A_506 = tpu.vector_load %arg7[%get3A_503, %get3A_504, %get3A_505] {strides = array<i32>} : memref<3x128x128xf32, #tpu.memory_space<vmem>>, vector<1x1x16xf32>,
          %get3A_507 = vector.shape_cast %get3A_506 : vector<1x1x16xf32> to vector<16xf32>
          %get3A_508 = arith.constant 0 : i32
          %get3A_509 = arith.index_cast %get3A_508 : i32 to index
          %get3A_510 = arith.index_cast %add3A_432 : i32 to index
          %get3A_511 = arith.constant 80 : index
          %get3A_512 = tpu.vector_load %arg8[%get3A_509, %get3A_510, %get3A_511] {strides = array<i32>} : memref<3x128x128xf32, #tpu.memory_space<vmem>>, vector<1x1x16xf32>,
          %get3A_513 = vector.shape_cast %get3A_512 : vector<1x1x16xf32> to vector<16xf32>
          %mul3A_514 = arith.mulf %get3A_507, %get3A_513 : vector<16xf32>
          %add3A_515 = arith.addf %scan3A_428, %mul3A_514 : vector<16xf32>
          %get3A_516 = arith.constant 0 : i32
          %get3A_517 = arith.index_cast %get3A_516 : i32 to index
          %get3A_518 = arith.index_cast %add3A_432 : i32 to index
          %get3A_519 = arith.constant 96 : index
          %get3A_520 = tpu.vector_load %arg7[%get3A_517, %get3A_518, %get3A_519] {strides = array<i32>} : memref<3x128x128xf32, #tpu.memory_space<vmem>>, vector<1x1x16xf32>,
          %get3A_521 = vector.shape_cast %get3A_520 : vector<1x1x16xf32> to vector<16xf32>
          %get3A_522 = arith.constant 0 : i32
          %get3A_523 = arith.index_cast %get3A_522 : i32 to index
          %get3A_524 = arith.index_cast %add3A_432 : i32 to index
          %get3A_525 = arith.constant 96 : index
          %get3A_526 = tpu.vector_load %arg8[%get3A_523, %get3A_524, %get3A_525] {strides = array<i32>} : memref<3x128x128xf32, #tpu.memory_space<vmem>>, vector<1x1x16xf32>,
          %get3A_527 = vector.shape_cast %get3A_526 : vector<1x1x16xf32> to vector<16xf32>
          %mul3A_528 = arith.mulf %get3A_521, %get3A_527 : vector<16xf32>
          %add3A_529 = arith.addf %scan3A_429, %mul3A_528 : vector<16xf32>
          %get3A_530 = arith.constant 0 : i32
          %get3A_531 = arith.index_cast %get3A_530 : i32 to index
          %get3A_532 = arith.index_cast %add3A_432 : i32 to index
          %get3A_533 = arith.constant 112 : index
          %get3A_534 = tpu.vector_load %arg7[%get3A_531, %get3A_532, %get3A_533] {strides = array<i32>} : memref<3x128x128xf32, #tpu.memory_space<vmem>>, vector<1x1x16xf32>,
          %get3A_535 = vector.shape_cast %get3A_534 : vector<1x1x16xf32> to vector<16xf32>
          %get3A_536 = arith.constant 0 : i32
          %get3A_537 = arith.index_cast %get3A_536 : i32 to index
          %get3A_538 = arith.index_cast %add3A_432 : i32 to index
          %get3A_539 = arith.constant 112 : index
          %get3A_540 = tpu.vector_load %arg8[%get3A_537, %get3A_538, %get3A_539] {strides = array<i32>} : memref<3x128x128xf32, #tpu.memory_space<vmem>>, vector<1x1x16xf32>,
          %get3A_541 = vector.shape_cast %get3A_540 : vector<1x1x16xf32> to vector<16xf32>
          %mul3A_542 = arith.mulf %get3A_535, %get3A_541 : vector<16xf32>
          %add3A_543 = arith.addf %scan3A_430, %mul3A_542 : vector<16xf32>
          scf.yield %add3A_445, %add3A_459, %add3A_473, %add3A_487, %add3A_501, %add3A_515, %add3A_529, %add3A_543 : vector<16xf32>, vector<16xf32>, vector<16xf32>, vector<16xf32>, vector<16xf32>, vector<16xf32>, vector<16xf32>, vector<16xf32>
        }
        %scan3A_240 = arith.constant 32 : i32
        %mul3A_241 = arith.constant 4 : i32
        %mul3A_242 = arith.muli %select_n3A_147, %mul3A_241 : i32
        %add3A_243 = arith.constant 1 : i32
        %add3A_244 = arith.addi %mul3A_242, %add3A_243 : i32
        %swap3A_245 = arith.index_cast %add3A_244 : i32 to index
        %swap3A_246 = arith.constant 0 : index
        %swap3A_247 = tpu.vector_load %arg9[%swap3A_245, %swap3A_246] {strides = array<i32>} : memref<8x128xf32, #tpu.memory_space<vmem>>, vector<1x16xf32>,
        %swap3A_248 = vector.shape_cast %swap3A_247 : vector<1x16xf32> to vector<16xf32>
        %swap3A_249 = vector.shape_cast %scan3A_239#0 : vector<16xf32> to vector<1x16xf32>
        tpu.vector_store %arg9[%swap3A_245, %swap3A_246], %swap3A_249 {strides = array<i32>} : memref<8x128xf32, #tpu.memory_space<vmem>>, vector<1x16xf32>,
        %swap3A_250 = arith.index_cast %add3A_244 : i32 to index
        %swap3A_251 = arith.constant 16 : index
        %swap3A_252 = tpu.vector_load %arg9[%swap3A_250, %swap3A_251] {strides = array<i32>} : memref<8x128xf32, #tpu.memory_space<vmem>>, vector<1x16xf32>,
        %swap3A_253 = vector.shape_cast %swap3A_252 : vector<1x16xf32> to vector<16xf32>
        %swap3A_254 = vector.shape_cast %scan3A_239#1 : vector<16xf32> to vector<1x16xf32>
        tpu.vector_store %arg9[%swap3A_250, %swap3A_251], %swap3A_254 {strides = array<i32>} : memref<8x128xf32, #tpu.memory_space<vmem>>, vector<1x16xf32>,
        %swap3A_255 = arith.index_cast %add3A_244 : i32 to index
        %swap3A_256 = arith.constant 32 : index
        %swap3A_257 = tpu.vector_load %arg9[%swap3A_255, %swap3A_256] {strides = array<i32>} : memref<8x128xf32, #tpu.memory_space<vmem>>, vector<1x16xf32>,
        %swap3A_258 = vector.shape_cast %swap3A_257 : vector<1x16xf32> to vector<16xf32>
        %swap3A_259 = vector.shape_cast %scan3A_239#2 : vector<16xf32> to vector<1x16xf32>
        tpu.vector_store %arg9[%swap3A_255, %swap3A_256], %swap3A_259 {strides = array<i32>} : memref<8x128xf32, #tpu.memory_space<vmem>>, vector<1x16xf32>,
        %swap3A_260 = arith.index_cast %add3A_244 : i32 to index
        %swap3A_261 = arith.constant 48 : index
        %swap3A_262 = tpu.vector_load %arg9[%swap3A_260, %swap3A_261] {strides = array<i32>} : memref<8x128xf32, #tpu.memory_space<vmem>>, vector<1x16xf32>,
        %swap3A_263 = vector.shape_cast %swap3A_262 : vector<1x16xf32> to vector<16xf32>
        %swap3A_264 = vector.shape_cast %scan3A_239#3 : vector<16xf32> to vector<1x16xf32>
        tpu.vector_store %arg9[%swap3A_260, %swap3A_261], %swap3A_264 {strides = array<i32>} : memref<8x128xf32, #tpu.memory_space<vmem>>, vector<1x16xf32>,
        %swap3A_265 = arith.index_cast %add3A_244 : i32 to index
        %swap3A_266 = arith.constant 64 : index
        %swap3A_267 = tpu.vector_load %arg9[%swap3A_265, %swap3A_266] {strides = array<i32>} : memref<8x128xf32, #tpu.memory_space<vmem>>, vector<1x16xf32>,
        %swap3A_268 = vector.shape_cast %swap3A_267 : vector<1x16xf32> to vector<16xf32>
        %swap3A_269 = vector.shape_cast %scan3A_239#4 : vector<16xf32> to vector<1x16xf32>
        tpu.vector_store %arg9[%swap3A_265, %swap3A_266], %swap3A_269 {strides = array<i32>} : memref<8x128xf32, #tpu.memory_space<vmem>>, vector<1x16xf32>,
        %swap3A_270 = arith.index_cast %add3A_244 : i32 to index
        %swap3A_271 = arith.constant 80 : index
        %swap3A_272 = tpu.vector_load %arg9[%swap3A_270, %swap3A_271] {strides = array<i32>} : memref<8x128xf32, #tpu.memory_space<vmem>>, vector<1x16xf32>,
        %swap3A_273 = vector.shape_cast %swap3A_272 : vector<1x16xf32> to vector<16xf32>
        %swap3A_274 = vector.shape_cast %scan3A_239#5 : vector<16xf32> to vector<1x16xf32>
        tpu.vector_store %arg9[%swap3A_270, %swap3A_271], %swap3A_274 {strides = array<i32>} : memref<8x128xf32, #tpu.memory_space<vmem>>, vector<1x16xf32>,
        %swap3A_275 = arith.index_cast %add3A_244 : i32 to index
        %swap3A_276 = arith.constant 96 : index
        %swap3A_277 = tpu.vector_load %arg9[%swap3A_275, %swap3A_276] {strides = array<i32>} : memref<8x128xf32, #tpu.memory_space<vmem>>, vector<1x16xf32>,
        %swap3A_278 = vector.shape_cast %swap3A_277 : vector<1x16xf32> to vector<16xf32>
        %swap3A_279 = vector.shape_cast %scan3A_239#6 : vector<16xf32> to vector<1x16xf32>
        tpu.vector_store %arg9[%swap3A_275, %swap3A_276], %swap3A_279 {strides = array<i32>} : memref<8x128xf32, #tpu.memory_space<vmem>>, vector<1x16xf32>,
        %swap3A_280 = arith.index_cast %add3A_244 : i32 to index
        %swap3A_281 = arith.constant 112 : index
        %swap3A_282 = tpu.vector_load %arg9[%swap3A_280, %swap3A_281] {strides = array<i32>} : memref<8x128xf32, #tpu.memory_space<vmem>>, vector<1x16xf32>,
        %swap3A_283 = vector.shape_cast %swap3A_282 : vector<1x16xf32> to vector<16xf32>
        %swap3A_284 = vector.shape_cast %scan3A_239#7 : vector<16xf32> to vector<1x16xf32>
        tpu.vector_store %arg9[%swap3A_280, %swap3A_281], %swap3A_284 {strides = array<i32>} : memref<8x128xf32, #tpu.memory_space<vmem>>, vector<1x16xf32>,
        %broadcast_in_dim3A_285 = arith.constant 0.000000e+00 : f32
        %broadcast_in_dim3A_286 = vector.broadcast %broadcast_in_dim3A_285 : f32 to vector<16xf32>
        %broadcast_in_dim3A_287 = arith.constant 0.000000e+00 : f32
        %broadcast_in_dim3A_288 = vector.broadcast %broadcast_in_dim3A_287 : f32 to vector<16xf32>
        %broadcast_in_dim3A_289 = arith.constant 0.000000e+00 : f32
        %broadcast_in_dim3A_290 = vector.broadcast %broadcast_in_dim3A_289 : f32 to vector<16xf32>
        %broadcast_in_dim3A_291 = arith.constant 0.000000e+00 : f32
        %broadcast_in_dim3A_292 = vector.broadcast %broadcast_in_dim3A_291 : f32 to vector<16xf32>
        %broadcast_in_dim3A_293 = arith.constant 0.000000e+00 : f32
        %broadcast_in_dim3A_294 = vector.broadcast %broadcast_in_dim3A_293 : f32 to vector<16xf32>
        %broadcast_in_dim3A_295 = arith.constant 0.000000e+00 : f32
        %broadcast_in_dim3A_296 = vector.broadcast %broadcast_in_dim3A_295 : f32 to vector<16xf32>
        %broadcast_in_dim3A_297 = arith.constant 0.000000e+00 : f32
        %broadcast_in_dim3A_298 = vector.broadcast %broadcast_in_dim3A_297 : f32 to vector<16xf32>
        %broadcast_in_dim3A_299 = arith.constant 0.000000e+00 : f32
        %broadcast_in_dim3A_300 = vector.broadcast %broadcast_in_dim3A_299 : f32 to vector<16xf32>
        %scan3A_301 = arith.constant 0 : i32
        %scan3A_302 = arith.constant 32 : i32
        %scan3A_303 = arith.addi %scan3A_301, %scan3A_302 : i32
        %scan3A_304 = arith.constant 1 : i32
        %scan3A_305:8 = scf.for %scan3A_422 = %scan3A_301 to %scan3A_303 step %scan3A_304 iter_args(%scan3A_423 = %broadcast_in_dim3A_286, %scan3A_424 = %broadcast_in_dim3A_288, %scan3A_425 = %broadcast_in_dim3A_290, %scan3A_426 = %broadcast_in_dim3A_292, %scan3A_427 = %broadcast_in_dim3A_294, %scan3A_428 = %broadcast_in_dim3A_296, %scan3A_429 = %broadcast_in_dim3A_298, %scan3A_430 = %broadcast_in_dim3A_300) -> (vector<16xf32>, vector<16xf32>, vector<16xf32>, vector<16xf32>, vector<16xf32>, vector<16xf32>, vector<16xf32>, vector<16xf32>)  : i32 {
          %add3A_431 = arith.constant 64 : i32
          %add3A_432 = arith.addi %add3A_431, %scan3A_422 : i32
          %get3A = arith.constant 0 : i32
          %get3A_433 = arith.index_cast %get3A : i32 to index
          %get3A_434 = arith.index_cast %add3A_432 : i32 to index
          %get3A_435 = arith.constant 0 : index
          %get3A_436 = tpu.vector_load %arg7[%get3A_433, %get3A_434, %get3A_435] {strides = array<i32>} : memref<3x128x128xf32, #tpu.memory_space<vmem>>, vector<1x1x16xf32>,
          %get3A_437 = vector.shape_cast %get3A_436 : vector<1x1x16xf32> to vector<16xf32>
          %get3A_438 = arith.constant 0 : i32
          %get3A_439 = arith.index_cast %get3A_438 : i32 to index
          %get3A_440 = arith.index_cast %add3A_432 : i32 to index
          %get3A_441 = arith.constant 0 : index
          %get3A_442 = tpu.vector_load %arg8[%get3A_439, %get3A_440, %get3A_441] {strides = array<i32>} : memref<3x128x128xf32, #tpu.memory_space<vmem>>, vector<1x1x16xf32>,
          %get3A_443 = vector.shape_cast %get3A_442 : vector<1x1x16xf32> to vector<16xf32>
          %mul3A_444 = arith.mulf %get3A_437, %get3A_443 : vector<16xf32>
          %add3A_445 = arith.addf %scan3A_423, %mul3A_444 : vector<16xf32>
          %get3A_446 = arith.constant 0 : i32
          %get3A_447 = arith.index_cast %get3A_446 : i32 to index
          %get3A_448 = arith.index_cast %add3A_432 : i32 to index
          %get3A_449 = arith.constant 16 : index
          %get3A_450 = tpu.vector_load %arg7[%get3A_447, %get3A_448, %get3A_449] {strides = array<i32>} : memref<3x128x128xf32, #tpu.memory_space<vmem>>, vector<1x1x16xf32>,
          %get3A_451 = vector.shape_cast %get3A_450 : vector<1x1x16xf32> to vector<16xf32>
          %get3A_452 = arith.constant 0 : i32
          %get3A_453 = arith.index_cast %get3A_452 : i32 to index
          %get3A_454 = arith.index_cast %add3A_432 : i32 to index
          %get3A_455 = arith.constant 16 : index
          %get3A_456 = tpu.vector_load %arg8[%get3A_453, %get3A_454, %get3A_455] {strides = array<i32>} : memref<3x128x128xf32, #tpu.memory_space<vmem>>, vector<1x1x16xf32>,
          %get3A_457 = vector.shape_cast %get3A_456 : vector<1x1x16xf32> to vector<16xf32>
          %mul3A_458 = arith.mulf %get3A_451, %get3A_457 : vector<16xf32>
          %add3A_459 = arith.addf %scan3A_424, %mul3A_458 : vector<16xf32>
          %get3A_460 = arith.constant 0 : i32
          %get3A_461 = arith.index_cast %get3A_460 : i32 to index
          %get3A_462 = arith.index_cast %add3A_432 : i32 to index
          %get3A_463 = arith.constant 32 : index
          %get3A_464 = tpu.vector_load %arg7[%get3A_461, %get3A_462, %get3A_463] {strides = array<i32>} : memref<3x128x128xf32, #tpu.memory_space<vmem>>, vector<1x1x16xf32>,
          %get3A_465 = vector.shape_cast %get3A_464 : vector<1x1x16xf32> to vector<16xf32>
          %get3A_466 = arith.constant 0 : i32
          %get3A_467 = arith.index_cast %get3A_466 : i32 to index
          %get3A_468 = arith.index_cast %add3A_432 : i32 to index
          %get3A_469 = arith.constant 32 : index
          %get3A_470 = tpu.vector_load %arg8[%get3A_467, %get3A_468, %get3A_469] {strides = array<i32>} : memref<3x128x128xf32, #tpu.memory_space<vmem>>, vector<1x1x16xf32>,
          %get3A_471 = vector.shape_cast %get3A_470 : vector<1x1x16xf32> to vector<16xf32>
          %mul3A_472 = arith.mulf %get3A_465, %get3A_471 : vector<16xf32>
          %add3A_473 = arith.addf %scan3A_425, %mul3A_472 : vector<16xf32>
          %get3A_474 = arith.constant 0 : i32
          %get3A_475 = arith.index_cast %get3A_474 : i32 to index
          %get3A_476 = arith.index_cast %add3A_432 : i32 to index
          %get3A_477 = arith.constant 48 : index
          %get3A_478 = tpu.vector_load %arg7[%get3A_475, %get3A_476, %get3A_477] {strides = array<i32>} : memref<3x128x128xf32, #tpu.memory_space<vmem>>, vector<1x1x16xf32>,
          %get3A_479 = vector.shape_cast %get3A_478 : vector<1x1x16xf32> to vector<16xf32>
          %get3A_480 = arith.constant 0 : i32
          %get3A_481 = arith.index_cast %get3A_480 : i32 to index
          %get3A_482 = arith.index_cast %add3A_432 : i32 to index
          %get3A_483 = arith.constant 48 : index
          %get3A_484 = tpu.vector_load %arg8[%get3A_481, %get3A_482, %get3A_483] {strides = array<i32>} : memref<3x128x128xf32, #tpu.memory_space<vmem>>, vector<1x1x16xf32>,
          %get3A_485 = vector.shape_cast %get3A_484 : vector<1x1x16xf32> to vector<16xf32>
          %mul3A_486 = arith.mulf %get3A_479, %get3A_485 : vector<16xf32>
          %add3A_487 = arith.addf %scan3A_426, %mul3A_486 : vector<16xf32>
          %get3A_488 = arith.constant 0 : i32
          %get3A_489 = arith.index_cast %get3A_488 : i32 to index
          %get3A_490 = arith.index_cast %add3A_432 : i32 to index
          %get3A_491 = arith.constant 64 : index
          %get3A_492 = tpu.vector_load %arg7[%get3A_489, %get3A_490, %get3A_491] {strides = array<i32>} : memref<3x128x128xf32, #tpu.memory_space<vmem>>, vector<1x1x16xf32>,
          %get3A_493 = vector.shape_cast %get3A_492 : vector<1x1x16xf32> to vector<16xf32>
          %get3A_494 = arith.constant 0 : i32
          %get3A_495 = arith.index_cast %get3A_494 : i32 to index
          %get3A_496 = arith.index_cast %add3A_432 : i32 to index
          %get3A_497 = arith.constant 64 : index
          %get3A_498 = tpu.vector_load %arg8[%get3A_495, %get3A_496, %get3A_497] {strides = array<i32>} : memref<3x128x128xf32, #tpu.memory_space<vmem>>, vector<1x1x16xf32>,
          %get3A_499 = vector.shape_cast %get3A_498 : vector<1x1x16xf32> to vector<16xf32>
          %mul3A_500 = arith.mulf %get3A_493, %get3A_499 : vector<16xf32>
          %add3A_501 = arith.addf %scan3A_427, %mul3A_500 : vector<16xf32>
          %get3A_502 = arith.constant 0 : i32
          %get3A_503 = arith.index_cast %get3A_502 : i32 to index
          %get3A_504 = arith.index_cast %add3A_432 : i32 to index
          %get3A_505 = arith.constant 80 : index
          %get3A_506 = tpu.vector_load %arg7[%get3A_503, %get3A_504, %get3A_505] {strides = array<i32>} : memref<3x128x128xf32, #tpu.memory_space<vmem>>, vector<1x1x16xf32>,
          %get3A_507 = vector.shape_cast %get3A_506 : vector<1x1x16xf32> to vector<16xf32>
          %get3A_508 = arith.constant 0 : i32
          %get3A_509 = arith.index_cast %get3A_508 : i32 to index
          %get3A_510 = arith.index_cast %add3A_432 : i32 to index
          %get3A_511 = arith.constant 80 : index
          %get3A_512 = tpu.vector_load %arg8[%get3A_509, %get3A_510, %get3A_511] {strides = array<i32>} : memref<3x128x128xf32, #tpu.memory_space<vmem>>, vector<1x1x16xf32>,
          %get3A_513 = vector.shape_cast %get3A_512 : vector<1x1x16xf32> to vector<16xf32>
          %mul3A_514 = arith.mulf %get3A_507, %get3A_513 : vector<16xf32>
          %add3A_515 = arith.addf %scan3A_428, %mul3A_514 : vector<16xf32>
          %get3A_516 = arith.constant 0 : i32
          %get3A_517 = arith.index_cast %get3A_516 : i32 to index
          %get3A_518 = arith.index_cast %add3A_432 : i32 to index
          %get3A_519 = arith.constant 96 : index
          %get3A_520 = tpu.vector_load %arg7[%get3A_517, %get3A_518, %get3A_519] {strides = array<i32>} : memref<3x128x128xf32, #tpu.memory_space<vmem>>, vector<1x1x16xf32>,
          %get3A_521 = vector.shape_cast %get3A_520 : vector<1x1x16xf32> to vector<16xf32>
          %get3A_522 = arith.constant 0 : i32
          %get3A_523 = arith.index_cast %get3A_522 : i32 to index
          %get3A_524 = arith.index_cast %add3A_432 : i32 to index
          %get3A_525 = arith.constant 96 : index
          %get3A_526 = tpu.vector_load %arg8[%get3A_523, %get3A_524, %get3A_525] {strides = array<i32>} : memref<3x128x128xf32, #tpu.memory_space<vmem>>, vector<1x1x16xf32>,
          %get3A_527 = vector.shape_cast %get3A_526 : vector<1x1x16xf32> to vector<16xf32>
          %mul3A_528 = arith.mulf %get3A_521, %get3A_527 : vector<16xf32>
          %add3A_529 = arith.addf %scan3A_429, %mul3A_528 : vector<16xf32>
          %get3A_530 = arith.constant 0 : i32
          %get3A_531 = arith.index_cast %get3A_530 : i32 to index
          %get3A_532 = arith.index_cast %add3A_432 : i32 to index
          %get3A_533 = arith.constant 112 : index
          %get3A_534 = tpu.vector_load %arg7[%get3A_531, %get3A_532, %get3A_533] {strides = array<i32>} : memref<3x128x128xf32, #tpu.memory_space<vmem>>, vector<1x1x16xf32>,
          %get3A_535 = vector.shape_cast %get3A_534 : vector<1x1x16xf32> to vector<16xf32>
          %get3A_536 = arith.constant 0 : i32
          %get3A_537 = arith.index_cast %get3A_536 : i32 to index
          %get3A_538 = arith.index_cast %add3A_432 : i32 to index
          %get3A_539 = arith.constant 112 : index
          %get3A_540 = tpu.vector_load %arg8[%get3A_537, %get3A_538, %get3A_539] {strides = array<i32>} : memref<3x128x128xf32, #tpu.memory_space<vmem>>, vector<1x1x16xf32>,
          %get3A_541 = vector.shape_cast %get3A_540 : vector<1x1x16xf32> to vector<16xf32>
          %mul3A_542 = arith.mulf %get3A_535, %get3A_541 : vector<16xf32>
          %add3A_543 = arith.addf %scan3A_430, %mul3A_542 : vector<16xf32>
          scf.yield %add3A_445, %add3A_459, %add3A_473, %add3A_487, %add3A_501, %add3A_515, %add3A_529, %add3A_543 : vector<16xf32>, vector<16xf32>, vector<16xf32>, vector<16xf32>, vector<16xf32>, vector<16xf32>, vector<16xf32>, vector<16xf32>
        }
        %scan3A_306 = arith.constant 32 : i32
        %mul3A_307 = arith.constant 4 : i32
        %mul3A_308 = arith.muli %select_n3A_147, %mul3A_307 : i32
        %add3A_309 = arith.constant 2 : i32
        %add3A_310 = arith.addi %mul3A_308, %add3A_309 : i32
        %swap3A_311 = arith.index_cast %add3A_310 : i32 to index
        %swap3A_312 = arith.constant 0 : index
        %swap3A_313 = tpu.vector_load %arg9[%swap3A_311, %swap3A_312] {strides = array<i32>} : memref<8x128xf32, #tpu.memory_space<vmem>>, vector<1x16xf32>,
        %swap3A_314 = vector.shape_cast %swap3A_313 : vector<1x16xf32> to vector<16xf32>
        %swap3A_315 = vector.shape_cast %scan3A_305#0 : vector<16xf32> to vector<1x16xf32>
        tpu.vector_store %arg9[%swap3A_311, %swap3A_312], %swap3A_315 {strides = array<i32>} : memref<8x128xf32, #tpu.memory_space<vmem>>, vector<1x16xf32>,
        %swap3A_316 = arith.index_cast %add3A_310 : i32 to index
        %swap3A_317 = arith.constant 16 : index
        %swap3A_318 = tpu.vector_load %arg9[%swap3A_316, %swap3A_317] {strides = array<i32>} : memref<8x128xf32, #tpu.memory_space<vmem>>, vector<1x16xf32>,
        %swap3A_319 = vector.shape_cast %swap3A_318 : vector<1x16xf32> to vector<16xf32>
        %swap3A_320 = vector.shape_cast %scan3A_305#1 : vector<16xf32> to vector<1x16xf32>
        tpu.vector_store %arg9[%swap3A_316, %swap3A_317], %swap3A_320 {strides = array<i32>} : memref<8x128xf32, #tpu.memory_space<vmem>>, vector<1x16xf32>,
        %swap3A_321 = arith.index_cast %add3A_310 : i32 to index
        %swap3A_322 = arith.constant 32 : index
        %swap3A_323 = tpu.vector_load %arg9[%swap3A_321, %swap3A_322] {strides = array<i32>} : memref<8x128xf32, #tpu.memory_space<vmem>>, vector<1x16xf32>,
        %swap3A_324 = vector.shape_cast %swap3A_323 : vector<1x16xf32> to vector<16xf32>
        %swap3A_325 = vector.shape_cast %scan3A_305#2 : vector<16xf32> to vector<1x16xf32>
        tpu.vector_store %arg9[%swap3A_321, %swap3A_322], %swap3A_325 {strides = array<i32>} : memref<8x128xf32, #tpu.memory_space<vmem>>, vector<1x16xf32>,
        %swap3A_326 = arith.index_cast %add3A_310 : i32 to index
        %swap3A_327 = arith.constant 48 : index
        %swap3A_328 = tpu.vector_load %arg9[%swap3A_326, %swap3A_327] {strides = array<i32>} : memref<8x128xf32, #tpu.memory_space<vmem>>, vector<1x16xf32>,
        %swap3A_329 = vector.shape_cast %swap3A_328 : vector<1x16xf32> to vector<16xf32>
        %swap3A_330 = vector.shape_cast %scan3A_305#3 : vector<16xf32> to vector<1x16xf32>
        tpu.vector_store %arg9[%swap3A_326, %swap3A_327], %swap3A_330 {strides = array<i32>} : memref<8x128xf32, #tpu.memory_space<vmem>>, vector<1x16xf32>,
        %swap3A_331 = arith.index_cast %add3A_310 : i32 to index
        %swap3A_332 = arith.constant 64 : index
        %swap3A_333 = tpu.vector_load %arg9[%swap3A_331, %swap3A_332] {strides = array<i32>} : memref<8x128xf32, #tpu.memory_space<vmem>>, vector<1x16xf32>,
        %swap3A_334 = vector.shape_cast %swap3A_333 : vector<1x16xf32> to vector<16xf32>
        %swap3A_335 = vector.shape_cast %scan3A_305#4 : vector<16xf32> to vector<1x16xf32>
        tpu.vector_store %arg9[%swap3A_331, %swap3A_332], %swap3A_335 {strides = array<i32>} : memref<8x128xf32, #tpu.memory_space<vmem>>, vector<1x16xf32>,
        %swap3A_336 = arith.index_cast %add3A_310 : i32 to index
        %swap3A_337 = arith.constant 80 : index
        %swap3A_338 = tpu.vector_load %arg9[%swap3A_336, %swap3A_337] {strides = array<i32>} : memref<8x128xf32, #tpu.memory_space<vmem>>, vector<1x16xf32>,
        %swap3A_339 = vector.shape_cast %swap3A_338 : vector<1x16xf32> to vector<16xf32>
        %swap3A_340 = vector.shape_cast %scan3A_305#5 : vector<16xf32> to vector<1x16xf32>
        tpu.vector_store %arg9[%swap3A_336, %swap3A_337], %swap3A_340 {strides = array<i32>} : memref<8x128xf32, #tpu.memory_space<vmem>>, vector<1x16xf32>,
        %swap3A_341 = arith.index_cast %add3A_310 : i32 to index
        %swap3A_342 = arith.constant 96 : index
        %swap3A_343 = tpu.vector_load %arg9[%swap3A_341, %swap3A_342] {strides = array<i32>} : memref<8x128xf32, #tpu.memory_space<vmem>>, vector<1x16xf32>,
        %swap3A_344 = vector.shape_cast %swap3A_343 : vector<1x16xf32> to vector<16xf32>
        %swap3A_345 = vector.shape_cast %scan3A_305#6 : vector<16xf32> to vector<1x16xf32>
        tpu.vector_store %arg9[%swap3A_341, %swap3A_342], %swap3A_345 {strides = array<i32>} : memref<8x128xf32, #tpu.memory_space<vmem>>, vector<1x16xf32>,
        %swap3A_346 = arith.index_cast %add3A_310 : i32 to index
        %swap3A_347 = arith.constant 112 : index
        %swap3A_348 = tpu.vector_load %arg9[%swap3A_346, %swap3A_347] {strides = array<i32>} : memref<8x128xf32, #tpu.memory_space<vmem>>, vector<1x16xf32>,
        %swap3A_349 = vector.shape_cast %swap3A_348 : vector<1x16xf32> to vector<16xf32>
        %swap3A_350 = vector.shape_cast %scan3A_305#7 : vector<16xf32> to vector<1x16xf32>
        tpu.vector_store %arg9[%swap3A_346, %swap3A_347], %swap3A_350 {strides = array<i32>} : memref<8x128xf32, #tpu.memory_space<vmem>>, vector<1x16xf32>,
        %broadcast_in_dim3A_351 = arith.constant 0.000000e+00 : f32
        %broadcast_in_dim3A_352 = vector.broadcast %broadcast_in_dim3A_351 : f32 to vector<16xf32>
        %broadcast_in_dim3A_353 = arith.constant 0.000000e+00 : f32
        %broadcast_in_dim3A_354 = vector.broadcast %broadcast_in_dim3A_353 : f32 to vector<16xf32>
        %broadcast_in_dim3A_355 = arith.constant 0.000000e+00 : f32
        %broadcast_in_dim3A_356 = vector.broadcast %broadcast_in_dim3A_355 : f32 to vector<16xf32>
        %broadcast_in_dim3A_357 = arith.constant 0.000000e+00 : f32
        %broadcast_in_dim3A_358 = vector.broadcast %broadcast_in_dim3A_357 : f32 to vector<16xf32>
        %broadcast_in_dim3A_359 = arith.constant 0.000000e+00 : f32
        %broadcast_in_dim3A_360 = vector.broadcast %broadcast_in_dim3A_359 : f32 to vector<16xf32>
        %broadcast_in_dim3A_361 = arith.constant 0.000000e+00 : f32
        %broadcast_in_dim3A_362 = vector.broadcast %broadcast_in_dim3A_361 : f32 to vector<16xf32>
        %broadcast_in_dim3A_363 = arith.constant 0.000000e+00 : f32
        %broadcast_in_dim3A_364 = vector.broadcast %broadcast_in_dim3A_363 : f32 to vector<16xf32>
        %broadcast_in_dim3A_365 = arith.constant 0.000000e+00 : f32
        %broadcast_in_dim3A_366 = vector.broadcast %broadcast_in_dim3A_365 : f32 to vector<16xf32>
        %scan3A_367 = arith.constant 0 : i32
        %scan3A_368 = arith.constant 32 : i32
        %scan3A_369 = arith.addi %scan3A_367, %scan3A_368 : i32
        %scan3A_370 = arith.constant 1 : i32
        %scan3A_371:8 = scf.for %scan3A_422 = %scan3A_367 to %scan3A_369 step %scan3A_370 iter_args(%scan3A_423 = %broadcast_in_dim3A_352, %scan3A_424 = %broadcast_in_dim3A_354, %scan3A_425 = %broadcast_in_dim3A_356, %scan3A_426 = %broadcast_in_dim3A_358, %scan3A_427 = %broadcast_in_dim3A_360, %scan3A_428 = %broadcast_in_dim3A_362, %scan3A_429 = %broadcast_in_dim3A_364, %scan3A_430 = %broadcast_in_dim3A_366) -> (vector<16xf32>, vector<16xf32>, vector<16xf32>, vector<16xf32>, vector<16xf32>, vector<16xf32>, vector<16xf32>, vector<16xf32>)  : i32 {
          %add3A_431 = arith.constant 96 : i32
          %add3A_432 = arith.addi %add3A_431, %scan3A_422 : i32
          %get3A = arith.constant 0 : i32
          %get3A_433 = arith.index_cast %get3A : i32 to index
          %get3A_434 = arith.index_cast %add3A_432 : i32 to index
          %get3A_435 = arith.constant 0 : index
          %get3A_436 = tpu.vector_load %arg7[%get3A_433, %get3A_434, %get3A_435] {strides = array<i32>} : memref<3x128x128xf32, #tpu.memory_space<vmem>>, vector<1x1x16xf32>,
          %get3A_437 = vector.shape_cast %get3A_436 : vector<1x1x16xf32> to vector<16xf32>
          %get3A_438 = arith.constant 0 : i32
          %get3A_439 = arith.index_cast %get3A_438 : i32 to index
          %get3A_440 = arith.index_cast %add3A_432 : i32 to index
          %get3A_441 = arith.constant 0 : index
          %get3A_442 = tpu.vector_load %arg8[%get3A_439, %get3A_440, %get3A_441] {strides = array<i32>} : memref<3x128x128xf32, #tpu.memory_space<vmem>>, vector<1x1x16xf32>,
          %get3A_443 = vector.shape_cast %get3A_442 : vector<1x1x16xf32> to vector<16xf32>
          %mul3A_444 = arith.mulf %get3A_437, %get3A_443 : vector<16xf32>
          %add3A_445 = arith.addf %scan3A_423, %mul3A_444 : vector<16xf32>
          %get3A_446 = arith.constant 0 : i32
          %get3A_447 = arith.index_cast %get3A_446 : i32 to index
          %get3A_448 = arith.index_cast %add3A_432 : i32 to index
          %get3A_449 = arith.constant 16 : index
          %get3A_450 = tpu.vector_load %arg7[%get3A_447, %get3A_448, %get3A_449] {strides = array<i32>} : memref<3x128x128xf32, #tpu.memory_space<vmem>>, vector<1x1x16xf32>,
          %get3A_451 = vector.shape_cast %get3A_450 : vector<1x1x16xf32> to vector<16xf32>
          %get3A_452 = arith.constant 0 : i32
          %get3A_453 = arith.index_cast %get3A_452 : i32 to index
          %get3A_454 = arith.index_cast %add3A_432 : i32 to index
          %get3A_455 = arith.constant 16 : index
          %get3A_456 = tpu.vector_load %arg8[%get3A_453, %get3A_454, %get3A_455] {strides = array<i32>} : memref<3x128x128xf32, #tpu.memory_space<vmem>>, vector<1x1x16xf32>,
          %get3A_457 = vector.shape_cast %get3A_456 : vector<1x1x16xf32> to vector<16xf32>
          %mul3A_458 = arith.mulf %get3A_451, %get3A_457 : vector<16xf32>
          %add3A_459 = arith.addf %scan3A_424, %mul3A_458 : vector<16xf32>
          %get3A_460 = arith.constant 0 : i32
          %get3A_461 = arith.index_cast %get3A_460 : i32 to index
          %get3A_462 = arith.index_cast %add3A_432 : i32 to index
          %get3A_463 = arith.constant 32 : index
          %get3A_464 = tpu.vector_load %arg7[%get3A_461, %get3A_462, %get3A_463] {strides = array<i32>} : memref<3x128x128xf32, #tpu.memory_space<vmem>>, vector<1x1x16xf32>,
          %get3A_465 = vector.shape_cast %get3A_464 : vector<1x1x16xf32> to vector<16xf32>
          %get3A_466 = arith.constant 0 : i32
          %get3A_467 = arith.index_cast %get3A_466 : i32 to index
          %get3A_468 = arith.index_cast %add3A_432 : i32 to index
          %get3A_469 = arith.constant 32 : index
          %get3A_470 = tpu.vector_load %arg8[%get3A_467, %get3A_468, %get3A_469] {strides = array<i32>} : memref<3x128x128xf32, #tpu.memory_space<vmem>>, vector<1x1x16xf32>,
          %get3A_471 = vector.shape_cast %get3A_470 : vector<1x1x16xf32> to vector<16xf32>
          %mul3A_472 = arith.mulf %get3A_465, %get3A_471 : vector<16xf32>
          %add3A_473 = arith.addf %scan3A_425, %mul3A_472 : vector<16xf32>
          %get3A_474 = arith.constant 0 : i32
          %get3A_475 = arith.index_cast %get3A_474 : i32 to index
          %get3A_476 = arith.index_cast %add3A_432 : i32 to index
          %get3A_477 = arith.constant 48 : index
          %get3A_478 = tpu.vector_load %arg7[%get3A_475, %get3A_476, %get3A_477] {strides = array<i32>} : memref<3x128x128xf32, #tpu.memory_space<vmem>>, vector<1x1x16xf32>,
          %get3A_479 = vector.shape_cast %get3A_478 : vector<1x1x16xf32> to vector<16xf32>
          %get3A_480 = arith.constant 0 : i32
          %get3A_481 = arith.index_cast %get3A_480 : i32 to index
          %get3A_482 = arith.index_cast %add3A_432 : i32 to index
          %get3A_483 = arith.constant 48 : index
          %get3A_484 = tpu.vector_load %arg8[%get3A_481, %get3A_482, %get3A_483] {strides = array<i32>} : memref<3x128x128xf32, #tpu.memory_space<vmem>>, vector<1x1x16xf32>,
          %get3A_485 = vector.shape_cast %get3A_484 : vector<1x1x16xf32> to vector<16xf32>
          %mul3A_486 = arith.mulf %get3A_479, %get3A_485 : vector<16xf32>
          %add3A_487 = arith.addf %scan3A_426, %mul3A_486 : vector<16xf32>
          %get3A_488 = arith.constant 0 : i32
          %get3A_489 = arith.index_cast %get3A_488 : i32 to index
          %get3A_490 = arith.index_cast %add3A_432 : i32 to index
          %get3A_491 = arith.constant 64 : index
          %get3A_492 = tpu.vector_load %arg7[%get3A_489, %get3A_490, %get3A_491] {strides = array<i32>} : memref<3x128x128xf32, #tpu.memory_space<vmem>>, vector<1x1x16xf32>,
          %get3A_493 = vector.shape_cast %get3A_492 : vector<1x1x16xf32> to vector<16xf32>
          %get3A_494 = arith.constant 0 : i32
          %get3A_495 = arith.index_cast %get3A_494 : i32 to index
          %get3A_496 = arith.index_cast %add3A_432 : i32 to index
          %get3A_497 = arith.constant 64 : index
          %get3A_498 = tpu.vector_load %arg8[%get3A_495, %get3A_496, %get3A_497] {strides = array<i32>} : memref<3x128x128xf32, #tpu.memory_space<vmem>>, vector<1x1x16xf32>,
          %get3A_499 = vector.shape_cast %get3A_498 : vector<1x1x16xf32> to vector<16xf32>
          %mul3A_500 = arith.mulf %get3A_493, %get3A_499 : vector<16xf32>
          %add3A_501 = arith.addf %scan3A_427, %mul3A_500 : vector<16xf32>
          %get3A_502 = arith.constant 0 : i32
          %get3A_503 = arith.index_cast %get3A_502 : i32 to index
          %get3A_504 = arith.index_cast %add3A_432 : i32 to index
          %get3A_505 = arith.constant 80 : index
          %get3A_506 = tpu.vector_load %arg7[%get3A_503, %get3A_504, %get3A_505] {strides = array<i32>} : memref<3x128x128xf32, #tpu.memory_space<vmem>>, vector<1x1x16xf32>,
          %get3A_507 = vector.shape_cast %get3A_506 : vector<1x1x16xf32> to vector<16xf32>
          %get3A_508 = arith.constant 0 : i32
          %get3A_509 = arith.index_cast %get3A_508 : i32 to index
          %get3A_510 = arith.index_cast %add3A_432 : i32 to index
          %get3A_511 = arith.constant 80 : index
          %get3A_512 = tpu.vector_load %arg8[%get3A_509, %get3A_510, %get3A_511] {strides = array<i32>} : memref<3x128x128xf32, #tpu.memory_space<vmem>>, vector<1x1x16xf32>,
          %get3A_513 = vector.shape_cast %get3A_512 : vector<1x1x16xf32> to vector<16xf32>
          %mul3A_514 = arith.mulf %get3A_507, %get3A_513 : vector<16xf32>
          %add3A_515 = arith.addf %scan3A_428, %mul3A_514 : vector<16xf32>
          %get3A_516 = arith.constant 0 : i32
          %get3A_517 = arith.index_cast %get3A_516 : i32 to index
          %get3A_518 = arith.index_cast %add3A_432 : i32 to index
          %get3A_519 = arith.constant 96 : index
          %get3A_520 = tpu.vector_load %arg7[%get3A_517, %get3A_518, %get3A_519] {strides = array<i32>} : memref<3x128x128xf32, #tpu.memory_space<vmem>>, vector<1x1x16xf32>,
          %get3A_521 = vector.shape_cast %get3A_520 : vector<1x1x16xf32> to vector<16xf32>
          %get3A_522 = arith.constant 0 : i32
          %get3A_523 = arith.index_cast %get3A_522 : i32 to index
          %get3A_524 = arith.index_cast %add3A_432 : i32 to index
          %get3A_525 = arith.constant 96 : index
          %get3A_526 = tpu.vector_load %arg8[%get3A_523, %get3A_524, %get3A_525] {strides = array<i32>} : memref<3x128x128xf32, #tpu.memory_space<vmem>>, vector<1x1x16xf32>,
          %get3A_527 = vector.shape_cast %get3A_526 : vector<1x1x16xf32> to vector<16xf32>
          %mul3A_528 = arith.mulf %get3A_521, %get3A_527 : vector<16xf32>
          %add3A_529 = arith.addf %scan3A_429, %mul3A_528 : vector<16xf32>
          %get3A_530 = arith.constant 0 : i32
          %get3A_531 = arith.index_cast %get3A_530 : i32 to index
          %get3A_532 = arith.index_cast %add3A_432 : i32 to index
          %get3A_533 = arith.constant 112 : index
          %get3A_534 = tpu.vector_load %arg7[%get3A_531, %get3A_532, %get3A_533] {strides = array<i32>} : memref<3x128x128xf32, #tpu.memory_space<vmem>>, vector<1x1x16xf32>,
          %get3A_535 = vector.shape_cast %get3A_534 : vector<1x1x16xf32> to vector<16xf32>
          %get3A_536 = arith.constant 0 : i32
          %get3A_537 = arith.index_cast %get3A_536 : i32 to index
          %get3A_538 = arith.index_cast %add3A_432 : i32 to index
          %get3A_539 = arith.constant 112 : index
          %get3A_540 = tpu.vector_load %arg8[%get3A_537, %get3A_538, %get3A_539] {strides = array<i32>} : memref<3x128x128xf32, #tpu.memory_space<vmem>>, vector<1x1x16xf32>,
          %get3A_541 = vector.shape_cast %get3A_540 : vector<1x1x16xf32> to vector<16xf32>
          %mul3A_542 = arith.mulf %get3A_535, %get3A_541 : vector<16xf32>
          %add3A_543 = arith.addf %scan3A_430, %mul3A_542 : vector<16xf32>
          scf.yield %add3A_445, %add3A_459, %add3A_473, %add3A_487, %add3A_501, %add3A_515, %add3A_529, %add3A_543 : vector<16xf32>, vector<16xf32>, vector<16xf32>, vector<16xf32>, vector<16xf32>, vector<16xf32>, vector<16xf32>, vector<16xf32>
        }
        %scan3A_372 = arith.constant 32 : i32
        %mul3A_373 = arith.constant 4 : i32
        %mul3A_374 = arith.muli %select_n3A_147, %mul3A_373 : i32
        %add3A_375 = arith.constant 3 : i32
        %add3A_376 = arith.addi %mul3A_374, %add3A_375 : i32
        %swap3A_377 = arith.index_cast %add3A_376 : i32 to index
        %swap3A_378 = arith.constant 0 : index
        %swap3A_379 = tpu.vector_load %arg9[%swap3A_377, %swap3A_378] {strides = array<i32>} : memref<8x128xf32, #tpu.memory_space<vmem>>, vector<1x16xf32>,
        %swap3A_380 = vector.shape_cast %swap3A_379 : vector<1x16xf32> to vector<16xf32>
        %swap3A_381 = vector.shape_cast %scan3A_371#0 : vector<16xf32> to vector<1x16xf32>
        tpu.vector_store %arg9[%swap3A_377, %swap3A_378], %swap3A_381 {strides = array<i32>} : memref<8x128xf32, #tpu.memory_space<vmem>>, vector<1x16xf32>,
        %swap3A_382 = arith.index_cast %add3A_376 : i32 to index
        %swap3A_383 = arith.constant 16 : index
        %swap3A_384 = tpu.vector_load %arg9[%swap3A_382, %swap3A_383] {strides = array<i32>} : memref<8x128xf32, #tpu.memory_space<vmem>>, vector<1x16xf32>,
        %swap3A_385 = vector.shape_cast %swap3A_384 : vector<1x16xf32> to vector<16xf32>
        %swap3A_386 = vector.shape_cast %scan3A_371#1 : vector<16xf32> to vector<1x16xf32>
        tpu.vector_store %arg9[%swap3A_382, %swap3A_383], %swap3A_386 {strides = array<i32>} : memref<8x128xf32, #tpu.memory_space<vmem>>, vector<1x16xf32>,
        %swap3A_387 = arith.index_cast %add3A_376 : i32 to index
        %swap3A_388 = arith.constant 32 : index
        %swap3A_389 = tpu.vector_load %arg9[%swap3A_387, %swap3A_388] {strides = array<i32>} : memref<8x128xf32, #tpu.memory_space<vmem>>, vector<1x16xf32>,
        %swap3A_390 = vector.shape_cast %swap3A_389 : vector<1x16xf32> to vector<16xf32>
        %swap3A_391 = vector.shape_cast %scan3A_371#2 : vector<16xf32> to vector<1x16xf32>
        tpu.vector_store %arg9[%swap3A_387, %swap3A_388], %swap3A_391 {strides = array<i32>} : memref<8x128xf32, #tpu.memory_space<vmem>>, vector<1x16xf32>,
        %swap3A_392 = arith.index_cast %add3A_376 : i32 to index
        %swap3A_393 = arith.constant 48 : index
        %swap3A_394 = tpu.vector_load %arg9[%swap3A_392, %swap3A_393] {strides = array<i32>} : memref<8x128xf32, #tpu.memory_space<vmem>>, vector<1x16xf32>,
        %swap3A_395 = vector.shape_cast %swap3A_394 : vector<1x16xf32> to vector<16xf32>
        %swap3A_396 = vector.shape_cast %scan3A_371#3 : vector<16xf32> to vector<1x16xf32>
        tpu.vector_store %arg9[%swap3A_392, %swap3A_393], %swap3A_396 {strides = array<i32>} : memref<8x128xf32, #tpu.memory_space<vmem>>, vector<1x16xf32>,
        %swap3A_397 = arith.index_cast %add3A_376 : i32 to index
        %swap3A_398 = arith.constant 64 : index
        %swap3A_399 = tpu.vector_load %arg9[%swap3A_397, %swap3A_398] {strides = array<i32>} : memref<8x128xf32, #tpu.memory_space<vmem>>, vector<1x16xf32>,
        %swap3A_400 = vector.shape_cast %swap3A_399 : vector<1x16xf32> to vector<16xf32>
        %swap3A_401 = vector.shape_cast %scan3A_371#4 : vector<16xf32> to vector<1x16xf32>
        tpu.vector_store %arg9[%swap3A_397, %swap3A_398], %swap3A_401 {strides = array<i32>} : memref<8x128xf32, #tpu.memory_space<vmem>>, vector<1x16xf32>,
        %swap3A_402 = arith.index_cast %add3A_376 : i32 to index
        %swap3A_403 = arith.constant 80 : index
        %swap3A_404 = tpu.vector_load %arg9[%swap3A_402, %swap3A_403] {strides = array<i32>} : memref<8x128xf32, #tpu.memory_space<vmem>>, vector<1x16xf32>,
        %swap3A_405 = vector.shape_cast %swap3A_404 : vector<1x16xf32> to vector<16xf32>
        %swap3A_406 = vector.shape_cast %scan3A_371#5 : vector<16xf32> to vector<1x16xf32>
        tpu.vector_store %arg9[%swap3A_402, %swap3A_403], %swap3A_406 {strides = array<i32>} : memref<8x128xf32, #tpu.memory_space<vmem>>, vector<1x16xf32>,
        %swap3A_407 = arith.index_cast %add3A_376 : i32 to index
        %swap3A_408 = arith.constant 96 : index
        %swap3A_409 = tpu.vector_load %arg9[%swap3A_407, %swap3A_408] {strides = array<i32>} : memref<8x128xf32, #tpu.memory_space<vmem>>, vector<1x16xf32>,
        %swap3A_410 = vector.shape_cast %swap3A_409 : vector<1x16xf32> to vector<16xf32>
        %swap3A_411 = vector.shape_cast %scan3A_371#6 : vector<16xf32> to vector<1x16xf32>
        tpu.vector_store %arg9[%swap3A_407, %swap3A_408], %swap3A_411 {strides = array<i32>} : memref<8x128xf32, #tpu.memory_space<vmem>>, vector<1x16xf32>,
        %swap3A_412 = arith.index_cast %add3A_376 : i32 to index
        %swap3A_413 = arith.constant 112 : index
        %swap3A_414 = tpu.vector_load %arg9[%swap3A_412, %swap3A_413] {strides = array<i32>} : memref<8x128xf32, #tpu.memory_space<vmem>>, vector<1x16xf32>,
        %swap3A_415 = vector.shape_cast %swap3A_414 : vector<1x16xf32> to vector<16xf32>
        %swap3A_416 = vector.shape_cast %scan3A_371#7 : vector<16xf32> to vector<1x16xf32>
        tpu.vector_store %arg9[%swap3A_412, %swap3A_413], %swap3A_416 {strides = array<i32>} : memref<8x128xf32, #tpu.memory_space<vmem>>, vector<1x16xf32>,
        %eq3A_417 = arith.constant 1 : i32
        %eq3A_418 = arith.cmpi eq, %select_n3A_147, %eq3A_417 : i32
        %convert_element_type3A_419 = arith.extui %eq3A_418 : i1 to i32
        %cond3A_420 = arith.constant 0 : i32
        %cond3A_421 = arith.cmpi ne, %convert_element_type3A_419, %cond3A_420 : i32
        scf.if %cond3A_421 {
          %div3A = arith.constant 2 : i32
          %div3A_422 = arith.divsi %add3A_79, %div3A : i32
          %add3A_423 = arith.addi %select_n3A, %div3A_422 : i32
          %mul3A_424 = arith.constant 8 : i32
          %mul3A_425 = arith.muli %add3A_423, %mul3A_424 : i32
          %multiple_of3A_426 = tpu.assume_multiple %mul3A_425, 8 : i32
          %dma_start3A_427 = arith.constant 0 : i32
          %dma_start3A_428 = tpu.memref_slice %arg5[%multiple_of3A_426, %dma_start3A_427] : memref<10000x128xf32, #tpu.memory_space<hbm>> -> memref<8x128xf32, #tpu.memory_space<hbm>>
          %dma_start3A_429 = arith.constant 0 : i32
          %dma_start3A_430 = tpu.memref_slice %arg5[%multiple_of3A_426, %dma_start3A_429] : memref<10000x128xf32, #tpu.memory_space<hbm>> -> memref<8x128xf32, #tpu.memory_space<hbm>>
          tpu.enqueue_dma source(%arg9 : memref<8x128xf32, #tpu.memory_space<vmem>>) target(%dma_start3A_430 : memref<8x128xf32, #tpu.memory_space<hbm>>) target_semaphore(%arg16 : memref<!tpu.dma_semaphore, #tpu.memory_space<semaphore_mem>>)
        } else {
        }
      } else {
      }
      %mul3A_84 = arith.constant 3 : i32
      %mul3A_85 = arith.muli %mul3A_84, %scan3A_75 : i32
      %add3A_86 = arith.constant 1 : i32
      %add3A_87 = arith.addi %mul3A_85, %add3A_86 : i32
      %lt3A_88 = arith.cmpi slt, %add3A_87, %mul3A_12 : i32
      %convert_element_type3A_89 = arith.extui %lt3A_88 : i1 to i32
      %cond3A_90 = arith.constant 0 : i32
      %cond3A_91 = arith.cmpi ne, %convert_element_type3A_89, %cond3A_90 : i32
      scf.if %cond3A_91 {
        %dma_wait3A_100 = arith.constant 1 : i32
        %dma_wait3A_101 = arith.constant 0 : i32
        %dma_wait3A_102 = arith.constant 0 : i32
        %dma_wait3A_103 = tpu.memref_slice %arg7[%dma_wait3A_100, %dma_wait3A_101, %dma_wait3A_102] : memref<3x128x128xf32, #tpu.memory_space<vmem>> -> memref<1x128x128xf32, #tpu.memory_space<vmem>>
        %dma_wait3A_104 = tpu.memref_squeeze %dma_wait3A_103 : memref<1x128x128xf32, #tpu.memory_space<vmem>> -> memref<128x128xf32, #tpu.memory_space<vmem>>
        %dma_wait3A_105 = arith.constant 0 : i32
        %dma_wait3A_106 = arith.constant 0 : i32
        %dma_wait3A_107 = tpu.memref_slice %arg2[%dma_wait3A_105, %dma_wait3A_106] : memref<10000x128xf32, #tpu.memory_space<hbm>> -> memref<128x128xf32, #tpu.memory_space<hbm>>
        %dma_wait3A_108 = arith.constant 0 : i32
        %dma_wait3A_109 = arith.constant 0 : i32
        %dma_wait3A_110 = tpu.memref_slice %arg7[%dma_wait3A_100, %dma_wait3A_108, %dma_wait3A_109] : memref<3x128x128xf32, #tpu.memory_space<vmem>> -> memref<1x128x128xf32, #tpu.memory_space<vmem>>
        %dma_wait3A_111 = tpu.memref_squeeze %dma_wait3A_110 : memref<1x128x128xf32, #tpu.memory_space<vmem>> -> memref<128x128xf32, #tpu.memory_space<vmem>>
        %dma_wait3A_112 = arith.constant 0 : i32
        %dma_wait3A_113 = arith.constant 0 : i32
        %dma_wait3A_114 = tpu.memref_slice %arg2[%dma_wait3A_112, %dma_wait3A_113] : memref<10000x128xf32, #tpu.memory_space<hbm>> -> memref<128x128xf32, #tpu.memory_space<hbm>>
        tpu.wait_dma2 semaphore(%arg11 : memref<!tpu.dma_semaphore, #tpu.memory_space<semaphore_mem>>) src(%dma_wait3A_114 : memref<128x128xf32, #tpu.memory_space<hbm>>) dst(%dma_wait3A_111 : memref<128x128xf32, #tpu.memory_space<vmem>>)
        %dma_wait3A_115 = arith.constant 1 : i32
        %dma_wait3A_116 = arith.constant 0 : i32
        %dma_wait3A_117 = arith.constant 0 : i32
        %dma_wait3A_118 = tpu.memref_slice %arg8[%dma_wait3A_115, %dma_wait3A_116, %dma_wait3A_117] : memref<3x128x128xf32, #tpu.memory_space<vmem>> -> memref<1x128x128xf32, #tpu.memory_space<vmem>>
        %dma_wait3A_119 = tpu.memref_squeeze %dma_wait3A_118 : memref<1x128x128xf32, #tpu.memory_space<vmem>> -> memref<128x128xf32, #tpu.memory_space<vmem>>
        %dma_wait3A_120 = arith.constant 0 : i32
        %dma_wait3A_121 = arith.constant 0 : i32
        %dma_wait3A_122 = tpu.memref_slice %arg4[%dma_wait3A_120, %dma_wait3A_121] : memref<320000x128xf32, #tpu.memory_space<hbm>> -> memref<128x128xf32, #tpu.memory_space<hbm>>
        %dma_wait3A_123 = arith.constant 0 : i32
        %dma_wait3A_124 = arith.constant 0 : i32
        %dma_wait3A_125 = tpu.memref_slice %arg8[%dma_wait3A_115, %dma_wait3A_123, %dma_wait3A_124] : memref<3x128x128xf32, #tpu.memory_space<vmem>> -> memref<1x128x128xf32, #tpu.memory_space<vmem>>
        %dma_wait3A_126 = tpu.memref_squeeze %dma_wait3A_125 : memref<1x128x128xf32, #tpu.memory_space<vmem>> -> memref<128x128xf32, #tpu.memory_space<vmem>>
        %dma_wait3A_127 = arith.constant 0 : i32
        %dma_wait3A_128 = arith.constant 0 : i32
        %dma_wait3A_129 = tpu.memref_slice %arg4[%dma_wait3A_127, %dma_wait3A_128] : memref<320000x128xf32, #tpu.memory_space<hbm>> -> memref<128x128xf32, #tpu.memory_space<hbm>>
        tpu.wait_dma2 semaphore(%arg14 : memref<!tpu.dma_semaphore, #tpu.memory_space<semaphore_mem>>) src(%dma_wait3A_129 : memref<128x128xf32, #tpu.memory_space<hbm>>) dst(%dma_wait3A_126 : memref<128x128xf32, #tpu.memory_space<vmem>>)
        %add3A_130 = arith.constant 2 : i32
        %add3A_131 = arith.addi %add3A_87, %add3A_130 : i32
        %lt3A_132 = arith.cmpi slt, %add3A_131, %mul3A_12 : i32
        %convert_element_type3A_133 = arith.extui %lt3A_132 : i1 to i32
        %cond3A_134 = arith.constant 0 : i32
        %cond3A_135 = arith.cmpi ne, %convert_element_type3A_133, %cond3A_134 : i32
        scf.if %cond3A_135 {
          %add3A_422 = arith.constant 2 : i32
          %add3A_423 = arith.addi %add3A_87, %add3A_422 : i32
          %mul3A_424 = arith.constant 128 : i32
          %mul3A_425 = arith.muli %add3A_423, %mul3A_424 : i32
          %multiple_of3A_426 = tpu.assume_multiple %mul3A_425, 128 : i32
          %dma_start3A_427 = arith.constant 0 : i32
          %dma_start3A_428 = arith.constant 0 : i32
          %dma_start3A_429 = arith.constant 0 : i32
          %dma_start3A_430 = tpu.memref_slice %arg7[%dma_start3A_427, %dma_start3A_428, %dma_start3A_429] : memref<3x128x128xf32, #tpu.memory_space<vmem>> -> memref<1x128x128xf32, #tpu.memory_space<vmem>>
          %dma_start3A_431 = tpu.memref_squeeze %dma_start3A_430 : memref<1x128x128xf32, #tpu.memory_space<vmem>> -> memref<128x128xf32, #tpu.memory_space<vmem>>
          %dma_start3A_432 = tpu.memref_slice %arg6[%multiple_of3A_426] : memref<10240xi32, #tpu.memory_space<vmem>> -> memref<128xi32, #tpu.memory_space<vmem>>
          %dma_start3A_433 = arith.constant 0 : i32
          %dma_start3A_434 = arith.constant 0 : i32
          %dma_start3A_435 = tpu.memref_slice %arg2[%dma_start3A_433, %dma_start3A_434] : memref<10000x128xf32, #tpu.memory_space<hbm>> -> memref<10000x128xf32, #tpu.memory_space<hbm>>
          tpu.enqueue_indirect_dma source(%dma_start3A_435 : memref<10000x128xf32, #tpu.memory_space<hbm>>) target(%dma_start3A_431 : memref<128x128xf32, #tpu.memory_space<vmem>>) offsets(%dma_start3A_432 : memref<128xi32, #tpu.memory_space<vmem>>) semaphore(%arg10 : memref<!tpu.dma_semaphore, #tpu.memory_space<semaphore_mem>>)
          %add3A_436 = arith.addi %multiple_of3A, %multiple_of3A_426 : i32
          %dma_start3A_437 = arith.constant 0 : i32
          %dma_start3A_438 = arith.constant 0 : i32
          %dma_start3A_439 = arith.constant 0 : i32
          %dma_start3A_440 = tpu.memref_slice %arg8[%dma_start3A_437, %dma_start3A_438, %dma_start3A_439] : memref<3x128x128xf32, #tpu.memory_space<vmem>> -> memref<1x128x128xf32, #tpu.memory_space<vmem>>
          %dma_start3A_441 = tpu.memref_squeeze %dma_start3A_440 : memref<1x128x128xf32, #tpu.memory_space<vmem>> -> memref<128x128xf32, #tpu.memory_space<vmem>>
          %dma_start3A_442 = arith.constant 0 : i32
          %dma_start3A_443 = tpu.memref_slice %arg4[%add3A_436, %dma_start3A_442] : memref<320000x128xf32, #tpu.memory_space<hbm>> -> memref<128x128xf32, #tpu.memory_space<hbm>>
          %dma_start3A_444 = arith.constant 0 : i32
          %dma_start3A_445 = arith.constant 0 : i32
          %dma_start3A_446 = tpu.memref_slice %arg8[%dma_start3A_437, %dma_start3A_444, %dma_start3A_445] : memref<3x128x128xf32, #tpu.memory_space<vmem>> -> memref<1x128x128xf32, #tpu.memory_space<vmem>>
          %dma_start3A_447 = tpu.memref_squeeze %dma_start3A_446 : memref<1x128x128xf32, #tpu.memory_space<vmem>> -> memref<128x128xf32, #tpu.memory_space<vmem>>
          %dma_start3A_448 = arith.constant 0 : i32
          %dma_start3A_449 = tpu.memref_slice %arg4[%add3A_436, %dma_start3A_448] : memref<320000x128xf32, #tpu.memory_space<hbm>> -> memref<128x128xf32, #tpu.memory_space<hbm>>
          tpu.enqueue_dma source(%dma_start3A_449 : memref<128x128xf32, #tpu.memory_space<hbm>>) target(%dma_start3A_447 : memref<128x128xf32, #tpu.memory_space<vmem>>) target_semaphore(%arg13 : memref<!tpu.dma_semaphore, #tpu.memory_space<semaphore_mem>>)
        } else {
        }
        %jit3A_136 = arith.constant 2 : i32
        %eq3A = arith.constant 0 : i32
        %eq3A_137 = arith.cmpi eq, %jit3A_136, %eq3A : i32
        %jit3A_138 = arith.constant 1 : i32
        %select_n3A_139 = arith.select %eq3A_137, %jit3A_138, %jit3A_136 : i32
        %rem3A = arith.remsi %add3A_87, %select_n3A_139 : i32
        %ne3A = arith.constant 0 : i32
        %ne3A_140 = arith.cmpi ne, %rem3A, %ne3A : i32
        %lt3A_141 = arith.constant 0 : i32
        %lt3A_142 = arith.cmpi slt, %rem3A, %lt3A_141 : i32
        %lt3A_143 = arith.constant 0 : i32
        %lt3A_144 = arith.cmpi slt, %select_n3A_139, %lt3A_143 : i32
        %ne3A_145 = arith.xori %lt3A_142, %lt3A_144 : i1
        %and3A = arith.andi %ne3A_145, %ne3A_140 : i1
        %add3A_146 = arith.addi %rem3A, %select_n3A_139 : i32
        %select_n3A_147 = arith.select %and3A, %add3A_146, %rem3A : i32
        %eq3A_148 = arith.constant 0 : i32
        %eq3A_149 = arith.cmpi eq, %select_n3A_147, %eq3A_148 : i32
        %gt3A = arith.constant 0 : i32
        %gt3A_150 = arith.cmpi sgt, %add3A_87, %gt3A : i32
        %and3A_151 = arith.andi %eq3A_149, %gt3A_150 : i1
        %convert_element_type3A_152 = arith.extui %and3A_151 : i1 to i32
        %cond3A_153 = arith.constant 0 : i32
        %cond3A_154 = arith.cmpi ne, %convert_element_type3A_152, %cond3A_153 : i32
        scf.if %cond3A_154 {
          %dma_wait3A_422 = arith.constant 0 : i32
          %dma_wait3A_423 = arith.constant 0 : i32
          %dma_wait3A_424 = tpu.memref_slice %arg5[%dma_wait3A_422, %dma_wait3A_423] : memref<10000x128xf32, #tpu.memory_space<hbm>> -> memref<8x128xf32, #tpu.memory_space<hbm>>
          %dma_wait3A_425 = arith.constant 0 : i32
          %dma_wait3A_426 = arith.constant 0 : i32
          %dma_wait3A_427 = tpu.memref_slice %arg5[%dma_wait3A_425, %dma_wait3A_426] : memref<10000x128xf32, #tpu.memory_space<hbm>> -> memref<8x128xf32, #tpu.memory_space<hbm>>
          tpu.wait_dma2 semaphore(%arg16 : memref<!tpu.dma_semaphore, #tpu.memory_space<semaphore_mem>>) src(%arg9 : memref<8x128xf32, #tpu.memory_space<vmem>>) dst(%dma_wait3A_427 : memref<8x128xf32, #tpu.memory_space<hbm>>)
        } else {
        }
        %broadcast_in_dim3A = arith.constant 0.000000e+00 : f32
        %broadcast_in_dim3A_155 = vector.broadcast %broadcast_in_dim3A : f32 to vector<16xf32>
        %broadcast_in_dim3A_156 = arith.constant 0.000000e+00 : f32
        %broadcast_in_dim3A_157 = vector.broadcast %broadcast_in_dim3A_156 : f32 to vector<16xf32>
        %broadcast_in_dim3A_158 = arith.constant 0.000000e+00 : f32
        %broadcast_in_dim3A_159 = vector.broadcast %broadcast_in_dim3A_158 : f32 to vector<16xf32>
        %broadcast_in_dim3A_160 = arith.constant 0.000000e+00 : f32
        %broadcast_in_dim3A_161 = vector.broadcast %broadcast_in_dim3A_160 : f32 to vector<16xf32>
        %broadcast_in_dim3A_162 = arith.constant 0.000000e+00 : f32
        %broadcast_in_dim3A_163 = vector.broadcast %broadcast_in_dim3A_162 : f32 to vector<16xf32>
        %broadcast_in_dim3A_164 = arith.constant 0.000000e+00 : f32
        %broadcast_in_dim3A_165 = vector.broadcast %broadcast_in_dim3A_164 : f32 to vector<16xf32>
        %broadcast_in_dim3A_166 = arith.constant 0.000000e+00 : f32
        %broadcast_in_dim3A_167 = vector.broadcast %broadcast_in_dim3A_166 : f32 to vector<16xf32>
        %broadcast_in_dim3A_168 = arith.constant 0.000000e+00 : f32
        %broadcast_in_dim3A_169 = vector.broadcast %broadcast_in_dim3A_168 : f32 to vector<16xf32>
        %scan3A_170 = arith.constant 0 : i32
        %scan3A_171 = arith.constant 32 : i32
        %scan3A_172 = arith.addi %scan3A_170, %scan3A_171 : i32
        %scan3A_173 = arith.constant 1 : i32
        %scan3A_174:8 = scf.for %scan3A_422 = %scan3A_170 to %scan3A_172 step %scan3A_173 iter_args(%scan3A_423 = %broadcast_in_dim3A_155, %scan3A_424 = %broadcast_in_dim3A_157, %scan3A_425 = %broadcast_in_dim3A_159, %scan3A_426 = %broadcast_in_dim3A_161, %scan3A_427 = %broadcast_in_dim3A_163, %scan3A_428 = %broadcast_in_dim3A_165, %scan3A_429 = %broadcast_in_dim3A_167, %scan3A_430 = %broadcast_in_dim3A_169) -> (vector<16xf32>, vector<16xf32>, vector<16xf32>, vector<16xf32>, vector<16xf32>, vector<16xf32>, vector<16xf32>, vector<16xf32>)  : i32 {
          %add3A_431 = arith.constant 0 : i32
          %add3A_432 = arith.addi %add3A_431, %scan3A_422 : i32
          %get3A = arith.constant 1 : i32
          %get3A_433 = arith.index_cast %get3A : i32 to index
          %get3A_434 = arith.index_cast %add3A_432 : i32 to index
          %get3A_435 = arith.constant 0 : index
          %get3A_436 = tpu.vector_load %arg7[%get3A_433, %get3A_434, %get3A_435] {strides = array<i32>} : memref<3x128x128xf32, #tpu.memory_space<vmem>>, vector<1x1x16xf32>,
          %get3A_437 = vector.shape_cast %get3A_436 : vector<1x1x16xf32> to vector<16xf32>
          %get3A_438 = arith.constant 1 : i32
          %get3A_439 = arith.index_cast %get3A_438 : i32 to index
          %get3A_440 = arith.index_cast %add3A_432 : i32 to index
          %get3A_441 = arith.constant 0 : index
          %get3A_442 = tpu.vector_load %arg8[%get3A_439, %get3A_440, %get3A_441] {strides = array<i32>} : memref<3x128x128xf32, #tpu.memory_space<vmem>>, vector<1x1x16xf32>,
          %get3A_443 = vector.shape_cast %get3A_442 : vector<1x1x16xf32> to vector<16xf32>
          %mul3A_444 = arith.mulf %get3A_437, %get3A_443 : vector<16xf32>
          %add3A_445 = arith.addf %scan3A_423, %mul3A_444 : vector<16xf32>
          %get3A_446 = arith.constant 1 : i32
          %get3A_447 = arith.index_cast %get3A_446 : i32 to index
          %get3A_448 = arith.index_cast %add3A_432 : i32 to index
          %get3A_449 = arith.constant 16 : index
          %get3A_450 = tpu.vector_load %arg7[%get3A_447, %get3A_448, %get3A_449] {strides = array<i32>} : memref<3x128x128xf32, #tpu.memory_space<vmem>>, vector<1x1x16xf32>,
          %get3A_451 = vector.shape_cast %get3A_450 : vector<1x1x16xf32> to vector<16xf32>
          %get3A_452 = arith.constant 1 : i32
          %get3A_453 = arith.index_cast %get3A_452 : i32 to index
          %get3A_454 = arith.index_cast %add3A_432 : i32 to index
          %get3A_455 = arith.constant 16 : index
          %get3A_456 = tpu.vector_load %arg8[%get3A_453, %get3A_454, %get3A_455] {strides = array<i32>} : memref<3x128x128xf32, #tpu.memory_space<vmem>>, vector<1x1x16xf32>,
          %get3A_457 = vector.shape_cast %get3A_456 : vector<1x1x16xf32> to vector<16xf32>
          %mul3A_458 = arith.mulf %get3A_451, %get3A_457 : vector<16xf32>
          %add3A_459 = arith.addf %scan3A_424, %mul3A_458 : vector<16xf32>
          %get3A_460 = arith.constant 1 : i32
          %get3A_461 = arith.index_cast %get3A_460 : i32 to index
          %get3A_462 = arith.index_cast %add3A_432 : i32 to index
          %get3A_463 = arith.constant 32 : index
          %get3A_464 = tpu.vector_load %arg7[%get3A_461, %get3A_462, %get3A_463] {strides = array<i32>} : memref<3x128x128xf32, #tpu.memory_space<vmem>>, vector<1x1x16xf32>,
          %get3A_465 = vector.shape_cast %get3A_464 : vector<1x1x16xf32> to vector<16xf32>
          %get3A_466 = arith.constant 1 : i32
          %get3A_467 = arith.index_cast %get3A_466 : i32 to index
          %get3A_468 = arith.index_cast %add3A_432 : i32 to index
          %get3A_469 = arith.constant 32 : index
          %get3A_470 = tpu.vector_load %arg8[%get3A_467, %get3A_468, %get3A_469] {strides = array<i32>} : memref<3x128x128xf32, #tpu.memory_space<vmem>>, vector<1x1x16xf32>,
          %get3A_471 = vector.shape_cast %get3A_470 : vector<1x1x16xf32> to vector<16xf32>
          %mul3A_472 = arith.mulf %get3A_465, %get3A_471 : vector<16xf32>
          %add3A_473 = arith.addf %scan3A_425, %mul3A_472 : vector<16xf32>
          %get3A_474 = arith.constant 1 : i32
          %get3A_475 = arith.index_cast %get3A_474 : i32 to index
          %get3A_476 = arith.index_cast %add3A_432 : i32 to index
          %get3A_477 = arith.constant 48 : index
          %get3A_478 = tpu.vector_load %arg7[%get3A_475, %get3A_476, %get3A_477] {strides = array<i32>} : memref<3x128x128xf32, #tpu.memory_space<vmem>>, vector<1x1x16xf32>,
          %get3A_479 = vector.shape_cast %get3A_478 : vector<1x1x16xf32> to vector<16xf32>
          %get3A_480 = arith.constant 1 : i32
          %get3A_481 = arith.index_cast %get3A_480 : i32 to index
          %get3A_482 = arith.index_cast %add3A_432 : i32 to index
          %get3A_483 = arith.constant 48 : index
          %get3A_484 = tpu.vector_load %arg8[%get3A_481, %get3A_482, %get3A_483] {strides = array<i32>} : memref<3x128x128xf32, #tpu.memory_space<vmem>>, vector<1x1x16xf32>,
          %get3A_485 = vector.shape_cast %get3A_484 : vector<1x1x16xf32> to vector<16xf32>
          %mul3A_486 = arith.mulf %get3A_479, %get3A_485 : vector<16xf32>
          %add3A_487 = arith.addf %scan3A_426, %mul3A_486 : vector<16xf32>
          %get3A_488 = arith.constant 1 : i32
          %get3A_489 = arith.index_cast %get3A_488 : i32 to index
          %get3A_490 = arith.index_cast %add3A_432 : i32 to index
          %get3A_491 = arith.constant 64 : index
          %get3A_492 = tpu.vector_load %arg7[%get3A_489, %get3A_490, %get3A_491] {strides = array<i32>} : memref<3x128x128xf32, #tpu.memory_space<vmem>>, vector<1x1x16xf32>,
          %get3A_493 = vector.shape_cast %get3A_492 : vector<1x1x16xf32> to vector<16xf32>
          %get3A_494 = arith.constant 1 : i32
          %get3A_495 = arith.index_cast %get3A_494 : i32 to index
          %get3A_496 = arith.index_cast %add3A_432 : i32 to index
          %get3A_497 = arith.constant 64 : index
          %get3A_498 = tpu.vector_load %arg8[%get3A_495, %get3A_496, %get3A_497] {strides = array<i32>} : memref<3x128x128xf32, #tpu.memory_space<vmem>>, vector<1x1x16xf32>,
          %get3A_499 = vector.shape_cast %get3A_498 : vector<1x1x16xf32> to vector<16xf32>
          %mul3A_500 = arith.mulf %get3A_493, %get3A_499 : vector<16xf32>
          %add3A_501 = arith.addf %scan3A_427, %mul3A_500 : vector<16xf32>
          %get3A_502 = arith.constant 1 : i32
          %get3A_503 = arith.index_cast %get3A_502 : i32 to index
          %get3A_504 = arith.index_cast %add3A_432 : i32 to index
          %get3A_505 = arith.constant 80 : index
          %get3A_506 = tpu.vector_load %arg7[%get3A_503, %get3A_504, %get3A_505] {strides = array<i32>} : memref<3x128x128xf32, #tpu.memory_space<vmem>>, vector<1x1x16xf32>,
          %get3A_507 = vector.shape_cast %get3A_506 : vector<1x1x16xf32> to vector<16xf32>
          %get3A_508 = arith.constant 1 : i32
          %get3A_509 = arith.index_cast %get3A_508 : i32 to index
          %get3A_510 = arith.index_cast %add3A_432 : i32 to index
          %get3A_511 = arith.constant 80 : index
          %get3A_512 = tpu.vector_load %arg8[%get3A_509, %get3A_510, %get3A_511] {strides = array<i32>} : memref<3x128x128xf32, #tpu.memory_space<vmem>>, vector<1x1x16xf32>,
          %get3A_513 = vector.shape_cast %get3A_512 : vector<1x1x16xf32> to vector<16xf32>
          %mul3A_514 = arith.mulf %get3A_507, %get3A_513 : vector<16xf32>
          %add3A_515 = arith.addf %scan3A_428, %mul3A_514 : vector<16xf32>
          %get3A_516 = arith.constant 1 : i32
          %get3A_517 = arith.index_cast %get3A_516 : i32 to index
          %get3A_518 = arith.index_cast %add3A_432 : i32 to index
          %get3A_519 = arith.constant 96 : index
          %get3A_520 = tpu.vector_load %arg7[%get3A_517, %get3A_518, %get3A_519] {strides = array<i32>} : memref<3x128x128xf32, #tpu.memory_space<vmem>>, vector<1x1x16xf32>,
          %get3A_521 = vector.shape_cast %get3A_520 : vector<1x1x16xf32> to vector<16xf32>
          %get3A_522 = arith.constant 1 : i32
          %get3A_523 = arith.index_cast %get3A_522 : i32 to index
          %get3A_524 = arith.index_cast %add3A_432 : i32 to index
          %get3A_525 = arith.constant 96 : index
          %get3A_526 = tpu.vector_load %arg8[%get3A_523, %get3A_524, %get3A_525] {strides = array<i32>} : memref<3x128x128xf32, #tpu.memory_space<vmem>>, vector<1x1x16xf32>,
          %get3A_527 = vector.shape_cast %get3A_526 : vector<1x1x16xf32> to vector<16xf32>
          %mul3A_528 = arith.mulf %get3A_521, %get3A_527 : vector<16xf32>
          %add3A_529 = arith.addf %scan3A_429, %mul3A_528 : vector<16xf32>
          %get3A_530 = arith.constant 1 : i32
          %get3A_531 = arith.index_cast %get3A_530 : i32 to index
          %get3A_532 = arith.index_cast %add3A_432 : i32 to index
          %get3A_533 = arith.constant 112 : index
          %get3A_534 = tpu.vector_load %arg7[%get3A_531, %get3A_532, %get3A_533] {strides = array<i32>} : memref<3x128x128xf32, #tpu.memory_space<vmem>>, vector<1x1x16xf32>,
          %get3A_535 = vector.shape_cast %get3A_534 : vector<1x1x16xf32> to vector<16xf32>
          %get3A_536 = arith.constant 1 : i32
          %get3A_537 = arith.index_cast %get3A_536 : i32 to index
          %get3A_538 = arith.index_cast %add3A_432 : i32 to index
          %get3A_539 = arith.constant 112 : index
          %get3A_540 = tpu.vector_load %arg8[%get3A_537, %get3A_538, %get3A_539] {strides = array<i32>} : memref<3x128x128xf32, #tpu.memory_space<vmem>>, vector<1x1x16xf32>,
          %get3A_541 = vector.shape_cast %get3A_540 : vector<1x1x16xf32> to vector<16xf32>
          %mul3A_542 = arith.mulf %get3A_535, %get3A_541 : vector<16xf32>
          %add3A_543 = arith.addf %scan3A_430, %mul3A_542 : vector<16xf32>
          scf.yield %add3A_445, %add3A_459, %add3A_473, %add3A_487, %add3A_501, %add3A_515, %add3A_529, %add3A_543 : vector<16xf32>, vector<16xf32>, vector<16xf32>, vector<16xf32>, vector<16xf32>, vector<16xf32>, vector<16xf32>, vector<16xf32>
        }
        %scan3A_175 = arith.constant 32 : i32
        %mul3A_176 = arith.constant 4 : i32
        %mul3A_177 = arith.muli %select_n3A_147, %mul3A_176 : i32
        %add3A_178 = arith.constant 0 : i32
        %add3A_179 = arith.addi %mul3A_177, %add3A_178 : i32
        %swap3A = arith.index_cast %add3A_179 : i32 to index
        %swap3A_180 = arith.constant 0 : index
        %swap3A_181 = tpu.vector_load %arg9[%swap3A, %swap3A_180] {strides = array<i32>} : memref<8x128xf32, #tpu.memory_space<vmem>>, vector<1x16xf32>,
        %swap3A_182 = vector.shape_cast %swap3A_181 : vector<1x16xf32> to vector<16xf32>
        %swap3A_183 = vector.shape_cast %scan3A_174#0 : vector<16xf32> to vector<1x16xf32>
        tpu.vector_store %arg9[%swap3A, %swap3A_180], %swap3A_183 {strides = array<i32>} : memref<8x128xf32, #tpu.memory_space<vmem>>, vector<1x16xf32>,
        %swap3A_184 = arith.index_cast %add3A_179 : i32 to index
        %swap3A_185 = arith.constant 16 : index
        %swap3A_186 = tpu.vector_load %arg9[%swap3A_184, %swap3A_185] {strides = array<i32>} : memref<8x128xf32, #tpu.memory_space<vmem>>, vector<1x16xf32>,
        %swap3A_187 = vector.shape_cast %swap3A_186 : vector<1x16xf32> to vector<16xf32>
        %swap3A_188 = vector.shape_cast %scan3A_174#1 : vector<16xf32> to vector<1x16xf32>
        tpu.vector_store %arg9[%swap3A_184, %swap3A_185], %swap3A_188 {strides = array<i32>} : memref<8x128xf32, #tpu.memory_space<vmem>>, vector<1x16xf32>,
        %swap3A_189 = arith.index_cast %add3A_179 : i32 to index
        %swap3A_190 = arith.constant 32 : index
        %swap3A_191 = tpu.vector_load %arg9[%swap3A_189, %swap3A_190] {strides = array<i32>} : memref<8x128xf32, #tpu.memory_space<vmem>>, vector<1x16xf32>,
        %swap3A_192 = vector.shape_cast %swap3A_191 : vector<1x16xf32> to vector<16xf32>
        %swap3A_193 = vector.shape_cast %scan3A_174#2 : vector<16xf32> to vector<1x16xf32>
        tpu.vector_store %arg9[%swap3A_189, %swap3A_190], %swap3A_193 {strides = array<i32>} : memref<8x128xf32, #tpu.memory_space<vmem>>, vector<1x16xf32>,
        %swap3A_194 = arith.index_cast %add3A_179 : i32 to index
        %swap3A_195 = arith.constant 48 : index
        %swap3A_196 = tpu.vector_load %arg9[%swap3A_194, %swap3A_195] {strides = array<i32>} : memref<8x128xf32, #tpu.memory_space<vmem>>, vector<1x16xf32>,
        %swap3A_197 = vector.shape_cast %swap3A_196 : vector<1x16xf32> to vector<16xf32>
        %swap3A_198 = vector.shape_cast %scan3A_174#3 : vector<16xf32> to vector<1x16xf32>
        tpu.vector_store %arg9[%swap3A_194, %swap3A_195], %swap3A_198 {strides = array<i32>} : memref<8x128xf32, #tpu.memory_space<vmem>>, vector<1x16xf32>,
        %swap3A_199 = arith.index_cast %add3A_179 : i32 to index
        %swap3A_200 = arith.constant 64 : index
        %swap3A_201 = tpu.vector_load %arg9[%swap3A_199, %swap3A_200] {strides = array<i32>} : memref<8x128xf32, #tpu.memory_space<vmem>>, vector<1x16xf32>,
        %swap3A_202 = vector.shape_cast %swap3A_201 : vector<1x16xf32> to vector<16xf32>
        %swap3A_203 = vector.shape_cast %scan3A_174#4 : vector<16xf32> to vector<1x16xf32>
        tpu.vector_store %arg9[%swap3A_199, %swap3A_200], %swap3A_203 {strides = array<i32>} : memref<8x128xf32, #tpu.memory_space<vmem>>, vector<1x16xf32>,
        %swap3A_204 = arith.index_cast %add3A_179 : i32 to index
        %swap3A_205 = arith.constant 80 : index
        %swap3A_206 = tpu.vector_load %arg9[%swap3A_204, %swap3A_205] {strides = array<i32>} : memref<8x128xf32, #tpu.memory_space<vmem>>, vector<1x16xf32>,
        %swap3A_207 = vector.shape_cast %swap3A_206 : vector<1x16xf32> to vector<16xf32>
        %swap3A_208 = vector.shape_cast %scan3A_174#5 : vector<16xf32> to vector<1x16xf32>
        tpu.vector_store %arg9[%swap3A_204, %swap3A_205], %swap3A_208 {strides = array<i32>} : memref<8x128xf32, #tpu.memory_space<vmem>>, vector<1x16xf32>,
        %swap3A_209 = arith.index_cast %add3A_179 : i32 to index
        %swap3A_210 = arith.constant 96 : index
        %swap3A_211 = tpu.vector_load %arg9[%swap3A_209, %swap3A_210] {strides = array<i32>} : memref<8x128xf32, #tpu.memory_space<vmem>>, vector<1x16xf32>,
        %swap3A_212 = vector.shape_cast %swap3A_211 : vector<1x16xf32> to vector<16xf32>
        %swap3A_213 = vector.shape_cast %scan3A_174#6 : vector<16xf32> to vector<1x16xf32>
        tpu.vector_store %arg9[%swap3A_209, %swap3A_210], %swap3A_213 {strides = array<i32>} : memref<8x128xf32, #tpu.memory_space<vmem>>, vector<1x16xf32>,
        %swap3A_214 = arith.index_cast %add3A_179 : i32 to index
        %swap3A_215 = arith.constant 112 : index
        %swap3A_216 = tpu.vector_load %arg9[%swap3A_214, %swap3A_215] {strides = array<i32>} : memref<8x128xf32, #tpu.memory_space<vmem>>, vector<1x16xf32>,
        %swap3A_217 = vector.shape_cast %swap3A_216 : vector<1x16xf32> to vector<16xf32>
        %swap3A_218 = vector.shape_cast %scan3A_174#7 : vector<16xf32> to vector<1x16xf32>
        tpu.vector_store %arg9[%swap3A_214, %swap3A_215], %swap3A_218 {strides = array<i32>} : memref<8x128xf32, #tpu.memory_space<vmem>>, vector<1x16xf32>,
        %broadcast_in_dim3A_219 = arith.constant 0.000000e+00 : f32
        %broadcast_in_dim3A_220 = vector.broadcast %broadcast_in_dim3A_219 : f32 to vector<16xf32>
        %broadcast_in_dim3A_221 = arith.constant 0.000000e+00 : f32
        %broadcast_in_dim3A_222 = vector.broadcast %broadcast_in_dim3A_221 : f32 to vector<16xf32>
        %broadcast_in_dim3A_223 = arith.constant 0.000000e+00 : f32
        %broadcast_in_dim3A_224 = vector.broadcast %broadcast_in_dim3A_223 : f32 to vector<16xf32>
        %broadcast_in_dim3A_225 = arith.constant 0.000000e+00 : f32
        %broadcast_in_dim3A_226 = vector.broadcast %broadcast_in_dim3A_225 : f32 to vector<16xf32>
        %broadcast_in_dim3A_227 = arith.constant 0.000000e+00 : f32
        %broadcast_in_dim3A_228 = vector.broadcast %broadcast_in_dim3A_227 : f32 to vector<16xf32>
        %broadcast_in_dim3A_229 = arith.constant 0.000000e+00 : f32
        %broadcast_in_dim3A_230 = vector.broadcast %broadcast_in_dim3A_229 : f32 to vector<16xf32>
        %broadcast_in_dim3A_231 = arith.constant 0.000000e+00 : f32
        %broadcast_in_dim3A_232 = vector.broadcast %broadcast_in_dim3A_231 : f32 to vector<16xf32>
        %broadcast_in_dim3A_233 = arith.constant 0.000000e+00 : f32
        %broadcast_in_dim3A_234 = vector.broadcast %broadcast_in_dim3A_233 : f32 to vector<16xf32>
        %scan3A_235 = arith.constant 0 : i32
        %scan3A_236 = arith.constant 32 : i32
        %scan3A_237 = arith.addi %scan3A_235, %scan3A_236 : i32
        %scan3A_238 = arith.constant 1 : i32
        %scan3A_239:8 = scf.for %scan3A_422 = %scan3A_235 to %scan3A_237 step %scan3A_238 iter_args(%scan3A_423 = %broadcast_in_dim3A_220, %scan3A_424 = %broadcast_in_dim3A_222, %scan3A_425 = %broadcast_in_dim3A_224, %scan3A_426 = %broadcast_in_dim3A_226, %scan3A_427 = %broadcast_in_dim3A_228, %scan3A_428 = %broadcast_in_dim3A_230, %scan3A_429 = %broadcast_in_dim3A_232, %scan3A_430 = %broadcast_in_dim3A_234) -> (vector<16xf32>, vector<16xf32>, vector<16xf32>, vector<16xf32>, vector<16xf32>, vector<16xf32>, vector<16xf32>, vector<16xf32>)  : i32 {
          %add3A_431 = arith.constant 32 : i32
          %add3A_432 = arith.addi %add3A_431, %scan3A_422 : i32
          %get3A = arith.constant 1 : i32
          %get3A_433 = arith.index_cast %get3A : i32 to index
          %get3A_434 = arith.index_cast %add3A_432 : i32 to index
          %get3A_435 = arith.constant 0 : index
          %get3A_436 = tpu.vector_load %arg7[%get3A_433, %get3A_434, %get3A_435] {strides = array<i32>} : memref<3x128x128xf32, #tpu.memory_space<vmem>>, vector<1x1x16xf32>,
          %get3A_437 = vector.shape_cast %get3A_436 : vector<1x1x16xf32> to vector<16xf32>
          %get3A_438 = arith.constant 1 : i32
          %get3A_439 = arith.index_cast %get3A_438 : i32 to index
          %get3A_440 = arith.index_cast %add3A_432 : i32 to index
          %get3A_441 = arith.constant 0 : index
          %get3A_442 = tpu.vector_load %arg8[%get3A_439, %get3A_440, %get3A_441] {strides = array<i32>} : memref<3x128x128xf32, #tpu.memory_space<vmem>>, vector<1x1x16xf32>,
          %get3A_443 = vector.shape_cast %get3A_442 : vector<1x1x16xf32> to vector<16xf32>
          %mul3A_444 = arith.mulf %get3A_437, %get3A_443 : vector<16xf32>
          %add3A_445 = arith.addf %scan3A_423, %mul3A_444 : vector<16xf32>
          %get3A_446 = arith.constant 1 : i32
          %get3A_447 = arith.index_cast %get3A_446 : i32 to index
          %get3A_448 = arith.index_cast %add3A_432 : i32 to index
          %get3A_449 = arith.constant 16 : index
          %get3A_450 = tpu.vector_load %arg7[%get3A_447, %get3A_448, %get3A_449] {strides = array<i32>} : memref<3x128x128xf32, #tpu.memory_space<vmem>>, vector<1x1x16xf32>,
          %get3A_451 = vector.shape_cast %get3A_450 : vector<1x1x16xf32> to vector<16xf32>
          %get3A_452 = arith.constant 1 : i32
          %get3A_453 = arith.index_cast %get3A_452 : i32 to index
          %get3A_454 = arith.index_cast %add3A_432 : i32 to index
          %get3A_455 = arith.constant 16 : index
          %get3A_456 = tpu.vector_load %arg8[%get3A_453, %get3A_454, %get3A_455] {strides = array<i32>} : memref<3x128x128xf32, #tpu.memory_space<vmem>>, vector<1x1x16xf32>,
          %get3A_457 = vector.shape_cast %get3A_456 : vector<1x1x16xf32> to vector<16xf32>
          %mul3A_458 = arith.mulf %get3A_451, %get3A_457 : vector<16xf32>
          %add3A_459 = arith.addf %scan3A_424, %mul3A_458 : vector<16xf32>
          %get3A_460 = arith.constant 1 : i32
          %get3A_461 = arith.index_cast %get3A_460 : i32 to index
          %get3A_462 = arith.index_cast %add3A_432 : i32 to index
          %get3A_463 = arith.constant 32 : index
          %get3A_464 = tpu.vector_load %arg7[%get3A_461, %get3A_462, %get3A_463] {strides = array<i32>} : memref<3x128x128xf32, #tpu.memory_space<vmem>>, vector<1x1x16xf32>,
          %get3A_465 = vector.shape_cast %get3A_464 : vector<1x1x16xf32> to vector<16xf32>
          %get3A_466 = arith.constant 1 : i32
          %get3A_467 = arith.index_cast %get3A_466 : i32 to index
          %get3A_468 = arith.index_cast %add3A_432 : i32 to index
          %get3A_469 = arith.constant 32 : index
          %get3A_470 = tpu.vector_load %arg8[%get3A_467, %get3A_468, %get3A_469] {strides = array<i32>} : memref<3x128x128xf32, #tpu.memory_space<vmem>>, vector<1x1x16xf32>,
          %get3A_471 = vector.shape_cast %get3A_470 : vector<1x1x16xf32> to vector<16xf32>
          %mul3A_472 = arith.mulf %get3A_465, %get3A_471 : vector<16xf32>
          %add3A_473 = arith.addf %scan3A_425, %mul3A_472 : vector<16xf32>
          %get3A_474 = arith.constant 1 : i32
          %get3A_475 = arith.index_cast %get3A_474 : i32 to index
          %get3A_476 = arith.index_cast %add3A_432 : i32 to index
          %get3A_477 = arith.constant 48 : index
          %get3A_478 = tpu.vector_load %arg7[%get3A_475, %get3A_476, %get3A_477] {strides = array<i32>} : memref<3x128x128xf32, #tpu.memory_space<vmem>>, vector<1x1x16xf32>,
          %get3A_479 = vector.shape_cast %get3A_478 : vector<1x1x16xf32> to vector<16xf32>
          %get3A_480 = arith.constant 1 : i32
          %get3A_481 = arith.index_cast %get3A_480 : i32 to index
          %get3A_482 = arith.index_cast %add3A_432 : i32 to index
          %get3A_483 = arith.constant 48 : index
          %get3A_484 = tpu.vector_load %arg8[%get3A_481, %get3A_482, %get3A_483] {strides = array<i32>} : memref<3x128x128xf32, #tpu.memory_space<vmem>>, vector<1x1x16xf32>,
          %get3A_485 = vector.shape_cast %get3A_484 : vector<1x1x16xf32> to vector<16xf32>
          %mul3A_486 = arith.mulf %get3A_479, %get3A_485 : vector<16xf32>
          %add3A_487 = arith.addf %scan3A_426, %mul3A_486 : vector<16xf32>
          %get3A_488 = arith.constant 1 : i32
          %get3A_489 = arith.index_cast %get3A_488 : i32 to index
          %get3A_490 = arith.index_cast %add3A_432 : i32 to index
          %get3A_491 = arith.constant 64 : index
          %get3A_492 = tpu.vector_load %arg7[%get3A_489, %get3A_490, %get3A_491] {strides = array<i32>} : memref<3x128x128xf32, #tpu.memory_space<vmem>>, vector<1x1x16xf32>,
          %get3A_493 = vector.shape_cast %get3A_492 : vector<1x1x16xf32> to vector<16xf32>
          %get3A_494 = arith.constant 1 : i32
          %get3A_495 = arith.index_cast %get3A_494 : i32 to index
          %get3A_496 = arith.index_cast %add3A_432 : i32 to index
          %get3A_497 = arith.constant 64 : index
          %get3A_498 = tpu.vector_load %arg8[%get3A_495, %get3A_496, %get3A_497] {strides = array<i32>} : memref<3x128x128xf32, #tpu.memory_space<vmem>>, vector<1x1x16xf32>,
          %get3A_499 = vector.shape_cast %get3A_498 : vector<1x1x16xf32> to vector<16xf32>
          %mul3A_500 = arith.mulf %get3A_493, %get3A_499 : vector<16xf32>
          %add3A_501 = arith.addf %scan3A_427, %mul3A_500 : vector<16xf32>
          %get3A_502 = arith.constant 1 : i32
          %get3A_503 = arith.index_cast %get3A_502 : i32 to index
          %get3A_504 = arith.index_cast %add3A_432 : i32 to index
          %get3A_505 = arith.constant 80 : index
          %get3A_506 = tpu.vector_load %arg7[%get3A_503, %get3A_504, %get3A_505] {strides = array<i32>} : memref<3x128x128xf32, #tpu.memory_space<vmem>>, vector<1x1x16xf32>,
          %get3A_507 = vector.shape_cast %get3A_506 : vector<1x1x16xf32> to vector<16xf32>
          %get3A_508 = arith.constant 1 : i32
          %get3A_509 = arith.index_cast %get3A_508 : i32 to index
          %get3A_510 = arith.index_cast %add3A_432 : i32 to index
          %get3A_511 = arith.constant 80 : index
          %get3A_512 = tpu.vector_load %arg8[%get3A_509, %get3A_510, %get3A_511] {strides = array<i32>} : memref<3x128x128xf32, #tpu.memory_space<vmem>>, vector<1x1x16xf32>,
          %get3A_513 = vector.shape_cast %get3A_512 : vector<1x1x16xf32> to vector<16xf32>
          %mul3A_514 = arith.mulf %get3A_507, %get3A_513 : vector<16xf32>
          %add3A_515 = arith.addf %scan3A_428, %mul3A_514 : vector<16xf32>
          %get3A_516 = arith.constant 1 : i32
          %get3A_517 = arith.index_cast %get3A_516 : i32 to index
          %get3A_518 = arith.index_cast %add3A_432 : i32 to index
          %get3A_519 = arith.constant 96 : index
          %get3A_520 = tpu.vector_load %arg7[%get3A_517, %get3A_518, %get3A_519] {strides = array<i32>} : memref<3x128x128xf32, #tpu.memory_space<vmem>>, vector<1x1x16xf32>,
          %get3A_521 = vector.shape_cast %get3A_520 : vector<1x1x16xf32> to vector<16xf32>
          %get3A_522 = arith.constant 1 : i32
          %get3A_523 = arith.index_cast %get3A_522 : i32 to index
          %get3A_524 = arith.index_cast %add3A_432 : i32 to index
          %get3A_525 = arith.constant 96 : index
          %get3A_526 = tpu.vector_load %arg8[%get3A_523, %get3A_524, %get3A_525] {strides = array<i32>} : memref<3x128x128xf32, #tpu.memory_space<vmem>>, vector<1x1x16xf32>,
          %get3A_527 = vector.shape_cast %get3A_526 : vector<1x1x16xf32> to vector<16xf32>
          %mul3A_528 = arith.mulf %get3A_521, %get3A_527 : vector<16xf32>
          %add3A_529 = arith.addf %scan3A_429, %mul3A_528 : vector<16xf32>
          %get3A_530 = arith.constant 1 : i32
          %get3A_531 = arith.index_cast %get3A_530 : i32 to index
          %get3A_532 = arith.index_cast %add3A_432 : i32 to index
          %get3A_533 = arith.constant 112 : index
          %get3A_534 = tpu.vector_load %arg7[%get3A_531, %get3A_532, %get3A_533] {strides = array<i32>} : memref<3x128x128xf32, #tpu.memory_space<vmem>>, vector<1x1x16xf32>,
          %get3A_535 = vector.shape_cast %get3A_534 : vector<1x1x16xf32> to vector<16xf32>
          %get3A_536 = arith.constant 1 : i32
          %get3A_537 = arith.index_cast %get3A_536 : i32 to index
          %get3A_538 = arith.index_cast %add3A_432 : i32 to index
          %get3A_539 = arith.constant 112 : index
          %get3A_540 = tpu.vector_load %arg8[%get3A_537, %get3A_538, %get3A_539] {strides = array<i32>} : memref<3x128x128xf32, #tpu.memory_space<vmem>>, vector<1x1x16xf32>,
          %get3A_541 = vector.shape_cast %get3A_540 : vector<1x1x16xf32> to vector<16xf32>
          %mul3A_542 = arith.mulf %get3A_535, %get3A_541 : vector<16xf32>
          %add3A_543 = arith.addf %scan3A_430, %mul3A_542 : vector<16xf32>
          scf.yield %add3A_445, %add3A_459, %add3A_473, %add3A_487, %add3A_501, %add3A_515, %add3A_529, %add3A_543 : vector<16xf32>, vector<16xf32>, vector<16xf32>, vector<16xf32>, vector<16xf32>, vector<16xf32>, vector<16xf32>, vector<16xf32>
        }
        %scan3A_240 = arith.constant 32 : i32
        %mul3A_241 = arith.constant 4 : i32
        %mul3A_242 = arith.muli %select_n3A_147, %mul3A_241 : i32
        %add3A_243 = arith.constant 1 : i32
        %add3A_244 = arith.addi %mul3A_242, %add3A_243 : i32
        %swap3A_245 = arith.index_cast %add3A_244 : i32 to index
        %swap3A_246 = arith.constant 0 : index
        %swap3A_247 = tpu.vector_load %arg9[%swap3A_245, %swap3A_246] {strides = array<i32>} : memref<8x128xf32, #tpu.memory_space<vmem>>, vector<1x16xf32>,
        %swap3A_248 = vector.shape_cast %swap3A_247 : vector<1x16xf32> to vector<16xf32>
        %swap3A_249 = vector.shape_cast %scan3A_239#0 : vector<16xf32> to vector<1x16xf32>
        tpu.vector_store %arg9[%swap3A_245, %swap3A_246], %swap3A_249 {strides = array<i32>} : memref<8x128xf32, #tpu.memory_space<vmem>>, vector<1x16xf32>,
        %swap3A_250 = arith.index_cast %add3A_244 : i32 to index
        %swap3A_251 = arith.constant 16 : index
        %swap3A_252 = tpu.vector_load %arg9[%swap3A_250, %swap3A_251] {strides = array<i32>} : memref<8x128xf32, #tpu.memory_space<vmem>>, vector<1x16xf32>,
        %swap3A_253 = vector.shape_cast %swap3A_252 : vector<1x16xf32> to vector<16xf32>
        %swap3A_254 = vector.shape_cast %scan3A_239#1 : vector<16xf32> to vector<1x16xf32>
        tpu.vector_store %arg9[%swap3A_250, %swap3A_251], %swap3A_254 {strides = array<i32>} : memref<8x128xf32, #tpu.memory_space<vmem>>, vector<1x16xf32>,
        %swap3A_255 = arith.index_cast %add3A_244 : i32 to index
        %swap3A_256 = arith.constant 32 : index
        %swap3A_257 = tpu.vector_load %arg9[%swap3A_255, %swap3A_256] {strides = array<i32>} : memref<8x128xf32, #tpu.memory_space<vmem>>, vector<1x16xf32>,
        %swap3A_258 = vector.shape_cast %swap3A_257 : vector<1x16xf32> to vector<16xf32>
        %swap3A_259 = vector.shape_cast %scan3A_239#2 : vector<16xf32> to vector<1x16xf32>
        tpu.vector_store %arg9[%swap3A_255, %swap3A_256], %swap3A_259 {strides = array<i32>} : memref<8x128xf32, #tpu.memory_space<vmem>>, vector<1x16xf32>,
        %swap3A_260 = arith.index_cast %add3A_244 : i32 to index
        %swap3A_261 = arith.constant 48 : index
        %swap3A_262 = tpu.vector_load %arg9[%swap3A_260, %swap3A_261] {strides = array<i32>} : memref<8x128xf32, #tpu.memory_space<vmem>>, vector<1x16xf32>,
        %swap3A_263 = vector.shape_cast %swap3A_262 : vector<1x16xf32> to vector<16xf32>
        %swap3A_264 = vector.shape_cast %scan3A_239#3 : vector<16xf32> to vector<1x16xf32>
        tpu.vector_store %arg9[%swap3A_260, %swap3A_261], %swap3A_264 {strides = array<i32>} : memref<8x128xf32, #tpu.memory_space<vmem>>, vector<1x16xf32>,
        %swap3A_265 = arith.index_cast %add3A_244 : i32 to index
        %swap3A_266 = arith.constant 64 : index
        %swap3A_267 = tpu.vector_load %arg9[%swap3A_265, %swap3A_266] {strides = array<i32>} : memref<8x128xf32, #tpu.memory_space<vmem>>, vector<1x16xf32>,
        %swap3A_268 = vector.shape_cast %swap3A_267 : vector<1x16xf32> to vector<16xf32>
        %swap3A_269 = vector.shape_cast %scan3A_239#4 : vector<16xf32> to vector<1x16xf32>
        tpu.vector_store %arg9[%swap3A_265, %swap3A_266], %swap3A_269 {strides = array<i32>} : memref<8x128xf32, #tpu.memory_space<vmem>>, vector<1x16xf32>,
        %swap3A_270 = arith.index_cast %add3A_244 : i32 to index
        %swap3A_271 = arith.constant 80 : index
        %swap3A_272 = tpu.vector_load %arg9[%swap3A_270, %swap3A_271] {strides = array<i32>} : memref<8x128xf32, #tpu.memory_space<vmem>>, vector<1x16xf32>,
        %swap3A_273 = vector.shape_cast %swap3A_272 : vector<1x16xf32> to vector<16xf32>
        %swap3A_274 = vector.shape_cast %scan3A_239#5 : vector<16xf32> to vector<1x16xf32>
        tpu.vector_store %arg9[%swap3A_270, %swap3A_271], %swap3A_274 {strides = array<i32>} : memref<8x128xf32, #tpu.memory_space<vmem>>, vector<1x16xf32>,
        %swap3A_275 = arith.index_cast %add3A_244 : i32 to index
        %swap3A_276 = arith.constant 96 : index
        %swap3A_277 = tpu.vector_load %arg9[%swap3A_275, %swap3A_276] {strides = array<i32>} : memref<8x128xf32, #tpu.memory_space<vmem>>, vector<1x16xf32>,
        %swap3A_278 = vector.shape_cast %swap3A_277 : vector<1x16xf32> to vector<16xf32>
        %swap3A_279 = vector.shape_cast %scan3A_239#6 : vector<16xf32> to vector<1x16xf32>
        tpu.vector_store %arg9[%swap3A_275, %swap3A_276], %swap3A_279 {strides = array<i32>} : memref<8x128xf32, #tpu.memory_space<vmem>>, vector<1x16xf32>,
        %swap3A_280 = arith.index_cast %add3A_244 : i32 to index
        %swap3A_281 = arith.constant 112 : index
        %swap3A_282 = tpu.vector_load %arg9[%swap3A_280, %swap3A_281] {strides = array<i32>} : memref<8x128xf32, #tpu.memory_space<vmem>>, vector<1x16xf32>,
        %swap3A_283 = vector.shape_cast %swap3A_282 : vector<1x16xf32> to vector<16xf32>
        %swap3A_284 = vector.shape_cast %scan3A_239#7 : vector<16xf32> to vector<1x16xf32>
        tpu.vector_store %arg9[%swap3A_280, %swap3A_281], %swap3A_284 {strides = array<i32>} : memref<8x128xf32, #tpu.memory_space<vmem>>, vector<1x16xf32>,
        %broadcast_in_dim3A_285 = arith.constant 0.000000e+00 : f32
        %broadcast_in_dim3A_286 = vector.broadcast %broadcast_in_dim3A_285 : f32 to vector<16xf32>
        %broadcast_in_dim3A_287 = arith.constant 0.000000e+00 : f32
        %broadcast_in_dim3A_288 = vector.broadcast %broadcast_in_dim3A_287 : f32 to vector<16xf32>
        %broadcast_in_dim3A_289 = arith.constant 0.000000e+00 : f32
        %broadcast_in_dim3A_290 = vector.broadcast %broadcast_in_dim3A_289 : f32 to vector<16xf32>
        %broadcast_in_dim3A_291 = arith.constant 0.000000e+00 : f32
        %broadcast_in_dim3A_292 = vector.broadcast %broadcast_in_dim3A_291 : f32 to vector<16xf32>
        %broadcast_in_dim3A_293 = arith.constant 0.000000e+00 : f32
        %broadcast_in_dim3A_294 = vector.broadcast %broadcast_in_dim3A_293 : f32 to vector<16xf32>
        %broadcast_in_dim3A_295 = arith.constant 0.000000e+00 : f32
        %broadcast_in_dim3A_296 = vector.broadcast %broadcast_in_dim3A_295 : f32 to vector<16xf32>
        %broadcast_in_dim3A_297 = arith.constant 0.000000e+00 : f32
        %broadcast_in_dim3A_298 = vector.broadcast %broadcast_in_dim3A_297 : f32 to vector<16xf32>
        %broadcast_in_dim3A_299 = arith.constant 0.000000e+00 : f32
        %broadcast_in_dim3A_300 = vector.broadcast %broadcast_in_dim3A_299 : f32 to vector<16xf32>
        %scan3A_301 = arith.constant 0 : i32
        %scan3A_302 = arith.constant 32 : i32
        %scan3A_303 = arith.addi %scan3A_301, %scan3A_302 : i32
        %scan3A_304 = arith.constant 1 : i32
        %scan3A_305:8 = scf.for %scan3A_422 = %scan3A_301 to %scan3A_303 step %scan3A_304 iter_args(%scan3A_423 = %broadcast_in_dim3A_286, %scan3A_424 = %broadcast_in_dim3A_288, %scan3A_425 = %broadcast_in_dim3A_290, %scan3A_426 = %broadcast_in_dim3A_292, %scan3A_427 = %broadcast_in_dim3A_294, %scan3A_428 = %broadcast_in_dim3A_296, %scan3A_429 = %broadcast_in_dim3A_298, %scan3A_430 = %broadcast_in_dim3A_300) -> (vector<16xf32>, vector<16xf32>, vector<16xf32>, vector<16xf32>, vector<16xf32>, vector<16xf32>, vector<16xf32>, vector<16xf32>)  : i32 {
          %add3A_431 = arith.constant 64 : i32
          %add3A_432 = arith.addi %add3A_431, %scan3A_422 : i32
          %get3A = arith.constant 1 : i32
          %get3A_433 = arith.index_cast %get3A : i32 to index
          %get3A_434 = arith.index_cast %add3A_432 : i32 to index
          %get3A_435 = arith.constant 0 : index
          %get3A_436 = tpu.vector_load %arg7[%get3A_433, %get3A_434, %get3A_435] {strides = array<i32>} : memref<3x128x128xf32, #tpu.memory_space<vmem>>, vector<1x1x16xf32>,
          %get3A_437 = vector.shape_cast %get3A_436 : vector<1x1x16xf32> to vector<16xf32>
          %get3A_438 = arith.constant 1 : i32
          %get3A_439 = arith.index_cast %get3A_438 : i32 to index
          %get3A_440 = arith.index_cast %add3A_432 : i32 to index
          %get3A_441 = arith.constant 0 : index
          %get3A_442 = tpu.vector_load %arg8[%get3A_439, %get3A_440, %get3A_441] {strides = array<i32>} : memref<3x128x128xf32, #tpu.memory_space<vmem>>, vector<1x1x16xf32>,
          %get3A_443 = vector.shape_cast %get3A_442 : vector<1x1x16xf32> to vector<16xf32>
          %mul3A_444 = arith.mulf %get3A_437, %get3A_443 : vector<16xf32>
          %add3A_445 = arith.addf %scan3A_423, %mul3A_444 : vector<16xf32>
          %get3A_446 = arith.constant 1 : i32
          %get3A_447 = arith.index_cast %get3A_446 : i32 to index
          %get3A_448 = arith.index_cast %add3A_432 : i32 to index
          %get3A_449 = arith.constant 16 : index
          %get3A_450 = tpu.vector_load %arg7[%get3A_447, %get3A_448, %get3A_449] {strides = array<i32>} : memref<3x128x128xf32, #tpu.memory_space<vmem>>, vector<1x1x16xf32>,
          %get3A_451 = vector.shape_cast %get3A_450 : vector<1x1x16xf32> to vector<16xf32>
          %get3A_452 = arith.constant 1 : i32
          %get3A_453 = arith.index_cast %get3A_452 : i32 to index
          %get3A_454 = arith.index_cast %add3A_432 : i32 to index
          %get3A_455 = arith.constant 16 : index
          %get3A_456 = tpu.vector_load %arg8[%get3A_453, %get3A_454, %get3A_455] {strides = array<i32>} : memref<3x128x128xf32, #tpu.memory_space<vmem>>, vector<1x1x16xf32>,
          %get3A_457 = vector.shape_cast %get3A_456 : vector<1x1x16xf32> to vector<16xf32>
          %mul3A_458 = arith.mulf %get3A_451, %get3A_457 : vector<16xf32>
          %add3A_459 = arith.addf %scan3A_424, %mul3A_458 : vector<16xf32>
          %get3A_460 = arith.constant 1 : i32
          %get3A_461 = arith.index_cast %get3A_460 : i32 to index
          %get3A_462 = arith.index_cast %add3A_432 : i32 to index
          %get3A_463 = arith.constant 32 : index
          %get3A_464 = tpu.vector_load %arg7[%get3A_461, %get3A_462, %get3A_463] {strides = array<i32>} : memref<3x128x128xf32, #tpu.memory_space<vmem>>, vector<1x1x16xf32>,
          %get3A_465 = vector.shape_cast %get3A_464 : vector<1x1x16xf32> to vector<16xf32>
          %get3A_466 = arith.constant 1 : i32
          %get3A_467 = arith.index_cast %get3A_466 : i32 to index
          %get3A_468 = arith.index_cast %add3A_432 : i32 to index
          %get3A_469 = arith.constant 32 : index
          %get3A_470 = tpu.vector_load %arg8[%get3A_467, %get3A_468, %get3A_469] {strides = array<i32>} : memref<3x128x128xf32, #tpu.memory_space<vmem>>, vector<1x1x16xf32>,
          %get3A_471 = vector.shape_cast %get3A_470 : vector<1x1x16xf32> to vector<16xf32>
          %mul3A_472 = arith.mulf %get3A_465, %get3A_471 : vector<16xf32>
          %add3A_473 = arith.addf %scan3A_425, %mul3A_472 : vector<16xf32>
          %get3A_474 = arith.constant 1 : i32
          %get3A_475 = arith.index_cast %get3A_474 : i32 to index
          %get3A_476 = arith.index_cast %add3A_432 : i32 to index
          %get3A_477 = arith.constant 48 : index
          %get3A_478 = tpu.vector_load %arg7[%get3A_475, %get3A_476, %get3A_477] {strides = array<i32>} : memref<3x128x128xf32, #tpu.memory_space<vmem>>, vector<1x1x16xf32>,
          %get3A_479 = vector.shape_cast %get3A_478 : vector<1x1x16xf32> to vector<16xf32>
          %get3A_480 = arith.constant 1 : i32
          %get3A_481 = arith.index_cast %get3A_480 : i32 to index
          %get3A_482 = arith.index_cast %add3A_432 : i32 to index
          %get3A_483 = arith.constant 48 : index
          %get3A_484 = tpu.vector_load %arg8[%get3A_481, %get3A_482, %get3A_483] {strides = array<i32>} : memref<3x128x128xf32, #tpu.memory_space<vmem>>, vector<1x1x16xf32>,
          %get3A_485 = vector.shape_cast %get3A_484 : vector<1x1x16xf32> to vector<16xf32>
          %mul3A_486 = arith.mulf %get3A_479, %get3A_485 : vector<16xf32>
          %add3A_487 = arith.addf %scan3A_426, %mul3A_486 : vector<16xf32>
          %get3A_488 = arith.constant 1 : i32
          %get3A_489 = arith.index_cast %get3A_488 : i32 to index
          %get3A_490 = arith.index_cast %add3A_432 : i32 to index
          %get3A_491 = arith.constant 64 : index
          %get3A_492 = tpu.vector_load %arg7[%get3A_489, %get3A_490, %get3A_491] {strides = array<i32>} : memref<3x128x128xf32, #tpu.memory_space<vmem>>, vector<1x1x16xf32>,
          %get3A_493 = vector.shape_cast %get3A_492 : vector<1x1x16xf32> to vector<16xf32>
          %get3A_494 = arith.constant 1 : i32
          %get3A_495 = arith.index_cast %get3A_494 : i32 to index
          %get3A_496 = arith.index_cast %add3A_432 : i32 to index
          %get3A_497 = arith.constant 64 : index
          %get3A_498 = tpu.vector_load %arg8[%get3A_495, %get3A_496, %get3A_497] {strides = array<i32>} : memref<3x128x128xf32, #tpu.memory_space<vmem>>, vector<1x1x16xf32>,
          %get3A_499 = vector.shape_cast %get3A_498 : vector<1x1x16xf32> to vector<16xf32>
          %mul3A_500 = arith.mulf %get3A_493, %get3A_499 : vector<16xf32>
          %add3A_501 = arith.addf %scan3A_427, %mul3A_500 : vector<16xf32>
          %get3A_502 = arith.constant 1 : i32
          %get3A_503 = arith.index_cast %get3A_502 : i32 to index
          %get3A_504 = arith.index_cast %add3A_432 : i32 to index
          %get3A_505 = arith.constant 80 : index
          %get3A_506 = tpu.vector_load %arg7[%get3A_503, %get3A_504, %get3A_505] {strides = array<i32>} : memref<3x128x128xf32, #tpu.memory_space<vmem>>, vector<1x1x16xf32>,
          %get3A_507 = vector.shape_cast %get3A_506 : vector<1x1x16xf32> to vector<16xf32>
          %get3A_508 = arith.constant 1 : i32
          %get3A_509 = arith.index_cast %get3A_508 : i32 to index
          %get3A_510 = arith.index_cast %add3A_432 : i32 to index
          %get3A_511 = arith.constant 80 : index
          %get3A_512 = tpu.vector_load %arg8[%get3A_509, %get3A_510, %get3A_511] {strides = array<i32>} : memref<3x128x128xf32, #tpu.memory_space<vmem>>, vector<1x1x16xf32>,
          %get3A_513 = vector.shape_cast %get3A_512 : vector<1x1x16xf32> to vector<16xf32>
          %mul3A_514 = arith.mulf %get3A_507, %get3A_513 : vector<16xf32>
          %add3A_515 = arith.addf %scan3A_428, %mul3A_514 : vector<16xf32>
          %get3A_516 = arith.constant 1 : i32
          %get3A_517 = arith.index_cast %get3A_516 : i32 to index
          %get3A_518 = arith.index_cast %add3A_432 : i32 to index
          %get3A_519 = arith.constant 96 : index
          %get3A_520 = tpu.vector_load %arg7[%get3A_517, %get3A_518, %get3A_519] {strides = array<i32>} : memref<3x128x128xf32, #tpu.memory_space<vmem>>, vector<1x1x16xf32>,
          %get3A_521 = vector.shape_cast %get3A_520 : vector<1x1x16xf32> to vector<16xf32>
          %get3A_522 = arith.constant 1 : i32
          %get3A_523 = arith.index_cast %get3A_522 : i32 to index
          %get3A_524 = arith.index_cast %add3A_432 : i32 to index
          %get3A_525 = arith.constant 96 : index
          %get3A_526 = tpu.vector_load %arg8[%get3A_523, %get3A_524, %get3A_525] {strides = array<i32>} : memref<3x128x128xf32, #tpu.memory_space<vmem>>, vector<1x1x16xf32>,
          %get3A_527 = vector.shape_cast %get3A_526 : vector<1x1x16xf32> to vector<16xf32>
          %mul3A_528 = arith.mulf %get3A_521, %get3A_527 : vector<16xf32>
          %add3A_529 = arith.addf %scan3A_429, %mul3A_528 : vector<16xf32>
          %get3A_530 = arith.constant 1 : i32
          %get3A_531 = arith.index_cast %get3A_530 : i32 to index
          %get3A_532 = arith.index_cast %add3A_432 : i32 to index
          %get3A_533 = arith.constant 112 : index
          %get3A_534 = tpu.vector_load %arg7[%get3A_531, %get3A_532, %get3A_533] {strides = array<i32>} : memref<3x128x128xf32, #tpu.memory_space<vmem>>, vector<1x1x16xf32>,
          %get3A_535 = vector.shape_cast %get3A_534 : vector<1x1x16xf32> to vector<16xf32>
          %get3A_536 = arith.constant 1 : i32
          %get3A_537 = arith.index_cast %get3A_536 : i32 to index
          %get3A_538 = arith.index_cast %add3A_432 : i32 to index
          %get3A_539 = arith.constant 112 : index
          %get3A_540 = tpu.vector_load %arg8[%get3A_537, %get3A_538, %get3A_539] {strides = array<i32>} : memref<3x128x128xf32, #tpu.memory_space<vmem>>, vector<1x1x16xf32>,
          %get3A_541 = vector.shape_cast %get3A_540 : vector<1x1x16xf32> to vector<16xf32>
          %mul3A_542 = arith.mulf %get3A_535, %get3A_541 : vector<16xf32>
          %add3A_543 = arith.addf %scan3A_430, %mul3A_542 : vector<16xf32>
          scf.yield %add3A_445, %add3A_459, %add3A_473, %add3A_487, %add3A_501, %add3A_515, %add3A_529, %add3A_543 : vector<16xf32>, vector<16xf32>, vector<16xf32>, vector<16xf32>, vector<16xf32>, vector<16xf32>, vector<16xf32>, vector<16xf32>
        }
        %scan3A_306 = arith.constant 32 : i32
        %mul3A_307 = arith.constant 4 : i32
        %mul3A_308 = arith.muli %select_n3A_147, %mul3A_307 : i32
        %add3A_309 = arith.constant 2 : i32
        %add3A_310 = arith.addi %mul3A_308, %add3A_309 : i32
        %swap3A_311 = arith.index_cast %add3A_310 : i32 to index
        %swap3A_312 = arith.constant 0 : index
        %swap3A_313 = tpu.vector_load %arg9[%swap3A_311, %swap3A_312] {strides = array<i32>} : memref<8x128xf32, #tpu.memory_space<vmem>>, vector<1x16xf32>,
        %swap3A_314 = vector.shape_cast %swap3A_313 : vector<1x16xf32> to vector<16xf32>
        %swap3A_315 = vector.shape_cast %scan3A_305#0 : vector<16xf32> to vector<1x16xf32>
        tpu.vector_store %arg9[%swap3A_311, %swap3A_312], %swap3A_315 {strides = array<i32>} : memref<8x128xf32, #tpu.memory_space<vmem>>, vector<1x16xf32>,
        %swap3A_316 = arith.index_cast %add3A_310 : i32 to index
        %swap3A_317 = arith.constant 16 : index
        %swap3A_318 = tpu.vector_load %arg9[%swap3A_316, %swap3A_317] {strides = array<i32>} : memref<8x128xf32, #tpu.memory_space<vmem>>, vector<1x16xf32>,
        %swap3A_319 = vector.shape_cast %swap3A_318 : vector<1x16xf32> to vector<16xf32>
        %swap3A_320 = vector.shape_cast %scan3A_305#1 : vector<16xf32> to vector<1x16xf32>
        tpu.vector_store %arg9[%swap3A_316, %swap3A_317], %swap3A_320 {strides = array<i32>} : memref<8x128xf32, #tpu.memory_space<vmem>>, vector<1x16xf32>,
        %swap3A_321 = arith.index_cast %add3A_310 : i32 to index
        %swap3A_322 = arith.constant 32 : index
        %swap3A_323 = tpu.vector_load %arg9[%swap3A_321, %swap3A_322] {strides = array<i32>} : memref<8x128xf32, #tpu.memory_space<vmem>>, vector<1x16xf32>,
        %swap3A_324 = vector.shape_cast %swap3A_323 : vector<1x16xf32> to vector<16xf32>
        %swap3A_325 = vector.shape_cast %scan3A_305#2 : vector<16xf32> to vector<1x16xf32>
        tpu.vector_store %arg9[%swap3A_321, %swap3A_322], %swap3A_325 {strides = array<i32>} : memref<8x128xf32, #tpu.memory_space<vmem>>, vector<1x16xf32>,
        %swap3A_326 = arith.index_cast %add3A_310 : i32 to index
        %swap3A_327 = arith.constant 48 : index
        %swap3A_328 = tpu.vector_load %arg9[%swap3A_326, %swap3A_327] {strides = array<i32>} : memref<8x128xf32, #tpu.memory_space<vmem>>, vector<1x16xf32>,
        %swap3A_329 = vector.shape_cast %swap3A_328 : vector<1x16xf32> to vector<16xf32>
        %swap3A_330 = vector.shape_cast %scan3A_305#3 : vector<16xf32> to vector<1x16xf32>
        tpu.vector_store %arg9[%swap3A_326, %swap3A_327], %swap3A_330 {strides = array<i32>} : memref<8x128xf32, #tpu.memory_space<vmem>>, vector<1x16xf32>,
        %swap3A_331 = arith.index_cast %add3A_310 : i32 to index
        %swap3A_332 = arith.constant 64 : index
        %swap3A_333 = tpu.vector_load %arg9[%swap3A_331, %swap3A_332] {strides = array<i32>} : memref<8x128xf32, #tpu.memory_space<vmem>>, vector<1x16xf32>,
        %swap3A_334 = vector.shape_cast %swap3A_333 : vector<1x16xf32> to vector<16xf32>
        %swap3A_335 = vector.shape_cast %scan3A_305#4 : vector<16xf32> to vector<1x16xf32>
        tpu.vector_store %arg9[%swap3A_331, %swap3A_332], %swap3A_335 {strides = array<i32>} : memref<8x128xf32, #tpu.memory_space<vmem>>, vector<1x16xf32>,
        %swap3A_336 = arith.index_cast %add3A_310 : i32 to index
        %swap3A_337 = arith.constant 80 : index
        %swap3A_338 = tpu.vector_load %arg9[%swap3A_336, %swap3A_337] {strides = array<i32>} : memref<8x128xf32, #tpu.memory_space<vmem>>, vector<1x16xf32>,
        %swap3A_339 = vector.shape_cast %swap3A_338 : vector<1x16xf32> to vector<16xf32>
        %swap3A_340 = vector.shape_cast %scan3A_305#5 : vector<16xf32> to vector<1x16xf32>
        tpu.vector_store %arg9[%swap3A_336, %swap3A_337], %swap3A_340 {strides = array<i32>} : memref<8x128xf32, #tpu.memory_space<vmem>>, vector<1x16xf32>,
        %swap3A_341 = arith.index_cast %add3A_310 : i32 to index
        %swap3A_342 = arith.constant 96 : index
        %swap3A_343 = tpu.vector_load %arg9[%swap3A_341, %swap3A_342] {strides = array<i32>} : memref<8x128xf32, #tpu.memory_space<vmem>>, vector<1x16xf32>,
        %swap3A_344 = vector.shape_cast %swap3A_343 : vector<1x16xf32> to vector<16xf32>
        %swap3A_345 = vector.shape_cast %scan3A_305#6 : vector<16xf32> to vector<1x16xf32>
        tpu.vector_store %arg9[%swap3A_341, %swap3A_342], %swap3A_345 {strides = array<i32>} : memref<8x128xf32, #tpu.memory_space<vmem>>, vector<1x16xf32>,
        %swap3A_346 = arith.index_cast %add3A_310 : i32 to index
        %swap3A_347 = arith.constant 112 : index
        %swap3A_348 = tpu.vector_load %arg9[%swap3A_346, %swap3A_347] {strides = array<i32>} : memref<8x128xf32, #tpu.memory_space<vmem>>, vector<1x16xf32>,
        %swap3A_349 = vector.shape_cast %swap3A_348 : vector<1x16xf32> to vector<16xf32>
        %swap3A_350 = vector.shape_cast %scan3A_305#7 : vector<16xf32> to vector<1x16xf32>
        tpu.vector_store %arg9[%swap3A_346, %swap3A_347], %swap3A_350 {strides = array<i32>} : memref<8x128xf32, #tpu.memory_space<vmem>>, vector<1x16xf32>,
        %broadcast_in_dim3A_351 = arith.constant 0.000000e+00 : f32
        %broadcast_in_dim3A_352 = vector.broadcast %broadcast_in_dim3A_351 : f32 to vector<16xf32>
        %broadcast_in_dim3A_353 = arith.constant 0.000000e+00 : f32
        %broadcast_in_dim3A_354 = vector.broadcast %broadcast_in_dim3A_353 : f32 to vector<16xf32>
        %broadcast_in_dim3A_355 = arith.constant 0.000000e+00 : f32
        %broadcast_in_dim3A_356 = vector.broadcast %broadcast_in_dim3A_355 : f32 to vector<16xf32>
        %broadcast_in_dim3A_357 = arith.constant 0.000000e+00 : f32
        %broadcast_in_dim3A_358 = vector.broadcast %broadcast_in_dim3A_357 : f32 to vector<16xf32>
        %broadcast_in_dim3A_359 = arith.constant 0.000000e+00 : f32
        %broadcast_in_dim3A_360 = vector.broadcast %broadcast_in_dim3A_359 : f32 to vector<16xf32>
        %broadcast_in_dim3A_361 = arith.constant 0.000000e+00 : f32
        %broadcast_in_dim3A_362 = vector.broadcast %broadcast_in_dim3A_361 : f32 to vector<16xf32>
        %broadcast_in_dim3A_363 = arith.constant 0.000000e+00 : f32
        %broadcast_in_dim3A_364 = vector.broadcast %broadcast_in_dim3A_363 : f32 to vector<16xf32>
        %broadcast_in_dim3A_365 = arith.constant 0.000000e+00 : f32
        %broadcast_in_dim3A_366 = vector.broadcast %broadcast_in_dim3A_365 : f32 to vector<16xf32>
        %scan3A_367 = arith.constant 0 : i32
        %scan3A_368 = arith.constant 32 : i32
        %scan3A_369 = arith.addi %scan3A_367, %scan3A_368 : i32
        %scan3A_370 = arith.constant 1 : i32
        %scan3A_371:8 = scf.for %scan3A_422 = %scan3A_367 to %scan3A_369 step %scan3A_370 iter_args(%scan3A_423 = %broadcast_in_dim3A_352, %scan3A_424 = %broadcast_in_dim3A_354, %scan3A_425 = %broadcast_in_dim3A_356, %scan3A_426 = %broadcast_in_dim3A_358, %scan3A_427 = %broadcast_in_dim3A_360, %scan3A_428 = %broadcast_in_dim3A_362, %scan3A_429 = %broadcast_in_dim3A_364, %scan3A_430 = %broadcast_in_dim3A_366) -> (vector<16xf32>, vector<16xf32>, vector<16xf32>, vector<16xf32>, vector<16xf32>, vector<16xf32>, vector<16xf32>, vector<16xf32>)  : i32 {
          %add3A_431 = arith.constant 96 : i32
          %add3A_432 = arith.addi %add3A_431, %scan3A_422 : i32
          %get3A = arith.constant 1 : i32
          %get3A_433 = arith.index_cast %get3A : i32 to index
          %get3A_434 = arith.index_cast %add3A_432 : i32 to index
          %get3A_435 = arith.constant 0 : index
          %get3A_436 = tpu.vector_load %arg7[%get3A_433, %get3A_434, %get3A_435] {strides = array<i32>} : memref<3x128x128xf32, #tpu.memory_space<vmem>>, vector<1x1x16xf32>,
          %get3A_437 = vector.shape_cast %get3A_436 : vector<1x1x16xf32> to vector<16xf32>
          %get3A_438 = arith.constant 1 : i32
          %get3A_439 = arith.index_cast %get3A_438 : i32 to index
          %get3A_440 = arith.index_cast %add3A_432 : i32 to index
          %get3A_441 = arith.constant 0 : index
          %get3A_442 = tpu.vector_load %arg8[%get3A_439, %get3A_440, %get3A_441] {strides = array<i32>} : memref<3x128x128xf32, #tpu.memory_space<vmem>>, vector<1x1x16xf32>,
          %get3A_443 = vector.shape_cast %get3A_442 : vector<1x1x16xf32> to vector<16xf32>
          %mul3A_444 = arith.mulf %get3A_437, %get3A_443 : vector<16xf32>
          %add3A_445 = arith.addf %scan3A_423, %mul3A_444 : vector<16xf32>
          %get3A_446 = arith.constant 1 : i32
          %get3A_447 = arith.index_cast %get3A_446 : i32 to index
          %get3A_448 = arith.index_cast %add3A_432 : i32 to index
          %get3A_449 = arith.constant 16 : index
          %get3A_450 = tpu.vector_load %arg7[%get3A_447, %get3A_448, %get3A_449] {strides = array<i32>} : memref<3x128x128xf32, #tpu.memory_space<vmem>>, vector<1x1x16xf32>,
          %get3A_451 = vector.shape_cast %get3A_450 : vector<1x1x16xf32> to vector<16xf32>
          %get3A_452 = arith.constant 1 : i32
          %get3A_453 = arith.index_cast %get3A_452 : i32 to index
          %get3A_454 = arith.index_cast %add3A_432 : i32 to index
          %get3A_455 = arith.constant 16 : index
          %get3A_456 = tpu.vector_load %arg8[%get3A_453, %get3A_454, %get3A_455] {strides = array<i32>} : memref<3x128x128xf32, #tpu.memory_space<vmem>>, vector<1x1x16xf32>,
          %get3A_457 = vector.shape_cast %get3A_456 : vector<1x1x16xf32> to vector<16xf32>
          %mul3A_458 = arith.mulf %get3A_451, %get3A_457 : vector<16xf32>
          %add3A_459 = arith.addf %scan3A_424, %mul3A_458 : vector<16xf32>
          %get3A_460 = arith.constant 1 : i32
          %get3A_461 = arith.index_cast %get3A_460 : i32 to index
          %get3A_462 = arith.index_cast %add3A_432 : i32 to index
          %get3A_463 = arith.constant 32 : index
          %get3A_464 = tpu.vector_load %arg7[%get3A_461, %get3A_462, %get3A_463] {strides = array<i32>} : memref<3x128x128xf32, #tpu.memory_space<vmem>>, vector<1x1x16xf32>,
          %get3A_465 = vector.shape_cast %get3A_464 : vector<1x1x16xf32> to vector<16xf32>
          %get3A_466 = arith.constant 1 : i32
          %get3A_467 = arith.index_cast %get3A_466 : i32 to index
          %get3A_468 = arith.index_cast %add3A_432 : i32 to index
          %get3A_469 = arith.constant 32 : index
          %get3A_470 = tpu.vector_load %arg8[%get3A_467, %get3A_468, %get3A_469] {strides = array<i32>} : memref<3x128x128xf32, #tpu.memory_space<vmem>>, vector<1x1x16xf32>,
          %get3A_471 = vector.shape_cast %get3A_470 : vector<1x1x16xf32> to vector<16xf32>
          %mul3A_472 = arith.mulf %get3A_465, %get3A_471 : vector<16xf32>
          %add3A_473 = arith.addf %scan3A_425, %mul3A_472 : vector<16xf32>
          %get3A_474 = arith.constant 1 : i32
          %get3A_475 = arith.index_cast %get3A_474 : i32 to index
          %get3A_476 = arith.index_cast %add3A_432 : i32 to index
          %get3A_477 = arith.constant 48 : index
          %get3A_478 = tpu.vector_load %arg7[%get3A_475, %get3A_476, %get3A_477] {strides = array<i32>} : memref<3x128x128xf32, #tpu.memory_space<vmem>>, vector<1x1x16xf32>,
          %get3A_479 = vector.shape_cast %get3A_478 : vector<1x1x16xf32> to vector<16xf32>
          %get3A_480 = arith.constant 1 : i32
          %get3A_481 = arith.index_cast %get3A_480 : i32 to index
          %get3A_482 = arith.index_cast %add3A_432 : i32 to index
          %get3A_483 = arith.constant 48 : index
          %get3A_484 = tpu.vector_load %arg8[%get3A_481, %get3A_482, %get3A_483] {strides = array<i32>} : memref<3x128x128xf32, #tpu.memory_space<vmem>>, vector<1x1x16xf32>,
          %get3A_485 = vector.shape_cast %get3A_484 : vector<1x1x16xf32> to vector<16xf32>
          %mul3A_486 = arith.mulf %get3A_479, %get3A_485 : vector<16xf32>
          %add3A_487 = arith.addf %scan3A_426, %mul3A_486 : vector<16xf32>
          %get3A_488 = arith.constant 1 : i32
          %get3A_489 = arith.index_cast %get3A_488 : i32 to index
          %get3A_490 = arith.index_cast %add3A_432 : i32 to index
          %get3A_491 = arith.constant 64 : index
          %get3A_492 = tpu.vector_load %arg7[%get3A_489, %get3A_490, %get3A_491] {strides = array<i32>} : memref<3x128x128xf32, #tpu.memory_space<vmem>>, vector<1x1x16xf32>,
          %get3A_493 = vector.shape_cast %get3A_492 : vector<1x1x16xf32> to vector<16xf32>
          %get3A_494 = arith.constant 1 : i32
          %get3A_495 = arith.index_cast %get3A_494 : i32 to index
          %get3A_496 = arith.index_cast %add3A_432 : i32 to index
          %get3A_497 = arith.constant 64 : index
          %get3A_498 = tpu.vector_load %arg8[%get3A_495, %get3A_496, %get3A_497] {strides = array<i32>} : memref<3x128x128xf32, #tpu.memory_space<vmem>>, vector<1x1x16xf32>,
          %get3A_499 = vector.shape_cast %get3A_498 : vector<1x1x16xf32> to vector<16xf32>
          %mul3A_500 = arith.mulf %get3A_493, %get3A_499 : vector<16xf32>
          %add3A_501 = arith.addf %scan3A_427, %mul3A_500 : vector<16xf32>
          %get3A_502 = arith.constant 1 : i32
          %get3A_503 = arith.index_cast %get3A_502 : i32 to index
          %get3A_504 = arith.index_cast %add3A_432 : i32 to index
          %get3A_505 = arith.constant 80 : index
          %get3A_506 = tpu.vector_load %arg7[%get3A_503, %get3A_504, %get3A_505] {strides = array<i32>} : memref<3x128x128xf32, #tpu.memory_space<vmem>>, vector<1x1x16xf32>,
          %get3A_507 = vector.shape_cast %get3A_506 : vector<1x1x16xf32> to vector<16xf32>
          %get3A_508 = arith.constant 1 : i32
          %get3A_509 = arith.index_cast %get3A_508 : i32 to index
          %get3A_510 = arith.index_cast %add3A_432 : i32 to index
          %get3A_511 = arith.constant 80 : index
          %get3A_512 = tpu.vector_load %arg8[%get3A_509, %get3A_510, %get3A_511] {strides = array<i32>} : memref<3x128x128xf32, #tpu.memory_space<vmem>>, vector<1x1x16xf32>,
          %get3A_513 = vector.shape_cast %get3A_512 : vector<1x1x16xf32> to vector<16xf32>
          %mul3A_514 = arith.mulf %get3A_507, %get3A_513 : vector<16xf32>
          %add3A_515 = arith.addf %scan3A_428, %mul3A_514 : vector<16xf32>
          %get3A_516 = arith.constant 1 : i32
          %get3A_517 = arith.index_cast %get3A_516 : i32 to index
          %get3A_518 = arith.index_cast %add3A_432 : i32 to index
          %get3A_519 = arith.constant 96 : index
          %get3A_520 = tpu.vector_load %arg7[%get3A_517, %get3A_518, %get3A_519] {strides = array<i32>} : memref<3x128x128xf32, #tpu.memory_space<vmem>>, vector<1x1x16xf32>,
          %get3A_521 = vector.shape_cast %get3A_520 : vector<1x1x16xf32> to vector<16xf32>
          %get3A_522 = arith.constant 1 : i32
          %get3A_523 = arith.index_cast %get3A_522 : i32 to index
          %get3A_524 = arith.index_cast %add3A_432 : i32 to index
          %get3A_525 = arith.constant 96 : index
          %get3A_526 = tpu.vector_load %arg8[%get3A_523, %get3A_524, %get3A_525] {strides = array<i32>} : memref<3x128x128xf32, #tpu.memory_space<vmem>>, vector<1x1x16xf32>,
          %get3A_527 = vector.shape_cast %get3A_526 : vector<1x1x16xf32> to vector<16xf32>
          %mul3A_528 = arith.mulf %get3A_521, %get3A_527 : vector<16xf32>
          %add3A_529 = arith.addf %scan3A_429, %mul3A_528 : vector<16xf32>
          %get3A_530 = arith.constant 1 : i32
          %get3A_531 = arith.index_cast %get3A_530 : i32 to index
          %get3A_532 = arith.index_cast %add3A_432 : i32 to index
          %get3A_533 = arith.constant 112 : index
          %get3A_534 = tpu.vector_load %arg7[%get3A_531, %get3A_532, %get3A_533] {strides = array<i32>} : memref<3x128x128xf32, #tpu.memory_space<vmem>>, vector<1x1x16xf32>,
          %get3A_535 = vector.shape_cast %get3A_534 : vector<1x1x16xf32> to vector<16xf32>
          %get3A_536 = arith.constant 1 : i32
          %get3A_537 = arith.index_cast %get3A_536 : i32 to index
          %get3A_538 = arith.index_cast %add3A_432 : i32 to index
          %get3A_539 = arith.constant 112 : index
          %get3A_540 = tpu.vector_load %arg8[%get3A_537, %get3A_538, %get3A_539] {strides = array<i32>} : memref<3x128x128xf32, #tpu.memory_space<vmem>>, vector<1x1x16xf32>,
          %get3A_541 = vector.shape_cast %get3A_540 : vector<1x1x16xf32> to vector<16xf32>
          %mul3A_542 = arith.mulf %get3A_535, %get3A_541 : vector<16xf32>
          %add3A_543 = arith.addf %scan3A_430, %mul3A_542 : vector<16xf32>
          scf.yield %add3A_445, %add3A_459, %add3A_473, %add3A_487, %add3A_501, %add3A_515, %add3A_529, %add3A_543 : vector<16xf32>, vector<16xf32>, vector<16xf32>, vector<16xf32>, vector<16xf32>, vector<16xf32>, vector<16xf32>, vector<16xf32>
        }
        %scan3A_372 = arith.constant 32 : i32
        %mul3A_373 = arith.constant 4 : i32
        %mul3A_374 = arith.muli %select_n3A_147, %mul3A_373 : i32
        %add3A_375 = arith.constant 3 : i32
        %add3A_376 = arith.addi %mul3A_374, %add3A_375 : i32
        %swap3A_377 = arith.index_cast %add3A_376 : i32 to index
        %swap3A_378 = arith.constant 0 : index
        %swap3A_379 = tpu.vector_load %arg9[%swap3A_377, %swap3A_378] {strides = array<i32>} : memref<8x128xf32, #tpu.memory_space<vmem>>, vector<1x16xf32>,
        %swap3A_380 = vector.shape_cast %swap3A_379 : vector<1x16xf32> to vector<16xf32>
        %swap3A_381 = vector.shape_cast %scan3A_371#0 : vector<16xf32> to vector<1x16xf32>
        tpu.vector_store %arg9[%swap3A_377, %swap3A_378], %swap3A_381 {strides = array<i32>} : memref<8x128xf32, #tpu.memory_space<vmem>>, vector<1x16xf32>,
        %swap3A_382 = arith.index_cast %add3A_376 : i32 to index
        %swap3A_383 = arith.constant 16 : index
        %swap3A_384 = tpu.vector_load %arg9[%swap3A_382, %swap3A_383] {strides = array<i32>} : memref<8x128xf32, #tpu.memory_space<vmem>>, vector<1x16xf32>,
        %swap3A_385 = vector.shape_cast %swap3A_384 : vector<1x16xf32> to vector<16xf32>
        %swap3A_386 = vector.shape_cast %scan3A_371#1 : vector<16xf32> to vector<1x16xf32>
        tpu.vector_store %arg9[%swap3A_382, %swap3A_383], %swap3A_386 {strides = array<i32>} : memref<8x128xf32, #tpu.memory_space<vmem>>, vector<1x16xf32>,
        %swap3A_387 = arith.index_cast %add3A_376 : i32 to index
        %swap3A_388 = arith.constant 32 : index
        %swap3A_389 = tpu.vector_load %arg9[%swap3A_387, %swap3A_388] {strides = array<i32>} : memref<8x128xf32, #tpu.memory_space<vmem>>, vector<1x16xf32>,
        %swap3A_390 = vector.shape_cast %swap3A_389 : vector<1x16xf32> to vector<16xf32>
        %swap3A_391 = vector.shape_cast %scan3A_371#2 : vector<16xf32> to vector<1x16xf32>
        tpu.vector_store %arg9[%swap3A_387, %swap3A_388], %swap3A_391 {strides = array<i32>} : memref<8x128xf32, #tpu.memory_space<vmem>>, vector<1x16xf32>,
        %swap3A_392 = arith.index_cast %add3A_376 : i32 to index
        %swap3A_393 = arith.constant 48 : index
        %swap3A_394 = tpu.vector_load %arg9[%swap3A_392, %swap3A_393] {strides = array<i32>} : memref<8x128xf32, #tpu.memory_space<vmem>>, vector<1x16xf32>,
        %swap3A_395 = vector.shape_cast %swap3A_394 : vector<1x16xf32> to vector<16xf32>
        %swap3A_396 = vector.shape_cast %scan3A_371#3 : vector<16xf32> to vector<1x16xf32>
        tpu.vector_store %arg9[%swap3A_392, %swap3A_393], %swap3A_396 {strides = array<i32>} : memref<8x128xf32, #tpu.memory_space<vmem>>, vector<1x16xf32>,
        %swap3A_397 = arith.index_cast %add3A_376 : i32 to index
        %swap3A_398 = arith.constant 64 : index
        %swap3A_399 = tpu.vector_load %arg9[%swap3A_397, %swap3A_398] {strides = array<i32>} : memref<8x128xf32, #tpu.memory_space<vmem>>, vector<1x16xf32>,
        %swap3A_400 = vector.shape_cast %swap3A_399 : vector<1x16xf32> to vector<16xf32>
        %swap3A_401 = vector.shape_cast %scan3A_371#4 : vector<16xf32> to vector<1x16xf32>
        tpu.vector_store %arg9[%swap3A_397, %swap3A_398], %swap3A_401 {strides = array<i32>} : memref<8x128xf32, #tpu.memory_space<vmem>>, vector<1x16xf32>,
        %swap3A_402 = arith.index_cast %add3A_376 : i32 to index
        %swap3A_403 = arith.constant 80 : index
        %swap3A_404 = tpu.vector_load %arg9[%swap3A_402, %swap3A_403] {strides = array<i32>} : memref<8x128xf32, #tpu.memory_space<vmem>>, vector<1x16xf32>,
        %swap3A_405 = vector.shape_cast %swap3A_404 : vector<1x16xf32> to vector<16xf32>
        %swap3A_406 = vector.shape_cast %scan3A_371#5 : vector<16xf32> to vector<1x16xf32>
        tpu.vector_store %arg9[%swap3A_402, %swap3A_403], %swap3A_406 {strides = array<i32>} : memref<8x128xf32, #tpu.memory_space<vmem>>, vector<1x16xf32>,
        %swap3A_407 = arith.index_cast %add3A_376 : i32 to index
        %swap3A_408 = arith.constant 96 : index
        %swap3A_409 = tpu.vector_load %arg9[%swap3A_407, %swap3A_408] {strides = array<i32>} : memref<8x128xf32, #tpu.memory_space<vmem>>, vector<1x16xf32>,
        %swap3A_410 = vector.shape_cast %swap3A_409 : vector<1x16xf32> to vector<16xf32>
        %swap3A_411 = vector.shape_cast %scan3A_371#6 : vector<16xf32> to vector<1x16xf32>
        tpu.vector_store %arg9[%swap3A_407, %swap3A_408], %swap3A_411 {strides = array<i32>} : memref<8x128xf32, #tpu.memory_space<vmem>>, vector<1x16xf32>,
        %swap3A_412 = arith.index_cast %add3A_376 : i32 to index
        %swap3A_413 = arith.constant 112 : index
        %swap3A_414 = tpu.vector_load %arg9[%swap3A_412, %swap3A_413] {strides = array<i32>} : memref<8x128xf32, #tpu.memory_space<vmem>>, vector<1x16xf32>,
        %swap3A_415 = vector.shape_cast %swap3A_414 : vector<1x16xf32> to vector<16xf32>
        %swap3A_416 = vector.shape_cast %scan3A_371#7 : vector<16xf32> to vector<1x16xf32>
        tpu.vector_store %arg9[%swap3A_412, %swap3A_413], %swap3A_416 {strides = array<i32>} : memref<8x128xf32, #tpu.memory_space<vmem>>, vector<1x16xf32>,
        %eq3A_417 = arith.constant 1 : i32
        %eq3A_418 = arith.cmpi eq, %select_n3A_147, %eq3A_417 : i32
        %convert_element_type3A_419 = arith.extui %eq3A_418 : i1 to i32
        %cond3A_420 = arith.constant 0 : i32
        %cond3A_421 = arith.cmpi ne, %convert_element_type3A_419, %cond3A_420 : i32
        scf.if %cond3A_421 {
          %div3A = arith.constant 2 : i32
          %div3A_422 = arith.divsi %add3A_87, %div3A : i32
          %add3A_423 = arith.addi %select_n3A, %div3A_422 : i32
          %mul3A_424 = arith.constant 8 : i32
          %mul3A_425 = arith.muli %add3A_423, %mul3A_424 : i32
          %multiple_of3A_426 = tpu.assume_multiple %mul3A_425, 8 : i32
          %dma_start3A_427 = arith.constant 0 : i32
          %dma_start3A_428 = tpu.memref_slice %arg5[%multiple_of3A_426, %dma_start3A_427] : memref<10000x128xf32, #tpu.memory_space<hbm>> -> memref<8x128xf32, #tpu.memory_space<hbm>>
          %dma_start3A_429 = arith.constant 0 : i32
          %dma_start3A_430 = tpu.memref_slice %arg5[%multiple_of3A_426, %dma_start3A_429] : memref<10000x128xf32, #tpu.memory_space<hbm>> -> memref<8x128xf32, #tpu.memory_space<hbm>>
          tpu.enqueue_dma source(%arg9 : memref<8x128xf32, #tpu.memory_space<vmem>>) target(%dma_start3A_430 : memref<8x128xf32, #tpu.memory_space<hbm>>) target_semaphore(%arg16 : memref<!tpu.dma_semaphore, #tpu.memory_space<semaphore_mem>>)
        } else {
        }
      } else {
      }
      %mul3A_92 = arith.constant 3 : i32
      %mul3A_93 = arith.muli %mul3A_92, %scan3A_75 : i32
      %add3A_94 = arith.constant 2 : i32
      %add3A_95 = arith.addi %mul3A_93, %add3A_94 : i32
      %lt3A_96 = arith.cmpi slt, %add3A_95, %mul3A_12 : i32
      %convert_element_type3A_97 = arith.extui %lt3A_96 : i1 to i32
      %cond3A_98 = arith.constant 0 : i32
      %cond3A_99 = arith.cmpi ne, %convert_element_type3A_97, %cond3A_98 : i32
      scf.if %cond3A_99 {
        %dma_wait3A_100 = arith.constant 2 : i32
        %dma_wait3A_101 = arith.constant 0 : i32
        %dma_wait3A_102 = arith.constant 0 : i32
        %dma_wait3A_103 = tpu.memref_slice %arg7[%dma_wait3A_100, %dma_wait3A_101, %dma_wait3A_102] : memref<3x128x128xf32, #tpu.memory_space<vmem>> -> memref<1x128x128xf32, #tpu.memory_space<vmem>>
        %dma_wait3A_104 = tpu.memref_squeeze %dma_wait3A_103 : memref<1x128x128xf32, #tpu.memory_space<vmem>> -> memref<128x128xf32, #tpu.memory_space<vmem>>
        %dma_wait3A_105 = arith.constant 0 : i32
        %dma_wait3A_106 = arith.constant 0 : i32
        %dma_wait3A_107 = tpu.memref_slice %arg2[%dma_wait3A_105, %dma_wait3A_106] : memref<10000x128xf32, #tpu.memory_space<hbm>> -> memref<128x128xf32, #tpu.memory_space<hbm>>
        %dma_wait3A_108 = arith.constant 0 : i32
        %dma_wait3A_109 = arith.constant 0 : i32
        %dma_wait3A_110 = tpu.memref_slice %arg7[%dma_wait3A_100, %dma_wait3A_108, %dma_wait3A_109] : memref<3x128x128xf32, #tpu.memory_space<vmem>> -> memref<1x128x128xf32, #tpu.memory_space<vmem>>
        %dma_wait3A_111 = tpu.memref_squeeze %dma_wait3A_110 : memref<1x128x128xf32, #tpu.memory_space<vmem>> -> memref<128x128xf32, #tpu.memory_space<vmem>>
        %dma_wait3A_112 = arith.constant 0 : i32
        %dma_wait3A_113 = arith.constant 0 : i32
        %dma_wait3A_114 = tpu.memref_slice %arg2[%dma_wait3A_112, %dma_wait3A_113] : memref<10000x128xf32, #tpu.memory_space<hbm>> -> memref<128x128xf32, #tpu.memory_space<hbm>>
        tpu.wait_dma2 semaphore(%arg12 : memref<!tpu.dma_semaphore, #tpu.memory_space<semaphore_mem>>) src(%dma_wait3A_114 : memref<128x128xf32, #tpu.memory_space<hbm>>) dst(%dma_wait3A_111 : memref<128x128xf32, #tpu.memory_space<vmem>>)
        %dma_wait3A_115 = arith.constant 2 : i32
        %dma_wait3A_116 = arith.constant 0 : i32
        %dma_wait3A_117 = arith.constant 0 : i32
        %dma_wait3A_118 = tpu.memref_slice %arg8[%dma_wait3A_115, %dma_wait3A_116, %dma_wait3A_117] : memref<3x128x128xf32, #tpu.memory_space<vmem>> -> memref<1x128x128xf32, #tpu.memory_space<vmem>>
        %dma_wait3A_119 = tpu.memref_squeeze %dma_wait3A_118 : memref<1x128x128xf32, #tpu.memory_space<vmem>> -> memref<128x128xf32, #tpu.memory_space<vmem>>
        %dma_wait3A_120 = arith.constant 0 : i32
        %dma_wait3A_121 = arith.constant 0 : i32
        %dma_wait3A_122 = tpu.memref_slice %arg4[%dma_wait3A_120, %dma_wait3A_121] : memref<320000x128xf32, #tpu.memory_space<hbm>> -> memref<128x128xf32, #tpu.memory_space<hbm>>
        %dma_wait3A_123 = arith.constant 0 : i32
        %dma_wait3A_124 = arith.constant 0 : i32
        %dma_wait3A_125 = tpu.memref_slice %arg8[%dma_wait3A_115, %dma_wait3A_123, %dma_wait3A_124] : memref<3x128x128xf32, #tpu.memory_space<vmem>> -> memref<1x128x128xf32, #tpu.memory_space<vmem>>
        %dma_wait3A_126 = tpu.memref_squeeze %dma_wait3A_125 : memref<1x128x128xf32, #tpu.memory_space<vmem>> -> memref<128x128xf32, #tpu.memory_space<vmem>>
        %dma_wait3A_127 = arith.constant 0 : i32
        %dma_wait3A_128 = arith.constant 0 : i32
        %dma_wait3A_129 = tpu.memref_slice %arg4[%dma_wait3A_127, %dma_wait3A_128] : memref<320000x128xf32, #tpu.memory_space<hbm>> -> memref<128x128xf32, #tpu.memory_space<hbm>>
        tpu.wait_dma2 semaphore(%arg15 : memref<!tpu.dma_semaphore, #tpu.memory_space<semaphore_mem>>) src(%dma_wait3A_129 : memref<128x128xf32, #tpu.memory_space<hbm>>) dst(%dma_wait3A_126 : memref<128x128xf32, #tpu.memory_space<vmem>>)
        %add3A_130 = arith.constant 2 : i32
        %add3A_131 = arith.addi %add3A_95, %add3A_130 : i32
        %lt3A_132 = arith.cmpi slt, %add3A_131, %mul3A_12 : i32
        %convert_element_type3A_133 = arith.extui %lt3A_132 : i1 to i32
        %cond3A_134 = arith.constant 0 : i32
        %cond3A_135 = arith.cmpi ne, %convert_element_type3A_133, %cond3A_134 : i32
        scf.if %cond3A_135 {
          %add3A_422 = arith.constant 2 : i32
          %add3A_423 = arith.addi %add3A_95, %add3A_422 : i32
          %mul3A_424 = arith.constant 128 : i32
          %mul3A_425 = arith.muli %add3A_423, %mul3A_424 : i32
          %multiple_of3A_426 = tpu.assume_multiple %mul3A_425, 128 : i32
          %dma_start3A_427 = arith.constant 1 : i32
          %dma_start3A_428 = arith.constant 0 : i32
          %dma_start3A_429 = arith.constant 0 : i32
          %dma_start3A_430 = tpu.memref_slice %arg7[%dma_start3A_427, %dma_start3A_428, %dma_start3A_429] : memref<3x128x128xf32, #tpu.memory_space<vmem>> -> memref<1x128x128xf32, #tpu.memory_space<vmem>>
          %dma_start3A_431 = tpu.memref_squeeze %dma_start3A_430 : memref<1x128x128xf32, #tpu.memory_space<vmem>> -> memref<128x128xf32, #tpu.memory_space<vmem>>
          %dma_start3A_432 = tpu.memref_slice %arg6[%multiple_of3A_426] : memref<10240xi32, #tpu.memory_space<vmem>> -> memref<128xi32, #tpu.memory_space<vmem>>
          %dma_start3A_433 = arith.constant 0 : i32
          %dma_start3A_434 = arith.constant 0 : i32
          %dma_start3A_435 = tpu.memref_slice %arg2[%dma_start3A_433, %dma_start3A_434] : memref<10000x128xf32, #tpu.memory_space<hbm>> -> memref<10000x128xf32, #tpu.memory_space<hbm>>
          tpu.enqueue_indirect_dma source(%dma_start3A_435 : memref<10000x128xf32, #tpu.memory_space<hbm>>) target(%dma_start3A_431 : memref<128x128xf32, #tpu.memory_space<vmem>>) offsets(%dma_start3A_432 : memref<128xi32, #tpu.memory_space<vmem>>) semaphore(%arg11 : memref<!tpu.dma_semaphore, #tpu.memory_space<semaphore_mem>>)
          %add3A_436 = arith.addi %multiple_of3A, %multiple_of3A_426 : i32
          %dma_start3A_437 = arith.constant 1 : i32
          %dma_start3A_438 = arith.constant 0 : i32
          %dma_start3A_439 = arith.constant 0 : i32
          %dma_start3A_440 = tpu.memref_slice %arg8[%dma_start3A_437, %dma_start3A_438, %dma_start3A_439] : memref<3x128x128xf32, #tpu.memory_space<vmem>> -> memref<1x128x128xf32, #tpu.memory_space<vmem>>
          %dma_start3A_441 = tpu.memref_squeeze %dma_start3A_440 : memref<1x128x128xf32, #tpu.memory_space<vmem>> -> memref<128x128xf32, #tpu.memory_space<vmem>>
          %dma_start3A_442 = arith.constant 0 : i32
          %dma_start3A_443 = tpu.memref_slice %arg4[%add3A_436, %dma_start3A_442] : memref<320000x128xf32, #tpu.memory_space<hbm>> -> memref<128x128xf32, #tpu.memory_space<hbm>>
          %dma_start3A_444 = arith.constant 0 : i32
          %dma_start3A_445 = arith.constant 0 : i32
          %dma_start3A_446 = tpu.memref_slice %arg8[%dma_start3A_437, %dma_start3A_444, %dma_start3A_445] : memref<3x128x128xf32, #tpu.memory_space<vmem>> -> memref<1x128x128xf32, #tpu.memory_space<vmem>>
          %dma_start3A_447 = tpu.memref_squeeze %dma_start3A_446 : memref<1x128x128xf32, #tpu.memory_space<vmem>> -> memref<128x128xf32, #tpu.memory_space<vmem>>
          %dma_start3A_448 = arith.constant 0 : i32
          %dma_start3A_449 = tpu.memref_slice %arg4[%add3A_436, %dma_start3A_448] : memref<320000x128xf32, #tpu.memory_space<hbm>> -> memref<128x128xf32, #tpu.memory_space<hbm>>
          tpu.enqueue_dma source(%dma_start3A_449 : memref<128x128xf32, #tpu.memory_space<hbm>>) target(%dma_start3A_447 : memref<128x128xf32, #tpu.memory_space<vmem>>) target_semaphore(%arg14 : memref<!tpu.dma_semaphore, #tpu.memory_space<semaphore_mem>>)
        } else {
        }
        %jit3A_136 = arith.constant 2 : i32
        %eq3A = arith.constant 0 : i32
        %eq3A_137 = arith.cmpi eq, %jit3A_136, %eq3A : i32
        %jit3A_138 = arith.constant 1 : i32
        %select_n3A_139 = arith.select %eq3A_137, %jit3A_138, %jit3A_136 : i32
        %rem3A = arith.remsi %add3A_95, %select_n3A_139 : i32
        %ne3A = arith.constant 0 : i32
        %ne3A_140 = arith.cmpi ne, %rem3A, %ne3A : i32
        %lt3A_141 = arith.constant 0 : i32
        %lt3A_142 = arith.cmpi slt, %rem3A, %lt3A_141 : i32
        %lt3A_143 = arith.constant 0 : i32
        %lt3A_144 = arith.cmpi slt, %select_n3A_139, %lt3A_143 : i32
        %ne3A_145 = arith.xori %lt3A_142, %lt3A_144 : i1
        %and3A = arith.andi %ne3A_145, %ne3A_140 : i1
        %add3A_146 = arith.addi %rem3A, %select_n3A_139 : i32
        %select_n3A_147 = arith.select %and3A, %add3A_146, %rem3A : i32
        %eq3A_148 = arith.constant 0 : i32
        %eq3A_149 = arith.cmpi eq, %select_n3A_147, %eq3A_148 : i32
        %gt3A = arith.constant 0 : i32
        %gt3A_150 = arith.cmpi sgt, %add3A_95, %gt3A : i32
        %and3A_151 = arith.andi %eq3A_149, %gt3A_150 : i1
        %convert_element_type3A_152 = arith.extui %and3A_151 : i1 to i32
        %cond3A_153 = arith.constant 0 : i32
        %cond3A_154 = arith.cmpi ne, %convert_element_type3A_152, %cond3A_153 : i32
        scf.if %cond3A_154 {
          %dma_wait3A_422 = arith.constant 0 : i32
          %dma_wait3A_423 = arith.constant 0 : i32
          %dma_wait3A_424 = tpu.memref_slice %arg5[%dma_wait3A_422, %dma_wait3A_423] : memref<10000x128xf32, #tpu.memory_space<hbm>> -> memref<8x128xf32, #tpu.memory_space<hbm>>
          %dma_wait3A_425 = arith.constant 0 : i32
          %dma_wait3A_426 = arith.constant 0 : i32
          %dma_wait3A_427 = tpu.memref_slice %arg5[%dma_wait3A_425, %dma_wait3A_426] : memref<10000x128xf32, #tpu.memory_space<hbm>> -> memref<8x128xf32, #tpu.memory_space<hbm>>
          tpu.wait_dma2 semaphore(%arg16 : memref<!tpu.dma_semaphore, #tpu.memory_space<semaphore_mem>>) src(%arg9 : memref<8x128xf32, #tpu.memory_space<vmem>>) dst(%dma_wait3A_427 : memref<8x128xf32, #tpu.memory_space<hbm>>)
        } else {
        }
        %broadcast_in_dim3A = arith.constant 0.000000e+00 : f32
        %broadcast_in_dim3A_155 = vector.broadcast %broadcast_in_dim3A : f32 to vector<16xf32>
        %broadcast_in_dim3A_156 = arith.constant 0.000000e+00 : f32
        %broadcast_in_dim3A_157 = vector.broadcast %broadcast_in_dim3A_156 : f32 to vector<16xf32>
        %broadcast_in_dim3A_158 = arith.constant 0.000000e+00 : f32
        %broadcast_in_dim3A_159 = vector.broadcast %broadcast_in_dim3A_158 : f32 to vector<16xf32>
        %broadcast_in_dim3A_160 = arith.constant 0.000000e+00 : f32
        %broadcast_in_dim3A_161 = vector.broadcast %broadcast_in_dim3A_160 : f32 to vector<16xf32>
        %broadcast_in_dim3A_162 = arith.constant 0.000000e+00 : f32
        %broadcast_in_dim3A_163 = vector.broadcast %broadcast_in_dim3A_162 : f32 to vector<16xf32>
        %broadcast_in_dim3A_164 = arith.constant 0.000000e+00 : f32
        %broadcast_in_dim3A_165 = vector.broadcast %broadcast_in_dim3A_164 : f32 to vector<16xf32>
        %broadcast_in_dim3A_166 = arith.constant 0.000000e+00 : f32
        %broadcast_in_dim3A_167 = vector.broadcast %broadcast_in_dim3A_166 : f32 to vector<16xf32>
        %broadcast_in_dim3A_168 = arith.constant 0.000000e+00 : f32
        %broadcast_in_dim3A_169 = vector.broadcast %broadcast_in_dim3A_168 : f32 to vector<16xf32>
        %scan3A_170 = arith.constant 0 : i32
        %scan3A_171 = arith.constant 32 : i32
        %scan3A_172 = arith.addi %scan3A_170, %scan3A_171 : i32
        %scan3A_173 = arith.constant 1 : i32
        %scan3A_174:8 = scf.for %scan3A_422 = %scan3A_170 to %scan3A_172 step %scan3A_173 iter_args(%scan3A_423 = %broadcast_in_dim3A_155, %scan3A_424 = %broadcast_in_dim3A_157, %scan3A_425 = %broadcast_in_dim3A_159, %scan3A_426 = %broadcast_in_dim3A_161, %scan3A_427 = %broadcast_in_dim3A_163, %scan3A_428 = %broadcast_in_dim3A_165, %scan3A_429 = %broadcast_in_dim3A_167, %scan3A_430 = %broadcast_in_dim3A_169) -> (vector<16xf32>, vector<16xf32>, vector<16xf32>, vector<16xf32>, vector<16xf32>, vector<16xf32>, vector<16xf32>, vector<16xf32>)  : i32 {
          %add3A_431 = arith.constant 0 : i32
          %add3A_432 = arith.addi %add3A_431, %scan3A_422 : i32
          %get3A = arith.constant 2 : i32
          %get3A_433 = arith.index_cast %get3A : i32 to index
          %get3A_434 = arith.index_cast %add3A_432 : i32 to index
          %get3A_435 = arith.constant 0 : index
          %get3A_436 = tpu.vector_load %arg7[%get3A_433, %get3A_434, %get3A_435] {strides = array<i32>} : memref<3x128x128xf32, #tpu.memory_space<vmem>>, vector<1x1x16xf32>,
          %get3A_437 = vector.shape_cast %get3A_436 : vector<1x1x16xf32> to vector<16xf32>
          %get3A_438 = arith.constant 2 : i32
          %get3A_439 = arith.index_cast %get3A_438 : i32 to index
          %get3A_440 = arith.index_cast %add3A_432 : i32 to index
          %get3A_441 = arith.constant 0 : index
          %get3A_442 = tpu.vector_load %arg8[%get3A_439, %get3A_440, %get3A_441] {strides = array<i32>} : memref<3x128x128xf32, #tpu.memory_space<vmem>>, vector<1x1x16xf32>,
          %get3A_443 = vector.shape_cast %get3A_442 : vector<1x1x16xf32> to vector<16xf32>
          %mul3A_444 = arith.mulf %get3A_437, %get3A_443 : vector<16xf32>
          %add3A_445 = arith.addf %scan3A_423, %mul3A_444 : vector<16xf32>
          %get3A_446 = arith.constant 2 : i32
          %get3A_447 = arith.index_cast %get3A_446 : i32 to index
          %get3A_448 = arith.index_cast %add3A_432 : i32 to index
          %get3A_449 = arith.constant 16 : index
          %get3A_450 = tpu.vector_load %arg7[%get3A_447, %get3A_448, %get3A_449] {strides = array<i32>} : memref<3x128x128xf32, #tpu.memory_space<vmem>>, vector<1x1x16xf32>,
          %get3A_451 = vector.shape_cast %get3A_450 : vector<1x1x16xf32> to vector<16xf32>
          %get3A_452 = arith.constant 2 : i32
          %get3A_453 = arith.index_cast %get3A_452 : i32 to index
          %get3A_454 = arith.index_cast %add3A_432 : i32 to index
          %get3A_455 = arith.constant 16 : index
          %get3A_456 = tpu.vector_load %arg8[%get3A_453, %get3A_454, %get3A_455] {strides = array<i32>} : memref<3x128x128xf32, #tpu.memory_space<vmem>>, vector<1x1x16xf32>,
          %get3A_457 = vector.shape_cast %get3A_456 : vector<1x1x16xf32> to vector<16xf32>
          %mul3A_458 = arith.mulf %get3A_451, %get3A_457 : vector<16xf32>
          %add3A_459 = arith.addf %scan3A_424, %mul3A_458 : vector<16xf32>
          %get3A_460 = arith.constant 2 : i32
          %get3A_461 = arith.index_cast %get3A_460 : i32 to index
          %get3A_462 = arith.index_cast %add3A_432 : i32 to index
          %get3A_463 = arith.constant 32 : index
          %get3A_464 = tpu.vector_load %arg7[%get3A_461, %get3A_462, %get3A_463] {strides = array<i32>} : memref<3x128x128xf32, #tpu.memory_space<vmem>>, vector<1x1x16xf32>,
          %get3A_465 = vector.shape_cast %get3A_464 : vector<1x1x16xf32> to vector<16xf32>
          %get3A_466 = arith.constant 2 : i32
          %get3A_467 = arith.index_cast %get3A_466 : i32 to index
          %get3A_468 = arith.index_cast %add3A_432 : i32 to index
          %get3A_469 = arith.constant 32 : index
          %get3A_470 = tpu.vector_load %arg8[%get3A_467, %get3A_468, %get3A_469] {strides = array<i32>} : memref<3x128x128xf32, #tpu.memory_space<vmem>>, vector<1x1x16xf32>,
          %get3A_471 = vector.shape_cast %get3A_470 : vector<1x1x16xf32> to vector<16xf32>
          %mul3A_472 = arith.mulf %get3A_465, %get3A_471 : vector<16xf32>
          %add3A_473 = arith.addf %scan3A_425, %mul3A_472 : vector<16xf32>
          %get3A_474 = arith.constant 2 : i32
          %get3A_475 = arith.index_cast %get3A_474 : i32 to index
          %get3A_476 = arith.index_cast %add3A_432 : i32 to index
          %get3A_477 = arith.constant 48 : index
          %get3A_478 = tpu.vector_load %arg7[%get3A_475, %get3A_476, %get3A_477] {strides = array<i32>} : memref<3x128x128xf32, #tpu.memory_space<vmem>>, vector<1x1x16xf32>,
          %get3A_479 = vector.shape_cast %get3A_478 : vector<1x1x16xf32> to vector<16xf32>
          %get3A_480 = arith.constant 2 : i32
          %get3A_481 = arith.index_cast %get3A_480 : i32 to index
          %get3A_482 = arith.index_cast %add3A_432 : i32 to index
          %get3A_483 = arith.constant 48 : index
          %get3A_484 = tpu.vector_load %arg8[%get3A_481, %get3A_482, %get3A_483] {strides = array<i32>} : memref<3x128x128xf32, #tpu.memory_space<vmem>>, vector<1x1x16xf32>,
          %get3A_485 = vector.shape_cast %get3A_484 : vector<1x1x16xf32> to vector<16xf32>
          %mul3A_486 = arith.mulf %get3A_479, %get3A_485 : vector<16xf32>
          %add3A_487 = arith.addf %scan3A_426, %mul3A_486 : vector<16xf32>
          %get3A_488 = arith.constant 2 : i32
          %get3A_489 = arith.index_cast %get3A_488 : i32 to index
          %get3A_490 = arith.index_cast %add3A_432 : i32 to index
          %get3A_491 = arith.constant 64 : index
          %get3A_492 = tpu.vector_load %arg7[%get3A_489, %get3A_490, %get3A_491] {strides = array<i32>} : memref<3x128x128xf32, #tpu.memory_space<vmem>>, vector<1x1x16xf32>,
          %get3A_493 = vector.shape_cast %get3A_492 : vector<1x1x16xf32> to vector<16xf32>
          %get3A_494 = arith.constant 2 : i32
          %get3A_495 = arith.index_cast %get3A_494 : i32 to index
          %get3A_496 = arith.index_cast %add3A_432 : i32 to index
          %get3A_497 = arith.constant 64 : index
          %get3A_498 = tpu.vector_load %arg8[%get3A_495, %get3A_496, %get3A_497] {strides = array<i32>} : memref<3x128x128xf32, #tpu.memory_space<vmem>>, vector<1x1x16xf32>,
          %get3A_499 = vector.shape_cast %get3A_498 : vector<1x1x16xf32> to vector<16xf32>
          %mul3A_500 = arith.mulf %get3A_493, %get3A_499 : vector<16xf32>
          %add3A_501 = arith.addf %scan3A_427, %mul3A_500 : vector<16xf32>
          %get3A_502 = arith.constant 2 : i32
          %get3A_503 = arith.index_cast %get3A_502 : i32 to index
          %get3A_504 = arith.index_cast %add3A_432 : i32 to index
          %get3A_505 = arith.constant 80 : index
          %get3A_506 = tpu.vector_load %arg7[%get3A_503, %get3A_504, %get3A_505] {strides = array<i32>} : memref<3x128x128xf32, #tpu.memory_space<vmem>>, vector<1x1x16xf32>,
          %get3A_507 = vector.shape_cast %get3A_506 : vector<1x1x16xf32> to vector<16xf32>
          %get3A_508 = arith.constant 2 : i32
          %get3A_509 = arith.index_cast %get3A_508 : i32 to index
          %get3A_510 = arith.index_cast %add3A_432 : i32 to index
          %get3A_511 = arith.constant 80 : index
          %get3A_512 = tpu.vector_load %arg8[%get3A_509, %get3A_510, %get3A_511] {strides = array<i32>} : memref<3x128x128xf32, #tpu.memory_space<vmem>>, vector<1x1x16xf32>,
          %get3A_513 = vector.shape_cast %get3A_512 : vector<1x1x16xf32> to vector<16xf32>
          %mul3A_514 = arith.mulf %get3A_507, %get3A_513 : vector<16xf32>
          %add3A_515 = arith.addf %scan3A_428, %mul3A_514 : vector<16xf32>
          %get3A_516 = arith.constant 2 : i32
          %get3A_517 = arith.index_cast %get3A_516 : i32 to index
          %get3A_518 = arith.index_cast %add3A_432 : i32 to index
          %get3A_519 = arith.constant 96 : index
          %get3A_520 = tpu.vector_load %arg7[%get3A_517, %get3A_518, %get3A_519] {strides = array<i32>} : memref<3x128x128xf32, #tpu.memory_space<vmem>>, vector<1x1x16xf32>,
          %get3A_521 = vector.shape_cast %get3A_520 : vector<1x1x16xf32> to vector<16xf32>
          %get3A_522 = arith.constant 2 : i32
          %get3A_523 = arith.index_cast %get3A_522 : i32 to index
          %get3A_524 = arith.index_cast %add3A_432 : i32 to index
          %get3A_525 = arith.constant 96 : index
          %get3A_526 = tpu.vector_load %arg8[%get3A_523, %get3A_524, %get3A_525] {strides = array<i32>} : memref<3x128x128xf32, #tpu.memory_space<vmem>>, vector<1x1x16xf32>,
          %get3A_527 = vector.shape_cast %get3A_526 : vector<1x1x16xf32> to vector<16xf32>
          %mul3A_528 = arith.mulf %get3A_521, %get3A_527 : vector<16xf32>
          %add3A_529 = arith.addf %scan3A_429, %mul3A_528 : vector<16xf32>
          %get3A_530 = arith.constant 2 : i32
          %get3A_531 = arith.index_cast %get3A_530 : i32 to index
          %get3A_532 = arith.index_cast %add3A_432 : i32 to index
          %get3A_533 = arith.constant 112 : index
          %get3A_534 = tpu.vector_load %arg7[%get3A_531, %get3A_532, %get3A_533] {strides = array<i32>} : memref<3x128x128xf32, #tpu.memory_space<vmem>>, vector<1x1x16xf32>,
          %get3A_535 = vector.shape_cast %get3A_534 : vector<1x1x16xf32> to vector<16xf32>
          %get3A_536 = arith.constant 2 : i32
          %get3A_537 = arith.index_cast %get3A_536 : i32 to index
          %get3A_538 = arith.index_cast %add3A_432 : i32 to index
          %get3A_539 = arith.constant 112 : index
          %get3A_540 = tpu.vector_load %arg8[%get3A_537, %get3A_538, %get3A_539] {strides = array<i32>} : memref<3x128x128xf32, #tpu.memory_space<vmem>>, vector<1x1x16xf32>,
          %get3A_541 = vector.shape_cast %get3A_540 : vector<1x1x16xf32> to vector<16xf32>
          %mul3A_542 = arith.mulf %get3A_535, %get3A_541 : vector<16xf32>
          %add3A_543 = arith.addf %scan3A_430, %mul3A_542 : vector<16xf32>
          scf.yield %add3A_445, %add3A_459, %add3A_473, %add3A_487, %add3A_501, %add3A_515, %add3A_529, %add3A_543 : vector<16xf32>, vector<16xf32>, vector<16xf32>, vector<16xf32>, vector<16xf32>, vector<16xf32>, vector<16xf32>, vector<16xf32>
        }
        %scan3A_175 = arith.constant 32 : i32
        %mul3A_176 = arith.constant 4 : i32
        %mul3A_177 = arith.muli %select_n3A_147, %mul3A_176 : i32
        %add3A_178 = arith.constant 0 : i32
        %add3A_179 = arith.addi %mul3A_177, %add3A_178 : i32
        %swap3A = arith.index_cast %add3A_179 : i32 to index
        %swap3A_180 = arith.constant 0 : index
        %swap3A_181 = tpu.vector_load %arg9[%swap3A, %swap3A_180] {strides = array<i32>} : memref<8x128xf32, #tpu.memory_space<vmem>>, vector<1x16xf32>,
        %swap3A_182 = vector.shape_cast %swap3A_181 : vector<1x16xf32> to vector<16xf32>
        %swap3A_183 = vector.shape_cast %scan3A_174#0 : vector<16xf32> to vector<1x16xf32>
        tpu.vector_store %arg9[%swap3A, %swap3A_180], %swap3A_183 {strides = array<i32>} : memref<8x128xf32, #tpu.memory_space<vmem>>, vector<1x16xf32>,
        %swap3A_184 = arith.index_cast %add3A_179 : i32 to index
        %swap3A_185 = arith.constant 16 : index
        %swap3A_186 = tpu.vector_load %arg9[%swap3A_184, %swap3A_185] {strides = array<i32>} : memref<8x128xf32, #tpu.memory_space<vmem>>, vector<1x16xf32>,
        %swap3A_187 = vector.shape_cast %swap3A_186 : vector<1x16xf32> to vector<16xf32>
        %swap3A_188 = vector.shape_cast %scan3A_174#1 : vector<16xf32> to vector<1x16xf32>
        tpu.vector_store %arg9[%swap3A_184, %swap3A_185], %swap3A_188 {strides = array<i32>} : memref<8x128xf32, #tpu.memory_space<vmem>>, vector<1x16xf32>,
        %swap3A_189 = arith.index_cast %add3A_179 : i32 to index
        %swap3A_190 = arith.constant 32 : index
        %swap3A_191 = tpu.vector_load %arg9[%swap3A_189, %swap3A_190] {strides = array<i32>} : memref<8x128xf32, #tpu.memory_space<vmem>>, vector<1x16xf32>,
        %swap3A_192 = vector.shape_cast %swap3A_191 : vector<1x16xf32> to vector<16xf32>
        %swap3A_193 = vector.shape_cast %scan3A_174#2 : vector<16xf32> to vector<1x16xf32>
        tpu.vector_store %arg9[%swap3A_189, %swap3A_190], %swap3A_193 {strides = array<i32>} : memref<8x128xf32, #tpu.memory_space<vmem>>, vector<1x16xf32>,
        %swap3A_194 = arith.index_cast %add3A_179 : i32 to index
        %swap3A_195 = arith.constant 48 : index
        %swap3A_196 = tpu.vector_load %arg9[%swap3A_194, %swap3A_195] {strides = array<i32>} : memref<8x128xf32, #tpu.memory_space<vmem>>, vector<1x16xf32>,
        %swap3A_197 = vector.shape_cast %swap3A_196 : vector<1x16xf32> to vector<16xf32>
        %swap3A_198 = vector.shape_cast %scan3A_174#3 : vector<16xf32> to vector<1x16xf32>
        tpu.vector_store %arg9[%swap3A_194, %swap3A_195], %swap3A_198 {strides = array<i32>} : memref<8x128xf32, #tpu.memory_space<vmem>>, vector<1x16xf32>,
        %swap3A_199 = arith.index_cast %add3A_179 : i32 to index
        %swap3A_200 = arith.constant 64 : index
        %swap3A_201 = tpu.vector_load %arg9[%swap3A_199, %swap3A_200] {strides = array<i32>} : memref<8x128xf32, #tpu.memory_space<vmem>>, vector<1x16xf32>,
        %swap3A_202 = vector.shape_cast %swap3A_201 : vector<1x16xf32> to vector<16xf32>
        %swap3A_203 = vector.shape_cast %scan3A_174#4 : vector<16xf32> to vector<1x16xf32>
        tpu.vector_store %arg9[%swap3A_199, %swap3A_200], %swap3A_203 {strides = array<i32>} : memref<8x128xf32, #tpu.memory_space<vmem>>, vector<1x16xf32>,
        %swap3A_204 = arith.index_cast %add3A_179 : i32 to index
        %swap3A_205 = arith.constant 80 : index
        %swap3A_206 = tpu.vector_load %arg9[%swap3A_204, %swap3A_205] {strides = array<i32>} : memref<8x128xf32, #tpu.memory_space<vmem>>, vector<1x16xf32>,
        %swap3A_207 = vector.shape_cast %swap3A_206 : vector<1x16xf32> to vector<16xf32>
        %swap3A_208 = vector.shape_cast %scan3A_174#5 : vector<16xf32> to vector<1x16xf32>
        tpu.vector_store %arg9[%swap3A_204, %swap3A_205], %swap3A_208 {strides = array<i32>} : memref<8x128xf32, #tpu.memory_space<vmem>>, vector<1x16xf32>,
        %swap3A_209 = arith.index_cast %add3A_179 : i32 to index
        %swap3A_210 = arith.constant 96 : index
        %swap3A_211 = tpu.vector_load %arg9[%swap3A_209, %swap3A_210] {strides = array<i32>} : memref<8x128xf32, #tpu.memory_space<vmem>>, vector<1x16xf32>,
        %swap3A_212 = vector.shape_cast %swap3A_211 : vector<1x16xf32> to vector<16xf32>
        %swap3A_213 = vector.shape_cast %scan3A_174#6 : vector<16xf32> to vector<1x16xf32>
        tpu.vector_store %arg9[%swap3A_209, %swap3A_210], %swap3A_213 {strides = array<i32>} : memref<8x128xf32, #tpu.memory_space<vmem>>, vector<1x16xf32>,
        %swap3A_214 = arith.index_cast %add3A_179 : i32 to index
        %swap3A_215 = arith.constant 112 : index
        %swap3A_216 = tpu.vector_load %arg9[%swap3A_214, %swap3A_215] {strides = array<i32>} : memref<8x128xf32, #tpu.memory_space<vmem>>, vector<1x16xf32>,
        %swap3A_217 = vector.shape_cast %swap3A_216 : vector<1x16xf32> to vector<16xf32>
        %swap3A_218 = vector.shape_cast %scan3A_174#7 : vector<16xf32> to vector<1x16xf32>
        tpu.vector_store %arg9[%swap3A_214, %swap3A_215], %swap3A_218 {strides = array<i32>} : memref<8x128xf32, #tpu.memory_space<vmem>>, vector<1x16xf32>,
        %broadcast_in_dim3A_219 = arith.constant 0.000000e+00 : f32
        %broadcast_in_dim3A_220 = vector.broadcast %broadcast_in_dim3A_219 : f32 to vector<16xf32>
        %broadcast_in_dim3A_221 = arith.constant 0.000000e+00 : f32
        %broadcast_in_dim3A_222 = vector.broadcast %broadcast_in_dim3A_221 : f32 to vector<16xf32>
        %broadcast_in_dim3A_223 = arith.constant 0.000000e+00 : f32
        %broadcast_in_dim3A_224 = vector.broadcast %broadcast_in_dim3A_223 : f32 to vector<16xf32>
        %broadcast_in_dim3A_225 = arith.constant 0.000000e+00 : f32
        %broadcast_in_dim3A_226 = vector.broadcast %broadcast_in_dim3A_225 : f32 to vector<16xf32>
        %broadcast_in_dim3A_227 = arith.constant 0.000000e+00 : f32
        %broadcast_in_dim3A_228 = vector.broadcast %broadcast_in_dim3A_227 : f32 to vector<16xf32>
        %broadcast_in_dim3A_229 = arith.constant 0.000000e+00 : f32
        %broadcast_in_dim3A_230 = vector.broadcast %broadcast_in_dim3A_229 : f32 to vector<16xf32>
        %broadcast_in_dim3A_231 = arith.constant 0.000000e+00 : f32
        %broadcast_in_dim3A_232 = vector.broadcast %broadcast_in_dim3A_231 : f32 to vector<16xf32>
        %broadcast_in_dim3A_233 = arith.constant 0.000000e+00 : f32
        %broadcast_in_dim3A_234 = vector.broadcast %broadcast_in_dim3A_233 : f32 to vector<16xf32>
        %scan3A_235 = arith.constant 0 : i32
        %scan3A_236 = arith.constant 32 : i32
        %scan3A_237 = arith.addi %scan3A_235, %scan3A_236 : i32
        %scan3A_238 = arith.constant 1 : i32
        %scan3A_239:8 = scf.for %scan3A_422 = %scan3A_235 to %scan3A_237 step %scan3A_238 iter_args(%scan3A_423 = %broadcast_in_dim3A_220, %scan3A_424 = %broadcast_in_dim3A_222, %scan3A_425 = %broadcast_in_dim3A_224, %scan3A_426 = %broadcast_in_dim3A_226, %scan3A_427 = %broadcast_in_dim3A_228, %scan3A_428 = %broadcast_in_dim3A_230, %scan3A_429 = %broadcast_in_dim3A_232, %scan3A_430 = %broadcast_in_dim3A_234) -> (vector<16xf32>, vector<16xf32>, vector<16xf32>, vector<16xf32>, vector<16xf32>, vector<16xf32>, vector<16xf32>, vector<16xf32>)  : i32 {
          %add3A_431 = arith.constant 32 : i32
          %add3A_432 = arith.addi %add3A_431, %scan3A_422 : i32
          %get3A = arith.constant 2 : i32
          %get3A_433 = arith.index_cast %get3A : i32 to index
          %get3A_434 = arith.index_cast %add3A_432 : i32 to index
          %get3A_435 = arith.constant 0 : index
          %get3A_436 = tpu.vector_load %arg7[%get3A_433, %get3A_434, %get3A_435] {strides = array<i32>} : memref<3x128x128xf32, #tpu.memory_space<vmem>>, vector<1x1x16xf32>,
          %get3A_437 = vector.shape_cast %get3A_436 : vector<1x1x16xf32> to vector<16xf32>
          %get3A_438 = arith.constant 2 : i32
          %get3A_439 = arith.index_cast %get3A_438 : i32 to index
          %get3A_440 = arith.index_cast %add3A_432 : i32 to index
          %get3A_441 = arith.constant 0 : index
          %get3A_442 = tpu.vector_load %arg8[%get3A_439, %get3A_440, %get3A_441] {strides = array<i32>} : memref<3x128x128xf32, #tpu.memory_space<vmem>>, vector<1x1x16xf32>,
          %get3A_443 = vector.shape_cast %get3A_442 : vector<1x1x16xf32> to vector<16xf32>
          %mul3A_444 = arith.mulf %get3A_437, %get3A_443 : vector<16xf32>
          %add3A_445 = arith.addf %scan3A_423, %mul3A_444 : vector<16xf32>
          %get3A_446 = arith.constant 2 : i32
          %get3A_447 = arith.index_cast %get3A_446 : i32 to index
          %get3A_448 = arith.index_cast %add3A_432 : i32 to index
          %get3A_449 = arith.constant 16 : index
          %get3A_450 = tpu.vector_load %arg7[%get3A_447, %get3A_448, %get3A_449] {strides = array<i32>} : memref<3x128x128xf32, #tpu.memory_space<vmem>>, vector<1x1x16xf32>,
          %get3A_451 = vector.shape_cast %get3A_450 : vector<1x1x16xf32> to vector<16xf32>
          %get3A_452 = arith.constant 2 : i32
          %get3A_453 = arith.index_cast %get3A_452 : i32 to index
          %get3A_454 = arith.index_cast %add3A_432 : i32 to index
          %get3A_455 = arith.constant 16 : index
          %get3A_456 = tpu.vector_load %arg8[%get3A_453, %get3A_454, %get3A_455] {strides = array<i32>} : memref<3x128x128xf32, #tpu.memory_space<vmem>>, vector<1x1x16xf32>,
          %get3A_457 = vector.shape_cast %get3A_456 : vector<1x1x16xf32> to vector<16xf32>
          %mul3A_458 = arith.mulf %get3A_451, %get3A_457 : vector<16xf32>
          %add3A_459 = arith.addf %scan3A_424, %mul3A_458 : vector<16xf32>
          %get3A_460 = arith.constant 2 : i32
          %get3A_461 = arith.index_cast %get3A_460 : i32 to index
          %get3A_462 = arith.index_cast %add3A_432 : i32 to index
          %get3A_463 = arith.constant 32 : index
          %get3A_464 = tpu.vector_load %arg7[%get3A_461, %get3A_462, %get3A_463] {strides = array<i32>} : memref<3x128x128xf32, #tpu.memory_space<vmem>>, vector<1x1x16xf32>,
          %get3A_465 = vector.shape_cast %get3A_464 : vector<1x1x16xf32> to vector<16xf32>
          %get3A_466 = arith.constant 2 : i32
          %get3A_467 = arith.index_cast %get3A_466 : i32 to index
          %get3A_468 = arith.index_cast %add3A_432 : i32 to index
          %get3A_469 = arith.constant 32 : index
          %get3A_470 = tpu.vector_load %arg8[%get3A_467, %get3A_468, %get3A_469] {strides = array<i32>} : memref<3x128x128xf32, #tpu.memory_space<vmem>>, vector<1x1x16xf32>,
          %get3A_471 = vector.shape_cast %get3A_470 : vector<1x1x16xf32> to vector<16xf32>
          %mul3A_472 = arith.mulf %get3A_465, %get3A_471 : vector<16xf32>
          %add3A_473 = arith.addf %scan3A_425, %mul3A_472 : vector<16xf32>
          %get3A_474 = arith.constant 2 : i32
          %get3A_475 = arith.index_cast %get3A_474 : i32 to index
          %get3A_476 = arith.index_cast %add3A_432 : i32 to index
          %get3A_477 = arith.constant 48 : index
          %get3A_478 = tpu.vector_load %arg7[%get3A_475, %get3A_476, %get3A_477] {strides = array<i32>} : memref<3x128x128xf32, #tpu.memory_space<vmem>>, vector<1x1x16xf32>,
          %get3A_479 = vector.shape_cast %get3A_478 : vector<1x1x16xf32> to vector<16xf32>
          %get3A_480 = arith.constant 2 : i32
          %get3A_481 = arith.index_cast %get3A_480 : i32 to index
          %get3A_482 = arith.index_cast %add3A_432 : i32 to index
          %get3A_483 = arith.constant 48 : index
          %get3A_484 = tpu.vector_load %arg8[%get3A_481, %get3A_482, %get3A_483] {strides = array<i32>} : memref<3x128x128xf32, #tpu.memory_space<vmem>>, vector<1x1x16xf32>,
          %get3A_485 = vector.shape_cast %get3A_484 : vector<1x1x16xf32> to vector<16xf32>
          %mul3A_486 = arith.mulf %get3A_479, %get3A_485 : vector<16xf32>
          %add3A_487 = arith.addf %scan3A_426, %mul3A_486 : vector<16xf32>
          %get3A_488 = arith.constant 2 : i32
          %get3A_489 = arith.index_cast %get3A_488 : i32 to index
          %get3A_490 = arith.index_cast %add3A_432 : i32 to index
          %get3A_491 = arith.constant 64 : index
          %get3A_492 = tpu.vector_load %arg7[%get3A_489, %get3A_490, %get3A_491] {strides = array<i32>} : memref<3x128x128xf32, #tpu.memory_space<vmem>>, vector<1x1x16xf32>,
          %get3A_493 = vector.shape_cast %get3A_492 : vector<1x1x16xf32> to vector<16xf32>
          %get3A_494 = arith.constant 2 : i32
          %get3A_495 = arith.index_cast %get3A_494 : i32 to index
          %get3A_496 = arith.index_cast %add3A_432 : i32 to index
          %get3A_497 = arith.constant 64 : index
          %get3A_498 = tpu.vector_load %arg8[%get3A_495, %get3A_496, %get3A_497] {strides = array<i32>} : memref<3x128x128xf32, #tpu.memory_space<vmem>>, vector<1x1x16xf32>,
          %get3A_499 = vector.shape_cast %get3A_498 : vector<1x1x16xf32> to vector<16xf32>
          %mul3A_500 = arith.mulf %get3A_493, %get3A_499 : vector<16xf32>
          %add3A_501 = arith.addf %scan3A_427, %mul3A_500 : vector<16xf32>
          %get3A_502 = arith.constant 2 : i32
          %get3A_503 = arith.index_cast %get3A_502 : i32 to index
          %get3A_504 = arith.index_cast %add3A_432 : i32 to index
          %get3A_505 = arith.constant 80 : index
          %get3A_506 = tpu.vector_load %arg7[%get3A_503, %get3A_504, %get3A_505] {strides = array<i32>} : memref<3x128x128xf32, #tpu.memory_space<vmem>>, vector<1x1x16xf32>,
          %get3A_507 = vector.shape_cast %get3A_506 : vector<1x1x16xf32> to vector<16xf32>
          %get3A_508 = arith.constant 2 : i32
          %get3A_509 = arith.index_cast %get3A_508 : i32 to index
          %get3A_510 = arith.index_cast %add3A_432 : i32 to index
          %get3A_511 = arith.constant 80 : index
          %get3A_512 = tpu.vector_load %arg8[%get3A_509, %get3A_510, %get3A_511] {strides = array<i32>} : memref<3x128x128xf32, #tpu.memory_space<vmem>>, vector<1x1x16xf32>,
          %get3A_513 = vector.shape_cast %get3A_512 : vector<1x1x16xf32> to vector<16xf32>
          %mul3A_514 = arith.mulf %get3A_507, %get3A_513 : vector<16xf32>
          %add3A_515 = arith.addf %scan3A_428, %mul3A_514 : vector<16xf32>
          %get3A_516 = arith.constant 2 : i32
          %get3A_517 = arith.index_cast %get3A_516 : i32 to index
          %get3A_518 = arith.index_cast %add3A_432 : i32 to index
          %get3A_519 = arith.constant 96 : index
          %get3A_520 = tpu.vector_load %arg7[%get3A_517, %get3A_518, %get3A_519] {strides = array<i32>} : memref<3x128x128xf32, #tpu.memory_space<vmem>>, vector<1x1x16xf32>,
          %get3A_521 = vector.shape_cast %get3A_520 : vector<1x1x16xf32> to vector<16xf32>
          %get3A_522 = arith.constant 2 : i32
          %get3A_523 = arith.index_cast %get3A_522 : i32 to index
          %get3A_524 = arith.index_cast %add3A_432 : i32 to index
          %get3A_525 = arith.constant 96 : index
          %get3A_526 = tpu.vector_load %arg8[%get3A_523, %get3A_524, %get3A_525] {strides = array<i32>} : memref<3x128x128xf32, #tpu.memory_space<vmem>>, vector<1x1x16xf32>,
          %get3A_527 = vector.shape_cast %get3A_526 : vector<1x1x16xf32> to vector<16xf32>
          %mul3A_528 = arith.mulf %get3A_521, %get3A_527 : vector<16xf32>
          %add3A_529 = arith.addf %scan3A_429, %mul3A_528 : vector<16xf32>
          %get3A_530 = arith.constant 2 : i32
          %get3A_531 = arith.index_cast %get3A_530 : i32 to index
          %get3A_532 = arith.index_cast %add3A_432 : i32 to index
          %get3A_533 = arith.constant 112 : index
          %get3A_534 = tpu.vector_load %arg7[%get3A_531, %get3A_532, %get3A_533] {strides = array<i32>} : memref<3x128x128xf32, #tpu.memory_space<vmem>>, vector<1x1x16xf32>,
          %get3A_535 = vector.shape_cast %get3A_534 : vector<1x1x16xf32> to vector<16xf32>
          %get3A_536 = arith.constant 2 : i32
          %get3A_537 = arith.index_cast %get3A_536 : i32 to index
          %get3A_538 = arith.index_cast %add3A_432 : i32 to index
          %get3A_539 = arith.constant 112 : index
          %get3A_540 = tpu.vector_load %arg8[%get3A_537, %get3A_538, %get3A_539] {strides = array<i32>} : memref<3x128x128xf32, #tpu.memory_space<vmem>>, vector<1x1x16xf32>,
          %get3A_541 = vector.shape_cast %get3A_540 : vector<1x1x16xf32> to vector<16xf32>
          %mul3A_542 = arith.mulf %get3A_535, %get3A_541 : vector<16xf32>
          %add3A_543 = arith.addf %scan3A_430, %mul3A_542 : vector<16xf32>
          scf.yield %add3A_445, %add3A_459, %add3A_473, %add3A_487, %add3A_501, %add3A_515, %add3A_529, %add3A_543 : vector<16xf32>, vector<16xf32>, vector<16xf32>, vector<16xf32>, vector<16xf32>, vector<16xf32>, vector<16xf32>, vector<16xf32>
        }
        %scan3A_240 = arith.constant 32 : i32
        %mul3A_241 = arith.constant 4 : i32
        %mul3A_242 = arith.muli %select_n3A_147, %mul3A_241 : i32
        %add3A_243 = arith.constant 1 : i32
        %add3A_244 = arith.addi %mul3A_242, %add3A_243 : i32
        %swap3A_245 = arith.index_cast %add3A_244 : i32 to index
        %swap3A_246 = arith.constant 0 : index
        %swap3A_247 = tpu.vector_load %arg9[%swap3A_245, %swap3A_246] {strides = array<i32>} : memref<8x128xf32, #tpu.memory_space<vmem>>, vector<1x16xf32>,
        %swap3A_248 = vector.shape_cast %swap3A_247 : vector<1x16xf32> to vector<16xf32>
        %swap3A_249 = vector.shape_cast %scan3A_239#0 : vector<16xf32> to vector<1x16xf32>
        tpu.vector_store %arg9[%swap3A_245, %swap3A_246], %swap3A_249 {strides = array<i32>} : memref<8x128xf32, #tpu.memory_space<vmem>>, vector<1x16xf32>,
        %swap3A_250 = arith.index_cast %add3A_244 : i32 to index
        %swap3A_251 = arith.constant 16 : index
        %swap3A_252 = tpu.vector_load %arg9[%swap3A_250, %swap3A_251] {strides = array<i32>} : memref<8x128xf32, #tpu.memory_space<vmem>>, vector<1x16xf32>,
        %swap3A_253 = vector.shape_cast %swap3A_252 : vector<1x16xf32> to vector<16xf32>
        %swap3A_254 = vector.shape_cast %scan3A_239#1 : vector<16xf32> to vector<1x16xf32>
        tpu.vector_store %arg9[%swap3A_250, %swap3A_251], %swap3A_254 {strides = array<i32>} : memref<8x128xf32, #tpu.memory_space<vmem>>, vector<1x16xf32>,
        %swap3A_255 = arith.index_cast %add3A_244 : i32 to index
        %swap3A_256 = arith.constant 32 : index
        %swap3A_257 = tpu.vector_load %arg9[%swap3A_255, %swap3A_256] {strides = array<i32>} : memref<8x128xf32, #tpu.memory_space<vmem>>, vector<1x16xf32>,
        %swap3A_258 = vector.shape_cast %swap3A_257 : vector<1x16xf32> to vector<16xf32>
        %swap3A_259 = vector.shape_cast %scan3A_239#2 : vector<16xf32> to vector<1x16xf32>
        tpu.vector_store %arg9[%swap3A_255, %swap3A_256], %swap3A_259 {strides = array<i32>} : memref<8x128xf32, #tpu.memory_space<vmem>>, vector<1x16xf32>,
        %swap3A_260 = arith.index_cast %add3A_244 : i32 to index
        %swap3A_261 = arith.constant 48 : index
        %swap3A_262 = tpu.vector_load %arg9[%swap3A_260, %swap3A_261] {strides = array<i32>} : memref<8x128xf32, #tpu.memory_space<vmem>>, vector<1x16xf32>,
        %swap3A_263 = vector.shape_cast %swap3A_262 : vector<1x16xf32> to vector<16xf32>
        %swap3A_264 = vector.shape_cast %scan3A_239#3 : vector<16xf32> to vector<1x16xf32>
        tpu.vector_store %arg9[%swap3A_260, %swap3A_261], %swap3A_264 {strides = array<i32>} : memref<8x128xf32, #tpu.memory_space<vmem>>, vector<1x16xf32>,
        %swap3A_265 = arith.index_cast %add3A_244 : i32 to index
        %swap3A_266 = arith.constant 64 : index
        %swap3A_267 = tpu.vector_load %arg9[%swap3A_265, %swap3A_266] {strides = array<i32>} : memref<8x128xf32, #tpu.memory_space<vmem>>, vector<1x16xf32>,
        %swap3A_268 = vector.shape_cast %swap3A_267 : vector<1x16xf32> to vector<16xf32>
        %swap3A_269 = vector.shape_cast %scan3A_239#4 : vector<16xf32> to vector<1x16xf32>
        tpu.vector_store %arg9[%swap3A_265, %swap3A_266], %swap3A_269 {strides = array<i32>} : memref<8x128xf32, #tpu.memory_space<vmem>>, vector<1x16xf32>,
        %swap3A_270 = arith.index_cast %add3A_244 : i32 to index
        %swap3A_271 = arith.constant 80 : index
        %swap3A_272 = tpu.vector_load %arg9[%swap3A_270, %swap3A_271] {strides = array<i32>} : memref<8x128xf32, #tpu.memory_space<vmem>>, vector<1x16xf32>,
        %swap3A_273 = vector.shape_cast %swap3A_272 : vector<1x16xf32> to vector<16xf32>
        %swap3A_274 = vector.shape_cast %scan3A_239#5 : vector<16xf32> to vector<1x16xf32>
        tpu.vector_store %arg9[%swap3A_270, %swap3A_271], %swap3A_274 {strides = array<i32>} : memref<8x128xf32, #tpu.memory_space<vmem>>, vector<1x16xf32>,
        %swap3A_275 = arith.index_cast %add3A_244 : i32 to index
        %swap3A_276 = arith.constant 96 : index
        %swap3A_277 = tpu.vector_load %arg9[%swap3A_275, %swap3A_276] {strides = array<i32>} : memref<8x128xf32, #tpu.memory_space<vmem>>, vector<1x16xf32>,
        %swap3A_278 = vector.shape_cast %swap3A_277 : vector<1x16xf32> to vector<16xf32>
        %swap3A_279 = vector.shape_cast %scan3A_239#6 : vector<16xf32> to vector<1x16xf32>
        tpu.vector_store %arg9[%swap3A_275, %swap3A_276], %swap3A_279 {strides = array<i32>} : memref<8x128xf32, #tpu.memory_space<vmem>>, vector<1x16xf32>,
        %swap3A_280 = arith.index_cast %add3A_244 : i32 to index
        %swap3A_281 = arith.constant 112 : index
        %swap3A_282 = tpu.vector_load %arg9[%swap3A_280, %swap3A_281] {strides = array<i32>} : memref<8x128xf32, #tpu.memory_space<vmem>>, vector<1x16xf32>,
        %swap3A_283 = vector.shape_cast %swap3A_282 : vector<1x16xf32> to vector<16xf32>
        %swap3A_284 = vector.shape_cast %scan3A_239#7 : vector<16xf32> to vector<1x16xf32>
        tpu.vector_store %arg9[%swap3A_280, %swap3A_281], %swap3A_284 {strides = array<i32>} : memref<8x128xf32, #tpu.memory_space<vmem>>, vector<1x16xf32>,
        %broadcast_in_dim3A_285 = arith.constant 0.000000e+00 : f32
        %broadcast_in_dim3A_286 = vector.broadcast %broadcast_in_dim3A_285 : f32 to vector<16xf32>
        %broadcast_in_dim3A_287 = arith.constant 0.000000e+00 : f32
        %broadcast_in_dim3A_288 = vector.broadcast %broadcast_in_dim3A_287 : f32 to vector<16xf32>
        %broadcast_in_dim3A_289 = arith.constant 0.000000e+00 : f32
        %broadcast_in_dim3A_290 = vector.broadcast %broadcast_in_dim3A_289 : f32 to vector<16xf32>
        %broadcast_in_dim3A_291 = arith.constant 0.000000e+00 : f32
        %broadcast_in_dim3A_292 = vector.broadcast %broadcast_in_dim3A_291 : f32 to vector<16xf32>
        %broadcast_in_dim3A_293 = arith.constant 0.000000e+00 : f32
        %broadcast_in_dim3A_294 = vector.broadcast %broadcast_in_dim3A_293 : f32 to vector<16xf32>
        %broadcast_in_dim3A_295 = arith.constant 0.000000e+00 : f32
        %broadcast_in_dim3A_296 = vector.broadcast %broadcast_in_dim3A_295 : f32 to vector<16xf32>
        %broadcast_in_dim3A_297 = arith.constant 0.000000e+00 : f32
        %broadcast_in_dim3A_298 = vector.broadcast %broadcast_in_dim3A_297 : f32 to vector<16xf32>
        %broadcast_in_dim3A_299 = arith.constant 0.000000e+00 : f32
        %broadcast_in_dim3A_300 = vector.broadcast %broadcast_in_dim3A_299 : f32 to vector<16xf32>
        %scan3A_301 = arith.constant 0 : i32
        %scan3A_302 = arith.constant 32 : i32
        %scan3A_303 = arith.addi %scan3A_301, %scan3A_302 : i32
        %scan3A_304 = arith.constant 1 : i32
        %scan3A_305:8 = scf.for %scan3A_422 = %scan3A_301 to %scan3A_303 step %scan3A_304 iter_args(%scan3A_423 = %broadcast_in_dim3A_286, %scan3A_424 = %broadcast_in_dim3A_288, %scan3A_425 = %broadcast_in_dim3A_290, %scan3A_426 = %broadcast_in_dim3A_292, %scan3A_427 = %broadcast_in_dim3A_294, %scan3A_428 = %broadcast_in_dim3A_296, %scan3A_429 = %broadcast_in_dim3A_298, %scan3A_430 = %broadcast_in_dim3A_300) -> (vector<16xf32>, vector<16xf32>, vector<16xf32>, vector<16xf32>, vector<16xf32>, vector<16xf32>, vector<16xf32>, vector<16xf32>)  : i32 {
          %add3A_431 = arith.constant 64 : i32
          %add3A_432 = arith.addi %add3A_431, %scan3A_422 : i32
          %get3A = arith.constant 2 : i32
          %get3A_433 = arith.index_cast %get3A : i32 to index
          %get3A_434 = arith.index_cast %add3A_432 : i32 to index
          %get3A_435 = arith.constant 0 : index
          %get3A_436 = tpu.vector_load %arg7[%get3A_433, %get3A_434, %get3A_435] {strides = array<i32>} : memref<3x128x128xf32, #tpu.memory_space<vmem>>, vector<1x1x16xf32>,
          %get3A_437 = vector.shape_cast %get3A_436 : vector<1x1x16xf32> to vector<16xf32>
          %get3A_438 = arith.constant 2 : i32
          %get3A_439 = arith.index_cast %get3A_438 : i32 to index
          %get3A_440 = arith.index_cast %add3A_432 : i32 to index
          %get3A_441 = arith.constant 0 : index
          %get3A_442 = tpu.vector_load %arg8[%get3A_439, %get3A_440, %get3A_441] {strides = array<i32>} : memref<3x128x128xf32, #tpu.memory_space<vmem>>, vector<1x1x16xf32>,
          %get3A_443 = vector.shape_cast %get3A_442 : vector<1x1x16xf32> to vector<16xf32>
          %mul3A_444 = arith.mulf %get3A_437, %get3A_443 : vector<16xf32>
          %add3A_445 = arith.addf %scan3A_423, %mul3A_444 : vector<16xf32>
          %get3A_446 = arith.constant 2 : i32
          %get3A_447 = arith.index_cast %get3A_446 : i32 to index
          %get3A_448 = arith.index_cast %add3A_432 : i32 to index
          %get3A_449 = arith.constant 16 : index
          %get3A_450 = tpu.vector_load %arg7[%get3A_447, %get3A_448, %get3A_449] {strides = array<i32>} : memref<3x128x128xf32, #tpu.memory_space<vmem>>, vector<1x1x16xf32>,
          %get3A_451 = vector.shape_cast %get3A_450 : vector<1x1x16xf32> to vector<16xf32>
          %get3A_452 = arith.constant 2 : i32
          %get3A_453 = arith.index_cast %get3A_452 : i32 to index
          %get3A_454 = arith.index_cast %add3A_432 : i32 to index
          %get3A_455 = arith.constant 16 : index
          %get3A_456 = tpu.vector_load %arg8[%get3A_453, %get3A_454, %get3A_455] {strides = array<i32>} : memref<3x128x128xf32, #tpu.memory_space<vmem>>, vector<1x1x16xf32>,
          %get3A_457 = vector.shape_cast %get3A_456 : vector<1x1x16xf32> to vector<16xf32>
          %mul3A_458 = arith.mulf %get3A_451, %get3A_457 : vector<16xf32>
          %add3A_459 = arith.addf %scan3A_424, %mul3A_458 : vector<16xf32>
          %get3A_460 = arith.constant 2 : i32
          %get3A_461 = arith.index_cast %get3A_460 : i32 to index
          %get3A_462 = arith.index_cast %add3A_432 : i32 to index
          %get3A_463 = arith.constant 32 : index
          %get3A_464 = tpu.vector_load %arg7[%get3A_461, %get3A_462, %get3A_463] {strides = array<i32>} : memref<3x128x128xf32, #tpu.memory_space<vmem>>, vector<1x1x16xf32>,
          %get3A_465 = vector.shape_cast %get3A_464 : vector<1x1x16xf32> to vector<16xf32>
          %get3A_466 = arith.constant 2 : i32
          %get3A_467 = arith.index_cast %get3A_466 : i32 to index
          %get3A_468 = arith.index_cast %add3A_432 : i32 to index
          %get3A_469 = arith.constant 32 : index
          %get3A_470 = tpu.vector_load %arg8[%get3A_467, %get3A_468, %get3A_469] {strides = array<i32>} : memref<3x128x128xf32, #tpu.memory_space<vmem>>, vector<1x1x16xf32>,
          %get3A_471 = vector.shape_cast %get3A_470 : vector<1x1x16xf32> to vector<16xf32>
          %mul3A_472 = arith.mulf %get3A_465, %get3A_471 : vector<16xf32>
          %add3A_473 = arith.addf %scan3A_425, %mul3A_472 : vector<16xf32>
          %get3A_474 = arith.constant 2 : i32
          %get3A_475 = arith.index_cast %get3A_474 : i32 to index
          %get3A_476 = arith.index_cast %add3A_432 : i32 to index
          %get3A_477 = arith.constant 48 : index
          %get3A_478 = tpu.vector_load %arg7[%get3A_475, %get3A_476, %get3A_477] {strides = array<i32>} : memref<3x128x128xf32, #tpu.memory_space<vmem>>, vector<1x1x16xf32>,
          %get3A_479 = vector.shape_cast %get3A_478 : vector<1x1x16xf32> to vector<16xf32>
          %get3A_480 = arith.constant 2 : i32
          %get3A_481 = arith.index_cast %get3A_480 : i32 to index
          %get3A_482 = arith.index_cast %add3A_432 : i32 to index
          %get3A_483 = arith.constant 48 : index
          %get3A_484 = tpu.vector_load %arg8[%get3A_481, %get3A_482, %get3A_483] {strides = array<i32>} : memref<3x128x128xf32, #tpu.memory_space<vmem>>, vector<1x1x16xf32>,
          %get3A_485 = vector.shape_cast %get3A_484 : vector<1x1x16xf32> to vector<16xf32>
          %mul3A_486 = arith.mulf %get3A_479, %get3A_485 : vector<16xf32>
          %add3A_487 = arith.addf %scan3A_426, %mul3A_486 : vector<16xf32>
          %get3A_488 = arith.constant 2 : i32
          %get3A_489 = arith.index_cast %get3A_488 : i32 to index
          %get3A_490 = arith.index_cast %add3A_432 : i32 to index
          %get3A_491 = arith.constant 64 : index
          %get3A_492 = tpu.vector_load %arg7[%get3A_489, %get3A_490, %get3A_491] {strides = array<i32>} : memref<3x128x128xf32, #tpu.memory_space<vmem>>, vector<1x1x16xf32>,
          %get3A_493 = vector.shape_cast %get3A_492 : vector<1x1x16xf32> to vector<16xf32>
          %get3A_494 = arith.constant 2 : i32
          %get3A_495 = arith.index_cast %get3A_494 : i32 to index
          %get3A_496 = arith.index_cast %add3A_432 : i32 to index
          %get3A_497 = arith.constant 64 : index
          %get3A_498 = tpu.vector_load %arg8[%get3A_495, %get3A_496, %get3A_497] {strides = array<i32>} : memref<3x128x128xf32, #tpu.memory_space<vmem>>, vector<1x1x16xf32>,
          %get3A_499 = vector.shape_cast %get3A_498 : vector<1x1x16xf32> to vector<16xf32>
          %mul3A_500 = arith.mulf %get3A_493, %get3A_499 : vector<16xf32>
          %add3A_501 = arith.addf %scan3A_427, %mul3A_500 : vector<16xf32>
          %get3A_502 = arith.constant 2 : i32
          %get3A_503 = arith.index_cast %get3A_502 : i32 to index
          %get3A_504 = arith.index_cast %add3A_432 : i32 to index
          %get3A_505 = arith.constant 80 : index
          %get3A_506 = tpu.vector_load %arg7[%get3A_503, %get3A_504, %get3A_505] {strides = array<i32>} : memref<3x128x128xf32, #tpu.memory_space<vmem>>, vector<1x1x16xf32>,
          %get3A_507 = vector.shape_cast %get3A_506 : vector<1x1x16xf32> to vector<16xf32>
          %get3A_508 = arith.constant 2 : i32
          %get3A_509 = arith.index_cast %get3A_508 : i32 to index
          %get3A_510 = arith.index_cast %add3A_432 : i32 to index
          %get3A_511 = arith.constant 80 : index
          %get3A_512 = tpu.vector_load %arg8[%get3A_509, %get3A_510, %get3A_511] {strides = array<i32>} : memref<3x128x128xf32, #tpu.memory_space<vmem>>, vector<1x1x16xf32>,
          %get3A_513 = vector.shape_cast %get3A_512 : vector<1x1x16xf32> to vector<16xf32>
          %mul3A_514 = arith.mulf %get3A_507, %get3A_513 : vector<16xf32>
          %add3A_515 = arith.addf %scan3A_428, %mul3A_514 : vector<16xf32>
          %get3A_516 = arith.constant 2 : i32
          %get3A_517 = arith.index_cast %get3A_516 : i32 to index
          %get3A_518 = arith.index_cast %add3A_432 : i32 to index
          %get3A_519 = arith.constant 96 : index
          %get3A_520 = tpu.vector_load %arg7[%get3A_517, %get3A_518, %get3A_519] {strides = array<i32>} : memref<3x128x128xf32, #tpu.memory_space<vmem>>, vector<1x1x16xf32>,
          %get3A_521 = vector.shape_cast %get3A_520 : vector<1x1x16xf32> to vector<16xf32>
          %get3A_522 = arith.constant 2 : i32
          %get3A_523 = arith.index_cast %get3A_522 : i32 to index
          %get3A_524 = arith.index_cast %add3A_432 : i32 to index
          %get3A_525 = arith.constant 96 : index
          %get3A_526 = tpu.vector_load %arg8[%get3A_523, %get3A_524, %get3A_525] {strides = array<i32>} : memref<3x128x128xf32, #tpu.memory_space<vmem>>, vector<1x1x16xf32>,
          %get3A_527 = vector.shape_cast %get3A_526 : vector<1x1x16xf32> to vector<16xf32>
          %mul3A_528 = arith.mulf %get3A_521, %get3A_527 : vector<16xf32>
          %add3A_529 = arith.addf %scan3A_429, %mul3A_528 : vector<16xf32>
          %get3A_530 = arith.constant 2 : i32
          %get3A_531 = arith.index_cast %get3A_530 : i32 to index
          %get3A_532 = arith.index_cast %add3A_432 : i32 to index
          %get3A_533 = arith.constant 112 : index
          %get3A_534 = tpu.vector_load %arg7[%get3A_531, %get3A_532, %get3A_533] {strides = array<i32>} : memref<3x128x128xf32, #tpu.memory_space<vmem>>, vector<1x1x16xf32>,
          %get3A_535 = vector.shape_cast %get3A_534 : vector<1x1x16xf32> to vector<16xf32>
          %get3A_536 = arith.constant 2 : i32
          %get3A_537 = arith.index_cast %get3A_536 : i32 to index
          %get3A_538 = arith.index_cast %add3A_432 : i32 to index
          %get3A_539 = arith.constant 112 : index
          %get3A_540 = tpu.vector_load %arg8[%get3A_537, %get3A_538, %get3A_539] {strides = array<i32>} : memref<3x128x128xf32, #tpu.memory_space<vmem>>, vector<1x1x16xf32>,
          %get3A_541 = vector.shape_cast %get3A_540 : vector<1x1x16xf32> to vector<16xf32>
          %mul3A_542 = arith.mulf %get3A_535, %get3A_541 : vector<16xf32>
          %add3A_543 = arith.addf %scan3A_430, %mul3A_542 : vector<16xf32>
          scf.yield %add3A_445, %add3A_459, %add3A_473, %add3A_487, %add3A_501, %add3A_515, %add3A_529, %add3A_543 : vector<16xf32>, vector<16xf32>, vector<16xf32>, vector<16xf32>, vector<16xf32>, vector<16xf32>, vector<16xf32>, vector<16xf32>
        }
        %scan3A_306 = arith.constant 32 : i32
        %mul3A_307 = arith.constant 4 : i32
        %mul3A_308 = arith.muli %select_n3A_147, %mul3A_307 : i32
        %add3A_309 = arith.constant 2 : i32
        %add3A_310 = arith.addi %mul3A_308, %add3A_309 : i32
        %swap3A_311 = arith.index_cast %add3A_310 : i32 to index
        %swap3A_312 = arith.constant 0 : index
        %swap3A_313 = tpu.vector_load %arg9[%swap3A_311, %swap3A_312] {strides = array<i32>} : memref<8x128xf32, #tpu.memory_space<vmem>>, vector<1x16xf32>,
        %swap3A_314 = vector.shape_cast %swap3A_313 : vector<1x16xf32> to vector<16xf32>
        %swap3A_315 = vector.shape_cast %scan3A_305#0 : vector<16xf32> to vector<1x16xf32>
        tpu.vector_store %arg9[%swap3A_311, %swap3A_312], %swap3A_315 {strides = array<i32>} : memref<8x128xf32, #tpu.memory_space<vmem>>, vector<1x16xf32>,
        %swap3A_316 = arith.index_cast %add3A_310 : i32 to index
        %swap3A_317 = arith.constant 16 : index
        %swap3A_318 = tpu.vector_load %arg9[%swap3A_316, %swap3A_317] {strides = array<i32>} : memref<8x128xf32, #tpu.memory_space<vmem>>, vector<1x16xf32>,
        %swap3A_319 = vector.shape_cast %swap3A_318 : vector<1x16xf32> to vector<16xf32>
        %swap3A_320 = vector.shape_cast %scan3A_305#1 : vector<16xf32> to vector<1x16xf32>
        tpu.vector_store %arg9[%swap3A_316, %swap3A_317], %swap3A_320 {strides = array<i32>} : memref<8x128xf32, #tpu.memory_space<vmem>>, vector<1x16xf32>,
        %swap3A_321 = arith.index_cast %add3A_310 : i32 to index
        %swap3A_322 = arith.constant 32 : index
        %swap3A_323 = tpu.vector_load %arg9[%swap3A_321, %swap3A_322] {strides = array<i32>} : memref<8x128xf32, #tpu.memory_space<vmem>>, vector<1x16xf32>,
        %swap3A_324 = vector.shape_cast %swap3A_323 : vector<1x16xf32> to vector<16xf32>
        %swap3A_325 = vector.shape_cast %scan3A_305#2 : vector<16xf32> to vector<1x16xf32>
        tpu.vector_store %arg9[%swap3A_321, %swap3A_322], %swap3A_325 {strides = array<i32>} : memref<8x128xf32, #tpu.memory_space<vmem>>, vector<1x16xf32>,
        %swap3A_326 = arith.index_cast %add3A_310 : i32 to index
        %swap3A_327 = arith.constant 48 : index
        %swap3A_328 = tpu.vector_load %arg9[%swap3A_326, %swap3A_327] {strides = array<i32>} : memref<8x128xf32, #tpu.memory_space<vmem>>, vector<1x16xf32>,
        %swap3A_329 = vector.shape_cast %swap3A_328 : vector<1x16xf32> to vector<16xf32>
        %swap3A_330 = vector.shape_cast %scan3A_305#3 : vector<16xf32> to vector<1x16xf32>
        tpu.vector_store %arg9[%swap3A_326, %swap3A_327], %swap3A_330 {strides = array<i32>} : memref<8x128xf32, #tpu.memory_space<vmem>>, vector<1x16xf32>,
        %swap3A_331 = arith.index_cast %add3A_310 : i32 to index
        %swap3A_332 = arith.constant 64 : index
        %swap3A_333 = tpu.vector_load %arg9[%swap3A_331, %swap3A_332] {strides = array<i32>} : memref<8x128xf32, #tpu.memory_space<vmem>>, vector<1x16xf32>,
        %swap3A_334 = vector.shape_cast %swap3A_333 : vector<1x16xf32> to vector<16xf32>
        %swap3A_335 = vector.shape_cast %scan3A_305#4 : vector<16xf32> to vector<1x16xf32>
        tpu.vector_store %arg9[%swap3A_331, %swap3A_332], %swap3A_335 {strides = array<i32>} : memref<8x128xf32, #tpu.memory_space<vmem>>, vector<1x16xf32>,
        %swap3A_336 = arith.index_cast %add3A_310 : i32 to index
        %swap3A_337 = arith.constant 80 : index
        %swap3A_338 = tpu.vector_load %arg9[%swap3A_336, %swap3A_337] {strides = array<i32>} : memref<8x128xf32, #tpu.memory_space<vmem>>, vector<1x16xf32>,
        %swap3A_339 = vector.shape_cast %swap3A_338 : vector<1x16xf32> to vector<16xf32>
        %swap3A_340 = vector.shape_cast %scan3A_305#5 : vector<16xf32> to vector<1x16xf32>
        tpu.vector_store %arg9[%swap3A_336, %swap3A_337], %swap3A_340 {strides = array<i32>} : memref<8x128xf32, #tpu.memory_space<vmem>>, vector<1x16xf32>,
        %swap3A_341 = arith.index_cast %add3A_310 : i32 to index
        %swap3A_342 = arith.constant 96 : index
        %swap3A_343 = tpu.vector_load %arg9[%swap3A_341, %swap3A_342] {strides = array<i32>} : memref<8x128xf32, #tpu.memory_space<vmem>>, vector<1x16xf32>,
        %swap3A_344 = vector.shape_cast %swap3A_343 : vector<1x16xf32> to vector<16xf32>
        %swap3A_345 = vector.shape_cast %scan3A_305#6 : vector<16xf32> to vector<1x16xf32>
        tpu.vector_store %arg9[%swap3A_341, %swap3A_342], %swap3A_345 {strides = array<i32>} : memref<8x128xf32, #tpu.memory_space<vmem>>, vector<1x16xf32>,
        %swap3A_346 = arith.index_cast %add3A_310 : i32 to index
        %swap3A_347 = arith.constant 112 : index
        %swap3A_348 = tpu.vector_load %arg9[%swap3A_346, %swap3A_347] {strides = array<i32>} : memref<8x128xf32, #tpu.memory_space<vmem>>, vector<1x16xf32>,
        %swap3A_349 = vector.shape_cast %swap3A_348 : vector<1x16xf32> to vector<16xf32>
        %swap3A_350 = vector.shape_cast %scan3A_305#7 : vector<16xf32> to vector<1x16xf32>
        tpu.vector_store %arg9[%swap3A_346, %swap3A_347], %swap3A_350 {strides = array<i32>} : memref<8x128xf32, #tpu.memory_space<vmem>>, vector<1x16xf32>,
        %broadcast_in_dim3A_351 = arith.constant 0.000000e+00 : f32
        %broadcast_in_dim3A_352 = vector.broadcast %broadcast_in_dim3A_351 : f32 to vector<16xf32>
        %broadcast_in_dim3A_353 = arith.constant 0.000000e+00 : f32
        %broadcast_in_dim3A_354 = vector.broadcast %broadcast_in_dim3A_353 : f32 to vector<16xf32>
        %broadcast_in_dim3A_355 = arith.constant 0.000000e+00 : f32
        %broadcast_in_dim3A_356 = vector.broadcast %broadcast_in_dim3A_355 : f32 to vector<16xf32>
        %broadcast_in_dim3A_357 = arith.constant 0.000000e+00 : f32
        %broadcast_in_dim3A_358 = vector.broadcast %broadcast_in_dim3A_357 : f32 to vector<16xf32>
        %broadcast_in_dim3A_359 = arith.constant 0.000000e+00 : f32
        %broadcast_in_dim3A_360 = vector.broadcast %broadcast_in_dim3A_359 : f32 to vector<16xf32>
        %broadcast_in_dim3A_361 = arith.constant 0.000000e+00 : f32
        %broadcast_in_dim3A_362 = vector.broadcast %broadcast_in_dim3A_361 : f32 to vector<16xf32>
        %broadcast_in_dim3A_363 = arith.constant 0.000000e+00 : f32
        %broadcast_in_dim3A_364 = vector.broadcast %broadcast_in_dim3A_363 : f32 to vector<16xf32>
        %broadcast_in_dim3A_365 = arith.constant 0.000000e+00 : f32
        %broadcast_in_dim3A_366 = vector.broadcast %broadcast_in_dim3A_365 : f32 to vector<16xf32>
        %scan3A_367 = arith.constant 0 : i32
        %scan3A_368 = arith.constant 32 : i32
        %scan3A_369 = arith.addi %scan3A_367, %scan3A_368 : i32
        %scan3A_370 = arith.constant 1 : i32
        %scan3A_371:8 = scf.for %scan3A_422 = %scan3A_367 to %scan3A_369 step %scan3A_370 iter_args(%scan3A_423 = %broadcast_in_dim3A_352, %scan3A_424 = %broadcast_in_dim3A_354, %scan3A_425 = %broadcast_in_dim3A_356, %scan3A_426 = %broadcast_in_dim3A_358, %scan3A_427 = %broadcast_in_dim3A_360, %scan3A_428 = %broadcast_in_dim3A_362, %scan3A_429 = %broadcast_in_dim3A_364, %scan3A_430 = %broadcast_in_dim3A_366) -> (vector<16xf32>, vector<16xf32>, vector<16xf32>, vector<16xf32>, vector<16xf32>, vector<16xf32>, vector<16xf32>, vector<16xf32>)  : i32 {
          %add3A_431 = arith.constant 96 : i32
          %add3A_432 = arith.addi %add3A_431, %scan3A_422 : i32
          %get3A = arith.constant 2 : i32
          %get3A_433 = arith.index_cast %get3A : i32 to index
          %get3A_434 = arith.index_cast %add3A_432 : i32 to index
          %get3A_435 = arith.constant 0 : index
          %get3A_436 = tpu.vector_load %arg7[%get3A_433, %get3A_434, %get3A_435] {strides = array<i32>} : memref<3x128x128xf32, #tpu.memory_space<vmem>>, vector<1x1x16xf32>,
          %get3A_437 = vector.shape_cast %get3A_436 : vector<1x1x16xf32> to vector<16xf32>
          %get3A_438 = arith.constant 2 : i32
          %get3A_439 = arith.index_cast %get3A_438 : i32 to index
          %get3A_440 = arith.index_cast %add3A_432 : i32 to index
          %get3A_441 = arith.constant 0 : index
          %get3A_442 = tpu.vector_load %arg8[%get3A_439, %get3A_440, %get3A_441] {strides = array<i32>} : memref<3x128x128xf32, #tpu.memory_space<vmem>>, vector<1x1x16xf32>,
          %get3A_443 = vector.shape_cast %get3A_442 : vector<1x1x16xf32> to vector<16xf32>
          %mul3A_444 = arith.mulf %get3A_437, %get3A_443 : vector<16xf32>
          %add3A_445 = arith.addf %scan3A_423, %mul3A_444 : vector<16xf32>
          %get3A_446 = arith.constant 2 : i32
          %get3A_447 = arith.index_cast %get3A_446 : i32 to index
          %get3A_448 = arith.index_cast %add3A_432 : i32 to index
          %get3A_449 = arith.constant 16 : index
          %get3A_450 = tpu.vector_load %arg7[%get3A_447, %get3A_448, %get3A_449] {strides = array<i32>} : memref<3x128x128xf32, #tpu.memory_space<vmem>>, vector<1x1x16xf32>,
          %get3A_451 = vector.shape_cast %get3A_450 : vector<1x1x16xf32> to vector<16xf32>
          %get3A_452 = arith.constant 2 : i32
          %get3A_453 = arith.index_cast %get3A_452 : i32 to index
          %get3A_454 = arith.index_cast %add3A_432 : i32 to index
          %get3A_455 = arith.constant 16 : index
          %get3A_456 = tpu.vector_load %arg8[%get3A_453, %get3A_454, %get3A_455] {strides = array<i32>} : memref<3x128x128xf32, #tpu.memory_space<vmem>>, vector<1x1x16xf32>,
          %get3A_457 = vector.shape_cast %get3A_456 : vector<1x1x16xf32> to vector<16xf32>
          %mul3A_458 = arith.mulf %get3A_451, %get3A_457 : vector<16xf32>
          %add3A_459 = arith.addf %scan3A_424, %mul3A_458 : vector<16xf32>
          %get3A_460 = arith.constant 2 : i32
          %get3A_461 = arith.index_cast %get3A_460 : i32 to index
          %get3A_462 = arith.index_cast %add3A_432 : i32 to index
          %get3A_463 = arith.constant 32 : index
          %get3A_464 = tpu.vector_load %arg7[%get3A_461, %get3A_462, %get3A_463] {strides = array<i32>} : memref<3x128x128xf32, #tpu.memory_space<vmem>>, vector<1x1x16xf32>,
          %get3A_465 = vector.shape_cast %get3A_464 : vector<1x1x16xf32> to vector<16xf32>
          %get3A_466 = arith.constant 2 : i32
          %get3A_467 = arith.index_cast %get3A_466 : i32 to index
          %get3A_468 = arith.index_cast %add3A_432 : i32 to index
          %get3A_469 = arith.constant 32 : index
          %get3A_470 = tpu.vector_load %arg8[%get3A_467, %get3A_468, %get3A_469] {strides = array<i32>} : memref<3x128x128xf32, #tpu.memory_space<vmem>>, vector<1x1x16xf32>,
          %get3A_471 = vector.shape_cast %get3A_470 : vector<1x1x16xf32> to vector<16xf32>
          %mul3A_472 = arith.mulf %get3A_465, %get3A_471 : vector<16xf32>
          %add3A_473 = arith.addf %scan3A_425, %mul3A_472 : vector<16xf32>
          %get3A_474 = arith.constant 2 : i32
          %get3A_475 = arith.index_cast %get3A_474 : i32 to index
          %get3A_476 = arith.index_cast %add3A_432 : i32 to index
          %get3A_477 = arith.constant 48 : index
          %get3A_478 = tpu.vector_load %arg7[%get3A_475, %get3A_476, %get3A_477] {strides = array<i32>} : memref<3x128x128xf32, #tpu.memory_space<vmem>>, vector<1x1x16xf32>,
          %get3A_479 = vector.shape_cast %get3A_478 : vector<1x1x16xf32> to vector<16xf32>
          %get3A_480 = arith.constant 2 : i32
          %get3A_481 = arith.index_cast %get3A_480 : i32 to index
          %get3A_482 = arith.index_cast %add3A_432 : i32 to index
          %get3A_483 = arith.constant 48 : index
          %get3A_484 = tpu.vector_load %arg8[%get3A_481, %get3A_482, %get3A_483] {strides = array<i32>} : memref<3x128x128xf32, #tpu.memory_space<vmem>>, vector<1x1x16xf32>,
          %get3A_485 = vector.shape_cast %get3A_484 : vector<1x1x16xf32> to vector<16xf32>
          %mul3A_486 = arith.mulf %get3A_479, %get3A_485 : vector<16xf32>
          %add3A_487 = arith.addf %scan3A_426, %mul3A_486 : vector<16xf32>
          %get3A_488 = arith.constant 2 : i32
          %get3A_489 = arith.index_cast %get3A_488 : i32 to index
          %get3A_490 = arith.index_cast %add3A_432 : i32 to index
          %get3A_491 = arith.constant 64 : index
          %get3A_492 = tpu.vector_load %arg7[%get3A_489, %get3A_490, %get3A_491] {strides = array<i32>} : memref<3x128x128xf32, #tpu.memory_space<vmem>>, vector<1x1x16xf32>,
          %get3A_493 = vector.shape_cast %get3A_492 : vector<1x1x16xf32> to vector<16xf32>
          %get3A_494 = arith.constant 2 : i32
          %get3A_495 = arith.index_cast %get3A_494 : i32 to index
          %get3A_496 = arith.index_cast %add3A_432 : i32 to index
          %get3A_497 = arith.constant 64 : index
          %get3A_498 = tpu.vector_load %arg8[%get3A_495, %get3A_496, %get3A_497] {strides = array<i32>} : memref<3x128x128xf32, #tpu.memory_space<vmem>>, vector<1x1x16xf32>,
          %get3A_499 = vector.shape_cast %get3A_498 : vector<1x1x16xf32> to vector<16xf32>
          %mul3A_500 = arith.mulf %get3A_493, %get3A_499 : vector<16xf32>
          %add3A_501 = arith.addf %scan3A_427, %mul3A_500 : vector<16xf32>
          %get3A_502 = arith.constant 2 : i32
          %get3A_503 = arith.index_cast %get3A_502 : i32 to index
          %get3A_504 = arith.index_cast %add3A_432 : i32 to index
          %get3A_505 = arith.constant 80 : index
          %get3A_506 = tpu.vector_load %arg7[%get3A_503, %get3A_504, %get3A_505] {strides = array<i32>} : memref<3x128x128xf32, #tpu.memory_space<vmem>>, vector<1x1x16xf32>,
          %get3A_507 = vector.shape_cast %get3A_506 : vector<1x1x16xf32> to vector<16xf32>
          %get3A_508 = arith.constant 2 : i32
          %get3A_509 = arith.index_cast %get3A_508 : i32 to index
          %get3A_510 = arith.index_cast %add3A_432 : i32 to index
          %get3A_511 = arith.constant 80 : index
          %get3A_512 = tpu.vector_load %arg8[%get3A_509, %get3A_510, %get3A_511] {strides = array<i32>} : memref<3x128x128xf32, #tpu.memory_space<vmem>>, vector<1x1x16xf32>,
          %get3A_513 = vector.shape_cast %get3A_512 : vector<1x1x16xf32> to vector<16xf32>
          %mul3A_514 = arith.mulf %get3A_507, %get3A_513 : vector<16xf32>
          %add3A_515 = arith.addf %scan3A_428, %mul3A_514 : vector<16xf32>
          %get3A_516 = arith.constant 2 : i32
          %get3A_517 = arith.index_cast %get3A_516 : i32 to index
          %get3A_518 = arith.index_cast %add3A_432 : i32 to index
          %get3A_519 = arith.constant 96 : index
          %get3A_520 = tpu.vector_load %arg7[%get3A_517, %get3A_518, %get3A_519] {strides = array<i32>} : memref<3x128x128xf32, #tpu.memory_space<vmem>>, vector<1x1x16xf32>,
          %get3A_521 = vector.shape_cast %get3A_520 : vector<1x1x16xf32> to vector<16xf32>
          %get3A_522 = arith.constant 2 : i32
          %get3A_523 = arith.index_cast %get3A_522 : i32 to index
          %get3A_524 = arith.index_cast %add3A_432 : i32 to index
          %get3A_525 = arith.constant 96 : index
          %get3A_526 = tpu.vector_load %arg8[%get3A_523, %get3A_524, %get3A_525] {strides = array<i32>} : memref<3x128x128xf32, #tpu.memory_space<vmem>>, vector<1x1x16xf32>,
          %get3A_527 = vector.shape_cast %get3A_526 : vector<1x1x16xf32> to vector<16xf32>
          %mul3A_528 = arith.mulf %get3A_521, %get3A_527 : vector<16xf32>
          %add3A_529 = arith.addf %scan3A_429, %mul3A_528 : vector<16xf32>
          %get3A_530 = arith.constant 2 : i32
          %get3A_531 = arith.index_cast %get3A_530 : i32 to index
          %get3A_532 = arith.index_cast %add3A_432 : i32 to index
          %get3A_533 = arith.constant 112 : index
          %get3A_534 = tpu.vector_load %arg7[%get3A_531, %get3A_532, %get3A_533] {strides = array<i32>} : memref<3x128x128xf32, #tpu.memory_space<vmem>>, vector<1x1x16xf32>,
          %get3A_535 = vector.shape_cast %get3A_534 : vector<1x1x16xf32> to vector<16xf32>
          %get3A_536 = arith.constant 2 : i32
          %get3A_537 = arith.index_cast %get3A_536 : i32 to index
          %get3A_538 = arith.index_cast %add3A_432 : i32 to index
          %get3A_539 = arith.constant 112 : index
          %get3A_540 = tpu.vector_load %arg8[%get3A_537, %get3A_538, %get3A_539] {strides = array<i32>} : memref<3x128x128xf32, #tpu.memory_space<vmem>>, vector<1x1x16xf32>,
          %get3A_541 = vector.shape_cast %get3A_540 : vector<1x1x16xf32> to vector<16xf32>
          %mul3A_542 = arith.mulf %get3A_535, %get3A_541 : vector<16xf32>
          %add3A_543 = arith.addf %scan3A_430, %mul3A_542 : vector<16xf32>
          scf.yield %add3A_445, %add3A_459, %add3A_473, %add3A_487, %add3A_501, %add3A_515, %add3A_529, %add3A_543 : vector<16xf32>, vector<16xf32>, vector<16xf32>, vector<16xf32>, vector<16xf32>, vector<16xf32>, vector<16xf32>, vector<16xf32>
        }
        %scan3A_372 = arith.constant 32 : i32
        %mul3A_373 = arith.constant 4 : i32
        %mul3A_374 = arith.muli %select_n3A_147, %mul3A_373 : i32
        %add3A_375 = arith.constant 3 : i32
        %add3A_376 = arith.addi %mul3A_374, %add3A_375 : i32
        %swap3A_377 = arith.index_cast %add3A_376 : i32 to index
        %swap3A_378 = arith.constant 0 : index
        %swap3A_379 = tpu.vector_load %arg9[%swap3A_377, %swap3A_378] {strides = array<i32>} : memref<8x128xf32, #tpu.memory_space<vmem>>, vector<1x16xf32>,
        %swap3A_380 = vector.shape_cast %swap3A_379 : vector<1x16xf32> to vector<16xf32>
        %swap3A_381 = vector.shape_cast %scan3A_371#0 : vector<16xf32> to vector<1x16xf32>
        tpu.vector_store %arg9[%swap3A_377, %swap3A_378], %swap3A_381 {strides = array<i32>} : memref<8x128xf32, #tpu.memory_space<vmem>>, vector<1x16xf32>,
        %swap3A_382 = arith.index_cast %add3A_376 : i32 to index
        %swap3A_383 = arith.constant 16 : index
        %swap3A_384 = tpu.vector_load %arg9[%swap3A_382, %swap3A_383] {strides = array<i32>} : memref<8x128xf32, #tpu.memory_space<vmem>>, vector<1x16xf32>,
        %swap3A_385 = vector.shape_cast %swap3A_384 : vector<1x16xf32> to vector<16xf32>
        %swap3A_386 = vector.shape_cast %scan3A_371#1 : vector<16xf32> to vector<1x16xf32>
        tpu.vector_store %arg9[%swap3A_382, %swap3A_383], %swap3A_386 {strides = array<i32>} : memref<8x128xf32, #tpu.memory_space<vmem>>, vector<1x16xf32>,
        %swap3A_387 = arith.index_cast %add3A_376 : i32 to index
        %swap3A_388 = arith.constant 32 : index
        %swap3A_389 = tpu.vector_load %arg9[%swap3A_387, %swap3A_388] {strides = array<i32>} : memref<8x128xf32, #tpu.memory_space<vmem>>, vector<1x16xf32>,
        %swap3A_390 = vector.shape_cast %swap3A_389 : vector<1x16xf32> to vector<16xf32>
        %swap3A_391 = vector.shape_cast %scan3A_371#2 : vector<16xf32> to vector<1x16xf32>
        tpu.vector_store %arg9[%swap3A_387, %swap3A_388], %swap3A_391 {strides = array<i32>} : memref<8x128xf32, #tpu.memory_space<vmem>>, vector<1x16xf32>,
        %swap3A_392 = arith.index_cast %add3A_376 : i32 to index
        %swap3A_393 = arith.constant 48 : index
        %swap3A_394 = tpu.vector_load %arg9[%swap3A_392, %swap3A_393] {strides = array<i32>} : memref<8x128xf32, #tpu.memory_space<vmem>>, vector<1x16xf32>,
        %swap3A_395 = vector.shape_cast %swap3A_394 : vector<1x16xf32> to vector<16xf32>
        %swap3A_396 = vector.shape_cast %scan3A_371#3 : vector<16xf32> to vector<1x16xf32>
        tpu.vector_store %arg9[%swap3A_392, %swap3A_393], %swap3A_396 {strides = array<i32>} : memref<8x128xf32, #tpu.memory_space<vmem>>, vector<1x16xf32>,
        %swap3A_397 = arith.index_cast %add3A_376 : i32 to index
        %swap3A_398 = arith.constant 64 : index
        %swap3A_399 = tpu.vector_load %arg9[%swap3A_397, %swap3A_398] {strides = array<i32>} : memref<8x128xf32, #tpu.memory_space<vmem>>, vector<1x16xf32>,
        %swap3A_400 = vector.shape_cast %swap3A_399 : vector<1x16xf32> to vector<16xf32>
        %swap3A_401 = vector.shape_cast %scan3A_371#4 : vector<16xf32> to vector<1x16xf32>
        tpu.vector_store %arg9[%swap3A_397, %swap3A_398], %swap3A_401 {strides = array<i32>} : memref<8x128xf32, #tpu.memory_space<vmem>>, vector<1x16xf32>,
        %swap3A_402 = arith.index_cast %add3A_376 : i32 to index
        %swap3A_403 = arith.constant 80 : index
        %swap3A_404 = tpu.vector_load %arg9[%swap3A_402, %swap3A_403] {strides = array<i32>} : memref<8x128xf32, #tpu.memory_space<vmem>>, vector<1x16xf32>,
        %swap3A_405 = vector.shape_cast %swap3A_404 : vector<1x16xf32> to vector<16xf32>
        %swap3A_406 = vector.shape_cast %scan3A_371#5 : vector<16xf32> to vector<1x16xf32>
        tpu.vector_store %arg9[%swap3A_402, %swap3A_403], %swap3A_406 {strides = array<i32>} : memref<8x128xf32, #tpu.memory_space<vmem>>, vector<1x16xf32>,
        %swap3A_407 = arith.index_cast %add3A_376 : i32 to index
        %swap3A_408 = arith.constant 96 : index
        %swap3A_409 = tpu.vector_load %arg9[%swap3A_407, %swap3A_408] {strides = array<i32>} : memref<8x128xf32, #tpu.memory_space<vmem>>, vector<1x16xf32>,
        %swap3A_410 = vector.shape_cast %swap3A_409 : vector<1x16xf32> to vector<16xf32>
        %swap3A_411 = vector.shape_cast %scan3A_371#6 : vector<16xf32> to vector<1x16xf32>
        tpu.vector_store %arg9[%swap3A_407, %swap3A_408], %swap3A_411 {strides = array<i32>} : memref<8x128xf32, #tpu.memory_space<vmem>>, vector<1x16xf32>,
        %swap3A_412 = arith.index_cast %add3A_376 : i32 to index
        %swap3A_413 = arith.constant 112 : index
        %swap3A_414 = tpu.vector_load %arg9[%swap3A_412, %swap3A_413] {strides = array<i32>} : memref<8x128xf32, #tpu.memory_space<vmem>>, vector<1x16xf32>,
        %swap3A_415 = vector.shape_cast %swap3A_414 : vector<1x16xf32> to vector<16xf32>
        %swap3A_416 = vector.shape_cast %scan3A_371#7 : vector<16xf32> to vector<1x16xf32>
        tpu.vector_store %arg9[%swap3A_412, %swap3A_413], %swap3A_416 {strides = array<i32>} : memref<8x128xf32, #tpu.memory_space<vmem>>, vector<1x16xf32>,
        %eq3A_417 = arith.constant 1 : i32
        %eq3A_418 = arith.cmpi eq, %select_n3A_147, %eq3A_417 : i32
        %convert_element_type3A_419 = arith.extui %eq3A_418 : i1 to i32
        %cond3A_420 = arith.constant 0 : i32
        %cond3A_421 = arith.cmpi ne, %convert_element_type3A_419, %cond3A_420 : i32
        scf.if %cond3A_421 {
          %div3A = arith.constant 2 : i32
          %div3A_422 = arith.divsi %add3A_95, %div3A : i32
          %add3A_423 = arith.addi %select_n3A, %div3A_422 : i32
          %mul3A_424 = arith.constant 8 : i32
          %mul3A_425 = arith.muli %add3A_423, %mul3A_424 : i32
          %multiple_of3A_426 = tpu.assume_multiple %mul3A_425, 8 : i32
          %dma_start3A_427 = arith.constant 0 : i32
          %dma_start3A_428 = tpu.memref_slice %arg5[%multiple_of3A_426, %dma_start3A_427] : memref<10000x128xf32, #tpu.memory_space<hbm>> -> memref<8x128xf32, #tpu.memory_space<hbm>>
          %dma_start3A_429 = arith.constant 0 : i32
          %dma_start3A_430 = tpu.memref_slice %arg5[%multiple_of3A_426, %dma_start3A_429] : memref<10000x128xf32, #tpu.memory_space<hbm>> -> memref<8x128xf32, #tpu.memory_space<hbm>>
          tpu.enqueue_dma source(%arg9 : memref<8x128xf32, #tpu.memory_space<vmem>>) target(%dma_start3A_430 : memref<8x128xf32, #tpu.memory_space<hbm>>) target_semaphore(%arg16 : memref<!tpu.dma_semaphore, #tpu.memory_space<semaphore_mem>>)
        } else {
        }
      } else {
      }
    }
    %scan3A_69 = arith.constant 27 : i32
    %dma_wait3A = arith.constant 0 : i32
    %dma_wait3A_70 = arith.constant 0 : i32
    %dma_wait3A_71 = tpu.memref_slice %arg5[%dma_wait3A, %dma_wait3A_70] : memref<10000x128xf32, #tpu.memory_space<hbm>> -> memref<8x128xf32, #tpu.memory_space<hbm>>
    %dma_wait3A_72 = arith.constant 0 : i32
    %dma_wait3A_73 = arith.constant 0 : i32
    %dma_wait3A_74 = tpu.memref_slice %arg5[%dma_wait3A_72, %dma_wait3A_73] : memref<10000x128xf32, #tpu.memory_space<hbm>> -> memref<8x128xf32, #tpu.memory_space<hbm>>
    tpu.wait_dma2 semaphore(%arg16 : memref<!tpu.dma_semaphore, #tpu.memory_space<semaphore_mem>>) src(%arg9 : memref<8x128xf32, #tpu.memory_space<vmem>>) dst(%dma_wait3A_74 : memref<8x128xf32, #tpu.memory_space<hbm>>)
    return
  }
}

module attributes {stable_mosaic.version = 14 : i64} {
  func.func @_h_body(%arg0: i32, %arg1: memref<2000x128xf32, #tpu.memory_space<vmem>>, %arg2: memref<128x128xf32, #tpu.memory_space<vmem>>, %arg3: memref<2000x128xf32, #tpu.memory_space<vmem>>) attributes {dimension_semantics = [#tpu.dimension_semantics<arbitrary>], iteration_bounds = array<i64: 5>, scalar_prefetch = 0 : i64, scratch_operands = 0 : i64, tpu.core_type = #tpu.core_type<tc>, window_params = [{transform_indices = @transform_0, window_bounds = array<i64: 2000, 128>}, {pipeline_mode = #tpu.pipeline_mode<synchronous>, transform_indices = @transform_1, window_bounds = array<i64: 128, 128>}, {transform_indices = @transform_2, window_bounds = array<i64: 2000, 128>}]} {
    %get3A = arith.constant 0 : index
    %get3A_0 = arith.constant 0 : index
    %get3A_1 = vector.load %arg1[%get3A, %get3A_0] : memref<2000x128xf32, #tpu.memory_space<vmem>>, vector<2000x128xf32>
    %get3A_2 = arith.constant 0 : index
    %get3A_3 = arith.constant 0 : index
    %get3A_4 = vector.load %arg2[%get3A_2, %get3A_3] : memref<128x128xf32, #tpu.memory_space<vmem>>, vector<128x128xf32>
    %dot_general3A = arith.constant dense<0.000000e+00> : vector<2000x128xf32>
    %dot_general3A_5 = tpu.matmul %get3A_1, %get3A_4, %dot_general3A {dimension_numbers = #tpu.dot_dimension_numbers<[1], [0], [0], [1], [0, 0, 1, 1], [], []>, transpose_lhs_hint = false} : vector<2000x128xf32>, vector<128x128xf32>, vector<2000x128xf32> -> vector<2000x128xf32>
    %swap3A = arith.constant 0 : index
    %swap3A_6 = arith.constant 0 : index
    %swap3A_7 = vector.load %arg3[%swap3A, %swap3A_6] : memref<2000x128xf32, #tpu.memory_space<vmem>>, vector<2000x128xf32>
    tpu.vector_store %arg3[%swap3A, %swap3A_6], %dot_general3A_5 {strides = array<i32>} : memref<2000x128xf32, #tpu.memory_space<vmem>>, vector<2000x128xf32>,
    return
  }
  func.func @transform_0(%arg0: i32) -> (i32, i32) {
    %c0_i32 = arith.constant 0 : i32
    %c0_i32_0 = arith.constant 0 : i32
    return %arg0, %c0_i32 : i32, i32
  }
  func.func @transform_1(%arg0: i32) -> (i32, i32) {
    %c0_i32 = arith.constant 0 : i32
    %c0_i32_0 = arith.constant 0 : i32
    %c0_i32_1 = arith.constant 0 : i32
    return %c0_i32, %c0_i32_0 : i32, i32
  }
  func.func @transform_2(%arg0: i32) -> (i32, i32) {
    %c0_i32 = arith.constant 0 : i32
    %c0_i32_0 = arith.constant 0 : i32
    return %arg0, %c0_i32 : i32, i32
  }
}

module attributes {stable_mosaic.version = 14 : i64} {
  func.func @_phase1_body(%arg0: i32, %arg1: memref<12800x16xf32, #tpu.memory_space<vmem>>, %arg2: memref<16x128xf32, #tpu.memory_space<vmem>>, %arg3: memref<1x128xf32, #tpu.memory_space<vmem>>, %arg4: memref<128x128xf32, #tpu.memory_space<vmem>>, %arg5: memref<1x128xf32, #tpu.memory_space<vmem>>, %arg6: memref<12800x128xf32, #tpu.memory_space<vmem>>) attributes {dimension_semantics = [#tpu.dimension_semantics<arbitrary>], iteration_bounds = array<i64: 25>, scalar_prefetch = 0 : i64, scratch_operands = 0 : i64, tpu.core_type = #tpu.core_type<tc>, window_params = [{transform_indices = @transform_0, window_bounds = array<i64: 12800, 16>}, {pipeline_mode = #tpu.pipeline_mode<synchronous>, transform_indices = @transform_1, window_bounds = array<i64: 16, 128>}, {pipeline_mode = #tpu.pipeline_mode<synchronous>, transform_indices = @transform_2, window_bounds = array<i64: 1, 128>}, {pipeline_mode = #tpu.pipeline_mode<synchronous>, transform_indices = @transform_3, window_bounds = array<i64: 128, 128>}, {pipeline_mode = #tpu.pipeline_mode<synchronous>, transform_indices = @transform_4, window_bounds = array<i64: 1, 128>}, {transform_indices = @transform_5, window_bounds = array<i64: 12800, 128>}]} {
    %get3A = arith.constant 0 : index
    %get3A_0 = arith.constant 0 : index
    %get3A_1 = vector.load %arg1[%get3A, %get3A_0] : memref<12800x16xf32, #tpu.memory_space<vmem>>, vector<12800x16xf32>
    %get3A_2 = arith.constant 0 : index
    %get3A_3 = arith.constant 0 : index
    %get3A_4 = vector.load %arg2[%get3A_2, %get3A_3] : memref<16x128xf32, #tpu.memory_space<vmem>>, vector<16x128xf32>
    %dot_general3A = arith.constant dense<0.000000e+00> : vector<12800x128xf32>
    %dot_general3A_5 = tpu.matmul %get3A_1, %get3A_4, %dot_general3A {dimension_numbers = #tpu.dot_dimension_numbers<[1], [0], [0], [1], [0, 0, 1, 1], [], []>, transpose_lhs_hint = false} : vector<12800x16xf32>, vector<16x128xf32>, vector<12800x128xf32> -> vector<12800x128xf32>
    %get3A_6 = arith.constant 0 : index
    %get3A_7 = arith.constant 0 : index
    %get3A_8 = vector.load %arg3[%get3A_6, %get3A_7] : memref<1x128xf32, #tpu.memory_space<vmem>>, vector<1x128xf32>
    %add3A = vector.broadcast %get3A_8 : vector<1x128xf32> to vector<12800x128xf32>
    %add3A_9 = arith.addf %dot_general3A_5, %add3A : vector<12800x128xf32>
    %tanh3A = math.tanh %add3A_9 : vector<12800x128xf32>
    %get3A_10 = arith.constant 0 : index
    %get3A_11 = arith.constant 0 : index
    %get3A_12 = vector.load %arg4[%get3A_10, %get3A_11] : memref<128x128xf32, #tpu.memory_space<vmem>>, vector<128x128xf32>
    %dot_general3A_13 = arith.constant dense<0.000000e+00> : vector<12800x128xf32>
    %dot_general3A_14 = tpu.matmul %tanh3A, %get3A_12, %dot_general3A_13 {dimension_numbers = #tpu.dot_dimension_numbers<[1], [0], [0], [1], [0, 0, 1, 1], [], []>, transpose_lhs_hint = false} : vector<12800x128xf32>, vector<128x128xf32>, vector<12800x128xf32> -> vector<12800x128xf32>
    %get3A_15 = arith.constant 0 : index
    %get3A_16 = arith.constant 0 : index
    %get3A_17 = vector.load %arg5[%get3A_15, %get3A_16] : memref<1x128xf32, #tpu.memory_space<vmem>>, vector<1x128xf32>
    %add3A_18 = vector.broadcast %get3A_17 : vector<1x128xf32> to vector<12800x128xf32>
    %add3A_19 = arith.addf %dot_general3A_14, %add3A_18 : vector<12800x128xf32>
    %swap3A = arith.constant 0 : index
    %swap3A_20 = arith.constant 0 : index
    %swap3A_21 = vector.load %arg6[%swap3A, %swap3A_20] : memref<12800x128xf32, #tpu.memory_space<vmem>>, vector<12800x128xf32>
    tpu.vector_store %arg6[%swap3A, %swap3A_20], %add3A_19 {strides = array<i32>} : memref<12800x128xf32, #tpu.memory_space<vmem>>, vector<12800x128xf32>,
    return
  }
  func.func @transform_0(%arg0: i32) -> (i32, i32) {
    %c0_i32 = arith.constant 0 : i32
    %c0_i32_0 = arith.constant 0 : i32
    return %arg0, %c0_i32 : i32, i32
  }
  func.func @transform_1(%arg0: i32) -> (i32, i32) {
    %c0_i32 = arith.constant 0 : i32
    %c0_i32_0 = arith.constant 0 : i32
    %c0_i32_1 = arith.constant 0 : i32
    return %c0_i32, %c0_i32_0 : i32, i32
  }
  func.func @transform_2(%arg0: i32) -> (i32, i32) {
    %c0_i32 = arith.constant 0 : i32
    %c0_i32_0 = arith.constant 0 : i32
    %c0_i32_1 = arith.constant 0 : i32
    return %c0_i32, %c0_i32_0 : i32, i32
  }
  func.func @transform_3(%arg0: i32) -> (i32, i32) {
    %c0_i32 = arith.constant 0 : i32
    %c0_i32_0 = arith.constant 0 : i32
    %c0_i32_1 = arith.constant 0 : i32
    return %c0_i32, %c0_i32_0 : i32, i32
  }
  func.func @transform_4(%arg0: i32) -> (i32, i32) {
    %c0_i32 = arith.constant 0 : i32
    %c0_i32_0 = arith.constant 0 : i32
    %c0_i32_1 = arith.constant 0 : i32
    return %c0_i32, %c0_i32_0 : i32, i32
  }
  func.func @transform_5(%arg0: i32) -> (i32, i32) {
    %c0_i32 = arith.constant 0 : i32
    %c0_i32_0 = arith.constant 0 : i32
    return %arg0, %c0_i32 : i32, i32
  }
}

module attributes {stable_mosaic.version = 14 : i64} {
  func.func @_phase3_body(%arg0: i32, %arg1: memref<2000x128xf32, #tpu.memory_space<vmem>>, %arg2: memref<128x128xf32, #tpu.memory_space<vmem>>, %arg3: memref<1x128xf32, #tpu.memory_space<vmem>>, %arg4: memref<128x128xf32, #tpu.memory_space<vmem>>, %arg5: memref<1x128xf32, #tpu.memory_space<vmem>>, %arg6: memref<2000x128xf32, #tpu.memory_space<vmem>>) attributes {dimension_semantics = [#tpu.dimension_semantics<arbitrary>], iteration_bounds = array<i64: 5>, scalar_prefetch = 0 : i64, scratch_operands = 0 : i64, tpu.core_type = #tpu.core_type<tc>, window_params = [{transform_indices = @transform_0, window_bounds = array<i64: 2000, 128>}, {pipeline_mode = #tpu.pipeline_mode<synchronous>, transform_indices = @transform_1, window_bounds = array<i64: 128, 128>}, {pipeline_mode = #tpu.pipeline_mode<synchronous>, transform_indices = @transform_2, window_bounds = array<i64: 1, 128>}, {pipeline_mode = #tpu.pipeline_mode<synchronous>, transform_indices = @transform_3, window_bounds = array<i64: 128, 128>}, {pipeline_mode = #tpu.pipeline_mode<synchronous>, transform_indices = @transform_4, window_bounds = array<i64: 1, 128>}, {transform_indices = @transform_5, window_bounds = array<i64: 2000, 128>}]} {
    %get3A = arith.constant 0 : index
    %get3A_0 = arith.constant 0 : index
    %get3A_1 = vector.load %arg1[%get3A, %get3A_0] : memref<2000x128xf32, #tpu.memory_space<vmem>>, vector<2000x128xf32>
    %get3A_2 = arith.constant 0 : index
    %get3A_3 = arith.constant 0 : index
    %get3A_4 = vector.load %arg2[%get3A_2, %get3A_3] : memref<128x128xf32, #tpu.memory_space<vmem>>, vector<128x128xf32>
    %dot_general3A = arith.constant dense<0.000000e+00> : vector<2000x128xf32>
    %dot_general3A_5 = tpu.matmul %get3A_1, %get3A_4, %dot_general3A {dimension_numbers = #tpu.dot_dimension_numbers<[1], [0], [0], [1], [0, 0, 1, 1], [], []>, transpose_lhs_hint = false} : vector<2000x128xf32>, vector<128x128xf32>, vector<2000x128xf32> -> vector<2000x128xf32>
    %get3A_6 = arith.constant 0 : index
    %get3A_7 = arith.constant 0 : index
    %get3A_8 = vector.load %arg3[%get3A_6, %get3A_7] : memref<1x128xf32, #tpu.memory_space<vmem>>, vector<1x128xf32>
    %add3A = vector.broadcast %get3A_8 : vector<1x128xf32> to vector<2000x128xf32>
    %add3A_9 = arith.addf %dot_general3A_5, %add3A : vector<2000x128xf32>
    %tanh3A = math.tanh %add3A_9 : vector<2000x128xf32>
    %get3A_10 = arith.constant 0 : index
    %get3A_11 = arith.constant 0 : index
    %get3A_12 = vector.load %arg4[%get3A_10, %get3A_11] : memref<128x128xf32, #tpu.memory_space<vmem>>, vector<128x128xf32>
    %dot_general3A_13 = arith.constant dense<0.000000e+00> : vector<2000x128xf32>
    %dot_general3A_14 = tpu.matmul %tanh3A, %get3A_12, %dot_general3A_13 {dimension_numbers = #tpu.dot_dimension_numbers<[1], [0], [0], [1], [0, 0, 1, 1], [], []>, transpose_lhs_hint = false} : vector<2000x128xf32>, vector<128x128xf32>, vector<2000x128xf32> -> vector<2000x128xf32>
    %get3A_15 = arith.constant 0 : index
    %get3A_16 = arith.constant 0 : index
    %get3A_17 = vector.load %arg5[%get3A_15, %get3A_16] : memref<1x128xf32, #tpu.memory_space<vmem>>, vector<1x128xf32>
    %add3A_18 = vector.broadcast %get3A_17 : vector<1x128xf32> to vector<2000x128xf32>
    %add3A_19 = arith.addf %dot_general3A_14, %add3A_18 : vector<2000x128xf32>
    %swap3A = arith.constant 0 : index
    %swap3A_20 = arith.constant 0 : index
    %swap3A_21 = vector.load %arg6[%swap3A, %swap3A_20] : memref<2000x128xf32, #tpu.memory_space<vmem>>, vector<2000x128xf32>
    tpu.vector_store %arg6[%swap3A, %swap3A_20], %add3A_19 {strides = array<i32>} : memref<2000x128xf32, #tpu.memory_space<vmem>>, vector<2000x128xf32>,
    return
  }
  func.func @transform_0(%arg0: i32) -> (i32, i32) {
    %c0_i32 = arith.constant 0 : i32
    %c0_i32_0 = arith.constant 0 : i32
    return %arg0, %c0_i32 : i32, i32
  }
  func.func @transform_1(%arg0: i32) -> (i32, i32) {
    %c0_i32 = arith.constant 0 : i32
    %c0_i32_0 = arith.constant 0 : i32
    %c0_i32_1 = arith.constant 0 : i32
    return %c0_i32, %c0_i32_0 : i32, i32
  }
  func.func @transform_2(%arg0: i32) -> (i32, i32) {
    %c0_i32 = arith.constant 0 : i32
    %c0_i32_0 = arith.constant 0 : i32
    %c0_i32_1 = arith.constant 0 : i32
    return %c0_i32, %c0_i32_0 : i32, i32
  }
  func.func @transform_3(%arg0: i32) -> (i32, i32) {
    %c0_i32 = arith.constant 0 : i32
    %c0_i32_0 = arith.constant 0 : i32
    %c0_i32_1 = arith.constant 0 : i32
    return %c0_i32, %c0_i32_0 : i32, i32
  }
  func.func @transform_4(%arg0: i32) -> (i32, i32) {
    %c0_i32 = arith.constant 0 : i32
    %c0_i32_0 = arith.constant 0 : i32
    %c0_i32_1 = arith.constant 0 : i32
    return %c0_i32, %c0_i32_0 : i32, i32
  }
  func.func @transform_5(%arg0: i32) -> (i32, i32) {
    %c0_i32 = arith.constant 0 : i32
    %c0_i32_0 = arith.constant 0 : i32
    return %arg0, %c0_i32 : i32, i32
  }
}

</mosaic_0001>

<sc_bundles>
// kernel: kernel.6.cloned.1.call-start
scs
__scs_entry_jumppad:
0x0: {  	(pc) =	sbr.rel $0x88, $3  }
0x1: {  	(tag) =	ssettag $0x0;
	lr =	simm.s32 $0x1  }
0x2: {  	[smem:$0x3F95] =	sst lr;
	_ =	strace $0xD0000000  }
0x3: {  	_ = 	snop  }
0x4: {  	_ = 	snop  }
0x5: {  	_ = 	snop  }
0x6: {  	_ = 	snop  }
0x7: {  	_ = 	snop  }
__scs_overlays_trampoline_lowered:
0x8: {  	[smem:$0x3FA4] =	sst s0  }
0x9: {  	[smem:$0x3FA5] =	sst s1  }
0xa: {  	[smem:$0x3FA6] =	sst s2  }
0xb: {  	[smem:$0x3FA7] =	sst s3  }
0xc: {  	[smem:$0x3FA8] =	sst s4  }
0xd: {  	[smem:$0x3FA9] =	sst s5  }
0xe: {  	[smem:$0x3FAA] =	sst s6  }
0xf: {  	[smem:$0x3FAB] =	sst s7  }
0x10: {  	[smem:$0x3FAC] =	sst s8  }
0x11: {  	[smem:$0x3FAD] =	sst s9;
	s0 =	simm.s32 @!p0 $0x0  }
0x12: {  	s1 =	sld [smem:$0x3F93];
	s0 =	simm.s32 @p0 $0x1  }
0x13: {  	[smem:$0x3FAE] =	sst s0;
	s0 =	simm.s32 @!p1 $0x0  }
0x14: {  	s2 =	sld [smem:$0x3F92];
	s0 =	simm.s32 @p1 $0x1  }
0x15: {  	[smem:$0x3FAF] =	sst s0;
	s0 =	simm.s32 @!p2 $0x0  }
0x16: {  	s3 =	sld [smem:$0x3FDB];
	s0 =	simm.s32 @p2 $0x1  }
0x17: {  	s4 =	simm.s32 $0x1BF5;
	[smem:$0x3FB1] =	sst s0  }
0x18: {  	s0 =	sld [smem:$0x3F94];
	_ =	swait.ge [sflag:s4], $0x0  }
0x19: {  	s7 =	sld [smem:$0x3F95]  }
0x1a: {  	s8 =	sadd.s32 $0xFFFFE003, lr  }
0x1b: {  	s9 =	sadd.s32 $0xFFFFFEF7, lr;
	s5 =	simm.s32 $0xFFFFFFFF;
	p2 =	slt.u32 s8, $0xFFFFF086  }
0x1c: {  	p1 =	slt.u32 s9, $0xF7A;
	s5 =	simm.s32 @!p2 $0x0  }
0x1d: {  	s5 =	simm.s32 @p1 $0x1;
	p0 =	seq.s32 s7, s2  }
0x1e: {  	s7 =	smul.u32 @!p0 $0xF7A, s2;
	p2 =	seq.s32 @!p0 s5, $0x0  }
0x1f: {  	s9 =	smul.u32 $0xF7A, s1;
	s8 =	simm.s32 @!p0 $0x1BF5;
	p2 =	por !p2, p0  }
0x20: {  	[sflag:s8] =	ssyncset.s32 @!p0 $0xFFFFF086;
	s6 =	sadd.s32 @!p0 s3, s7;
	s7 =	simm.s32 @!p0 $0x108  }
0x21: {  	s3 =	sadd.s32 s3, s9;
	s6 =	sadd.s32 @!p0 $0x88, s6;
	s7 =	simm.s32 @p2 $0x1082  }
0x22: {  	[simem:s7], [sflag:s8] =	dma.local @!p0 [hbm:s6], $0xF7A  }
0x23: {  	s9 =	sor.u32 $0xD0000000, s2;
	s6 =	simm.s32 $0x108;
	_ =	swait.ge @!p0 [sflag:s8], $0x0  }
0x24: {  	s3 =	sadd.s32 $0x88, s3;
	s6 =	simm.s32 @!p1 $0x1082;
	[sflag:s4] =	ssyncset.s32 $0xFFFFF086  }
0x25: {  	[simem:s6], [sflag:s4] =	dma.local [hbm:s3], $0xF7A  }
0x26: {  	[smem:$0x3F95] =	sst s1;
	(tag) =	ssettag s2;
	_ =	strace s9  }
0x27: {  	s1 =	sld [smem:$0x3FA5]  }
0x28: {  	s2 =	sld [smem:$0x3FA6]  }
0x29: {  	s4 =	sld [smem:$0x3FA8]  }
0x2a: {  	p0 =	seq.s32 s5, $0x0;
	s5 =	sld [smem:$0x3FA9]  }
0x2b: {  	s6 =	sld [smem:$0x3FAA]  }
0x2c: {  	s7 =	sld [smem:$0x3FAB]  }
0x2d: {  	s3 =	simm.s32 $0x108;
	s8 =	sld [smem:$0x3FAC]  }
0x2e: {  	s3 =	simm.s32 @!p0 $0x1082;
	s9 =	sld [smem:$0x3FAD]  }
0x2f: {  	lr =	sadd.s32 s0, s3;
	s0 =	sld [smem:$0x3FA4]  }
0x30: {  	s3 =	sld [smem:$0x3FA7]  }
0x31: {  	[smem:$0x3FB0] =	sst s10  }
0x32: {  	s10 =	sld [smem:$0x3FAE];
	_ =	sdelay $0x3  }
0x33: {  	p0 =	seq.s32 s10, $0x1;
	s10 =	sld [smem:$0x3FB0];
	_ =	sdelay $0x3  }
0x34: {  	[smem:$0x3FB0] =	sst s10  }
0x35: {  	s10 =	sld [smem:$0x3FAF];
	_ =	sdelay $0x3  }
0x36: {  	p1 =	seq.s32 s10, $0x1;
	s10 =	sld [smem:$0x3FB0];
	_ =	sdelay $0x3  }
0x37: {  	[smem:$0x3FB0] =	sst s10  }
0x38: {  	s10 =	sld [smem:$0x3FB1]  }
0x39: {  	_ = 	snop;
	(pc) =	sbr.ind lr, $3  }
0x3a: {  	_ = 	snop  }
0x3b: {  	_ = 	snop  }
0x3c: {  	p2 =	seq.s32 s10, $0x1;
	s10 =	sld [smem:$0x3FB0]  }
0x3d: {  	_ =	shalt  }
0x3e: {  	_ =	shalt  }
0x3f: {  	_ =	shalt  }
0x40: {  	_ =	shalt  }
0x41: {  	_ =	shalt  }
0x42: {  	_ =	shalt  }
0x43: {  	_ =	shalt  }
0x44: {  	_ =	shalt  }
0x45: {  	_ =	shalt  }
0x46: {  	_ =	shalt  }
0x47: {  	_ =	shalt  }
0x48: {  	_ =	shalt  }
0x49: {  	_ =	shalt  }
0x4a: {  	_ =	shalt  }
0x4b: {  	_ =	shalt  }
0x4c: {  	_ =	shalt  }
0x4d: {  	_ =	shalt  }
0x4e: {  	_ =	shalt  }
0x4f: {  	_ =	shalt  }
0x50: {  	_ =	shalt  }
0x51: {  	_ =	shalt  }
0x52: {  	_ =	shalt  }
0x53: {  	_ =	shalt  }
0x54: {  	_ =	shalt  }
0x55: {  	_ =	shalt  }
0x56: {  	_ =	shalt  }
0x57: {  	_ =	shalt  }
0x58: {  	_ =	shalt  }
0x59: {  	_ =	shalt  }
0x5a: {  	_ =	shalt  }
0x5b: {  	_ =	shalt  }
0x5c: {  	_ =	shalt  }
0x5d: {  	_ =	shalt  }
0x5e: {  	_ =	shalt  }
0x5f: {  	_ =	shalt  }
0x60: {  	_ =	shalt  }
0x61: {  	_ =	shalt  }
0x62: {  	_ =	shalt  }
0x63: {  	_ =	shalt  }
0x64: {  	_ =	shalt  }
0x65: {  	_ =	shalt  }
0x66: {  	_ =	shalt  }
0x67: {  	_ =	shalt  }
0x68: {  	_ =	shalt  }
0x69: {  	_ =	shalt  }
0x6a: {  	_ =	shalt  }
0x6b: {  	_ =	shalt  }
0x6c: {  	_ =	shalt  }
0x6d: {  	_ =	shalt  }
0x6e: {  	_ =	shalt  }
0x6f: {  	_ =	shalt  }
0x70: {  	_ =	shalt  }
0x71: {  	_ =	shalt  }
0x72: {  	_ =	shalt  }
0x73: {  	_ =	shalt  }
0x74: {  	_ =	shalt  }
0x75: {  	_ =	shalt  }
0x76: {  	_ =	shalt  }
0x77: {  	_ =	shalt  }
0x78: {  	_ =	shalt  }
0x79: {  	_ =	shalt  }
0x7a: {  	_ =	shalt  }
0x7b: {  	_ =	shalt  }
0x7c: {  	_ =	shalt  }
0x7d: {  	_ =	shalt  }
0x7e: {  	_ =	shalt  }
0x7f: {  	_ =	shalt  }
0x80: {  	_ =	shalt  }
0x81: {  	_ =	shalt  }
0x82: {  	_ =	shalt  }
0x83: {  	_ =	shalt  }
0x84: {  	_ =	shalt  }
0x85: {  	_ =	shalt  }
0x86: {  	_ =	shalt  }
0x87: {  	_ =	shalt  }
.Lfunc_end0:
.L_simem_size_0:
called_computation_lowered:
.L_overlay_start_0:
0x88: {  	s2 =	sld [smem:$0x3FD9]  }
0x89: {  	s3 =	sld [smem:$0x3FFE];
	_ =	sdelay $0x1  }
0x8a: {  	s1 =	srdreg.scid  }
0x8b: {  	s0 =	sand.u32 $0x1, s1  }
0x8c: {  	s14 =	sshll.u32 s0, $0xA;
	s2 =	sadd.s32 s3, s2  }
0x8d: {  	s2 =	sadd.s32 s2, s14  }
0x8e: {  	[smem:$0x3FBC] =	sst s2  }
0x8f: {  	_ = 	snop  }
0x90: {  	s2 =	sld [smem:$0x3FD0];
	_ =	sdelay $0x2  }
0x91: {  	s15 =	simm.s32 $0xA;
	s4 =	simm.s32 $0x10  }
0x92: {  	[smem:s4], [sflag:s15] =	dma.local [hbm:s2], $0x1  }
0x93: {  	_ =	swait.eq [sflag:s15], $0x1  }
0x94: {  	[sflag:s15] =	ssyncset.done $0x0  }
0x95: {  	s16 =	sld [smem:$0x10];
	[sflag:s15] =	ssyncadd.s32 $0xFFFFFFFF  }
0x96: {  	s17 =	sld [smem:$0x11];
	(tm) =	ssettm $0x1  }
0x97: {  	s18 =	sld [smem:$0x3FFB];
	_ =	sdelay $0x3  }
0x98: {  	_ =	strace s18  }
0x99: {  	s4 =	sld [smem:$0x3FFC];
	_ =	sdelay $0x3  }
0x9a: {  	_ =	strace s4  }
0x9b: {  	s4 =	sld [smem:$0x3FFD];
	_ =	sdelay $0x3  }
0x9c: {  	_ =	strace s4  }
0x9d: {  	_ =	strace $0x8FFFFFFF  }
0x9e: {  	s19 =	sld [smem:$0x3FDB];
	_ =	sdelay $0x1  }
0x9f: {  	s5 =	simm.s32 $_scs_section_size  }
0xa0: {  	s6 =	simm.s32 $_size__tile_overlayer_lowered;
	s7 =	simm.s32 $_tile_overlayer_lowered  }
0xa1: {  	s22 =	simm.s32 $0x1BFF;
	s21 =	sshll.u32 s7, $0x1;
	s4 =	sadd.s32 s5, s19  }
0xa2: {  	s8 =	simm.s32 $0x0;
	s20 =	sshll.u32 s6, $0x1;
	s6 =	sadd.s32 s21, s4  }
0xa3: {  	[timem:s8], [sflag:s22] =	dma.local [hbm:s6], s20  }
0xa4: {  	_ =	swait.ge [sflag:s22], s20  }
0xa5: {  	s5 =	ssub.s32 $0x0, s20;
	[sflag:s22] =	ssyncset.done $0x0  }
0xa6: {  	[sflag:s22] =	ssyncadd.s32 s5;
	_ =	sdelay $0x1  }
0xa7: {  	s23 =	simm.s32 $0x1B8B  }
0xa8: {  	_ =	swait.ge [sflag:s23], $0x1  }
0xa9: {  	[sflag:s23] =	ssyncset.done $0x0  }
0xaa: {  	s25 =	simm.s32 $0x1B8E;
	s24 =	sld [smem:$0x3FFE];
	[sflag:s23] =	ssyncadd.s32 $0xFFFFFFFF  }
0xab: {  	s26 =	simm.s32 $execute0_lowered;
	[smem:$0x3FD2] =	sst s25  }
0xac: {  	s6 =	sshll.u32 s26, $0x1;
	_ =	strace $0x80000046;
	[dreg:$0x1] =	wrdreg $0xFFFFFFFF  }
0xad: {  	s28 =	simm.s32 $_size_execute0_lowered;
	s4 =	sadd.s32 s4, s6;
	[dreg:$0x0] =	wrdreg $0x0  }
0xae: {  	s6 =	sshll.u32 s28, $0x1;
	[dreg:$0x2] =	wrdreg s4  }
0xaf: {  	[dreg:$0x3] =	wrdreg s6  }
0xb0: {  	[dreg:$0x4] =	wrdreg $0xC0  }
0xb1: {  	_ =	task [dreg:s8], $0x5FFFF  }
0xb2: {  	[dreg:$0x1] =	wrdreg $0xFFFFFFFF  }
0xb3: {  	[dreg:$0x0] =	wrdreg $0x60  }
0xb4: {  	[dreg:$0x2] =	wrdreg s16  }
0xb5: {  	[dreg:$0x3] =	wrdreg s24  }
0xb6: {  	[dreg:$0x4] =	wrdreg s17  }
0xb7: {  	[dreg:$0x5] =	wrdreg $0x9  }
0xb8: {  	_ =	task.clear_ibuf [dreg:s8], $0x6FFFF;
	_ =	strace $0x90000046  }
0xb9: {  	s29 =	simm.s32 $0x9;
	_ =	strace $0x80000048  }
0xba: {  	_ =	swait.ge [sflag:s29], $0x1  }
0xbb: {  	[sflag:s29] =	ssyncadd.s32 $0xFFFFFFFF  }
0xbc: {  	_ =	strace $0x90000048  }
0xbd: {  	_ =	sfence  }
0xbe: {  	s30 =	sld [smem:$0x0];
	_ =	sdelay $0x2  }
0xbf: {  	s31 =	sshll.u32 s1, $0xD;
	s1 =	sshrl.u32 s1, $0x2  }
0xc0: {  	s3 =	sand.u32 $0x4000, s31;
	s1 =	sadd.s32 s1, s30  }
0xc1: {  	s0 =	sor.u32 s3, s0;
	s1 =	sshll.u32 s1, $0x11  }
0xc2: {  	s0 =	sor.u32 s1, s0  }
0xc3: {  	s0 =	sadd.s32 $0x8F2B, s0  }
0xc4: {  	[sflag:s0] =	ssyncadd.remote.s32 $0x1  }
0xc5: {  	_ =	sfence.sel $0xFFFF  }
0xc6: {  	[dreg:$0x0] =	wrdreg $0xFFFFFFFF;
	(pc) =	sbr.abs _section_cstart, $3  }
0xc7: {  	[dreg:$0x1] =	wrdreg $0xFFFFFFFF  }
0xc8: {  	_ =	task.clear_ibuf [dreg:s8], $0x2FFFF;
	_ =	strace $0x9FFFFFFF  }
0xc9: {  	(tm) =	ssettm $0x7FFFFFFF  }
tec
execute0_lowered:
.L_overlay_start_1:
0x0: {  	(tag) =	ssettag $0x1  }
0x1: {  	s0 =	rddreg [dreg:$0x0]  }
0x2: {  	s1 =	srdreg.scid;
	s4 =	rddreg [dreg:$0x1]  }
0x3: {  	s12 =	stileid.u32;
	s10 =	rddreg [dreg:$0x2]  }
0x4: {  	s13 =	simm.s32 $0x80;
	s15 =	simm.s32 $0xE800;
	s16 =	simm.s32 $0x6800  }
0x5: {  	s17 =	simm.s32 $0x12800;
	s18 =	simm.s32 $0x1;
	s19 =	simm.s32 $0x4  }
0x6: {  	s20 =	simm.s32 $0x2;
	s1 =	sand.u32 $0x1, s1;
	s2 =	sshll.u32 s12, $0x1  }
0x7: {  	s21 =	simm.s32 $0x5;
	s22 =	simm.s32 $0x3;
	s2 =	sor.u32 s1, s2  }
0x8: {  	s23 =	simm.s32 $0x6;
	s24 =	simm.s32 $0x7;
	s3 =	smul.u32 $0x27, s2  }
0x9: {  	s25 =	simm.s32 $0x0;
	p0 =	seq.s32 s12, $0x0;
	s5 =	smul.u32 $0x28, s2  }
0xa: {  	s1 =	ssub.s32 $0x2, s1;
	s2 =	simm.s32 $0x0;
	s3 =	sadd.s32 $0x2, s3  }
0xb: {  	s6 =	sshrl.u32 s1, $0x1;
	[smem:$0x7FF] =	sst s2;
	s3 =	smov.u32 @p0 s5  }
0xc: {  	s1 =	ssub.s32 s1, s6;
	_ =	strace $0x80000047;
	s5 =	sshll.u32 s3, $0x5  }
.Ltmp0:
0xd: {  	s11 =	sshll.u32 s3, $0xC;
	s7 =	sadd.s32 s5, s4;
	(pc) =	sbr.rel .LBB2_1-.Ltmp0, $4  }
0xe: {  	s4 =	sadd.s32 $0x1E00, s4;
	s5 =	simm.s32 $0x50;
	s8 =	sand.u32 $0x1FFFF000, s11  }
0xf: {  	s5 =	simm.s32 @!p0 $0x4E;
	s6 =	sadd.s32 $0x4E3E00, s7;
	s7 =	sadd.s32 $0x4E42E0, s7  }
0x10: {  	s8 =	sadd.s32 s10, s8;
	s10 =	sadd.s32 s10, s11;
	s11 =	smax.u32 s1, $0x1  }
0x11: {  	p0 =	sne.s32 s12, $0x0;
	s12 =	simm.s32 $0x8;
	s9 =	sadd.s32 $0x800, s8  }
.LBB2_33:
0x12: {  	s25 =	sadd.s32 $0x1, s25  }
0x13: {  	p1 =	sne.s32 s25, s11  }
.Ltmp1:
0x14: {  	_ = 	snop;
	(pc) =	sbr.rel @!p1 .LBB2_34-.Ltmp1, $4  }
0x15: {  	_ = 	snop  }
0x16: {  	_ =	swait.ge [sflag:s24], $0x400  }
0x17: {  	[sflag:s24] =	ssyncset.done $0x0  }
0x18: {  	[sflag:s24] =	ssyncadd.s32 $0xFFFFFC00  }
.LBB2_1:
0x19: {  	[tilespmem:s2], [sflag:$0x8] =	stream.linear.gather [hbm4b:s6+s2], $0x2700, $0x38;
	[tilespmem:$0x1AC00] =	vst v63  }
0x1a: {  	_ =	swait.ge [sflag:s12], $0x2700  }
0x1b: {  	[sflag:s12] =	ssyncset.done $0x0  }
0x1c: {  	s1 =	simm.s32 @!p0 $0x0;
	s14 =	simm.s32 @!p0 $0x2700;
	[sflag:s12] =	ssyncadd.s32 $0xFFFFD900  }
0x1d: {  	[tilespmem:s14], [sflag:$0x8] =	stream.linear.gather @!p0 [hbm4b:s7+s1], $0x100, $0x38;
	[tilespmem:$0x1AC00] =	vst v63  }
0x1e: {  	s1 =	simm.s32 @!p0 $0x8  }
0x1f: {  	_ =	swait.ge @!p0 [sflag:s1], $0x100  }
0x20: {  	[sflag:s1] =	ssyncset.done @!p0 $0x0  }
0x21: {  	s31 =	simm.s32 $0x2800;
	[sflag:s1] =	ssyncadd.s32 @!p0 $0xFFFFFF00  }
0x22: {  	[tilespmem:s31], [sflag:$0x1] =	stream.indirect.gather [hbm4b:s0+s13], $0x80, s2, s13, $0xb8;
	[tilespmem:$0x1AC00] =	vst v63  }
0x23: {  	_ = 	snop  }
0x24: {  	[tilespmem:s15], [sflag:$0x4] =	stream.linear.gather [hbm4b:s8+s2], $0x4000, $0x38;
	[tilespmem:$0x1AC00] =	vst v63  }
.Ltmp2:
0x25: {  	_ = 	snop;
	(pc) =	sbr.rel .LBB2_2-.Ltmp2, $4  }
0x26: {  	_ = 	snop  }
0x27: {  	[tilespmem:s16], [sflag:$0x2] =	stream.indirect.gather [hbm4b:s0+s13], $0x80, s13, s13, $0xb8;
	[tilespmem:$0x1AC00] =	vst v63  }
0x28: {  	s26 =	simm.s32 $0x0  }
0x29: {  	[tilespmem:s17], [sflag:$0x5] =	stream.linear.gather [hbm4b:s9+s2], $0x4000, $0x38;
	[tilespmem:$0x1AC00] =	vst v63  }
.LBB2_32:
0x2a: {  	s26 =	sadd.s32 $0x1, s26  }
0x2b: {  	p1 =	sne.s32 s26, $0x1B  }
.Ltmp3:
0x2c: {  	_ = 	snop;
	(pc) =	sbr.rel @!p1 .LBB2_33-.Ltmp3, $1  }
0x2d: {  	_ =	sdelay $0x3  }
.LBB2_2:
0x2e: {  	s28 =	smul.u32 $0x3, s26;
	_ =	sdelay $0x1  }
0x2f: {  	p1 =	sge.u32 s28, s5  }
.Ltmp4:
0x30: {  	_ = 	snop;
	(pc) =	sbr.rel @p1 .LBB2_12-.Ltmp4, $1  }
0x31: {  	_ =	sdelay $0x3  }
0x32: {  	_ =	swait.ge [sflag:s18], $0x4000  }
0x33: {  	s1 =	sadd.s32 $0x2, s28;
	[sflag:s18] =	ssyncset.done $0x0  }
0x34: {  	p1 =	sge.u32 s1, s5;
	[sflag:s18] =	ssyncadd.s32 $0xFFFFC000  }
0x35: {  	s14 =	sshll.u32 @!p1 s1, $0x7;
	_ =	swait.ge [sflag:s19], $0x4000  }
0x36: {  	s29 =	simm.s32 @!p1 $0x80;
	s30 =	simm.s32 @!p1 $0xA800;
	[sflag:s19] =	ssyncset.done $0x0  }
0x37: {  	s1 =	sshll.u32 @!p1 s1, $0xB;
	s14 =	sand.u32 @!p1 $0x3FFFFF80, s14;
	[sflag:s19] =	ssyncadd.s32 $0xFFFFC000  }
0x38: {  	[tilespmem:s30], [sflag:$0x3] =	stream.indirect.gather @!p1 [hbm4b:s0+s29], $0x80, s14, s29, $0xb8;
	[tilespmem:$0x1AC00] =	vst v63  }
0x39: {  	s1 =	sadd.s32 @!p1 s1, s10;
	s14 =	simm.s32 @!p1 $0x0;
	s29 =	simm.s32 @!p1 $0x16800  }
0x3a: {  	[tilespmem:s29], [sflag:$0x6] =	stream.linear.gather @!p1 [hbm4b:s1+s14], $0x4000, $0x38;
	[tilespmem:$0x1AC00] =	vst v63  }
0x3b: {  	s29 =	sand.u32 $0x1, s28;
	p1 =	seq.s32 s26, $0x0  }
0x3c: {  	p2 =	sne.s32 @!p1 s29, $0x0  }
0x3d: {  	p1 =	por p2, p1  }
0x3e: {  	s1 =	simm.s32 @!p1 $0x7  }
0x3f: {  	_ =	swait.ge @!p1 [sflag:s1], $0x400  }
0x40: {  	[sflag:s1] =	ssyncset.done @!p1 $0x0  }
0x41: {  	s31 =	simm.s32 $0x0;
	[sflag:s1] =	ssyncadd.s32 @!p1 $0xFFFFFC00  }
0x42: {  	v0 =	vld [tilespmem:s31+$0x2870]  }
0x43: {  	v1 =	vld [tilespmem:s31+$0xE870]  }
0x44: {  	v2 =	vld [tilespmem:s31+$0x2800]  }
0x45: {  	v3 =	vld [tilespmem:s31+$0xE800]  }
0x46: {  	v4 =	vld [tilespmem:s31+$0x2810]  }
0x47: {  	v5 =	vld [tilespmem:s31+$0xE810]  }
0x48: {  	v6 =	vld [tilespmem:s31+$0x2820]  }
0x49: {  	v7 =	vld [tilespmem:s31+$0xE820]  }
0x4a: {  	v8 =	vld [tilespmem:s31+$0x2830]  }
0x4b: {  	v10 =	vld [tilespmem:s31+$0xE830]  }
0x4c: {  	v13 =	vld [tilespmem:s31+$0x2840]  }
0x4d: {  	v14 =	vld [tilespmem:s31+$0xE840];
	_ =	sdelay $0x1  }
0x4e: {  	v9 =	vld [tilespmem:s31+$0x2850];
	v0 =	vmul.f32 v1, v0;
	v2 =	vmul.f32 v3, v2  }
0x4f: {  	v11 =	vld [tilespmem:s31+$0xE850];
	v1 =	vimm.f32 $0.0e+00;
	v3 =	vmul.f32 v5, v4;
	v4 =	vmul.f32 v7, v6  }
0x50: {  	v12 =	vld [tilespmem:s31+$0xE860];
	v6 =	vmul.f32 v10, v8;
	v0 =	vadd.f32 v0, v1;
	v7 =	vadd.f32 v2, v1  }
0x51: {  	s30 =	simm.s32 $0x80;
	v10 =	vld [tilespmem:s31+$0x2860];
	v13 =	vmul.f32 v14, v13;
	v5 =	vadd.f32 v3, v1;
	v3 =	vadd.f32 v4, v1  }
0x52: {  	s1 =	simm.s32 $0x400;
	v8 =	vld [tilespmem:s30+$0x2870];
	v2 =	vadd.f32 v6, v1;
	v6 =	vimm.f32 $0.0e+00;
	v4 =	vimm.f32 $0.0e+00  }
.LBB2_4:
0x53: {  	p1 =	sne.s32 s1, $0x3E00;
	v14 =	vld [tilespmem:s30+$0xE870]  }
0x54: {  	v15 =	vld [tilespmem:s30+$0x2800];
	v1 =	vadd.f32 v13, v1;
	v9 =	vmul.f32 v11, v9  }
0x55: {  	v11 =	vld [tilespmem:s30+$0xE800]  }
0x56: {  	v13 =	vld [tilespmem:s30+$0x2810];
	v6 =	vadd.f32 v9, v6;
	v9 =	vmul.f32 v12, v10  }
0x57: {  	v10 =	vld [tilespmem:s30+$0xE810]  }
0x58: {  	v12 =	vld [tilespmem:s30+$0x2820];
	v8 =	vmul.f32 v14, v8;
	v4 =	vadd.f32 v9, v4  }
0x59: {  	v9 =	vld [tilespmem:s30+$0xE820]  }
0x5a: {  	v11 =	vmul.f32 v11, v15;
	v14 =	vld [tilespmem:s30+$0x2830];
	v0 =	vadd.f32 v8, v0  }
0x5b: {  	v8 =	vld [tilespmem:s30+$0xE830]  }
0x5c: {  	v7 =	vadd.f32 v11, v7;
	v10 =	vmul.f32 v10, v13;
	v13 =	vld [tilespmem:s30+$0x2840]  }
0x5d: {  	v15 =	vld [tilespmem:s30+$0xE840]  }
.Ltmp5:
0x5e: {  	v5 =	vadd.f32 v10, v5;
	v10 =	vmul.f32 v9, v12;
	v9 =	vld [tilespmem:s30+$0x2850];
	(pc) =	sbr.rel @p1 .LBB2_4-.Ltmp5, $4  }
0x5f: {  	v11 =	vld [tilespmem:s30+$0xE850]  }
0x60: {  	v3 =	vadd.f32 v10, v3;
	v14 =	vmul.f32 v8, v14;
	v10 =	vld [tilespmem:s30+$0x2860]  }
0x61: {  	v12 =	vld [tilespmem:s30+$0xE860];
	s30 =	sshra.s32 s1, $0x2  }
0x62: {  	s1 =	sadd.s32 $0x200, s1;
	v8 =	vld [tilespmem:s30+$0x2870];
	v2 =	vadd.f32 v14, v2;
	v13 =	vmul.f32 v15, v13  }
0x63: {  	v14 =	vld [tilespmem:s30+$0x2800]  }
0x64: {  	v15 =	vld [tilespmem:s30+$0xE800]  }
0x65: {  	v16 =	vld [tilespmem:s30+$0x2810]  }
0x66: {  	v17 =	vld [tilespmem:s30+$0xE810]  }
0x67: {  	v18 =	vld [tilespmem:s30+$0x2820]  }
0x68: {  	v19 =	vld [tilespmem:s30+$0xE820]  }
0x69: {  	v20 =	vld [tilespmem:s30+$0x2830]  }
0x6a: {  	v21 =	vld [tilespmem:s30+$0xE830]  }
0x6b: {  	v22 =	vld [tilespmem:s30+$0x2840]  }
0x6c: {  	v23 =	vld [tilespmem:s30+$0xE840]  }
0x6d: {  	v24 =	vld [tilespmem:s30+$0x2850]  }
0x6e: {  	v25 =	vld [tilespmem:s30+$0xE850]  }
0x6f: {  	v63 =	vld [tilespmem:s30+$0xE860];
	v14 =	vmul.f32 v15, v14  }
0x70: {  	v15 =	vld [tilespmem:s30+$0x2860];
	v16 =	vmul.f32 v17, v16  }
0x71: {  	v1 =	vadd.f32 v13, v1;
	v13 =	vmul.f32 v19, v18;
	v7 =	vadd.f32 v14, v7;
	v14 =	vld [tilespmem:s30+$0xE870]  }
0x72: {  	v9 =	vmul.f32 v11, v9;
	v11 =	vmul.f32 v21, v20;
	v5 =	vadd.f32 v16, v5;
	s30 =	sshll.u32 s29, $0x9  }
0x73: {  	v10 =	vmul.f32 v12, v10;
	v12 =	vmul.f32 v23, v22;
	v3 =	vadd.f32 v13, v3;
	[tilespmem:s30+$0x1A800] =	vst v7  }
0x74: {  	v6 =	vadd.f32 v9, v6;
	v2 =	vadd.f32 v11, v2;
	v7 =	vmul.f32 v25, v24;
	[tilespmem:s30+$0x1A810] =	vst v5  }
0x75: {  	v4 =	vadd.f32 v10, v4;
	v1 =	vadd.f32 v12, v1;
	[tilespmem:s30+$0x1A820] =	vst v3;
	v5 =	vmul.f32 v63, v15  }
0x76: {  	[tilespmem:s30+$0x1A830] =	vst v2;
	v6 =	vadd.f32 v7, v6;
	v3 =	vmul.f32 v14, v8  }
0x77: {  	[tilespmem:s30+$0x1A840] =	vst v1;
	v2 =	vadd.f32 v5, v4  }
0x78: {  	[tilespmem:s30+$0x1A850] =	vst v6;
	v0 =	vadd.f32 v3, v0  }
0x79: {  	[tilespmem:s30+$0x1A860] =	vst v2  }
0x7a: {  	s1 =	simm.s32 $0x0;
	[tilespmem:s30+$0x1A870] =	vst v0  }
0x7b: {  	v0 =	vld [tilespmem:s1+$0x3870]  }
0x7c: {  	v1 =	vld [tilespmem:s1+$0xF870]  }
0x7d: {  	v2 =	vld [tilespmem:s1+$0x3800]  }
0x7e: {  	v3 =	vld [tilespmem:s1+$0xF800]  }
0x7f: {  	v4 =	vld [tilespmem:s1+$0x3810]  }
0x80: {  	v5 =	vld [tilespmem:s1+$0xF810]  }
0x81: {  	v6 =	vld [tilespmem:s1+$0x3820]  }
0x82: {  	v7 =	vld [tilespmem:s1+$0xF820]  }
0x83: {  	v8 =	vld [tilespmem:s1+$0x3830]  }
0x84: {  	v10 =	vld [tilespmem:s1+$0xF830]  }
0x85: {  	v13 =	vld [tilespmem:s1+$0x3840]  }
0x86: {  	v14 =	vld [tilespmem:s1+$0xF840];
	_ =	sdelay $0x1  }
0x87: {  	v9 =	vld [tilespmem:s1+$0x3850];
	v0 =	vmul.f32 v1, v0;
	v2 =	vmul.f32 v3, v2  }
0x88: {  	v11 =	vld [tilespmem:s1+$0xF850];
	v1 =	vimm.f32 $0.0e+00;
	v3 =	vmul.f32 v5, v4;
	v4 =	vmul.f32 v7, v6  }
0x89: {  	v12 =	vld [tilespmem:s1+$0xF860];
	v6 =	vmul.f32 v10, v8;
	v0 =	vadd.f32 v0, v1;
	v7 =	vadd.f32 v2, v1  }
0x8a: {  	s31 =	simm.s32 $0x80;
	v10 =	vld [tilespmem:s1+$0x3860];
	v13 =	vmul.f32 v14, v13;
	v5 =	vadd.f32 v3, v1;
	v3 =	vadd.f32 v4, v1  }
0x8b: {  	v8 =	vld [tilespmem:s31+$0x3870];
	s1 =	simm.s32 $0x400;
	v2 =	vadd.f32 v6, v1;
	v6 =	vimm.f32 $0.0e+00;
	v4 =	vimm.f32 $0.0e+00  }
.LBB2_6:
0x8c: {  	p1 =	sne.s32 s1, $0x3E00;
	v14 =	vld [tilespmem:s31+$0xF870]  }
0x8d: {  	v15 =	vld [tilespmem:s31+$0x3800];
	v1 =	vadd.f32 v13, v1;
	v9 =	vmul.f32 v11, v9  }
0x8e: {  	v11 =	vld [tilespmem:s31+$0xF800]  }
0x8f: {  	v13 =	vld [tilespmem:s31+$0x3810];
	v6 =	vadd.f32 v9, v6;
	v9 =	vmul.f32 v12, v10  }
0x90: {  	v10 =	vld [tilespmem:s31+$0xF810]  }
0x91: {  	v12 =	vld [tilespmem:s31+$0x3820];
	v8 =	vmul.f32 v14, v8;
	v4 =	vadd.f32 v9, v4  }
0x92: {  	v9 =	vld [tilespmem:s31+$0xF820]  }
0x93: {  	v11 =	vmul.f32 v11, v15;
	v14 =	vld [tilespmem:s31+$0x3830];
	v0 =	vadd.f32 v8, v0  }
0x94: {  	v8 =	vld [tilespmem:s31+$0xF830]  }
0x95: {  	v7 =	vadd.f32 v11, v7;
	v10 =	vmul.f32 v10, v13;
	v13 =	vld [tilespmem:s31+$0x3840]  }
0x96: {  	v15 =	vld [tilespmem:s31+$0xF840]  }
.Ltmp6:
0x97: {  	v5 =	vadd.f32 v10, v5;
	v10 =	vmul.f32 v9, v12;
	v9 =	vld [tilespmem:s31+$0x3850];
	(pc) =	sbr.rel @p1 .LBB2_6-.Ltmp6, $4  }
0x98: {  	v11 =	vld [tilespmem:s31+$0xF850]  }
0x99: {  	v3 =	vadd.f32 v10, v3;
	v14 =	vmul.f32 v8, v14;
	v10 =	vld [tilespmem:s31+$0x3860]  }
0x9a: {  	v12 =	vld [tilespmem:s31+$0xF860];
	s31 =	sshra.s32 s1, $0x2  }
0x9b: {  	s1 =	sadd.s32 $0x200, s1;
	v8 =	vld [tilespmem:s31+$0x3870];
	v2 =	vadd.f32 v14, v2;
	v13 =	vmul.f32 v15, v13  }
0x9c: {  	v14 =	vld [tilespmem:s31+$0x3800]  }
0x9d: {  	v15 =	vld [tilespmem:s31+$0xF800]  }
0x9e: {  	v16 =	vld [tilespmem:s31+$0x3810]  }
0x9f: {  	v17 =	vld [tilespmem:s31+$0xF810]  }
0xa0: {  	v18 =	vld [tilespmem:s31+$0x3820]  }
0xa1: {  	v19 =	vld [tilespmem:s31+$0xF820]  }
0xa2: {  	v20 =	vld [tilespmem:s31+$0x3830]  }
0xa3: {  	v21 =	vld [tilespmem:s31+$0xF830]  }
0xa4: {  	v22 =	vld [tilespmem:s31+$0x3840]  }
0xa5: {  	v23 =	vld [tilespmem:s31+$0xF840]  }
0xa6: {  	v24 =	vld [tilespmem:s31+$0x3850]  }
0xa7: {  	v25 =	vld [tilespmem:s31+$0xF850]  }
0xa8: {  	v63 =	vld [tilespmem:s31+$0xF860];
	v14 =	vmul.f32 v15, v14  }
0xa9: {  	v15 =	vld [tilespmem:s31+$0x3860];
	v16 =	vmul.f32 v17, v16  }
0xaa: {  	v1 =	vadd.f32 v13, v1;
	v13 =	vmul.f32 v19, v18;
	v7 =	vadd.f32 v14, v7;
	v14 =	vld [tilespmem:s31+$0xF870]  }
0xab: {  	v9 =	vmul.f32 v11, v9;
	v11 =	vmul.f32 v21, v20;
	v5 =	vadd.f32 v16, v5  }
0xac: {  	v10 =	vmul.f32 v12, v10;
	v12 =	vmul.f32 v23, v22;
	v3 =	vadd.f32 v13, v3;
	[tilespmem:s30+$0x1A880] =	vst v7  }
0xad: {  	v6 =	vadd.f32 v9, v6;
	v2 =	vadd.f32 v11, v2;
	v7 =	vmul.f32 v25, v24;
	[tilespmem:s30+$0x1A890] =	vst v5  }
0xae: {  	v4 =	vadd.f32 v10, v4;
	v1 =	vadd.f32 v12, v1;
	[tilespmem:s30+$0x1A8A0] =	vst v3;
	v5 =	vmul.f32 v63, v15  }
0xaf: {  	[tilespmem:s30+$0x1A8B0] =	vst v2;
	v6 =	vadd.f32 v7, v6;
	v3 =	vmul.f32 v14, v8  }
0xb0: {  	[tilespmem:s30+$0x1A8C0] =	vst v1;
	v2 =	vadd.f32 v5, v4  }
0xb1: {  	[tilespmem:s30+$0x1A8D0] =	vst v6;
	v0 =	vadd.f32 v3, v0  }
0xb2: {  	[tilespmem:s30+$0x1A8E0] =	vst v2  }
0xb3: {  	s1 =	simm.s32 $0x0;
	[tilespmem:s30+$0x1A8F0] =	vst v0  }
0xb4: {  	v0 =	vld [tilespmem:s1+$0x4870]  }
0xb5: {  	v1 =	vld [tilespmem:s1+$0x10870]  }
0xb6: {  	v2 =	vld [tilespmem:s1+$0x4800]  }
0xb7: {  	v3 =	vld [tilespmem:s1+$0x10800]  }
0xb8: {  	v4 =	vld [tilespmem:s1+$0x4810]  }
0xb9: {  	v5 =	vld [tilespmem:s1+$0x10810]  }
0xba: {  	v6 =	vld [tilespmem:s1+$0x4820]  }
0xbb: {  	v7 =	vld [tilespmem:s1+$0x10820]  }
0xbc: {  	v8 =	vld [tilespmem:s1+$0x4830]  }
0xbd: {  	v10 =	vld [tilespmem:s1+$0x10830]  }
0xbe: {  	v13 =	vld [tilespmem:s1+$0x4840]  }
0xbf: {  	v14 =	vld [tilespmem:s1+$0x10840];
	_ =	sdelay $0x1  }
0xc0: {  	v9 =	vld [tilespmem:s1+$0x4850];
	v0 =	vmul.f32 v1, v0;
	v2 =	vmul.f32 v3, v2  }
0xc1: {  	v11 =	vld [tilespmem:s1+$0x10850];
	v1 =	vimm.f32 $0.0e+00;
	v3 =	vmul.f32 v5, v4;
	v4 =	vmul.f32 v7, v6  }
0xc2: {  	v12 =	vld [tilespmem:s1+$0x10860];
	v6 =	vmul.f32 v10, v8;
	v0 =	vadd.f32 v0, v1;
	v7 =	vadd.f32 v2, v1  }
0xc3: {  	s31 =	simm.s32 $0x80;
	v10 =	vld [tilespmem:s1+$0x4860];
	v13 =	vmul.f32 v14, v13;
	v5 =	vadd.f32 v3, v1;
	v3 =	vadd.f32 v4, v1  }
0xc4: {  	v8 =	vld [tilespmem:s31+$0x4870];
	s1 =	simm.s32 $0x400;
	v2 =	vadd.f32 v6, v1;
	v6 =	vimm.f32 $0.0e+00;
	v4 =	vimm.f32 $0.0e+00  }
.LBB2_8:
0xc5: {  	p1 =	sne.s32 s1, $0x3E00;
	v14 =	vld [tilespmem:s31+$0x10870]  }
0xc6: {  	v15 =	vld [tilespmem:s31+$0x4800];
	v1 =	vadd.f32 v13, v1;
	v9 =	vmul.f32 v11, v9  }
0xc7: {  	v11 =	vld [tilespmem:s31+$0x10800]  }
0xc8: {  	v13 =	vld [tilespmem:s31+$0x4810];
	v6 =	vadd.f32 v9, v6;
	v9 =	vmul.f32 v12, v10  }
0xc9: {  	v10 =	vld [tilespmem:s31+$0x10810]  }
0xca: {  	v12 =	vld [tilespmem:s31+$0x4820];
	v8 =	vmul.f32 v14, v8;
	v4 =	vadd.f32 v9, v4  }
0xcb: {  	v9 =	vld [tilespmem:s31+$0x10820]  }
0xcc: {  	v11 =	vmul.f32 v11, v15;
	v14 =	vld [tilespmem:s31+$0x4830];
	v0 =	vadd.f32 v8, v0  }
0xcd: {  	v8 =	vld [tilespmem:s31+$0x10830]  }
0xce: {  	v7 =	vadd.f32 v11, v7;
	v10 =	vmul.f32 v10, v13;
	v13 =	vld [tilespmem:s31+$0x4840]  }
0xcf: {  	v15 =	vld [tilespmem:s31+$0x10840]  }
.Ltmp7:
0xd0: {  	v5 =	vadd.f32 v10, v5;
	v10 =	vmul.f32 v9, v12;
	v9 =	vld [tilespmem:s31+$0x4850];
	(pc) =	sbr.rel @p1 .LBB2_8-.Ltmp7, $4  }
0xd1: {  	v11 =	vld [tilespmem:s31+$0x10850]  }
0xd2: {  	v3 =	vadd.f32 v10, v3;
	v14 =	vmul.f32 v8, v14;
	v10 =	vld [tilespmem:s31+$0x4860]  }
0xd3: {  	v12 =	vld [tilespmem:s31+$0x10860];
	s31 =	sshra.s32 s1, $0x2  }
0xd4: {  	s1 =	sadd.s32 $0x200, s1;
	v8 =	vld [tilespmem:s31+$0x4870];
	v2 =	vadd.f32 v14, v2;
	v13 =	vmul.f32 v15, v13  }
0xd5: {  	v14 =	vld [tilespmem:s31+$0x4800]  }
0xd6: {  	v15 =	vld [tilespmem:s31+$0x10800]  }
0xd7: {  	v16 =	vld [tilespmem:s31+$0x4810]  }
0xd8: {  	v17 =	vld [tilespmem:s31+$0x10810]  }
0xd9: {  	v18 =	vld [tilespmem:s31+$0x4820]  }
0xda: {  	v19 =	vld [tilespmem:s31+$0x10820]  }
0xdb: {  	v20 =	vld [tilespmem:s31+$0x4830]  }
0xdc: {  	v21 =	vld [tilespmem:s31+$0x10830]  }
0xdd: {  	v22 =	vld [tilespmem:s31+$0x4840]  }
0xde: {  	v23 =	vld [tilespmem:s31+$0x10840]  }
0xdf: {  	v24 =	vld [tilespmem:s31+$0x4850]  }
0xe0: {  	v25 =	vld [tilespmem:s31+$0x10850]  }
0xe1: {  	v63 =	vld [tilespmem:s31+$0x10860];
	v14 =	vmul.f32 v15, v14  }
0xe2: {  	v15 =	vld [tilespmem:s31+$0x4860];
	v16 =	vmul.f32 v17, v16  }
0xe3: {  	v1 =	vadd.f32 v13, v1;
	v13 =	vmul.f32 v19, v18;
	v7 =	vadd.f32 v14, v7;
	v14 =	vld [tilespmem:s31+$0x10870]  }
0xe4: {  	v9 =	vmul.f32 v11, v9;
	v11 =	vmul.f32 v21, v20;
	v5 =	vadd.f32 v16, v5  }
0xe5: {  	v10 =	vmul.f32 v12, v10;
	v12 =	vmul.f32 v23, v22;
	v3 =	vadd.f32 v13, v3;
	[tilespmem:s30+$0x1A900] =	vst v7  }
0xe6: {  	v6 =	vadd.f32 v9, v6;
	v2 =	vadd.f32 v11, v2;
	v7 =	vmul.f32 v25, v24;
	[tilespmem:s30+$0x1A910] =	vst v5  }
0xe7: {  	v4 =	vadd.f32 v10, v4;
	v1 =	vadd.f32 v12, v1;
	[tilespmem:s30+$0x1A920] =	vst v3;
	v5 =	vmul.f32 v63, v15  }
0xe8: {  	[tilespmem:s30+$0x1A930] =	vst v2;
	v6 =	vadd.f32 v7, v6;
	v3 =	vmul.f32 v14, v8  }
0xe9: {  	[tilespmem:s30+$0x1A940] =	vst v1;
	v2 =	vadd.f32 v5, v4  }
0xea: {  	[tilespmem:s30+$0x1A950] =	vst v6;
	v0 =	vadd.f32 v3, v0  }
0xeb: {  	[tilespmem:s30+$0x1A960] =	vst v2  }
0xec: {  	s1 =	simm.s32 $0x0;
	[tilespmem:s30+$0x1A970] =	vst v0  }
0xed: {  	v0 =	vld [tilespmem:s1+$0x5870]  }
0xee: {  	v1 =	vld [tilespmem:s1+$0x11870]  }
0xef: {  	v2 =	vld [tilespmem:s1+$0x5800]  }
0xf0: {  	v3 =	vld [tilespmem:s1+$0x11800]  }
0xf1: {  	v4 =	vld [tilespmem:s1+$0x5810]  }
0xf2: {  	v5 =	vld [tilespmem:s1+$0x11810]  }
0xf3: {  	v6 =	vld [tilespmem:s1+$0x5820]  }
0xf4: {  	v7 =	vld [tilespmem:s1+$0x11820]  }
0xf5: {  	v8 =	vld [tilespmem:s1+$0x5830]  }
0xf6: {  	v10 =	vld [tilespmem:s1+$0x11830]  }
0xf7: {  	v13 =	vld [tilespmem:s1+$0x5840]  }
0xf8: {  	v14 =	vld [tilespmem:s1+$0x11840];
	_ =	sdelay $0x1  }
0xf9: {  	v9 =	vld [tilespmem:s1+$0x5850];
	v0 =	vmul.f32 v1, v0;
	v2 =	vmul.f32 v3, v2  }
0xfa: {  	v11 =	vld [tilespmem:s1+$0x11850];
	v1 =	vimm.f32 $0.0e+00;
	v3 =	vmul.f32 v5, v4;
	v4 =	vmul.f32 v7, v6  }
0xfb: {  	v12 =	vld [tilespmem:s1+$0x11860];
	v6 =	vmul.f32 v10, v8;
	v0 =	vadd.f32 v0, v1;
	v7 =	vadd.f32 v2, v1  }
0xfc: {  	s31 =	simm.s32 $0x80;
	v10 =	vld [tilespmem:s1+$0x5860];
	v13 =	vmul.f32 v14, v13;
	v5 =	vadd.f32 v3, v1;
	v3 =	vadd.f32 v4, v1  }
0xfd: {  	v8 =	vld [tilespmem:s31+$0x5870];
	s1 =	simm.s32 $0x400;
	v2 =	vadd.f32 v6, v1;
	v6 =	vimm.f32 $0.0e+00;
	v4 =	vimm.f32 $0.0e+00  }
.LBB2_10:
0xfe: {  	p1 =	sne.s32 s1, $0x3E00;
	v14 =	vld [tilespmem:s31+$0x11870]  }
0xff: {  	v15 =	vld [tilespmem:s31+$0x5800];
	v1 =	vadd.f32 v13, v1;
	v9 =	vmul.f32 v11, v9  }
0x100: {  	v11 =	vld [tilespmem:s31+$0x11800]  }
0x101: {  	v13 =	vld [tilespmem:s31+$0x5810];
	v6 =	vadd.f32 v9, v6;
	v9 =	vmul.f32 v12, v10  }
0x102: {  	v10 =	vld [tilespmem:s31+$0x11810]  }
0x103: {  	v12 =	vld [tilespmem:s31+$0x5820];
	v8 =	vmul.f32 v14, v8;
	v4 =	vadd.f32 v9, v4  }
0x104: {  	v9 =	vld [tilespmem:s31+$0x11820]  }
0x105: {  	v11 =	vmul.f32 v11, v15;
	v14 =	vld [tilespmem:s31+$0x5830];
	v0 =	vadd.f32 v8, v0  }
0x106: {  	v8 =	vld [tilespmem:s31+$0x11830]  }
0x107: {  	v7 =	vadd.f32 v11, v7;
	v10 =	vmul.f32 v10, v13;
	v13 =	vld [tilespmem:s31+$0x5840]  }
0x108: {  	v15 =	vld [tilespmem:s31+$0x11840]  }
.Ltmp8:
0x109: {  	v5 =	vadd.f32 v10, v5;
	v10 =	vmul.f32 v9, v12;
	v9 =	vld [tilespmem:s31+$0x5850];
	(pc) =	sbr.rel @p1 .LBB2_10-.Ltmp8, $4  }
0x10a: {  	v11 =	vld [tilespmem:s31+$0x11850]  }
0x10b: {  	v3 =	vadd.f32 v10, v3;
	v14 =	vmul.f32 v8, v14;
	v10 =	vld [tilespmem:s31+$0x5860]  }
0x10c: {  	v12 =	vld [tilespmem:s31+$0x11860];
	s31 =	sshra.s32 s1, $0x2  }
0x10d: {  	s1 =	sadd.s32 $0x200, s1;
	v8 =	vld [tilespmem:s31+$0x5870];
	v2 =	vadd.f32 v14, v2;
	v13 =	vmul.f32 v15, v13  }
0x10e: {  	v14 =	vld [tilespmem:s31+$0x5800]  }
0x10f: {  	v15 =	vld [tilespmem:s31+$0x11800]  }
0x110: {  	v16 =	vld [tilespmem:s31+$0x5810]  }
0x111: {  	v17 =	vld [tilespmem:s31+$0x11810]  }
0x112: {  	v18 =	vld [tilespmem:s31+$0x5820]  }
0x113: {  	v19 =	vld [tilespmem:s31+$0x11820]  }
0x114: {  	v20 =	vld [tilespmem:s31+$0x5830]  }
0x115: {  	v21 =	vld [tilespmem:s31+$0x11830]  }
0x116: {  	v22 =	vld [tilespmem:s31+$0x5840]  }
0x117: {  	v23 =	vld [tilespmem:s31+$0x11840]  }
0x118: {  	v24 =	vld [tilespmem:s31+$0x5850]  }
0x119: {  	v25 =	vld [tilespmem:s31+$0x11850]  }
0x11a: {  	v54 =	vld [tilespmem:s31+$0x5860];
	v14 =	vmul.f32 v15, v14  }
0x11b: {  	v55 =	vld [tilespmem:s31+$0x11860];
	v16 =	vmul.f32 v17, v16  }
0x11c: {  	v57 =	vld [tilespmem:s31+$0x11870];
	v1 =	vadd.f32 v13, v1;
	v56 =	vmul.f32 v19, v18;
	v7 =	vadd.f32 v14, v7  }
0x11d: {  	v9 =	vmul.f32 v11, v9;
	v58 =	vmul.f32 v21, v20;
	v5 =	vadd.f32 v16, v5  }
0x11e: {  	v10 =	vmul.f32 v12, v10;
	v59 =	vmul.f32 v23, v22;
	v3 =	vadd.f32 v56, v3;
	[tilespmem:s30+$0x1A980] =	vst v7  }
0x11f: {  	v6 =	vadd.f32 v9, v6;
	v60 =	vmul.f32 v25, v24;
	v2 =	vadd.f32 v58, v2;
	[tilespmem:s30+$0x1A990] =	vst v5  }
0x120: {  	p1 =	seq.s32 s29, $0x0;
	v4 =	vadd.f32 v10, v4;
	v61 =	vmul.f32 v55, v54;
	v1 =	vadd.f32 v59, v1;
	[tilespmem:s30+$0x1A9A0] =	vst v3  }
0x121: {  	s1 =	sshrl.u32 @!p1 s28, $0x1;
	v62 =	vmul.f32 v57, v8;
	v6 =	vadd.f32 v60, v6;
	[tilespmem:s30+$0x1A9B0] =	vst v2  }
0x122: {  	s1 =	sadd.s32 @!p1 s3, s1;
	v63 =	vadd.f32 v61, v4;
	[tilespmem:s30+$0x1A9C0] =	vst v1  }
0x123: {  	s1 =	sshll.u32 @!p1 s1, $0x7;
	v0 =	vadd.f32 v62, v0;
	[tilespmem:s30+$0x1A9D0] =	vst v6  }
0x124: {  	s1 =	sand.u32 @!p1 $0x1FFFFF80, s1;
	[tilespmem:s30+$0x1A9E0] =	vst v63  }
0x125: {  	s14 =	simm.s32 @!p1 $0x0;
	s29 =	simm.s32 @!p1 $0x1A800;
	s1 =	sadd.s32 @!p1 s4, s1;
	[tilespmem:s30+$0x1A9F0] =	vst v0  }
0x126: {  	[hbm4b:s1+s14] =	stream.linear.scatter @!p1 [tilespmem:s29], [sflag:$0x7], $0x400, $0x38;
	[tilespmem:$0x1AC00] =	vst v63  }
.LBB2_12:
0x127: {  	s29 =	sadd.s32 $0x1, s28  }
0x128: {  	p1 =	sge.u32 s29, s5  }
.Ltmp9:
0x129: {  	_ = 	snop;
	(pc) =	sbr.rel @p1 .LBB2_22-.Ltmp9, $1  }
0x12a: {  	_ =	sdelay $0x3  }
0x12b: {  	_ =	swait.ge [sflag:s20], $0x4000  }
0x12c: {  	s1 =	sadd.s32 $0x3, s28;
	[sflag:s20] =	ssyncset.done $0x0  }
0x12d: {  	p1 =	sge.u32 s1, s5;
	[sflag:s20] =	ssyncadd.s32 $0xFFFFC000  }
0x12e: {  	s14 =	sshll.u32 @!p1 s1, $0x7;
	_ =	swait.ge [sflag:s21], $0x4000  }
0x12f: {  	s30 =	simm.s32 @!p1 $0x80;
	s31 =	simm.s32 @!p1 $0x2800;
	[sflag:s21] =	ssyncset.done $0x0  }
0x130: {  	s1 =	sshll.u32 @!p1 s1, $0xB;
	s14 =	sand.u32 @!p1 $0x3FFFFF80, s14;
	[sflag:s21] =	ssyncadd.s32 $0xFFFFC000  }
0x131: {  	[tilespmem:s31], [sflag:$0x1] =	stream.indirect.gather @!p1 [hbm4b:s0+s30], $0x80, s14, s30, $0xb8;
	[tilespmem:$0x1AC00] =	vst v63  }
0x132: {  	s1 =	sadd.s32 @!p1 s1, s10;
	s14 =	simm.s32 @!p1 $0x0;
	s30 =	simm.s32 @!p1 $0xE800  }
0x133: {  	[tilespmem:s30], [sflag:$0x4] =	stream.linear.gather @!p1 [hbm4b:s1+s14], $0x4000, $0x38;
	[tilespmem:$0x1AC00] =	vst v63  }
0x134: {  	s30 =	sand.u32 $0x1, s29  }
0x135: {  	p1 =	seq.s32 s30, $0x1  }
0x136: {  	s1 =	simm.s32 @!p1 $0x7  }
0x137: {  	_ =	swait.ge @!p1 [sflag:s1], $0x400  }
0x138: {  	[sflag:s1] =	ssyncset.done @!p1 $0x0  }
0x139: {  	s14 =	simm.s32 $0x0;
	[sflag:s1] =	ssyncadd.s32 @!p1 $0xFFFFFC00  }
0x13a: {  	v0 =	vld [tilespmem:s14+$0x6870]  }
0x13b: {  	v1 =	vld [tilespmem:s14+$0x12870]  }
0x13c: {  	v2 =	vld [tilespmem:s14+$0x6800]  }
0x13d: {  	v3 =	vld [tilespmem:s14+$0x12800]  }
0x13e: {  	v4 =	vld [tilespmem:s14+$0x6810]  }
0x13f: {  	v5 =	vld [tilespmem:s14+$0x12810]  }
0x140: {  	v6 =	vld [tilespmem:s14+$0x6820]  }
0x141: {  	v7 =	vld [tilespmem:s14+$0x12820]  }
0x142: {  	v8 =	vld [tilespmem:s14+$0x6830]  }
0x143: {  	v10 =	vld [tilespmem:s14+$0x12830]  }
0x144: {  	v13 =	vld [tilespmem:s14+$0x6840]  }
0x145: {  	v14 =	vld [tilespmem:s14+$0x12840];
	_ =	sdelay $0x1  }
0x146: {  	v9 =	vld [tilespmem:s14+$0x6850];
	v0 =	vmul.f32 v1, v0;
	v2 =	vmul.f32 v3, v2  }
0x147: {  	v11 =	vld [tilespmem:s14+$0x12850];
	v1 =	vimm.f32 $0.0e+00;
	v3 =	vmul.f32 v5, v4;
	v4 =	vmul.f32 v7, v6  }
0x148: {  	v12 =	vld [tilespmem:s14+$0x12860];
	v6 =	vmul.f32 v10, v8;
	v0 =	vadd.f32 v0, v1;
	v7 =	vadd.f32 v2, v1  }
0x149: {  	s31 =	simm.s32 $0x80;
	v10 =	vld [tilespmem:s14+$0x6860];
	v13 =	vmul.f32 v14, v13;
	v5 =	vadd.f32 v3, v1;
	v3 =	vadd.f32 v4, v1  }
0x14a: {  	s1 =	simm.s32 $0x400;
	v8 =	vld [tilespmem:s31+$0x6870];
	v2 =	vadd.f32 v6, v1;
	v6 =	vimm.f32 $0.0e+00;
	v4 =	vimm.f32 $0.0e+00  }
.LBB2_14:
0x14b: {  	p1 =	sne.s32 s1, $0x3E00;
	v14 =	vld [tilespmem:s31+$0x12870]  }
0x14c: {  	v15 =	vld [tilespmem:s31+$0x6800];
	v1 =	vadd.f32 v13, v1;
	v9 =	vmul.f32 v11, v9  }
0x14d: {  	v11 =	vld [tilespmem:s31+$0x12800]  }
0x14e: {  	v13 =	vld [tilespmem:s31+$0x6810];
	v6 =	vadd.f32 v9, v6;
	v9 =	vmul.f32 v12, v10  }
0x14f: {  	v10 =	vld [tilespmem:s31+$0x12810]  }
0x150: {  	v12 =	vld [tilespmem:s31+$0x6820];
	v8 =	vmul.f32 v14, v8;
	v4 =	vadd.f32 v9, v4  }
0x151: {  	v9 =	vld [tilespmem:s31+$0x12820]  }
0x152: {  	v11 =	vmul.f32 v11, v15;
	v14 =	vld [tilespmem:s31+$0x6830];
	v0 =	vadd.f32 v8, v0  }
0x153: {  	v8 =	vld [tilespmem:s31+$0x12830]  }
0x154: {  	v7 =	vadd.f32 v11, v7;
	v10 =	vmul.f32 v10, v13;
	v13 =	vld [tilespmem:s31+$0x6840]  }
0x155: {  	v15 =	vld [tilespmem:s31+$0x12840]  }
.Ltmp10:
0x156: {  	v5 =	vadd.f32 v10, v5;
	v10 =	vmul.f32 v9, v12;
	v9 =	vld [tilespmem:s31+$0x6850];
	(pc) =	sbr.rel @p1 .LBB2_14-.Ltmp10, $4  }
0x157: {  	v11 =	vld [tilespmem:s31+$0x12850]  }
0x158: {  	v3 =	vadd.f32 v10, v3;
	v14 =	vmul.f32 v8, v14;
	v10 =	vld [tilespmem:s31+$0x6860]  }
0x159: {  	v12 =	vld [tilespmem:s31+$0x12860];
	s31 =	sshra.s32 s1, $0x2  }
0x15a: {  	s1 =	sadd.s32 $0x200, s1;
	v8 =	vld [tilespmem:s31+$0x6870];
	v2 =	vadd.f32 v14, v2;
	v13 =	vmul.f32 v15, v13  }
0x15b: {  	v14 =	vld [tilespmem:s31+$0x6800]  }
0x15c: {  	v15 =	vld [tilespmem:s31+$0x12800]  }
0x15d: {  	v16 =	vld [tilespmem:s31+$0x6810]  }
0x15e: {  	v17 =	vld [tilespmem:s31+$0x12810]  }
0x15f: {  	v18 =	vld [tilespmem:s31+$0x6820]  }
0x160: {  	v19 =	vld [tilespmem:s31+$0x12820]  }
0x161: {  	v20 =	vld [tilespmem:s31+$0x6830]  }
0x162: {  	v21 =	vld [tilespmem:s31+$0x12830]  }
0x163: {  	v22 =	vld [tilespmem:s31+$0x6840]  }
0x164: {  	v23 =	vld [tilespmem:s31+$0x12840]  }
0x165: {  	v24 =	vld [tilespmem:s31+$0x6850]  }
0x166: {  	v25 =	vld [tilespmem:s31+$0x12850]  }
0x167: {  	v63 =	vld [tilespmem:s31+$0x12860];
	v14 =	vmul.f32 v15, v14  }
0x168: {  	v15 =	vld [tilespmem:s31+$0x6860];
	v16 =	vmul.f32 v17, v16  }
0x169: {  	v1 =	vadd.f32 v13, v1;
	v13 =	vmul.f32 v19, v18;
	v7 =	vadd.f32 v14, v7;
	v14 =	vld [tilespmem:s31+$0x12870]  }
0x16a: {  	v9 =	vmul.f32 v11, v9;
	v11 =	vmul.f32 v21, v20;
	v5 =	vadd.f32 v16, v5;
	s31 =	sshll.u32 s30, $0x9  }
0x16b: {  	v10 =	vmul.f32 v12, v10;
	v12 =	vmul.f32 v23, v22;
	v3 =	vadd.f32 v13, v3;
	[tilespmem:s31+$0x1A800] =	vst v7  }
0x16c: {  	v6 =	vadd.f32 v9, v6;
	v2 =	vadd.f32 v11, v2;
	v7 =	vmul.f32 v25, v24;
	[tilespmem:s31+$0x1A810] =	vst v5  }
0x16d: {  	v4 =	vadd.f32 v10, v4;
	v1 =	vadd.f32 v12, v1;
	[tilespmem:s31+$0x1A820] =	vst v3;
	v5 =	vmul.f32 v63, v15  }
0x16e: {  	[tilespmem:s31+$0x1A830] =	vst v2;
	v6 =	vadd.f32 v7, v6;
	v3 =	vmul.f32 v14, v8  }
0x16f: {  	[tilespmem:s31+$0x1A840] =	vst v1;
	v2 =	vadd.f32 v5, v4  }
0x170: {  	[tilespmem:s31+$0x1A850] =	vst v6;
	v0 =	vadd.f32 v3, v0  }
0x171: {  	[tilespmem:s31+$0x1A860] =	vst v2  }
0x172: {  	s14 =	simm.s32 $0x0;
	[tilespmem:s31+$0x1A870] =	vst v0  }
0x173: {  	v0 =	vld [tilespmem:s14+$0x7870]  }
0x174: {  	v1 =	vld [tilespmem:s14+$0x13870]  }
0x175: {  	v2 =	vld [tilespmem:s14+$0x7800]  }
0x176: {  	v3 =	vld [tilespmem:s14+$0x13800]  }
0x177: {  	v4 =	vld [tilespmem:s14+$0x7810]  }
0x178: {  	v5 =	vld [tilespmem:s14+$0x13810]  }
0x179: {  	v6 =	vld [tilespmem:s14+$0x7820]  }
0x17a: {  	v7 =	vld [tilespmem:s14+$0x13820]  }
0x17b: {  	v8 =	vld [tilespmem:s14+$0x7830]  }
0x17c: {  	v10 =	vld [tilespmem:s14+$0x13830]  }
0x17d: {  	v13 =	vld [tilespmem:s14+$0x7840]  }
0x17e: {  	v14 =	vld [tilespmem:s14+$0x13840];
	_ =	sdelay $0x1  }
0x17f: {  	v9 =	vld [tilespmem:s14+$0x7850];
	v0 =	vmul.f32 v1, v0;
	v2 =	vmul.f32 v3, v2  }
0x180: {  	v11 =	vld [tilespmem:s14+$0x13850];
	v1 =	vimm.f32 $0.0e+00;
	v3 =	vmul.f32 v5, v4;
	v4 =	vmul.f32 v7, v6  }
0x181: {  	v12 =	vld [tilespmem:s14+$0x13860];
	v6 =	vmul.f32 v10, v8;
	v0 =	vadd.f32 v0, v1;
	v7 =	vadd.f32 v2, v1  }
0x182: {  	s1 =	simm.s32 $0x80;
	v10 =	vld [tilespmem:s14+$0x7860];
	v13 =	vmul.f32 v14, v13;
	v5 =	vadd.f32 v3, v1;
	v3 =	vadd.f32 v4, v1  }
0x183: {  	v8 =	vld [tilespmem:s1+$0x7870];
	s14 =	simm.s32 $0x400;
	v2 =	vadd.f32 v6, v1;
	v6 =	vimm.f32 $0.0e+00;
	v4 =	vimm.f32 $0.0e+00  }
.LBB2_16:
0x184: {  	p1 =	sne.s32 s14, $0x3E00;
	v14 =	vld [tilespmem:s1+$0x13870]  }
0x185: {  	v15 =	vld [tilespmem:s1+$0x7800];
	v1 =	vadd.f32 v13, v1;
	v9 =	vmul.f32 v11, v9  }
0x186: {  	v11 =	vld [tilespmem:s1+$0x13800]  }
0x187: {  	v13 =	vld [tilespmem:s1+$0x7810];
	v6 =	vadd.f32 v9, v6;
	v9 =	vmul.f32 v12, v10  }
0x188: {  	v10 =	vld [tilespmem:s1+$0x13810]  }
0x189: {  	v12 =	vld [tilespmem:s1+$0x7820];
	v8 =	vmul.f32 v14, v8;
	v4 =	vadd.f32 v9, v4  }
0x18a: {  	v9 =	vld [tilespmem:s1+$0x13820]  }
0x18b: {  	v11 =	vmul.f32 v11, v15;
	v14 =	vld [tilespmem:s1+$0x7830];
	v0 =	vadd.f32 v8, v0  }
0x18c: {  	v8 =	vld [tilespmem:s1+$0x13830]  }
0x18d: {  	v7 =	vadd.f32 v11, v7;
	v10 =	vmul.f32 v10, v13;
	v13 =	vld [tilespmem:s1+$0x7840]  }
0x18e: {  	v15 =	vld [tilespmem:s1+$0x13840]  }
.Ltmp11:
0x18f: {  	v5 =	vadd.f32 v10, v5;
	v10 =	vmul.f32 v9, v12;
	v9 =	vld [tilespmem:s1+$0x7850];
	(pc) =	sbr.rel @p1 .LBB2_16-.Ltmp11, $4  }
0x190: {  	v11 =	vld [tilespmem:s1+$0x13850]  }
0x191: {  	v3 =	vadd.f32 v10, v3;
	v14 =	vmul.f32 v8, v14;
	v10 =	vld [tilespmem:s1+$0x7860]  }
0x192: {  	v12 =	vld [tilespmem:s1+$0x13860];
	s1 =	sshra.s32 s14, $0x2  }
0x193: {  	s14 =	sadd.s32 $0x200, s14;
	v8 =	vld [tilespmem:s1+$0x7870];
	v2 =	vadd.f32 v14, v2;
	v13 =	vmul.f32 v15, v13  }
0x194: {  	v14 =	vld [tilespmem:s1+$0x7800]  }
0x195: {  	v15 =	vld [tilespmem:s1+$0x13800]  }
0x196: {  	v16 =	vld [tilespmem:s1+$0x7810]  }
0x197: {  	v17 =	vld [tilespmem:s1+$0x13810]  }
0x198: {  	v18 =	vld [tilespmem:s1+$0x7820]  }
0x199: {  	v19 =	vld [tilespmem:s1+$0x13820]  }
0x19a: {  	v20 =	vld [tilespmem:s1+$0x7830]  }
0x19b: {  	v21 =	vld [tilespmem:s1+$0x13830]  }
0x19c: {  	v22 =	vld [tilespmem:s1+$0x7840]  }
0x19d: {  	v23 =	vld [tilespmem:s1+$0x13840]  }
0x19e: {  	v24 =	vld [tilespmem:s1+$0x7850]  }
0x19f: {  	v25 =	vld [tilespmem:s1+$0x13850]  }
0x1a0: {  	v63 =	vld [tilespmem:s1+$0x13860];
	v14 =	vmul.f32 v15, v14  }
0x1a1: {  	v15 =	vld [tilespmem:s1+$0x7860];
	v16 =	vmul.f32 v17, v16  }
0x1a2: {  	v1 =	vadd.f32 v13, v1;
	v13 =	vmul.f32 v19, v18;
	v7 =	vadd.f32 v14, v7;
	v14 =	vld [tilespmem:s1+$0x13870]  }
0x1a3: {  	v9 =	vmul.f32 v11, v9;
	v11 =	vmul.f32 v21, v20;
	v5 =	vadd.f32 v16, v5  }
0x1a4: {  	v10 =	vmul.f32 v12, v10;
	v12 =	vmul.f32 v23, v22;
	v3 =	vadd.f32 v13, v3;
	[tilespmem:s31+$0x1A880] =	vst v7  }
0x1a5: {  	v6 =	vadd.f32 v9, v6;
	v2 =	vadd.f32 v11, v2;
	v7 =	vmul.f32 v25, v24;
	[tilespmem:s31+$0x1A890] =	vst v5  }
0x1a6: {  	v4 =	vadd.f32 v10, v4;
	v1 =	vadd.f32 v12, v1;
	[tilespmem:s31+$0x1A8A0] =	vst v3;
	v5 =	vmul.f32 v63, v15  }
0x1a7: {  	[tilespmem:s31+$0x1A8B0] =	vst v2;
	v6 =	vadd.f32 v7, v6;
	v3 =	vmul.f32 v14, v8  }
0x1a8: {  	[tilespmem:s31+$0x1A8C0] =	vst v1;
	v2 =	vadd.f32 v5, v4  }
0x1a9: {  	[tilespmem:s31+$0x1A8D0] =	vst v6;
	v0 =	vadd.f32 v3, v0  }
0x1aa: {  	[tilespmem:s31+$0x1A8E0] =	vst v2  }
0x1ab: {  	s14 =	simm.s32 $0x0;
	[tilespmem:s31+$0x1A8F0] =	vst v0  }
0x1ac: {  	v0 =	vld [tilespmem:s14+$0x8870]  }
0x1ad: {  	v1 =	vld [tilespmem:s14+$0x14870]  }
0x1ae: {  	v2 =	vld [tilespmem:s14+$0x8800]  }
0x1af: {  	v3 =	vld [tilespmem:s14+$0x14800]  }
0x1b0: {  	v4 =	vld [tilespmem:s14+$0x8810]  }
0x1b1: {  	v5 =	vld [tilespmem:s14+$0x14810]  }
0x1b2: {  	v6 =	vld [tilespmem:s14+$0x8820]  }
0x1b3: {  	v7 =	vld [tilespmem:s14+$0x14820]  }
0x1b4: {  	v8 =	vld [tilespmem:s14+$0x8830]  }
0x1b5: {  	v10 =	vld [tilespmem:s14+$0x14830]  }
0x1b6: {  	v13 =	vld [tilespmem:s14+$0x8840]  }
0x1b7: {  	v14 =	vld [tilespmem:s14+$0x14840];
	_ =	sdelay $0x1  }
0x1b8: {  	v9 =	vld [tilespmem:s14+$0x8850];
	v0 =	vmul.f32 v1, v0;
	v2 =	vmul.f32 v3, v2  }
0x1b9: {  	v11 =	vld [tilespmem:s14+$0x14850];
	v1 =	vimm.f32 $0.0e+00;
	v3 =	vmul.f32 v5, v4;
	v4 =	vmul.f32 v7, v6  }
0x1ba: {  	v12 =	vld [tilespmem:s14+$0x14860];
	v6 =	vmul.f32 v10, v8;
	v0 =	vadd.f32 v0, v1;
	v7 =	vadd.f32 v2, v1  }
0x1bb: {  	s1 =	simm.s32 $0x80;
	v10 =	vld [tilespmem:s14+$0x8860];
	v13 =	vmul.f32 v14, v13;
	v5 =	vadd.f32 v3, v1;
	v3 =	vadd.f32 v4, v1  }
0x1bc: {  	v8 =	vld [tilespmem:s1+$0x8870];
	s14 =	simm.s32 $0x400;
	v2 =	vadd.f32 v6, v1;
	v6 =	vimm.f32 $0.0e+00;
	v4 =	vimm.f32 $0.0e+00  }
.LBB2_18:
0x1bd: {  	p1 =	sne.s32 s14, $0x3E00;
	v14 =	vld [tilespmem:s1+$0x14870]  }
0x1be: {  	v15 =	vld [tilespmem:s1+$0x8800];
	v1 =	vadd.f32 v13, v1;
	v9 =	vmul.f32 v11, v9  }
0x1bf: {  	v11 =	vld [tilespmem:s1+$0x14800]  }
0x1c0: {  	v13 =	vld [tilespmem:s1+$0x8810];
	v6 =	vadd.f32 v9, v6;
	v9 =	vmul.f32 v12, v10  }
0x1c1: {  	v10 =	vld [tilespmem:s1+$0x14810]  }
0x1c2: {  	v12 =	vld [tilespmem:s1+$0x8820];
	v8 =	vmul.f32 v14, v8;
	v4 =	vadd.f32 v9, v4  }
0x1c3: {  	v9 =	vld [tilespmem:s1+$0x14820]  }
0x1c4: {  	v11 =	vmul.f32 v11, v15;
	v14 =	vld [tilespmem:s1+$0x8830];
	v0 =	vadd.f32 v8, v0  }
0x1c5: {  	v8 =	vld [tilespmem:s1+$0x14830]  }
0x1c6: {  	v7 =	vadd.f32 v11, v7;
	v10 =	vmul.f32 v10, v13;
	v13 =	vld [tilespmem:s1+$0x8840]  }
0x1c7: {  	v15 =	vld [tilespmem:s1+$0x14840]  }
.Ltmp12:
0x1c8: {  	v5 =	vadd.f32 v10, v5;
	v10 =	vmul.f32 v9, v12;
	v9 =	vld [tilespmem:s1+$0x8850];
	(pc) =	sbr.rel @p1 .LBB2_18-.Ltmp12, $4  }
0x1c9: {  	v11 =	vld [tilespmem:s1+$0x14850]  }
0x1ca: {  	v3 =	vadd.f32 v10, v3;
	v14 =	vmul.f32 v8, v14;
	v10 =	vld [tilespmem:s1+$0x8860]  }
0x1cb: {  	v12 =	vld [tilespmem:s1+$0x14860];
	s1 =	sshra.s32 s14, $0x2  }
0x1cc: {  	s14 =	sadd.s32 $0x200, s14;
	v8 =	vld [tilespmem:s1+$0x8870];
	v2 =	vadd.f32 v14, v2;
	v13 =	vmul.f32 v15, v13  }
0x1cd: {  	v14 =	vld [tilespmem:s1+$0x8800]  }
0x1ce: {  	v15 =	vld [tilespmem:s1+$0x14800]  }
0x1cf: {  	v16 =	vld [tilespmem:s1+$0x8810]  }
0x1d0: {  	v17 =	vld [tilespmem:s1+$0x14810]  }
0x1d1: {  	v18 =	vld [tilespmem:s1+$0x8820]  }
0x1d2: {  	v19 =	vld [tilespmem:s1+$0x14820]  }
0x1d3: {  	v20 =	vld [tilespmem:s1+$0x8830]  }
0x1d4: {  	v21 =	vld [tilespmem:s1+$0x14830]  }
0x1d5: {  	v22 =	vld [tilespmem:s1+$0x8840]  }
0x1d6: {  	v23 =	vld [tilespmem:s1+$0x14840]  }
0x1d7: {  	v24 =	vld [tilespmem:s1+$0x8850]  }
0x1d8: {  	v25 =	vld [tilespmem:s1+$0x14850]  }
0x1d9: {  	v63 =	vld [tilespmem:s1+$0x14860];
	v14 =	vmul.f32 v15, v14  }
0x1da: {  	v15 =	vld [tilespmem:s1+$0x8860];
	v16 =	vmul.f32 v17, v16  }
0x1db: {  	v1 =	vadd.f32 v13, v1;
	v13 =	vmul.f32 v19, v18;
	v7 =	vadd.f32 v14, v7;
	v14 =	vld [tilespmem:s1+$0x14870]  }
0x1dc: {  	v9 =	vmul.f32 v11, v9;
	v11 =	vmul.f32 v21, v20;
	v5 =	vadd.f32 v16, v5  }
0x1dd: {  	v10 =	vmul.f32 v12, v10;
	v12 =	vmul.f32 v23, v22;
	v3 =	vadd.f32 v13, v3;
	[tilespmem:s31+$0x1A900] =	vst v7  }
0x1de: {  	v6 =	vadd.f32 v9, v6;
	v2 =	vadd.f32 v11, v2;
	v7 =	vmul.f32 v25, v24;
	[tilespmem:s31+$0x1A910] =	vst v5  }
0x1df: {  	v4 =	vadd.f32 v10, v4;
	v1 =	vadd.f32 v12, v1;
	[tilespmem:s31+$0x1A920] =	vst v3;
	v5 =	vmul.f32 v63, v15  }
0x1e0: {  	[tilespmem:s31+$0x1A930] =	vst v2;
	v6 =	vadd.f32 v7, v6;
	v3 =	vmul.f32 v14, v8  }
0x1e1: {  	[tilespmem:s31+$0x1A940] =	vst v1;
	v2 =	vadd.f32 v5, v4  }
0x1e2: {  	[tilespmem:s31+$0x1A950] =	vst v6;
	v0 =	vadd.f32 v3, v0  }
0x1e3: {  	[tilespmem:s31+$0x1A960] =	vst v2  }
0x1e4: {  	s14 =	simm.s32 $0x0;
	[tilespmem:s31+$0x1A970] =	vst v0  }
0x1e5: {  	v0 =	vld [tilespmem:s14+$0x9870]  }
0x1e6: {  	v1 =	vld [tilespmem:s14+$0x15870]  }
0x1e7: {  	v2 =	vld [tilespmem:s14+$0x9800]  }
0x1e8: {  	v3 =	vld [tilespmem:s14+$0x15800]  }
0x1e9: {  	v4 =	vld [tilespmem:s14+$0x9810]  }
0x1ea: {  	v5 =	vld [tilespmem:s14+$0x15810]  }
0x1eb: {  	v6 =	vld [tilespmem:s14+$0x9820]  }
0x1ec: {  	v7 =	vld [tilespmem:s14+$0x15820]  }
0x1ed: {  	v8 =	vld [tilespmem:s14+$0x9830]  }
0x1ee: {  	v10 =	vld [tilespmem:s14+$0x15830]  }
0x1ef: {  	v13 =	vld [tilespmem:s14+$0x9840]  }
0x1f0: {  	v14 =	vld [tilespmem:s14+$0x15840];
	_ =	sdelay $0x1  }
0x1f1: {  	v9 =	vld [tilespmem:s14+$0x9850];
	v0 =	vmul.f32 v1, v0;
	v2 =	vmul.f32 v3, v2  }
0x1f2: {  	v11 =	vld [tilespmem:s14+$0x15850];
	v1 =	vimm.f32 $0.0e+00;
	v3 =	vmul.f32 v5, v4;
	v4 =	vmul.f32 v7, v6  }
0x1f3: {  	v12 =	vld [tilespmem:s14+$0x15860];
	v6 =	vmul.f32 v10, v8;
	v0 =	vadd.f32 v0, v1;
	v7 =	vadd.f32 v2, v1  }
0x1f4: {  	s1 =	simm.s32 $0x80;
	v10 =	vld [tilespmem:s14+$0x9860];
	v13 =	vmul.f32 v14, v13;
	v5 =	vadd.f32 v3, v1;
	v3 =	vadd.f32 v4, v1  }
0x1f5: {  	v8 =	vld [tilespmem:s1+$0x9870];
	s14 =	simm.s32 $0x400;
	v2 =	vadd.f32 v6, v1;
	v6 =	vimm.f32 $0.0e+00;
	v4 =	vimm.f32 $0.0e+00  }
.LBB2_20:
0x1f6: {  	p1 =	sne.s32 s14, $0x3E00;
	v14 =	vld [tilespmem:s1+$0x15870]  }
0x1f7: {  	v15 =	vld [tilespmem:s1+$0x9800];
	v1 =	vadd.f32 v13, v1;
	v9 =	vmul.f32 v11, v9  }
0x1f8: {  	v11 =	vld [tilespmem:s1+$0x15800]  }
0x1f9: {  	v13 =	vld [tilespmem:s1+$0x9810];
	v6 =	vadd.f32 v9, v6;
	v9 =	vmul.f32 v12, v10  }
0x1fa: {  	v10 =	vld [tilespmem:s1+$0x15810]  }
0x1fb: {  	v12 =	vld [tilespmem:s1+$0x9820];
	v8 =	vmul.f32 v14, v8;
	v4 =	vadd.f32 v9, v4  }
0x1fc: {  	v9 =	vld [tilespmem:s1+$0x15820]  }
0x1fd: {  	v11 =	vmul.f32 v11, v15;
	v14 =	vld [tilespmem:s1+$0x9830];
	v0 =	vadd.f32 v8, v0  }
0x1fe: {  	v8 =	vld [tilespmem:s1+$0x15830]  }
0x1ff: {  	v7 =	vadd.f32 v11, v7;
	v10 =	vmul.f32 v10, v13;
	v13 =	vld [tilespmem:s1+$0x9840]  }
0x200: {  	v15 =	vld [tilespmem:s1+$0x15840]  }
.Ltmp13:
0x201: {  	v5 =	vadd.f32 v10, v5;
	v10 =	vmul.f32 v9, v12;
	v9 =	vld [tilespmem:s1+$0x9850];
	(pc) =	sbr.rel @p1 .LBB2_20-.Ltmp13, $4  }
0x202: {  	v11 =	vld [tilespmem:s1+$0x15850]  }
0x203: {  	v3 =	vadd.f32 v10, v3;
	v14 =	vmul.f32 v8, v14;
	v10 =	vld [tilespmem:s1+$0x9860]  }
0x204: {  	v12 =	vld [tilespmem:s1+$0x15860];
	s1 =	sshra.s32 s14, $0x2  }
0x205: {  	s14 =	sadd.s32 $0x200, s14;
	v8 =	vld [tilespmem:s1+$0x9870];
	v2 =	vadd.f32 v14, v2;
	v13 =	vmul.f32 v15, v13  }
0x206: {  	v14 =	vld [tilespmem:s1+$0x9800]  }
0x207: {  	v15 =	vld [tilespmem:s1+$0x15800]  }
0x208: {  	v16 =	vld [tilespmem:s1+$0x9810]  }
0x209: {  	v17 =	vld [tilespmem:s1+$0x15810]  }
0x20a: {  	v18 =	vld [tilespmem:s1+$0x9820]  }
0x20b: {  	v19 =	vld [tilespmem:s1+$0x15820]  }
0x20c: {  	v20 =	vld [tilespmem:s1+$0x9830]  }
0x20d: {  	v21 =	vld [tilespmem:s1+$0x15830]  }
0x20e: {  	v22 =	vld [tilespmem:s1+$0x9840]  }
0x20f: {  	v23 =	vld [tilespmem:s1+$0x15840]  }
0x210: {  	v24 =	vld [tilespmem:s1+$0x9850]  }
0x211: {  	v25 =	vld [tilespmem:s1+$0x15850]  }
0x212: {  	v54 =	vld [tilespmem:s1+$0x9860];
	v14 =	vmul.f32 v15, v14  }
0x213: {  	v55 =	vld [tilespmem:s1+$0x15860];
	v16 =	vmul.f32 v17, v16  }
0x214: {  	v57 =	vld [tilespmem:s1+$0x15870];
	v1 =	vadd.f32 v13, v1;
	v56 =	vmul.f32 v19, v18;
	v7 =	vadd.f32 v14, v7  }
0x215: {  	v9 =	vmul.f32 v11, v9;
	v58 =	vmul.f32 v21, v20;
	v5 =	vadd.f32 v16, v5  }
0x216: {  	v10 =	vmul.f32 v12, v10;
	v59 =	vmul.f32 v23, v22;
	v3 =	vadd.f32 v56, v3;
	[tilespmem:s31+$0x1A980] =	vst v7  }
0x217: {  	v6 =	vadd.f32 v9, v6;
	v60 =	vmul.f32 v25, v24;
	v2 =	vadd.f32 v58, v2;
	[tilespmem:s31+$0x1A990] =	vst v5  }
0x218: {  	p1 =	seq.s32 s30, $0x0;
	v4 =	vadd.f32 v10, v4;
	v61 =	vmul.f32 v55, v54;
	v1 =	vadd.f32 v59, v1;
	[tilespmem:s31+$0x1A9A0] =	vst v3  }
0x219: {  	s1 =	sshrl.u32 @!p1 s29, $0x1;
	v62 =	vmul.f32 v57, v8;
	v6 =	vadd.f32 v60, v6;
	[tilespmem:s31+$0x1A9B0] =	vst v2  }
0x21a: {  	s1 =	sadd.s32 @!p1 s3, s1;
	v63 =	vadd.f32 v61, v4;
	[tilespmem:s31+$0x1A9C0] =	vst v1  }
0x21b: {  	s1 =	sshll.u32 @!p1 s1, $0x7;
	v0 =	vadd.f32 v62, v0;
	[tilespmem:s31+$0x1A9D0] =	vst v6  }
0x21c: {  	s1 =	sand.u32 @!p1 $0x1FFFFF80, s1;
	[tilespmem:s31+$0x1A9E0] =	vst v63  }
0x21d: {  	s14 =	simm.s32 @!p1 $0x0;
	s29 =	simm.s32 @!p1 $0x1A800;
	s1 =	sadd.s32 @!p1 s4, s1;
	[tilespmem:s31+$0x1A9F0] =	vst v0  }
0x21e: {  	[hbm4b:s1+s14] =	stream.linear.scatter @!p1 [tilespmem:s29], [sflag:$0x7], $0x400, $0x38;
	[tilespmem:$0x1AC00] =	vst v63  }
.LBB2_22:
0x21f: {  	s29 =	sadd.s32 $0x2, s28  }
0x220: {  	p1 =	sge.u32 s29, s5  }
.Ltmp14:
0x221: {  	_ = 	snop;
	(pc) =	sbr.rel @p1 .LBB2_32-.Ltmp14, $1  }
0x222: {  	_ =	sdelay $0x3  }
0x223: {  	_ =	swait.ge [sflag:s22], $0x4000  }
0x224: {  	s1 =	sadd.s32 $0x4, s28;
	[sflag:s22] =	ssyncset.done $0x0  }
0x225: {  	p1 =	sge.u32 s1, s5;
	[sflag:s22] =	ssyncadd.s32 $0xFFFFC000  }
0x226: {  	s28 =	sand.u32 $0x1, s28;
	s14 =	sshll.u32 @!p1 s1, $0x7;
	_ =	swait.ge [sflag:s23], $0x4000  }
0x227: {  	s30 =	simm.s32 @!p1 $0x80;
	s31 =	simm.s32 @!p1 $0x6800;
	[sflag:s23] =	ssyncset.done $0x0  }
0x228: {  	s1 =	sshll.u32 @!p1 s1, $0xB;
	s14 =	sand.u32 @!p1 $0x3FFFFF80, s14;
	[sflag:s23] =	ssyncadd.s32 $0xFFFFC000  }
0x229: {  	[tilespmem:s31], [sflag:$0x2] =	stream.indirect.gather @!p1 [hbm4b:s0+s30], $0x80, s14, s30, $0xb8;
	[tilespmem:$0x1AC00] =	vst v63  }
0x22a: {  	s1 =	sadd.s32 @!p1 s1, s10;
	s14 =	simm.s32 @!p1 $0x0;
	s30 =	simm.s32 @!p1 $0x12800  }
0x22b: {  	[tilespmem:s30], [sflag:$0x5] =	stream.linear.gather @!p1 [hbm4b:s1+s14], $0x4000, $0x38;
	[tilespmem:$0x1AC00] =	vst v63  }
0x22c: {  	p1 =	seq.s32 s28, $0x1  }
0x22d: {  	s1 =	simm.s32 @!p1 $0x7  }
0x22e: {  	_ =	swait.ge @!p1 [sflag:s1], $0x400  }
0x22f: {  	[sflag:s1] =	ssyncset.done @!p1 $0x0  }
0x230: {  	s31 =	simm.s32 $0x0;
	[sflag:s1] =	ssyncadd.s32 @!p1 $0xFFFFFC00  }
0x231: {  	v0 =	vld [tilespmem:s31+$0xA870]  }
0x232: {  	v1 =	vld [tilespmem:s31+$0x16870]  }
0x233: {  	v2 =	vld [tilespmem:s31+$0xA800]  }
0x234: {  	v3 =	vld [tilespmem:s31+$0x16800]  }
0x235: {  	v4 =	vld [tilespmem:s31+$0xA810]  }
0x236: {  	v5 =	vld [tilespmem:s31+$0x16810]  }
0x237: {  	v6 =	vld [tilespmem:s31+$0xA820]  }
0x238: {  	v7 =	vld [tilespmem:s31+$0x16820]  }
0x239: {  	v8 =	vld [tilespmem:s31+$0xA830]  }
0x23a: {  	v10 =	vld [tilespmem:s31+$0x16830]  }
0x23b: {  	v13 =	vld [tilespmem:s31+$0xA840]  }
0x23c: {  	v14 =	vld [tilespmem:s31+$0x16840];
	_ =	sdelay $0x1  }
0x23d: {  	v9 =	vld [tilespmem:s31+$0xA850];
	v0 =	vmul.f32 v1, v0;
	v2 =	vmul.f32 v3, v2  }
0x23e: {  	v11 =	vld [tilespmem:s31+$0x16850];
	v1 =	vimm.f32 $0.0e+00;
	v3 =	vmul.f32 v5, v4;
	v4 =	vmul.f32 v7, v6  }
0x23f: {  	v12 =	vld [tilespmem:s31+$0x16860];
	v6 =	vmul.f32 v10, v8;
	v0 =	vadd.f32 v0, v1;
	v7 =	vadd.f32 v2, v1  }
0x240: {  	s1 =	simm.s32 $0x80;
	v10 =	vld [tilespmem:s31+$0xA860];
	v13 =	vmul.f32 v14, v13;
	v5 =	vadd.f32 v3, v1;
	v3 =	vadd.f32 v4, v1  }
0x241: {  	s14 =	simm.s32 $0x400;
	v8 =	vld [tilespmem:s1+$0xA870];
	v2 =	vadd.f32 v6, v1;
	v6 =	vimm.f32 $0.0e+00;
	v4 =	vimm.f32 $0.0e+00  }
.LBB2_24:
0x242: {  	p1 =	sne.s32 s14, $0x3E00;
	v14 =	vld [tilespmem:s1+$0x16870]  }
0x243: {  	v15 =	vld [tilespmem:s1+$0xA800];
	v1 =	vadd.f32 v13, v1;
	v9 =	vmul.f32 v11, v9  }
0x244: {  	v11 =	vld [tilespmem:s1+$0x16800]  }
0x245: {  	v13 =	vld [tilespmem:s1+$0xA810];
	v6 =	vadd.f32 v9, v6;
	v9 =	vmul.f32 v12, v10  }
0x246: {  	v10 =	vld [tilespmem:s1+$0x16810]  }
0x247: {  	v12 =	vld [tilespmem:s1+$0xA820];
	v8 =	vmul.f32 v14, v8;
	v4 =	vadd.f32 v9, v4  }
0x248: {  	v9 =	vld [tilespmem:s1+$0x16820]  }
0x249: {  	v11 =	vmul.f32 v11, v15;
	v14 =	vld [tilespmem:s1+$0xA830];
	v0 =	vadd.f32 v8, v0  }
0x24a: {  	v8 =	vld [tilespmem:s1+$0x16830]  }
0x24b: {  	v7 =	vadd.f32 v11, v7;
	v10 =	vmul.f32 v10, v13;
	v13 =	vld [tilespmem:s1+$0xA840]  }
0x24c: {  	v15 =	vld [tilespmem:s1+$0x16840]  }
.Ltmp15:
0x24d: {  	v5 =	vadd.f32 v10, v5;
	v10 =	vmul.f32 v9, v12;
	v9 =	vld [tilespmem:s1+$0xA850];
	(pc) =	sbr.rel @p1 .LBB2_24-.Ltmp15, $4  }
0x24e: {  	v11 =	vld [tilespmem:s1+$0x16850]  }
0x24f: {  	v3 =	vadd.f32 v10, v3;
	v14 =	vmul.f32 v8, v14;
	v10 =	vld [tilespmem:s1+$0xA860]  }
0x250: {  	v12 =	vld [tilespmem:s1+$0x16860];
	s1 =	sshra.s32 s14, $0x2  }
0x251: {  	s14 =	sadd.s32 $0x200, s14;
	v8 =	vld [tilespmem:s1+$0xA870];
	v2 =	vadd.f32 v14, v2;
	v13 =	vmul.f32 v15, v13  }
0x252: {  	v14 =	vld [tilespmem:s1+$0xA800]  }
0x253: {  	v15 =	vld [tilespmem:s1+$0x16800]  }
0x254: {  	v16 =	vld [tilespmem:s1+$0xA810]  }
0x255: {  	v17 =	vld [tilespmem:s1+$0x16810]  }
0x256: {  	v18 =	vld [tilespmem:s1+$0xA820]  }
0x257: {  	v19 =	vld [tilespmem:s1+$0x16820]  }
0x258: {  	v20 =	vld [tilespmem:s1+$0xA830]  }
0x259: {  	v21 =	vld [tilespmem:s1+$0x16830]  }
0x25a: {  	v22 =	vld [tilespmem:s1+$0xA840]  }
0x25b: {  	v23 =	vld [tilespmem:s1+$0x16840]  }
0x25c: {  	v24 =	vld [tilespmem:s1+$0xA850]  }
0x25d: {  	v25 =	vld [tilespmem:s1+$0x16850]  }
0x25e: {  	v63 =	vld [tilespmem:s1+$0x16860];
	v14 =	vmul.f32 v15, v14  }
0x25f: {  	v15 =	vld [tilespmem:s1+$0xA860];
	v16 =	vmul.f32 v17, v16  }
0x260: {  	v1 =	vadd.f32 v13, v1;
	v13 =	vmul.f32 v19, v18;
	v7 =	vadd.f32 v14, v7;
	v14 =	vld [tilespmem:s1+$0x16870]  }
0x261: {  	s30 =	sshll.u32 s28, $0x9;
	v9 =	vmul.f32 v11, v9;
	v11 =	vmul.f32 v21, v20;
	v5 =	vadd.f32 v16, v5  }
0x262: {  	v10 =	vmul.f32 v12, v10;
	v12 =	vmul.f32 v23, v22;
	v3 =	vadd.f32 v13, v3;
	[tilespmem:s30+$0x1A800] =	vst v7  }
0x263: {  	v6 =	vadd.f32 v9, v6;
	v2 =	vadd.f32 v11, v2;
	v7 =	vmul.f32 v25, v24;
	[tilespmem:s30+$0x1A810] =	vst v5  }
0x264: {  	v4 =	vadd.f32 v10, v4;
	v1 =	vadd.f32 v12, v1;
	[tilespmem:s30+$0x1A820] =	vst v3;
	v5 =	vmul.f32 v63, v15  }
0x265: {  	[tilespmem:s30+$0x1A830] =	vst v2;
	v6 =	vadd.f32 v7, v6;
	v3 =	vmul.f32 v14, v8  }
0x266: {  	[tilespmem:s30+$0x1A840] =	vst v1;
	v2 =	vadd.f32 v5, v4  }
0x267: {  	[tilespmem:s30+$0x1A850] =	vst v6;
	v0 =	vadd.f32 v3, v0  }
0x268: {  	[tilespmem:s30+$0x1A860] =	vst v2  }
0x269: {  	s14 =	simm.s32 $0x0;
	[tilespmem:s30+$0x1A870] =	vst v0  }
0x26a: {  	v0 =	vld [tilespmem:s14+$0xB870]  }
0x26b: {  	v1 =	vld [tilespmem:s14+$0x17870]  }
0x26c: {  	v2 =	vld [tilespmem:s14+$0xB800]  }
0x26d: {  	v3 =	vld [tilespmem:s14+$0x17800]  }
0x26e: {  	v4 =	vld [tilespmem:s14+$0xB810]  }
0x26f: {  	v5 =	vld [tilespmem:s14+$0x17810]  }
0x270: {  	v6 =	vld [tilespmem:s14+$0xB820]  }
0x271: {  	v7 =	vld [tilespmem:s14+$0x17820]  }
0x272: {  	v8 =	vld [tilespmem:s14+$0xB830]  }
0x273: {  	v10 =	vld [tilespmem:s14+$0x17830]  }
0x274: {  	v13 =	vld [tilespmem:s14+$0xB840]  }
0x275: {  	v14 =	vld [tilespmem:s14+$0x17840];
	_ =	sdelay $0x1  }
0x276: {  	v9 =	vld [tilespmem:s14+$0xB850];
	v0 =	vmul.f32 v1, v0;
	v2 =	vmul.f32 v3, v2  }
0x277: {  	v11 =	vld [tilespmem:s14+$0x17850];
	v1 =	vimm.f32 $0.0e+00;
	v3 =	vmul.f32 v5, v4;
	v4 =	vmul.f32 v7, v6  }
0x278: {  	v12 =	vld [tilespmem:s14+$0x17860];
	v6 =	vmul.f32 v10, v8;
	v0 =	vadd.f32 v0, v1;
	v7 =	vadd.f32 v2, v1  }
0x279: {  	s1 =	simm.s32 $0x80;
	v10 =	vld [tilespmem:s14+$0xB860];
	v13 =	vmul.f32 v14, v13;
	v5 =	vadd.f32 v3, v1;
	v3 =	vadd.f32 v4, v1  }
0x27a: {  	v8 =	vld [tilespmem:s1+$0xB870];
	s14 =	simm.s32 $0x400;
	v2 =	vadd.f32 v6, v1;
	v6 =	vimm.f32 $0.0e+00;
	v4 =	vimm.f32 $0.0e+00  }
.LBB2_26:
0x27b: {  	p1 =	sne.s32 s14, $0x3E00;
	v14 =	vld [tilespmem:s1+$0x17870]  }
0x27c: {  	v15 =	vld [tilespmem:s1+$0xB800];
	v1 =	vadd.f32 v13, v1;
	v9 =	vmul.f32 v11, v9  }
0x27d: {  	v11 =	vld [tilespmem:s1+$0x17800]  }
0x27e: {  	v13 =	vld [tilespmem:s1+$0xB810];
	v6 =	vadd.f32 v9, v6;
	v9 =	vmul.f32 v12, v10  }
0x27f: {  	v10 =	vld [tilespmem:s1+$0x17810]  }
0x280: {  	v12 =	vld [tilespmem:s1+$0xB820];
	v8 =	vmul.f32 v14, v8;
	v4 =	vadd.f32 v9, v4  }
0x281: {  	v9 =	vld [tilespmem:s1+$0x17820]  }
0x282: {  	v11 =	vmul.f32 v11, v15;
	v14 =	vld [tilespmem:s1+$0xB830];
	v0 =	vadd.f32 v8, v0  }
0x283: {  	v8 =	vld [tilespmem:s1+$0x17830]  }
0x284: {  	v7 =	vadd.f32 v11, v7;
	v10 =	vmul.f32 v10, v13;
	v13 =	vld [tilespmem:s1+$0xB840]  }
0x285: {  	v15 =	vld [tilespmem:s1+$0x17840]  }
.Ltmp16:
0x286: {  	v5 =	vadd.f32 v10, v5;
	v10 =	vmul.f32 v9, v12;
	v9 =	vld [tilespmem:s1+$0xB850];
	(pc) =	sbr.rel @p1 .LBB2_26-.Ltmp16, $4  }
0x287: {  	v11 =	vld [tilespmem:s1+$0x17850]  }
0x288: {  	v3 =	vadd.f32 v10, v3;
	v14 =	vmul.f32 v8, v14;
	v10 =	vld [tilespmem:s1+$0xB860]  }
0x289: {  	v12 =	vld [tilespmem:s1+$0x17860];
	s1 =	sshra.s32 s14, $0x2  }
0x28a: {  	s14 =	sadd.s32 $0x200, s14;
	v8 =	vld [tilespmem:s1+$0xB870];
	v2 =	vadd.f32 v14, v2;
	v13 =	vmul.f32 v15, v13  }
0x28b: {  	v14 =	vld [tilespmem:s1+$0xB800]  }
0x28c: {  	v15 =	vld [tilespmem:s1+$0x17800]  }
0x28d: {  	v16 =	vld [tilespmem:s1+$0xB810]  }
0x28e: {  	v17 =	vld [tilespmem:s1+$0x17810]  }
0x28f: {  	v18 =	vld [tilespmem:s1+$0xB820]  }
0x290: {  	v19 =	vld [tilespmem:s1+$0x17820]  }
0x291: {  	v20 =	vld [tilespmem:s1+$0xB830]  }
0x292: {  	v21 =	vld [tilespmem:s1+$0x17830]  }
0x293: {  	v22 =	vld [tilespmem:s1+$0xB840]  }
0x294: {  	v23 =	vld [tilespmem:s1+$0x17840]  }
0x295: {  	v24 =	vld [tilespmem:s1+$0xB850]  }
0x296: {  	v25 =	vld [tilespmem:s1+$0x17850]  }
0x297: {  	v63 =	vld [tilespmem:s1+$0x17860];
	v14 =	vmul.f32 v15, v14  }
0x298: {  	v15 =	vld [tilespmem:s1+$0xB860];
	v16 =	vmul.f32 v17, v16  }
0x299: {  	v1 =	vadd.f32 v13, v1;
	v13 =	vmul.f32 v19, v18;
	v7 =	vadd.f32 v14, v7;
	v14 =	vld [tilespmem:s1+$0x17870]  }
0x29a: {  	v9 =	vmul.f32 v11, v9;
	v11 =	vmul.f32 v21, v20;
	v5 =	vadd.f32 v16, v5  }
0x29b: {  	v10 =	vmul.f32 v12, v10;
	v12 =	vmul.f32 v23, v22;
	v3 =	vadd.f32 v13, v3;
	[tilespmem:s30+$0x1A880] =	vst v7  }
0x29c: {  	v6 =	vadd.f32 v9, v6;
	v2 =	vadd.f32 v11, v2;
	v7 =	vmul.f32 v25, v24;
	[tilespmem:s30+$0x1A890] =	vst v5  }
0x29d: {  	v4 =	vadd.f32 v10, v4;
	v1 =	vadd.f32 v12, v1;
	[tilespmem:s30+$0x1A8A0] =	vst v3;
	v5 =	vmul.f32 v63, v15  }
0x29e: {  	[tilespmem:s30+$0x1A8B0] =	vst v2;
	v6 =	vadd.f32 v7, v6;
	v3 =	vmul.f32 v14, v8  }
0x29f: {  	[tilespmem:s30+$0x1A8C0] =	vst v1;
	v2 =	vadd.f32 v5, v4  }
0x2a0: {  	[tilespmem:s30+$0x1A8D0] =	vst v6;
	v0 =	vadd.f32 v3, v0  }
0x2a1: {  	[tilespmem:s30+$0x1A8E0] =	vst v2  }
0x2a2: {  	s14 =	simm.s32 $0x0;
	[tilespmem:s30+$0x1A8F0] =	vst v0  }
0x2a3: {  	v0 =	vld [tilespmem:s14+$0xC870]  }
0x2a4: {  	v1 =	vld [tilespmem:s14+$0x18870]  }
0x2a5: {  	v2 =	vld [tilespmem:s14+$0xC800]  }
0x2a6: {  	v3 =	vld [tilespmem:s14+$0x18800]  }
0x2a7: {  	v4 =	vld [tilespmem:s14+$0xC810]  }
0x2a8: {  	v5 =	vld [tilespmem:s14+$0x18810]  }
0x2a9: {  	v6 =	vld [tilespmem:s14+$0xC820]  }
0x2aa: {  	v7 =	vld [tilespmem:s14+$0x18820]  }
0x2ab: {  	v8 =	vld [tilespmem:s14+$0xC830]  }
0x2ac: {  	v10 =	vld [tilespmem:s14+$0x18830]  }
0x2ad: {  	v13 =	vld [tilespmem:s14+$0xC840]  }
0x2ae: {  	v14 =	vld [tilespmem:s14+$0x18840];
	_ =	sdelay $0x1  }
0x2af: {  	v9 =	vld [tilespmem:s14+$0xC850];
	v0 =	vmul.f32 v1, v0;
	v2 =	vmul.f32 v3, v2  }
0x2b0: {  	v11 =	vld [tilespmem:s14+$0x18850];
	v1 =	vimm.f32 $0.0e+00;
	v3 =	vmul.f32 v5, v4;
	v4 =	vmul.f32 v7, v6  }
0x2b1: {  	v12 =	vld [tilespmem:s14+$0x18860];
	v6 =	vmul.f32 v10, v8;
	v0 =	vadd.f32 v0, v1;
	v7 =	vadd.f32 v2, v1  }
0x2b2: {  	s1 =	simm.s32 $0x80;
	v10 =	vld [tilespmem:s14+$0xC860];
	v13 =	vmul.f32 v14, v13;
	v5 =	vadd.f32 v3, v1;
	v3 =	vadd.f32 v4, v1  }
0x2b3: {  	v8 =	vld [tilespmem:s1+$0xC870];
	s14 =	simm.s32 $0x400;
	v2 =	vadd.f32 v6, v1;
	v6 =	vimm.f32 $0.0e+00;
	v4 =	vimm.f32 $0.0e+00  }
.LBB2_28:
0x2b4: {  	p1 =	sne.s32 s14, $0x3E00;
	v14 =	vld [tilespmem:s1+$0x18870]  }
0x2b5: {  	v15 =	vld [tilespmem:s1+$0xC800];
	v1 =	vadd.f32 v13, v1;
	v9 =	vmul.f32 v11, v9  }
0x2b6: {  	v11 =	vld [tilespmem:s1+$0x18800]  }
0x2b7: {  	v13 =	vld [tilespmem:s1+$0xC810];
	v6 =	vadd.f32 v9, v6;
	v9 =	vmul.f32 v12, v10  }
0x2b8: {  	v10 =	vld [tilespmem:s1+$0x18810]  }
0x2b9: {  	v12 =	vld [tilespmem:s1+$0xC820];
	v8 =	vmul.f32 v14, v8;
	v4 =	vadd.f32 v9, v4  }
0x2ba: {  	v9 =	vld [tilespmem:s1+$0x18820]  }
0x2bb: {  	v11 =	vmul.f32 v11, v15;
	v14 =	vld [tilespmem:s1+$0xC830];
	v0 =	vadd.f32 v8, v0  }
0x2bc: {  	v8 =	vld [tilespmem:s1+$0x18830]  }
0x2bd: {  	v7 =	vadd.f32 v11, v7;
	v10 =	vmul.f32 v10, v13;
	v13 =	vld [tilespmem:s1+$0xC840]  }
0x2be: {  	v15 =	vld [tilespmem:s1+$0x18840]  }
.Ltmp17:
0x2bf: {  	v5 =	vadd.f32 v10, v5;
	v10 =	vmul.f32 v9, v12;
	v9 =	vld [tilespmem:s1+$0xC850];
	(pc) =	sbr.rel @p1 .LBB2_28-.Ltmp17, $4  }
0x2c0: {  	v11 =	vld [tilespmem:s1+$0x18850]  }
0x2c1: {  	v3 =	vadd.f32 v10, v3;
	v14 =	vmul.f32 v8, v14;
	v10 =	vld [tilespmem:s1+$0xC860]  }
0x2c2: {  	v12 =	vld [tilespmem:s1+$0x18860];
	s1 =	sshra.s32 s14, $0x2  }
0x2c3: {  	s14 =	sadd.s32 $0x200, s14;
	v8 =	vld [tilespmem:s1+$0xC870];
	v2 =	vadd.f32 v14, v2;
	v13 =	vmul.f32 v15, v13  }
0x2c4: {  	v14 =	vld [tilespmem:s1+$0xC800]  }
0x2c5: {  	v15 =	vld [tilespmem:s1+$0x18800]  }
0x2c6: {  	v16 =	vld [tilespmem:s1+$0xC810]  }
0x2c7: {  	v17 =	vld [tilespmem:s1+$0x18810]  }
0x2c8: {  	v18 =	vld [tilespmem:s1+$0xC820]  }
0x2c9: {  	v19 =	vld [tilespmem:s1+$0x18820]  }
0x2ca: {  	v20 =	vld [tilespmem:s1+$0xC830]  }
0x2cb: {  	v21 =	vld [tilespmem:s1+$0x18830]  }
0x2cc: {  	v22 =	vld [tilespmem:s1+$0xC840]  }
0x2cd: {  	v23 =	vld [tilespmem:s1+$0x18840]  }
0x2ce: {  	v24 =	vld [tilespmem:s1+$0xC850]  }
0x2cf: {  	v25 =	vld [tilespmem:s1+$0x18850]  }
0x2d0: {  	v63 =	vld [tilespmem:s1+$0x18860];
	v14 =	vmul.f32 v15, v14  }
0x2d1: {  	v15 =	vld [tilespmem:s1+$0xC860];
	v16 =	vmul.f32 v17, v16  }
0x2d2: {  	v1 =	vadd.f32 v13, v1;
	v13 =	vmul.f32 v19, v18;
	v7 =	vadd.f32 v14, v7;
	v14 =	vld [tilespmem:s1+$0x18870]  }
0x2d3: {  	v9 =	vmul.f32 v11, v9;
	v11 =	vmul.f32 v21, v20;
	v5 =	vadd.f32 v16, v5  }
0x2d4: {  	v10 =	vmul.f32 v12, v10;
	v12 =	vmul.f32 v23, v22;
	v3 =	vadd.f32 v13, v3;
	[tilespmem:s30+$0x1A900] =	vst v7  }
0x2d5: {  	v6 =	vadd.f32 v9, v6;
	v2 =	vadd.f32 v11, v2;
	v7 =	vmul.f32 v25, v24;
	[tilespmem:s30+$0x1A910] =	vst v5  }
0x2d6: {  	v4 =	vadd.f32 v10, v4;
	v1 =	vadd.f32 v12, v1;
	[tilespmem:s30+$0x1A920] =	vst v3;
	v5 =	vmul.f32 v63, v15  }
0x2d7: {  	[tilespmem:s30+$0x1A930] =	vst v2;
	v6 =	vadd.f32 v7, v6;
	v3 =	vmul.f32 v14, v8  }
0x2d8: {  	[tilespmem:s30+$0x1A940] =	vst v1;
	v2 =	vadd.f32 v5, v4  }
0x2d9: {  	[tilespmem:s30+$0x1A950] =	vst v6;
	v0 =	vadd.f32 v3, v0  }
0x2da: {  	[tilespmem:s30+$0x1A960] =	vst v2  }
0x2db: {  	s14 =	simm.s32 $0x0;
	[tilespmem:s30+$0x1A970] =	vst v0  }
0x2dc: {  	v0 =	vld [tilespmem:s14+$0xD870]  }
0x2dd: {  	v1 =	vld [tilespmem:s14+$0x19870]  }
0x2de: {  	v2 =	vld [tilespmem:s14+$0xD800]  }
0x2df: {  	v3 =	vld [tilespmem:s14+$0x19800]  }
0x2e0: {  	v4 =	vld [tilespmem:s14+$0xD810]  }
0x2e1: {  	v5 =	vld [tilespmem:s14+$0x19810]  }
0x2e2: {  	v6 =	vld [tilespmem:s14+$0xD820]  }
0x2e3: {  	v7 =	vld [tilespmem:s14+$0x19820]  }
0x2e4: {  	v8 =	vld [tilespmem:s14+$0xD830]  }
0x2e5: {  	v10 =	vld [tilespmem:s14+$0x19830]  }
0x2e6: {  	v13 =	vld [tilespmem:s14+$0xD840]  }
0x2e7: {  	v14 =	vld [tilespmem:s14+$0x19840];
	_ =	sdelay $0x1  }
0x2e8: {  	v9 =	vld [tilespmem:s14+$0xD850];
	v0 =	vmul.f32 v1, v0;
	v2 =	vmul.f32 v3, v2  }
0x2e9: {  	v11 =	vld [tilespmem:s14+$0x19850];
	v1 =	vimm.f32 $0.0e+00;
	v3 =	vmul.f32 v5, v4;
	v4 =	vmul.f32 v7, v6  }
0x2ea: {  	v12 =	vld [tilespmem:s14+$0x19860];
	v6 =	vmul.f32 v10, v8;
	v0 =	vadd.f32 v0, v1;
	v7 =	vadd.f32 v2, v1  }
0x2eb: {  	s1 =	simm.s32 $0x80;
	v10 =	vld [tilespmem:s14+$0xD860];
	v13 =	vmul.f32 v14, v13;
	v5 =	vadd.f32 v3, v1;
	v3 =	vadd.f32 v4, v1  }
0x2ec: {  	v8 =	vld [tilespmem:s1+$0xD870];
	s14 =	simm.s32 $0x400;
	v2 =	vadd.f32 v6, v1;
	v6 =	vimm.f32 $0.0e+00;
	v4 =	vimm.f32 $0.0e+00  }
.LBB2_30:
0x2ed: {  	p1 =	sne.s32 s14, $0x3E00;
	v14 =	vld [tilespmem:s1+$0x19870]  }
0x2ee: {  	v15 =	vld [tilespmem:s1+$0xD800];
	v1 =	vadd.f32 v13, v1;
	v9 =	vmul.f32 v11, v9  }
0x2ef: {  	v11 =	vld [tilespmem:s1+$0x19800]  }
0x2f0: {  	v13 =	vld [tilespmem:s1+$0xD810];
	v6 =	vadd.f32 v9, v6;
	v9 =	vmul.f32 v12, v10  }
0x2f1: {  	v10 =	vld [tilespmem:s1+$0x19810]  }
0x2f2: {  	v12 =	vld [tilespmem:s1+$0xD820];
	v8 =	vmul.f32 v14, v8;
	v4 =	vadd.f32 v9, v4  }
0x2f3: {  	v9 =	vld [tilespmem:s1+$0x19820]  }
0x2f4: {  	v11 =	vmul.f32 v11, v15;
	v14 =	vld [tilespmem:s1+$0xD830];
	v0 =	vadd.f32 v8, v0  }
0x2f5: {  	v8 =	vld [tilespmem:s1+$0x19830]  }
0x2f6: {  	v7 =	vadd.f32 v11, v7;
	v10 =	vmul.f32 v10, v13;
	v13 =	vld [tilespmem:s1+$0xD840]  }
0x2f7: {  	v15 =	vld [tilespmem:s1+$0x19840]  }
.Ltmp18:
0x2f8: {  	v5 =	vadd.f32 v10, v5;
	v10 =	vmul.f32 v9, v12;
	v9 =	vld [tilespmem:s1+$0xD850];
	(pc) =	sbr.rel @p1 .LBB2_30-.Ltmp18, $4  }
0x2f9: {  	v11 =	vld [tilespmem:s1+$0x19850]  }
0x2fa: {  	v3 =	vadd.f32 v10, v3;
	v14 =	vmul.f32 v8, v14;
	v10 =	vld [tilespmem:s1+$0xD860]  }
0x2fb: {  	v12 =	vld [tilespmem:s1+$0x19860];
	s1 =	sshra.s32 s14, $0x2  }
0x2fc: {  	s14 =	sadd.s32 $0x200, s14;
	v8 =	vld [tilespmem:s1+$0xD870];
	v2 =	vadd.f32 v14, v2;
	v13 =	vmul.f32 v15, v13  }
0x2fd: {  	v14 =	vld [tilespmem:s1+$0xD800]  }
0x2fe: {  	v15 =	vld [tilespmem:s1+$0x19800]  }
0x2ff: {  	v16 =	vld [tilespmem:s1+$0xD810]  }
0x300: {  	v17 =	vld [tilespmem:s1+$0x19810]  }
0x301: {  	v18 =	vld [tilespmem:s1+$0xD820]  }
0x302: {  	v19 =	vld [tilespmem:s1+$0x19820]  }
0x303: {  	v20 =	vld [tilespmem:s1+$0xD830]  }
0x304: {  	v21 =	vld [tilespmem:s1+$0x19830]  }
0x305: {  	v22 =	vld [tilespmem:s1+$0xD840]  }
0x306: {  	v23 =	vld [tilespmem:s1+$0x19840]  }
0x307: {  	v24 =	vld [tilespmem:s1+$0xD850]  }
0x308: {  	v25 =	vld [tilespmem:s1+$0x19850]  }
0x309: {  	v54 =	vld [tilespmem:s1+$0xD860];
	v14 =	vmul.f32 v15, v14  }
0x30a: {  	v55 =	vld [tilespmem:s1+$0x19860];
	v16 =	vmul.f32 v17, v16  }
0x30b: {  	v57 =	vld [tilespmem:s1+$0x19870];
	v1 =	vadd.f32 v13, v1;
	v56 =	vmul.f32 v19, v18;
	v7 =	vadd.f32 v14, v7  }
0x30c: {  	v9 =	vmul.f32 v11, v9;
	v58 =	vmul.f32 v21, v20;
	v5 =	vadd.f32 v16, v5  }
0x30d: {  	v10 =	vmul.f32 v12, v10;
	v59 =	vmul.f32 v23, v22;
	v3 =	vadd.f32 v56, v3;
	[tilespmem:s30+$0x1A980] =	vst v7  }
0x30e: {  	v6 =	vadd.f32 v9, v6;
	v60 =	vmul.f32 v25, v24;
	v2 =	vadd.f32 v58, v2;
	[tilespmem:s30+$0x1A990] =	vst v5  }
0x30f: {  	p1 =	seq.s32 s28, $0x0;
	v4 =	vadd.f32 v10, v4;
	v61 =	vmul.f32 v55, v54;
	v1 =	vadd.f32 v59, v1;
	[tilespmem:s30+$0x1A9A0] =	vst v3  }
0x310: {  	s1 =	sshrl.u32 @!p1 s29, $0x1;
	v62 =	vmul.f32 v57, v8;
	v6 =	vadd.f32 v60, v6;
	[tilespmem:s30+$0x1A9B0] =	vst v2  }
.Ltmp19:
0x311: {  	s1 =	sadd.s32 @!p1 s3, s1;
	v63 =	vadd.f32 v61, v4;
	[tilespmem:s30+$0x1A9C0] =	vst v1;
	(pc) =	sbr.rel .LBB2_32-.Ltmp19, $4  }
0x312: {  	s1 =	sshll.u32 @!p1 s1, $0x7;
	v0 =	vadd.f32 v62, v0;
	[tilespmem:s30+$0x1A9D0] =	vst v6  }
0x313: {  	s1 =	sand.u32 @!p1 $0x1FFFFF80, s1;
	[tilespmem:s30+$0x1A9E0] =	vst v63  }
0x314: {  	s14 =	simm.s32 @!p1 $0x0;
	s28 =	simm.s32 @!p1 $0x1A800;
	s1 =	sadd.s32 @!p1 s4, s1;
	[tilespmem:s30+$0x1A9F0] =	vst v0  }
0x315: {  	[hbm4b:s1+s14] =	stream.linear.scatter @!p1 [tilespmem:s28], [sflag:$0x7], $0x400, $0x38;
	[tilespmem:$0x1AC00] =	vst v63  }
.LBB2_34:
0x316: {  	_ =	sfence.sel $0x180000  }
0x317: {  	[bflag:$0x0] =	sbarrier.arrive $0xFFFF  }
0x318: {  	_ =	strace $0x90000047  }
0x319: {  	[bflag:$0x2] =	sbarrier.arrive $0xFFFF  }
0x31a: {  	s0 =	rddreg [dreg:$0x3]  }
0x31b: {  	s0 =	sadd.s32 @!p0 $0x100000, s0  }
0x31c: {  	[sflag:s0] =	ssyncadd.tile.s32 @!p0 $0x1;
	_ =	shalt  }
.Lfunc_end2:
_tile_overlayer_lowered:
.L_overlay_start_2:
0x31d: {  	(tag) =	ssettag $0x2  }
0x31e: {  	s0 =	rddreg [dreg:$0x0];
	s2 =	stileid.u32  }
0x31f: {  	s1 =	rddreg [dreg:$0x1];
	p0 =	sne.s32 s2, $0x0  }
0x320: {  	s3 =	rddreg [dreg:$0x2];
	[bflag:$0x3] =	sbarrier.arrive $0xFFFF;
	s2 =	simm.s32 @!p0 $0x1C08  }
0x321: {  	[timem:s3], [sflag:s2] =	dma.local @!p0 [hbm:s0], s1  }
0x322: {  	s0 =	simm.s32 @!p0 $0x8  }
0x323: {  	_ =	swait.ge @!p0 [sflag:s0], s1  }
0x324: {  	s1 =	ssub.s32 @!p0 $0x0, s1;
	[sflag:s0] =	ssyncset.done @!p0 $0x0  }
0x325: {  	[sflag:s0] =	ssyncadd.s32 @!p0 s1  }
0x326: {  	[bflag:$0x3] =	sbarrier.arrive $0xFFFF  }
0x327: {  	_ =	shalt  }

</sc_bundles>
